<compile_context>
chip_gen: v7x
topology: tpu7x:2x2x1
jax: 0.10.2.dev20260603
libtpu: 0.0.44.dev20260713+nightly
codegen_flags: <defaults>
</compile_context>

<pallas_src>
import functools

import jax
import jax.numpy as jnp
from jax import lax
from jax.experimental import pallas as pl
from jax.experimental.pallas import tpu as pltpu
from jax.experimental.pallas import tpu_sc as plsc

NN = 8
SENT = 8
HOPS = 4
B = 2048
D = 1024
S = 256
BT = 256
RT = 128
CAP = 3072
NTILE = CAP // RT
GROWS = CAP + RT
NW = 32
BPW = B // NW


def _proj_body(x_ref, Wp_ref, bp_ref, Wsym_ref, Wr_ref,
               z_ref, pi_ref, sym8_ref):
    z = jnp.dot(x_ref[...], Wp_ref[...],
                preferred_element_type=jnp.float32) + bp_ref[...]
    z_ref[...] = z
    zb = z.astype(jnp.bfloat16)
    for n in range(NN):
        sym8_ref[:, n, :] = jnp.tanh(
            jnp.dot(zb, Wsym_ref[n], preferred_element_type=jnp.float32))
    logits = jnp.dot(z, Wr_ref[...], preferred_element_type=jnp.float32)
    cols = []
    for h in range(HOPS):
        sl = logits[:, h * (NN + 1):(h + 1) * (NN + 1)]
        best = sl[:, 0:1]
        idx = jnp.zeros((BT, 1), dtype=jnp.int32)
        for j in range(1, NN + 1):
            c = sl[:, j:j + 1] > best
            idx = jnp.where(c, j, idx)
            best = jnp.maximum(best, sl[:, j:j + 1])
        cols.append(idx)
    pi_ref[...] = jnp.concatenate(cols, axis=1)


def _projection(x, Wp, bp, Wsym, Wr):
    full = lambda t: (0, 0)
    return pl.pallas_call(
        _proj_body,
        grid=(B // BT,),
        in_specs=[
            pl.BlockSpec((BT, D), lambda t: (t, 0)),
            pl.BlockSpec((D, D), full),
            pl.BlockSpec((1, D), full),
            pl.BlockSpec((NN, D, S), lambda t: (0, 0, 0)),
            pl.BlockSpec((D, HOPS * (NN + 1)), full),
        ],
        out_specs=[
            pl.BlockSpec((BT, D), lambda t: (t, 0)),
            pl.BlockSpec((BT, HOPS), lambda t: (t, 0)),
            pl.BlockSpec((BT, NN, S), lambda t: (t, 0, 0)),
        ],
        out_shape=[
            jax.ShapeDtypeStruct((B, D), jnp.float32),
            jax.ShapeDtypeStruct((B, HOPS), jnp.int32),
            jax.ShapeDtypeStruct((B, NN, S), jnp.float32),
        ],
        compiler_params=pltpu.CompilerParams(
            dimension_semantics=("arbitrary",)),
    )(x, Wp, bp.reshape(1, D), Wsym.astype(jnp.bfloat16), Wr)


def _onehots(pi):
    lanes = lax.broadcasted_iota(jnp.int32, (BT, 16), 1)
    ohs = []
    done = jnp.zeros((BT, 1), dtype=jnp.bool_)
    for h in range(HOPS):
        col = pi[:, h:h + 1]
        done = done | (col == SENT)
        e = jnp.where(done, SENT, col)
        ohs.append((lanes == e).astype(jnp.float32))
    return ohs


def _dispatch_body(pi_ref, d_ref, g_ref, te_ref,
                   counts_sc, carry_sc, off_sc):
    p = pl.program_id(0)
    t = pl.program_id(1)
    ohs = _onehots(pi_ref[...])

    @pl.when(p == 0)
    def _count():
        @pl.when(t == 0)
        def _z():
            counts_sc[...] = jnp.zeros((HOPS, 16), jnp.float32)
        for h in range(HOPS):
            counts_sc[h:h + 1, :] += jnp.sum(ohs[h], axis=0, keepdims=True)

    @pl.when(p == 1)
    def _place():
        @pl.when(t == 0)
        def _offsets():
            c = counts_sc[...]
            pc = jnp.ceil(c * (1.0 / RT)) * RT
            offs = []
            acc = jnp.zeros((HOPS, 1), jnp.float32)
            for e in range(16):
                offs.append(acc)
                if e < NN:
                    acc = acc + pc[:, e:e + 1]
            off = jnp.concatenate(offs, axis=1)
            off_sc[...] = off
            carry_sc[...] = jnp.zeros((HOPS, 16), jnp.float32)
            ts = lax.broadcasted_iota(
                jnp.int32, (HOPS, 32), 1).astype(jnp.float32) * RT
            te = jnp.full((HOPS, 32), SENT, jnp.int32)
            for e in range(NN):
                o = off[:, e:e + 1]
                m = (ts >= o) & (ts < o + pc[:, e:e + 1])
                te = jnp.where(m, e, te)
            te_ref[...] = te

        lt = (lax.broadcasted_iota(jnp.int32, (BT, BT), 1)
              < lax.broadcasted_iota(jnp.int32, (BT, BT), 0)
              ).astype(jnp.float32)
        dcols, gcols = [], []
        rows = lax.broadcasted_iota(jnp.int32, (BT, 1), 0) + t * BT
        lanesf = lax.broadcasted_iota(
            jnp.int32, (BT, 16), 1).astype(jnp.float32)
        for h in range(HOPS):
            oh = ohs[h]
            rank = jnp.dot(lt, oh, preferred_element_type=jnp.float32)
            sel = jnp.sum((rank + carry_sc[h:h + 1, :] + off_sc[h:h + 1, :])
                          * oh, axis=1, keepdims=True)
            carry_sc[h:h + 1, :] += jnp.sum(oh, axis=0, keepdims=True)
            dcols.append(sel.astype(jnp.int32))
            e = jnp.sum(oh * lanesf, axis=1, keepdims=True).astype(jnp.int32)
            gcols.append(rows * NN + jnp.minimum(e, NN - 1))
        d_ref[...] = jnp.concatenate(dcols, axis=1)
        g_ref[...] = jnp.concatenate(gcols, axis=1)


def _dispatch(pi):
    return pl.pallas_call(
        _dispatch_body,
        grid=(2, B // BT),
        in_specs=[pl.BlockSpec((BT, HOPS), lambda p, t: (t, 0))],
        out_specs=[
            pl.BlockSpec((BT, HOPS), lambda p, t: (t, 0)),
            pl.BlockSpec((BT, HOPS), lambda p, t: (t, 0)),
            pl.BlockSpec((HOPS, 32), lambda p, t: (0, 0)),
        ],
        out_shape=[
            jax.ShapeDtypeStruct((B, HOPS), jnp.int32),
            jax.ShapeDtypeStruct((B, HOPS), jnp.int32),
            jax.ShapeDtypeStruct((HOPS, 32), jnp.int32),
        ],
        scratch_shapes=[
            pltpu.VMEM((HOPS, 16), jnp.float32),
            pltpu.VMEM((HOPS, 16), jnp.float32),
            pltpu.VMEM((HOPS, 16), jnp.float32),
        ],
        compiler_params=pltpu.CompilerParams(
            dimension_semantics=("arbitrary", "arbitrary")),
    )(pi)


_MESH = None


def _mesh():
    global _MESH
    if _MESH is None:
        _MESH = plsc.VectorSubcoreMesh(core_axis_name="c", subcore_axis_name="s")
    return _MESH


def _wid():
    return lax.axis_index("s") * 2 + lax.axis_index("c")


def _sc_scatter_first(z, symflat, d, g):
    @functools.partial(
        pl.kernel, mesh=_mesh(),
        out_type=[jax.ShapeDtypeStruct((GROWS, D), jnp.float32),
                  jax.ShapeDtypeStruct((CAP, S), jnp.float32)],
        scratch_types=[pltpu.VMEM((BPW,), jnp.int32),
                       pltpu.VMEM((BPW,), jnp.int32),
                       pltpu.VMEM((BPW, D), jnp.float32),
                       pltpu.VMEM((BPW, S), jnp.float32),
                       pltpu.SemaphoreType.DMA,
                       pltpu.SemaphoreType.DMA],
    )
    def k(z_hbm, sym_hbm, d_hbm, g_hbm, rows_out, symg_out,
          d_v, g_v, rows_v, symr_v, sem, sem2):
        base = _wid() * BPW
        pltpu.sync_copy(d_hbm.at[pl.ds(base, BPW)], d_v)
        pltpu.sync_copy(g_hbm.at[pl.ds(base, BPW)], g_v)
        a = pltpu.async_copy(sym_hbm.at[g_v], symr_v, sem)
        pltpu.sync_copy(z_hbm.at[pl.ds(base, BPW)], rows_v)
        b = pltpu.async_copy(rows_v, rows_out.at[d_v], sem2)
        a.wait()
        c = pltpu.async_copy(symr_v, symg_out.at[d_v], sem)
        b.wait()
        c.wait()

    return k(z, symflat, d, g)


def _sc_sym123(symflat, ds, gs):
    @functools.partial(
        pl.kernel, mesh=_mesh(),
        out_type=[jax.ShapeDtypeStruct((CAP, S), jnp.float32)] * 3,
        scratch_types=[pltpu.VMEM((3, BPW), jnp.int32),
                       pltpu.VMEM((3, BPW), jnp.int32),
                       pltpu.VMEM((3, BPW, S), jnp.float32),
                       pltpu.SemaphoreType.DMA,
                       pltpu.SemaphoreType.DMA,
                       pltpu.SemaphoreType.DMA],
    )
    def k(sym_hbm, d1, d2, d3, g1, g2, g3, o1, o2, o3,
          d_v, g_v, symr_v, s0, s1, s2):
        base = _wid() * BPW
        sems = (s0, s1, s2)
        gathers = []
        for i, g_hbm in enumerate((g1, g2, g3)):
            pltpu.sync_copy(g_hbm.at[pl.ds(base, BPW)], g_v.at[i])
            gathers.append(
                pltpu.async_copy(sym_hbm.at[g_v.at[i]], symr_v.at[i], sems[i]))
        scatters = []
        for i, (d_hbm, out) in enumerate(((d1, o1), (d2, o2), (d3, o3))):
            pltpu.sync_copy(d_hbm.at[pl.ds(base, BPW)], d_v.at[i])
            gathers[i].wait()
            scatters.append(
                pltpu.async_copy(symr_v.at[i], out.at[d_v.at[i]], sems[i]))
        for s in scatters:
            s.wait()

    return k(symflat, ds[0], ds[1], ds[2], gs[0], gs[1], gs[2])


def _sc_regroup(prev, dprev, d):
    @functools.partial(
        pl.kernel, mesh=_mesh(),
        out_type=jax.ShapeDtypeStruct((GROWS, D), jnp.float32),
        scratch_types=[pltpu.VMEM((2, BPW // 2), jnp.int32),
                       pltpu.VMEM((2, BPW // 2), jnp.int32),
                       pltpu.VMEM((2, BPW // 2, D), jnp.float32),
                       pltpu.SemaphoreType.DMA,
                       pltpu.SemaphoreType.DMA],
    )
    def k(prev_hbm, dp_hbm, d_hbm, rows_out, dp_v, d_v, rows_v, s0, s1):
        base = _wid() * BPW
        half = BPW // 2
        sems = (s0, s1)
        gathers = []
        for i in range(2):
            pltpu.sync_copy(dp_hbm.at[pl.ds(base + i * half, half)],
                            dp_v.at[i])
            gathers.append(
                pltpu.async_copy(prev_hbm.at[dp_v.at[i]], rows_v.at[i],
                                 sems[i]))
        scatters = []
        for i in range(2):
            pltpu.sync_copy(d_hbm.at[pl.ds(base + i * half, half)], d_v.at[i])
            gathers[i].wait()
            scatters.append(
                pltpu.async_copy(rows_v.at[i], rows_out.at[d_v.at[i]],
                                 sems[i]))
        for s in scatters:
            s.wait()

    return k(prev, dprev, d)


def _sc_gather_last(prev, dprev):
    @functools.partial(
        pl.kernel, mesh=_mesh(),
        out_type=jax.ShapeDtypeStruct((B, D), jnp.float32),
        scratch_types=[pltpu.VMEM((2, BPW // 2), jnp.int32),
                       pltpu.VMEM((2, BPW // 2, D), jnp.float32),
                       pltpu.SemaphoreType.DMA,
                       pltpu.SemaphoreType.DMA],
    )
    def k(prev_hbm, dp_hbm, out_hbm, dp_v, rows_v, s0, s1):
        base = _wid() * BPW
        half = BPW // 2
        sems = (s0, s1)
        gathers = []
        for i in range(2):
            pltpu.sync_copy(dp_hbm.at[pl.ds(base + i * half, half)],
                            dp_v.at[i])
            gathers.append(
                pltpu.async_copy(prev_hbm.at[dp_v.at[i]], rows_v.at[i],
                                 sems[i]))
        for i in range(2):
            gathers[i].wait()
            pltpu.sync_copy(rows_v.at[i],
                            out_hbm.at[pl.ds(base + i * half, half)])

    return k(prev, dprev)


def _mm_body(te_ref, rows_ref, symg_ref, W1_ref, Ws_ref, b1_ref, out_ref):
    t = pl.program_id(0)
    e = te_ref[t]

    @pl.when(e < NN)
    def _compute():
        acc = jnp.dot(rows_ref[...].astype(jnp.bfloat16), W1_ref[0],
                      preferred_element_type=jnp.float32)
        acc += jnp.dot(symg_ref[...].astype(jnp.bfloat16), Ws_ref[0],
                       preferred_element_type=jnp.float32)
        out_ref[...] = jnp.maximum(acc + b1_ref[0], 0.0)


def _grouped_mm(te, rows_g, sym_g, W1, Ws, b1r):
    w_map = lambda t, te_ref: (jnp.minimum(te_ref[t], NN - 1), 0, 0)
    act = lambda t, te_ref: (jnp.where(te_ref[t] < NN, t, 0), 0)
    out_map = lambda t, te_ref: (jnp.where(te_ref[t] < NN, t, NTILE), 0)
    grid_spec = pltpu.PrefetchScalarGridSpec(
        num_scalar_prefetch=1,
        grid=(NTILE,),
        in_specs=[
            pl.BlockSpec((RT, D), act),
            pl.BlockSpec((RT, S), act),
            pl.BlockSpec((1, D, D), w_map),
            pl.BlockSpec((1, S, D), w_map),
            pl.BlockSpec((1, 1, D), w_map),
        ],
        out_specs=pl.BlockSpec((RT, D), out_map),
    )
    return pl.pallas_call(
        _mm_body,
        grid_spec=grid_spec,
        out_shape=jax.ShapeDtypeStruct((GROWS, D), jnp.float32),
        input_output_aliases={1: 0},
        compiler_params=pltpu.CompilerParams(
            dimension_semantics=("arbitrary",)),
    )(te, rows_g, sym_g, W1, Ws, b1r)


def kernel(x, max_ops, Wp, bp, Wsym, W1, Ws, b1, Wr):
    z, pi, sym = _projection(x, Wp, bp, Wsym, Wr)
    d_all, g_all, te_all = _dispatch(pi)
    dT = d_all.T
    gT = g_all.T
    symflat = sym.reshape(B * NN, S)
    b1r = b1.reshape(NN, 1, D)
    W1bf = W1.astype(jnp.bfloat16)
    Wsbf = Ws.astype(jnp.bfloat16)

    rows_g, symg0 = _sc_scatter_first(z, symflat, dT[0], gT[0])
    symg1, symg2, symg3 = _sc_sym123(
        symflat, (dT[1], dT[2], dT[3]), (gT[1], gT[2], gT[3]))
    symgs = (symg0, symg1, symg2, symg3)

    cur = None
    for h in range(HOPS):
        if h > 0:
            rows_g = _sc_regroup(cur, dT[h - 1], dT[h])
        cur = _grouped_mm(te_all[h], rows_g, symgs[h], W1bf, Wsbf, b1r)
    out = _sc_gather_last(cur, dT[HOPS - 1])
    return (out, pi, sym)

# --- scband reference (transcript-rebuilt; emitter-appended) ---
"""Pipeline reference for scband-synthesizer-35699768164509 (READ-ONLY COPY).

The authoritative reference and input builder live on the scoring server;
editing this copy changes nothing except your own understanding.
"""

import jax, jax.numpy as jnp
import numpy as np

NUM_NODES = 8
SYM_DIM = 256
INPUT_DIM = 1024
LATENT_DIM = 1024
MAX_OPS = 4


def setup_inputs(seed: int = 0) -> dict:
    key = jax.random.key(seed)
    ks = jax.random.split(key, 8)
    x = jax.random.normal(ks[0], (2048, INPUT_DIM), dtype=jnp.float32)
    Wp = jax.random.normal(ks[1], (INPUT_DIM, LATENT_DIM), dtype=jnp.float32) * 0.02
    bp = jnp.zeros((LATENT_DIM,), dtype=jnp.float32)
    Wsym = jax.random.normal(ks[2], (NUM_NODES, LATENT_DIM, SYM_DIM), dtype=jnp.float32) * 0.02
    W1 = jax.random.normal(ks[3], (NUM_NODES, LATENT_DIM, LATENT_DIM), dtype=jnp.float32) * 0.02
    Ws = jax.random.normal(ks[4], (NUM_NODES, SYM_DIM, LATENT_DIM), dtype=jnp.float32) * 0.02
    b1 = jnp.zeros((NUM_NODES, LATENT_DIM), dtype=jnp.float32)
    Wr = jax.random.normal(ks[5], (LATENT_DIM, MAX_OPS * (NUM_NODES + 1)), dtype=jnp.float32) * 0.02
    return {"x": x, "max_ops": 4, "Wp": Wp, "bp": bp, "Wsym": Wsym, "W1": W1, "Ws": Ws, "b1": b1, "Wr": Wr}


def reference(x, max_ops, Wp, bp, Wsym, W1, Ws, b1, Wr):
    # input projection
    B = x.shape[0]
    z = x @ Wp + bp
    z = z + jnp.asarray(max_ops, z.dtype) * 0.0
    max_ops_static = Wr.shape[1] // (NUM_NODES + 1)
    # each node emits a symbolic embedding of z: sym[b, n, :] = tanh(z[b] @ Wsym[n])
    sym = jnp.tanh(jnp.einsum('bd,nds->bns', z, Wsym))  # [B, NUM_NODES, SYM_DIM]
    # gem memory is empty at init -> gem_embeds is None, retrieval branch skipped
    # router: per-hop linear scorer over (num_nodes + 1) choices; index NUM_NODES is sentinel (stop)
    logits = (z @ Wr).reshape(B, max_ops_static, NUM_NODES + 1)
    program_indices = jnp.argmax(logits, axis=-1)  # [B, max_ops]
    # sequential program execution with masking
    out = z
    done_mask = jnp.zeros((B,), dtype=bool)
    for hop in range(max_ops_static):
        hop_idx = program_indices[:, hop]
        done_mask = done_mask | (hop_idx == NUM_NODES)
        still_active = ~done_mask
        snapshot = out  # ops in a hop read out at start-of-hop
        for i in range(NUM_NODES):
            mask = still_active & (hop_idx == i)
            # node op: relu(out @ W1[i] + sym_i @ Ws[i] + b1[i])
            res = jax.nn.relu(snapshot @ W1[i] + sym[:, i, :] @ Ws[i] + b1[i])
            out = jnp.where(mask[:, None], res, out)
    return (out, program_indices, sym)

if __name__ == "__main__":
    import jax
    _d = setup_inputs()
    print(jax.jit(kernel)(*tuple(_d.values())))

</pallas_src>

<mosaic_0001>
#map = affine_map<(d0, d1) -> (0, 0)>
#map1 = affine_map<(d0, d1) -> (0)>
module attributes {stable_mosaic.version = 14 : i64} {
  func.func @k(%arg0: i32, %arg1: i32, %arg2: memref<3200x1024xf32, #tpu.memory_space<hbm>>, %arg3: memref<2048xi32, #tpu.memory_space<hbm>>, %arg4: memref<2048xi32, #tpu.memory_space<hbm>>, %arg5: memref<3200x1024xf32, #tpu.memory_space<hbm>>, %arg6: memref<2x32xi32, #tpu.memory_space<vmem>>, %arg7: memref<2x32xi32, #tpu.memory_space<vmem>>, %arg8: memref<2x32x1024xf32, #tpu.memory_space<vmem>>, %arg9: memref<!tpu.dma_semaphore, #tpu.memory_space<semaphore_mem>>, %arg10: memref<!tpu.dma_semaphore, #tpu.memory_space<semaphore_mem>>) attributes {dimension_semantics = [#tpu.dimension_semantics<core_parallel>, #tpu.dimension_semantics<subcore_parallel>], iteration_bounds = array<i64: 2, 16>, scalar_prefetch = 0 : i64, scratch_operands = 5 : i64, tpu.core_type = #tpu.core_type<sc_vector_subcore>, window_params = [{transform_indices = #map}, {transform_indices = #map1}, {transform_indices = #map1}, {transform_indices = #map}]} {
    %mul3A = arith.constant 2 : i32
    %mul3A_0 = arith.muli %arg1, %mul3A : i32
    %add3A = arith.addi %mul3A_0, %arg0 : i32
    %mul3A_1 = arith.constant 64 : i32
    %mul3A_2 = arith.muli %add3A, %mul3A_1 : i32
    %add3A_3 = arith.constant 0 : i32
    %add3A_4 = arith.addi %mul3A_2, %add3A_3 : i32
    %run_scoped3A = arith.constant 0 : i32
    "tpu.region"() ({
      %run_scoped3A_108 = tpu.sem_alloc : memref<!tpu.dma_semaphore, #tpu.memory_space<semaphore_mem>>
      %dma_start3A_109 = arith.constant 0 : i32
      %dma_start3A_110 = tpu.memref_slice %arg6[%run_scoped3A, %dma_start3A_109] : memref<2x32xi32, #tpu.memory_space<vmem>> -> memref<1x32xi32, #tpu.memory_space<vmem>>
      %dma_start3A_111 = tpu.memref_squeeze %dma_start3A_110 : memref<1x32xi32, #tpu.memory_space<vmem>> -> memref<32xi32, #tpu.memory_space<vmem>>
      %dma_start3A_112 = tpu.memref_slice %arg3[%add3A_4] : memref<2048xi32, #tpu.memory_space<hbm>> -> memref<32xi32, #tpu.memory_space<hbm>>
      %dma_start3A_113 = arith.constant 0 : i32
      %dma_start3A_114 = tpu.memref_slice %arg6[%run_scoped3A, %dma_start3A_113] : memref<2x32xi32, #tpu.memory_space<vmem>> -> memref<1x32xi32, #tpu.memory_space<vmem>>
      %dma_start3A_115 = tpu.memref_squeeze %dma_start3A_114 : memref<1x32xi32, #tpu.memory_space<vmem>> -> memref<32xi32, #tpu.memory_space<vmem>>
      %dma_start3A_116 = tpu.memref_slice %arg3[%add3A_4] : memref<2048xi32, #tpu.memory_space<hbm>> -> memref<32xi32, #tpu.memory_space<hbm>>
      tpu.enqueue_dma source(%dma_start3A_116 : memref<32xi32, #tpu.memory_space<hbm>>) target(%dma_start3A_115 : memref<32xi32, #tpu.memory_space<vmem>>) target_semaphore(%run_scoped3A_108 : memref<!tpu.dma_semaphore, #tpu.memory_space<semaphore_mem>>)
      %dma_wait3A_117 = arith.constant 0 : i32
      %dma_wait3A_118 = tpu.memref_slice %arg6[%run_scoped3A, %dma_wait3A_117] : memref<2x32xi32, #tpu.memory_space<vmem>> -> memref<1x32xi32, #tpu.memory_space<vmem>>
      %dma_wait3A_119 = tpu.memref_squeeze %dma_wait3A_118 : memref<1x32xi32, #tpu.memory_space<vmem>> -> memref<32xi32, #tpu.memory_space<vmem>>
      %dma_wait3A_120 = tpu.memref_slice %arg3[%add3A_4] : memref<2048xi32, #tpu.memory_space<hbm>> -> memref<32xi32, #tpu.memory_space<hbm>>
      %dma_wait3A_121 = arith.constant 0 : i32
      %dma_wait3A_122 = tpu.memref_slice %arg6[%run_scoped3A, %dma_wait3A_121] : memref<2x32xi32, #tpu.memory_space<vmem>> -> memref<1x32xi32, #tpu.memory_space<vmem>>
      %dma_wait3A_123 = tpu.memref_squeeze %dma_wait3A_122 : memref<1x32xi32, #tpu.memory_space<vmem>> -> memref<32xi32, #tpu.memory_space<vmem>>
      %dma_wait3A_124 = tpu.memref_slice %arg3[%add3A_4] : memref<2048xi32, #tpu.memory_space<hbm>> -> memref<32xi32, #tpu.memory_space<hbm>>
      tpu.wait_dma2 semaphore(%run_scoped3A_108 : memref<!tpu.dma_semaphore, #tpu.memory_space<semaphore_mem>>) src(%dma_wait3A_124 : memref<32xi32, #tpu.memory_space<hbm>>) dst(%dma_wait3A_123 : memref<32xi32, #tpu.memory_space<vmem>>)
      tpu.yield
    }) : () -> ()
    %dma_start3A = arith.constant 0 : i32
    %dma_start3A_5 = arith.constant 0 : i32
    %dma_start3A_6 = arith.constant 0 : i32
    %dma_start3A_7 = arith.constant 0 : i32
    %dma_start3A_8 = tpu.memref_slice %arg8[%dma_start3A_5, %dma_start3A_6, %dma_start3A_7] : memref<2x32x1024xf32, #tpu.memory_space<vmem>> -> memref<1x32x1024xf32, #tpu.memory_space<vmem>>
    %dma_start3A_9 = tpu.memref_squeeze %dma_start3A_8 : memref<1x32x1024xf32, #tpu.memory_space<vmem>> -> memref<32x1024xf32, #tpu.memory_space<vmem>>
    %dma_start3A_10 = arith.constant 0 : i32
    %dma_start3A_11 = tpu.memref_slice %arg6[%dma_start3A, %dma_start3A_10] : memref<2x32xi32, #tpu.memory_space<vmem>> -> memref<1x32xi32, #tpu.memory_space<vmem>>
    %dma_start3A_12 = tpu.memref_squeeze %dma_start3A_11 : memref<1x32xi32, #tpu.memory_space<vmem>> -> memref<32xi32, #tpu.memory_space<vmem>>
    %dma_start3A_13 = arith.constant 0 : i32
    %dma_start3A_14 = arith.constant 0 : i32
    %dma_start3A_15 = tpu.memref_slice %arg2[%dma_start3A_13, %dma_start3A_14] : memref<3200x1024xf32, #tpu.memory_space<hbm>> -> memref<3200x1024xf32, #tpu.memory_space<hbm>>
    tpu.enqueue_indirect_dma source(%dma_start3A_15 : memref<3200x1024xf32, #tpu.memory_space<hbm>>) target(%dma_start3A_9 : memref<32x1024xf32, #tpu.memory_space<vmem>>) offsets(%dma_start3A_12 : memref<32xi32, #tpu.memory_space<vmem>>) semaphore(%arg9 : memref<!tpu.dma_semaphore, #tpu.memory_space<semaphore_mem>>)
    %add3A_16 = arith.constant 32 : i32
    %add3A_17 = arith.addi %mul3A_2, %add3A_16 : i32
    %run_scoped3A_18 = arith.constant 1 : i32
    "tpu.region"() ({
      %run_scoped3A_108 = tpu.sem_alloc : memref<!tpu.dma_semaphore, #tpu.memory_space<semaphore_mem>>
      %dma_start3A_109 = arith.constant 0 : i32
      %dma_start3A_110 = tpu.memref_slice %arg6[%run_scoped3A_18, %dma_start3A_109] : memref<2x32xi32, #tpu.memory_space<vmem>> -> memref<1x32xi32, #tpu.memory_space<vmem>>
      %dma_start3A_111 = tpu.memref_squeeze %dma_start3A_110 : memref<1x32xi32, #tpu.memory_space<vmem>> -> memref<32xi32, #tpu.memory_space<vmem>>
      %dma_start3A_112 = tpu.memref_slice %arg3[%add3A_17] : memref<2048xi32, #tpu.memory_space<hbm>> -> memref<32xi32, #tpu.memory_space<hbm>>
      %dma_start3A_113 = arith.constant 0 : i32
      %dma_start3A_114 = tpu.memref_slice %arg6[%run_scoped3A_18, %dma_start3A_113] : memref<2x32xi32, #tpu.memory_space<vmem>> -> memref<1x32xi32, #tpu.memory_space<vmem>>
      %dma_start3A_115 = tpu.memref_squeeze %dma_start3A_114 : memref<1x32xi32, #tpu.memory_space<vmem>> -> memref<32xi32, #tpu.memory_space<vmem>>
      %dma_start3A_116 = tpu.memref_slice %arg3[%add3A_17] : memref<2048xi32, #tpu.memory_space<hbm>> -> memref<32xi32, #tpu.memory_space<hbm>>
      tpu.enqueue_dma source(%dma_start3A_116 : memref<32xi32, #tpu.memory_space<hbm>>) target(%dma_start3A_115 : memref<32xi32, #tpu.memory_space<vmem>>) target_semaphore(%run_scoped3A_108 : memref<!tpu.dma_semaphore, #tpu.memory_space<semaphore_mem>>)
      %dma_wait3A_117 = arith.constant 0 : i32
      %dma_wait3A_118 = tpu.memref_slice %arg6[%run_scoped3A_18, %dma_wait3A_117] : memref<2x32xi32, #tpu.memory_space<vmem>> -> memref<1x32xi32, #tpu.memory_space<vmem>>
      %dma_wait3A_119 = tpu.memref_squeeze %dma_wait3A_118 : memref<1x32xi32, #tpu.memory_space<vmem>> -> memref<32xi32, #tpu.memory_space<vmem>>
      %dma_wait3A_120 = tpu.memref_slice %arg3[%add3A_17] : memref<2048xi32, #tpu.memory_space<hbm>> -> memref<32xi32, #tpu.memory_space<hbm>>
      %dma_wait3A_121 = arith.constant 0 : i32
      %dma_wait3A_122 = tpu.memref_slice %arg6[%run_scoped3A_18, %dma_wait3A_121] : memref<2x32xi32, #tpu.memory_space<vmem>> -> memref<1x32xi32, #tpu.memory_space<vmem>>
      %dma_wait3A_123 = tpu.memref_squeeze %dma_wait3A_122 : memref<1x32xi32, #tpu.memory_space<vmem>> -> memref<32xi32, #tpu.memory_space<vmem>>
      %dma_wait3A_124 = tpu.memref_slice %arg3[%add3A_17] : memref<2048xi32, #tpu.memory_space<hbm>> -> memref<32xi32, #tpu.memory_space<hbm>>
      tpu.wait_dma2 semaphore(%run_scoped3A_108 : memref<!tpu.dma_semaphore, #tpu.memory_space<semaphore_mem>>) src(%dma_wait3A_124 : memref<32xi32, #tpu.memory_space<hbm>>) dst(%dma_wait3A_123 : memref<32xi32, #tpu.memory_space<vmem>>)
      tpu.yield
    }) : () -> ()
    %dma_start3A_19 = arith.constant 1 : i32
    %dma_start3A_20 = arith.constant 1 : i32
    %dma_start3A_21 = arith.constant 0 : i32
    %dma_start3A_22 = arith.constant 0 : i32
    %dma_start3A_23 = tpu.memref_slice %arg8[%dma_start3A_20, %dma_start3A_21, %dma_start3A_22] : memref<2x32x1024xf32, #tpu.memory_space<vmem>> -> memref<1x32x1024xf32, #tpu.memory_space<vmem>>
    %dma_start3A_24 = tpu.memref_squeeze %dma_start3A_23 : memref<1x32x1024xf32, #tpu.memory_space<vmem>> -> memref<32x1024xf32, #tpu.memory_space<vmem>>
    %dma_start3A_25 = arith.constant 0 : i32
    %dma_start3A_26 = tpu.memref_slice %arg6[%dma_start3A_19, %dma_start3A_25] : memref<2x32xi32, #tpu.memory_space<vmem>> -> memref<1x32xi32, #tpu.memory_space<vmem>>
    %dma_start3A_27 = tpu.memref_squeeze %dma_start3A_26 : memref<1x32xi32, #tpu.memory_space<vmem>> -> memref<32xi32, #tpu.memory_space<vmem>>
    %dma_start3A_28 = arith.constant 0 : i32
    %dma_start3A_29 = arith.constant 0 : i32
    %dma_start3A_30 = tpu.memref_slice %arg2[%dma_start3A_28, %dma_start3A_29] : memref<3200x1024xf32, #tpu.memory_space<hbm>> -> memref<3200x1024xf32, #tpu.memory_space<hbm>>
    tpu.enqueue_indirect_dma source(%dma_start3A_30 : memref<3200x1024xf32, #tpu.memory_space<hbm>>) target(%dma_start3A_24 : memref<32x1024xf32, #tpu.memory_space<vmem>>) offsets(%dma_start3A_27 : memref<32xi32, #tpu.memory_space<vmem>>) semaphore(%arg10 : memref<!tpu.dma_semaphore, #tpu.memory_space<semaphore_mem>>)
    %add3A_31 = arith.constant 0 : i32
    %add3A_32 = arith.addi %mul3A_2, %add3A_31 : i32
    %run_scoped3A_33 = arith.constant 0 : i32
    "tpu.region"() ({
      %run_scoped3A_108 = tpu.sem_alloc : memref<!tpu.dma_semaphore, #tpu.memory_space<semaphore_mem>>
      %dma_start3A_109 = arith.constant 0 : i32
      %dma_start3A_110 = tpu.memref_slice %arg7[%run_scoped3A_33, %dma_start3A_109] : memref<2x32xi32, #tpu.memory_space<vmem>> -> memref<1x32xi32, #tpu.memory_space<vmem>>
      %dma_start3A_111 = tpu.memref_squeeze %dma_start3A_110 : memref<1x32xi32, #tpu.memory_space<vmem>> -> memref<32xi32, #tpu.memory_space<vmem>>
      %dma_start3A_112 = tpu.memref_slice %arg4[%add3A_32] : memref<2048xi32, #tpu.memory_space<hbm>> -> memref<32xi32, #tpu.memory_space<hbm>>
      %dma_start3A_113 = arith.constant 0 : i32
      %dma_start3A_114 = tpu.memref_slice %arg7[%run_scoped3A_33, %dma_start3A_113] : memref<2x32xi32, #tpu.memory_space<vmem>> -> memref<1x32xi32, #tpu.memory_space<vmem>>
      %dma_start3A_115 = tpu.memref_squeeze %dma_start3A_114 : memref<1x32xi32, #tpu.memory_space<vmem>> -> memref<32xi32, #tpu.memory_space<vmem>>
      %dma_start3A_116 = tpu.memref_slice %arg4[%add3A_32] : memref<2048xi32, #tpu.memory_space<hbm>> -> memref<32xi32, #tpu.memory_space<hbm>>
      tpu.enqueue_dma source(%dma_start3A_116 : memref<32xi32, #tpu.memory_space<hbm>>) target(%dma_start3A_115 : memref<32xi32, #tpu.memory_space<vmem>>) target_semaphore(%run_scoped3A_108 : memref<!tpu.dma_semaphore, #tpu.memory_space<semaphore_mem>>)
      %dma_wait3A_117 = arith.constant 0 : i32
      %dma_wait3A_118 = tpu.memref_slice %arg7[%run_scoped3A_33, %dma_wait3A_117] : memref<2x32xi32, #tpu.memory_space<vmem>> -> memref<1x32xi32, #tpu.memory_space<vmem>>
      %dma_wait3A_119 = tpu.memref_squeeze %dma_wait3A_118 : memref<1x32xi32, #tpu.memory_space<vmem>> -> memref<32xi32, #tpu.memory_space<vmem>>
      %dma_wait3A_120 = tpu.memref_slice %arg4[%add3A_32] : memref<2048xi32, #tpu.memory_space<hbm>> -> memref<32xi32, #tpu.memory_space<hbm>>
      %dma_wait3A_121 = arith.constant 0 : i32
      %dma_wait3A_122 = tpu.memref_slice %arg7[%run_scoped3A_33, %dma_wait3A_121] : memref<2x32xi32, #tpu.memory_space<vmem>> -> memref<1x32xi32, #tpu.memory_space<vmem>>
      %dma_wait3A_123 = tpu.memref_squeeze %dma_wait3A_122 : memref<1x32xi32, #tpu.memory_space<vmem>> -> memref<32xi32, #tpu.memory_space<vmem>>
      %dma_wait3A_124 = tpu.memref_slice %arg4[%add3A_32] : memref<2048xi32, #tpu.memory_space<hbm>> -> memref<32xi32, #tpu.memory_space<hbm>>
      tpu.wait_dma2 semaphore(%run_scoped3A_108 : memref<!tpu.dma_semaphore, #tpu.memory_space<semaphore_mem>>) src(%dma_wait3A_124 : memref<32xi32, #tpu.memory_space<hbm>>) dst(%dma_wait3A_123 : memref<32xi32, #tpu.memory_space<vmem>>)
      tpu.yield
    }) : () -> ()
    %dma_wait3A = arith.constant 0 : i32
    %dma_wait3A_34 = arith.constant 0 : i32
    %dma_wait3A_35 = arith.constant 0 : i32
    %dma_wait3A_36 = arith.constant 0 : i32
    %dma_wait3A_37 = tpu.memref_slice %arg8[%dma_wait3A_34, %dma_wait3A_35, %dma_wait3A_36] : memref<2x32x1024xf32, #tpu.memory_space<vmem>> -> memref<1x32x1024xf32, #tpu.memory_space<vmem>>
    %dma_wait3A_38 = tpu.memref_squeeze %dma_wait3A_37 : memref<1x32x1024xf32, #tpu.memory_space<vmem>> -> memref<32x1024xf32, #tpu.memory_space<vmem>>
    %dma_wait3A_39 = arith.constant 0 : i32
    %dma_wait3A_40 = tpu.memref_slice %arg6[%dma_wait3A, %dma_wait3A_39] : memref<2x32xi32, #tpu.memory_space<vmem>> -> memref<1x32xi32, #tpu.memory_space<vmem>>
    %dma_wait3A_41 = tpu.memref_squeeze %dma_wait3A_40 : memref<1x32xi32, #tpu.memory_space<vmem>> -> memref<32xi32, #tpu.memory_space<vmem>>
    %dma_wait3A_42 = arith.constant 0 : i32
    %dma_wait3A_43 = arith.constant 0 : i32
    %dma_wait3A_44 = tpu.memref_slice %arg2[%dma_wait3A_42, %dma_wait3A_43] : memref<3200x1024xf32, #tpu.memory_space<hbm>> -> memref<3200x1024xf32, #tpu.memory_space<hbm>>
    tpu.wait_indirect_dma semaphore(%arg9 : memref<!tpu.dma_semaphore, #tpu.memory_space<semaphore_mem>>) src(%dma_wait3A_44 : memref<3200x1024xf32, #tpu.memory_space<hbm>>) dst(%dma_wait3A_38 : memref<32x1024xf32, #tpu.memory_space<vmem>>)
    %dma_start3A_45 = arith.constant 0 : i32
    %dma_start3A_46 = arith.constant 0 : i32
    %dma_start3A_47 = arith.constant 0 : i32
    %dma_start3A_48 = arith.constant 0 : i32
    %dma_start3A_49 = tpu.memref_slice %arg8[%dma_start3A_45, %dma_start3A_47, %dma_start3A_48] : memref<2x32x1024xf32, #tpu.memory_space<vmem>> -> memref<1x32x1024xf32, #tpu.memory_space<vmem>>
    %dma_start3A_50 = tpu.memref_squeeze %dma_start3A_49 : memref<1x32x1024xf32, #tpu.memory_space<vmem>> -> memref<32x1024xf32, #tpu.memory_space<vmem>>
    %dma_start3A_51 = arith.constant 0 : i32
    %dma_start3A_52 = tpu.memref_slice %arg7[%dma_start3A_46, %dma_start3A_51] : memref<2x32xi32, #tpu.memory_space<vmem>> -> memref<1x32xi32, #tpu.memory_space<vmem>>
    %dma_start3A_53 = tpu.memref_squeeze %dma_start3A_52 : memref<1x32xi32, #tpu.memory_space<vmem>> -> memref<32xi32, #tpu.memory_space<vmem>>
    %dma_start3A_54 = arith.constant 0 : i32
    %dma_start3A_55 = arith.constant 0 : i32
    %dma_start3A_56 = tpu.memref_slice %arg5[%dma_start3A_54, %dma_start3A_55] : memref<3200x1024xf32, #tpu.memory_space<hbm>> -> memref<3200x1024xf32, #tpu.memory_space<hbm>>
    tpu.enqueue_indirect_dma source(%dma_start3A_50 : memref<32x1024xf32, #tpu.memory_space<vmem>>) target(%dma_start3A_56 : memref<3200x1024xf32, #tpu.memory_space<hbm>>) offsets(%dma_start3A_53 : memref<32xi32, #tpu.memory_space<vmem>>) semaphore(%arg9 : memref<!tpu.dma_semaphore, #tpu.memory_space<semaphore_mem>>)
    %add3A_57 = arith.constant 32 : i32
    %add3A_58 = arith.addi %mul3A_2, %add3A_57 : i32
    %run_scoped3A_59 = arith.constant 1 : i32
    "tpu.region"() ({
      %run_scoped3A_108 = tpu.sem_alloc : memref<!tpu.dma_semaphore, #tpu.memory_space<semaphore_mem>>
      %dma_start3A_109 = arith.constant 0 : i32
      %dma_start3A_110 = tpu.memref_slice %arg7[%run_scoped3A_59, %dma_start3A_109] : memref<2x32xi32, #tpu.memory_space<vmem>> -> memref<1x32xi32, #tpu.memory_space<vmem>>
      %dma_start3A_111 = tpu.memref_squeeze %dma_start3A_110 : memref<1x32xi32, #tpu.memory_space<vmem>> -> memref<32xi32, #tpu.memory_space<vmem>>
      %dma_start3A_112 = tpu.memref_slice %arg4[%add3A_58] : memref<2048xi32, #tpu.memory_space<hbm>> -> memref<32xi32, #tpu.memory_space<hbm>>
      %dma_start3A_113 = arith.constant 0 : i32
      %dma_start3A_114 = tpu.memref_slice %arg7[%run_scoped3A_59, %dma_start3A_113] : memref<2x32xi32, #tpu.memory_space<vmem>> -> memref<1x32xi32, #tpu.memory_space<vmem>>
      %dma_start3A_115 = tpu.memref_squeeze %dma_start3A_114 : memref<1x32xi32, #tpu.memory_space<vmem>> -> memref<32xi32, #tpu.memory_space<vmem>>
      %dma_start3A_116 = tpu.memref_slice %arg4[%add3A_58] : memref<2048xi32, #tpu.memory_space<hbm>> -> memref<32xi32, #tpu.memory_space<hbm>>
      tpu.enqueue_dma source(%dma_start3A_116 : memref<32xi32, #tpu.memory_space<hbm>>) target(%dma_start3A_115 : memref<32xi32, #tpu.memory_space<vmem>>) target_semaphore(%run_scoped3A_108 : memref<!tpu.dma_semaphore, #tpu.memory_space<semaphore_mem>>)
      %dma_wait3A_117 = arith.constant 0 : i32
      %dma_wait3A_118 = tpu.memref_slice %arg7[%run_scoped3A_59, %dma_wait3A_117] : memref<2x32xi32, #tpu.memory_space<vmem>> -> memref<1x32xi32, #tpu.memory_space<vmem>>
      %dma_wait3A_119 = tpu.memref_squeeze %dma_wait3A_118 : memref<1x32xi32, #tpu.memory_space<vmem>> -> memref<32xi32, #tpu.memory_space<vmem>>
      %dma_wait3A_120 = tpu.memref_slice %arg4[%add3A_58] : memref<2048xi32, #tpu.memory_space<hbm>> -> memref<32xi32, #tpu.memory_space<hbm>>
      %dma_wait3A_121 = arith.constant 0 : i32
      %dma_wait3A_122 = tpu.memref_slice %arg7[%run_scoped3A_59, %dma_wait3A_121] : memref<2x32xi32, #tpu.memory_space<vmem>> -> memref<1x32xi32, #tpu.memory_space<vmem>>
      %dma_wait3A_123 = tpu.memref_squeeze %dma_wait3A_122 : memref<1x32xi32, #tpu.memory_space<vmem>> -> memref<32xi32, #tpu.memory_space<vmem>>
      %dma_wait3A_124 = tpu.memref_slice %arg4[%add3A_58] : memref<2048xi32, #tpu.memory_space<hbm>> -> memref<32xi32, #tpu.memory_space<hbm>>
      tpu.wait_dma2 semaphore(%run_scoped3A_108 : memref<!tpu.dma_semaphore, #tpu.memory_space<semaphore_mem>>) src(%dma_wait3A_124 : memref<32xi32, #tpu.memory_space<hbm>>) dst(%dma_wait3A_123 : memref<32xi32, #tpu.memory_space<vmem>>)
      tpu.yield
    }) : () -> ()
    %dma_wait3A_60 = arith.constant 1 : i32
    %dma_wait3A_61 = arith.constant 1 : i32
    %dma_wait3A_62 = arith.constant 0 : i32
    %dma_wait3A_63 = arith.constant 0 : i32
    %dma_wait3A_64 = tpu.memref_slice %arg8[%dma_wait3A_61, %dma_wait3A_62, %dma_wait3A_63] : memref<2x32x1024xf32, #tpu.memory_space<vmem>> -> memref<1x32x1024xf32, #tpu.memory_space<vmem>>
    %dma_wait3A_65 = tpu.memref_squeeze %dma_wait3A_64 : memref<1x32x1024xf32, #tpu.memory_space<vmem>> -> memref<32x1024xf32, #tpu.memory_space<vmem>>
    %dma_wait3A_66 = arith.constant 0 : i32
    %dma_wait3A_67 = tpu.memref_slice %arg6[%dma_wait3A_60, %dma_wait3A_66] : memref<2x32xi32, #tpu.memory_space<vmem>> -> memref<1x32xi32, #tpu.memory_space<vmem>>
    %dma_wait3A_68 = tpu.memref_squeeze %dma_wait3A_67 : memref<1x32xi32, #tpu.memory_space<vmem>> -> memref<32xi32, #tpu.memory_space<vmem>>
    %dma_wait3A_69 = arith.constant 0 : i32
    %dma_wait3A_70 = arith.constant 0 : i32
    %dma_wait3A_71 = tpu.memref_slice %arg2[%dma_wait3A_69, %dma_wait3A_70] : memref<3200x1024xf32, #tpu.memory_space<hbm>> -> memref<3200x1024xf32, #tpu.memory_space<hbm>>
    tpu.wait_indirect_dma semaphore(%arg10 : memref<!tpu.dma_semaphore, #tpu.memory_space<semaphore_mem>>) src(%dma_wait3A_71 : memref<3200x1024xf32, #tpu.memory_space<hbm>>) dst(%dma_wait3A_65 : memref<32x1024xf32, #tpu.memory_space<vmem>>)
    %dma_start3A_72 = arith.constant 1 : i32
    %dma_start3A_73 = arith.constant 1 : i32
    %dma_start3A_74 = arith.constant 0 : i32
    %dma_start3A_75 = arith.constant 0 : i32
    %dma_start3A_76 = tpu.memref_slice %arg8[%dma_start3A_72, %dma_start3A_74, %dma_start3A_75] : memref<2x32x1024xf32, #tpu.memory_space<vmem>> -> memref<1x32x1024xf32, #tpu.memory_space<vmem>>
    %dma_start3A_77 = tpu.memref_squeeze %dma_start3A_76 : memref<1x32x1024xf32, #tpu.memory_space<vmem>> -> memref<32x1024xf32, #tpu.memory_space<vmem>>
    %dma_start3A_78 = arith.constant 0 : i32
    %dma_start3A_79 = tpu.memref_slice %arg7[%dma_start3A_73, %dma_start3A_78] : memref<2x32xi32, #tpu.memory_space<vmem>> -> memref<1x32xi32, #tpu.memory_space<vmem>>
    %dma_start3A_80 = tpu.memref_squeeze %dma_start3A_79 : memref<1x32xi32, #tpu.memory_space<vmem>> -> memref<32xi32, #tpu.memory_space<vmem>>
    %dma_start3A_81 = arith.constant 0 : i32
    %dma_start3A_82 = arith.constant 0 : i32
    %dma_start3A_83 = tpu.memref_slice %arg5[%dma_start3A_81, %dma_start3A_82] : memref<3200x1024xf32, #tpu.memory_space<hbm>> -> memref<3200x1024xf32, #tpu.memory_space<hbm>>
    tpu.enqueue_indirect_dma source(%dma_start3A_77 : memref<32x1024xf32, #tpu.memory_space<vmem>>) target(%dma_start3A_83 : memref<3200x1024xf32, #tpu.memory_space<hbm>>) offsets(%dma_start3A_80 : memref<32xi32, #tpu.memory_space<vmem>>) semaphore(%arg10 : memref<!tpu.dma_semaphore, #tpu.memory_space<semaphore_mem>>)
    %dma_wait3A_84 = arith.constant 0 : i32
    %dma_wait3A_85 = arith.constant 0 : i32
    %dma_wait3A_86 = arith.constant 0 : i32
    %dma_wait3A_87 = arith.constant 0 : i32
    %dma_wait3A_88 = tpu.memref_slice %arg8[%dma_wait3A_84, %dma_wait3A_86, %dma_wait3A_87] : memref<2x32x1024xf32, #tpu.memory_space<vmem>> -> memref<1x32x1024xf32, #tpu.memory_space<vmem>>
    %dma_wait3A_89 = tpu.memref_squeeze %dma_wait3A_88 : memref<1x32x1024xf32, #tpu.memory_space<vmem>> -> memref<32x1024xf32, #tpu.memory_space<vmem>>
    %dma_wait3A_90 = arith.constant 0 : i32
    %dma_wait3A_91 = tpu.memref_slice %arg7[%dma_wait3A_85, %dma_wait3A_90] : memref<2x32xi32, #tpu.memory_space<vmem>> -> memref<1x32xi32, #tpu.memory_space<vmem>>
    %dma_wait3A_92 = tpu.memref_squeeze %dma_wait3A_91 : memref<1x32xi32, #tpu.memory_space<vmem>> -> memref<32xi32, #tpu.memory_space<vmem>>
    %dma_wait3A_93 = arith.constant 0 : i32
    %dma_wait3A_94 = arith.constant 0 : i32
    %dma_wait3A_95 = tpu.memref_slice %arg5[%dma_wait3A_93, %dma_wait3A_94] : memref<3200x1024xf32, #tpu.memory_space<hbm>> -> memref<3200x1024xf32, #tpu.memory_space<hbm>>
    tpu.wait_indirect_dma semaphore(%arg9 : memref<!tpu.dma_semaphore, #tpu.memory_space<semaphore_mem>>) src(%dma_wait3A_89 : memref<32x1024xf32, #tpu.memory_space<vmem>>) dst(%dma_wait3A_95 : memref<3200x1024xf32, #tpu.memory_space<hbm>>)
    %dma_wait3A_96 = arith.constant 1 : i32
    %dma_wait3A_97 = arith.constant 1 : i32
    %dma_wait3A_98 = arith.constant 0 : i32
    %dma_wait3A_99 = arith.constant 0 : i32
    %dma_wait3A_100 = tpu.memref_slice %arg8[%dma_wait3A_96, %dma_wait3A_98, %dma_wait3A_99] : memref<2x32x1024xf32, #tpu.memory_space<vmem>> -> memref<1x32x1024xf32, #tpu.memory_space<vmem>>
    %dma_wait3A_101 = tpu.memref_squeeze %dma_wait3A_100 : memref<1x32x1024xf32, #tpu.memory_space<vmem>> -> memref<32x1024xf32, #tpu.memory_space<vmem>>
    %dma_wait3A_102 = arith.constant 0 : i32
    %dma_wait3A_103 = tpu.memref_slice %arg7[%dma_wait3A_97, %dma_wait3A_102] : memref<2x32xi32, #tpu.memory_space<vmem>> -> memref<1x32xi32, #tpu.memory_space<vmem>>
    %dma_wait3A_104 = tpu.memref_squeeze %dma_wait3A_103 : memref<1x32xi32, #tpu.memory_space<vmem>> -> memref<32xi32, #tpu.memory_space<vmem>>
    %dma_wait3A_105 = arith.constant 0 : i32
    %dma_wait3A_106 = arith.constant 0 : i32
    %dma_wait3A_107 = tpu.memref_slice %arg5[%dma_wait3A_105, %dma_wait3A_106] : memref<3200x1024xf32, #tpu.memory_space<hbm>> -> memref<3200x1024xf32, #tpu.memory_space<hbm>>
    tpu.wait_indirect_dma semaphore(%arg10 : memref<!tpu.dma_semaphore, #tpu.memory_space<semaphore_mem>>) src(%dma_wait3A_101 : memref<32x1024xf32, #tpu.memory_space<vmem>>) dst(%dma_wait3A_107 : memref<3200x1024xf32, #tpu.memory_space<hbm>>)
    return
  }
}

#map = affine_map<(d0, d1) -> (0, 0)>
#map1 = affine_map<(d0, d1) -> (0)>
module attributes {stable_mosaic.version = 14 : i64} {
  func.func @k(%arg0: i32, %arg1: i32, %arg2: memref<16384x256xf32, #tpu.memory_space<hbm>>, %arg3: memref<2048xi32, #tpu.memory_space<hbm>>, %arg4: memref<2048xi32, #tpu.memory_space<hbm>>, %arg5: memref<2048xi32, #tpu.memory_space<hbm>>, %arg6: memref<2048xi32, #tpu.memory_space<hbm>>, %arg7: memref<2048xi32, #tpu.memory_space<hbm>>, %arg8: memref<2048xi32, #tpu.memory_space<hbm>>, %arg9: memref<3072x256xf32, #tpu.memory_space<hbm>>, %arg10: memref<3072x256xf32, #tpu.memory_space<hbm>>, %arg11: memref<3072x256xf32, #tpu.memory_space<hbm>>, %arg12: memref<3x64xi32, #tpu.memory_space<vmem>>, %arg13: memref<3x64xi32, #tpu.memory_space<vmem>>, %arg14: memref<3x64x256xf32, #tpu.memory_space<vmem>>, %arg15: memref<!tpu.dma_semaphore, #tpu.memory_space<semaphore_mem>>, %arg16: memref<!tpu.dma_semaphore, #tpu.memory_space<semaphore_mem>>, %arg17: memref<!tpu.dma_semaphore, #tpu.memory_space<semaphore_mem>>) attributes {dimension_semantics = [#tpu.dimension_semantics<core_parallel>, #tpu.dimension_semantics<subcore_parallel>], iteration_bounds = array<i64: 2, 16>, scalar_prefetch = 0 : i64, scratch_operands = 6 : i64, tpu.core_type = #tpu.core_type<sc_vector_subcore>, window_params = [{transform_indices = #map}, {transform_indices = #map1}, {transform_indices = #map1}, {transform_indices = #map1}, {transform_indices = #map1}, {transform_indices = #map1}, {transform_indices = #map1}, {transform_indices = #map}, {transform_indices = #map}, {transform_indices = #map}]} {
    %mul3A = arith.constant 2 : i32
    %mul3A_0 = arith.muli %arg1, %mul3A : i32
    %add3A = arith.addi %mul3A_0, %arg0 : i32
    %mul3A_1 = arith.constant 64 : i32
    %mul3A_2 = arith.muli %add3A, %mul3A_1 : i32
    %run_scoped3A = arith.constant 0 : i32
    "tpu.region"() ({
      %run_scoped3A_150 = tpu.sem_alloc : memref<!tpu.dma_semaphore, #tpu.memory_space<semaphore_mem>>
      %dma_start3A_151 = arith.constant 0 : i32
      %dma_start3A_152 = tpu.memref_slice %arg13[%run_scoped3A, %dma_start3A_151] : memref<3x64xi32, #tpu.memory_space<vmem>> -> memref<1x64xi32, #tpu.memory_space<vmem>>
      %dma_start3A_153 = tpu.memref_squeeze %dma_start3A_152 : memref<1x64xi32, #tpu.memory_space<vmem>> -> memref<64xi32, #tpu.memory_space<vmem>>
      %dma_start3A_154 = tpu.memref_slice %arg6[%mul3A_2] : memref<2048xi32, #tpu.memory_space<hbm>> -> memref<64xi32, #tpu.memory_space<hbm>>
      %dma_start3A_155 = arith.constant 0 : i32
      %dma_start3A_156 = tpu.memref_slice %arg13[%run_scoped3A, %dma_start3A_155] : memref<3x64xi32, #tpu.memory_space<vmem>> -> memref<1x64xi32, #tpu.memory_space<vmem>>
      %dma_start3A_157 = tpu.memref_squeeze %dma_start3A_156 : memref<1x64xi32, #tpu.memory_space<vmem>> -> memref<64xi32, #tpu.memory_space<vmem>>
      %dma_start3A_158 = tpu.memref_slice %arg6[%mul3A_2] : memref<2048xi32, #tpu.memory_space<hbm>> -> memref<64xi32, #tpu.memory_space<hbm>>
      tpu.enqueue_dma source(%dma_start3A_158 : memref<64xi32, #tpu.memory_space<hbm>>) target(%dma_start3A_157 : memref<64xi32, #tpu.memory_space<vmem>>) target_semaphore(%run_scoped3A_150 : memref<!tpu.dma_semaphore, #tpu.memory_space<semaphore_mem>>)
      %dma_wait3A_159 = arith.constant 0 : i32
      %dma_wait3A_160 = tpu.memref_slice %arg13[%run_scoped3A, %dma_wait3A_159] : memref<3x64xi32, #tpu.memory_space<vmem>> -> memref<1x64xi32, #tpu.memory_space<vmem>>
      %dma_wait3A_161 = tpu.memref_squeeze %dma_wait3A_160 : memref<1x64xi32, #tpu.memory_space<vmem>> -> memref<64xi32, #tpu.memory_space<vmem>>
      %dma_wait3A_162 = tpu.memref_slice %arg6[%mul3A_2] : memref<2048xi32, #tpu.memory_space<hbm>> -> memref<64xi32, #tpu.memory_space<hbm>>
      %dma_wait3A_163 = arith.constant 0 : i32
      %dma_wait3A_164 = tpu.memref_slice %arg13[%run_scoped3A, %dma_wait3A_163] : memref<3x64xi32, #tpu.memory_space<vmem>> -> memref<1x64xi32, #tpu.memory_space<vmem>>
      %dma_wait3A_165 = tpu.memref_squeeze %dma_wait3A_164 : memref<1x64xi32, #tpu.memory_space<vmem>> -> memref<64xi32, #tpu.memory_space<vmem>>
      %dma_wait3A_166 = tpu.memref_slice %arg6[%mul3A_2] : memref<2048xi32, #tpu.memory_space<hbm>> -> memref<64xi32, #tpu.memory_space<hbm>>
      tpu.wait_dma2 semaphore(%run_scoped3A_150 : memref<!tpu.dma_semaphore, #tpu.memory_space<semaphore_mem>>) src(%dma_wait3A_166 : memref<64xi32, #tpu.memory_space<hbm>>) dst(%dma_wait3A_165 : memref<64xi32, #tpu.memory_space<vmem>>)
      tpu.yield
    }) : () -> ()
    %dma_start3A = arith.constant 0 : i32
    %dma_start3A_3 = arith.constant 0 : i32
    %dma_start3A_4 = arith.constant 0 : i32
    %dma_start3A_5 = arith.constant 0 : i32
    %dma_start3A_6 = tpu.memref_slice %arg14[%dma_start3A_3, %dma_start3A_4, %dma_start3A_5] : memref<3x64x256xf32, #tpu.memory_space<vmem>> -> memref<1x64x256xf32, #tpu.memory_space<vmem>>
    %dma_start3A_7 = tpu.memref_squeeze %dma_start3A_6 : memref<1x64x256xf32, #tpu.memory_space<vmem>> -> memref<64x256xf32, #tpu.memory_space<vmem>>
    %dma_start3A_8 = arith.constant 0 : i32
    %dma_start3A_9 = tpu.memref_slice %arg13[%dma_start3A, %dma_start3A_8] : memref<3x64xi32, #tpu.memory_space<vmem>> -> memref<1x64xi32, #tpu.memory_space<vmem>>
    %dma_start3A_10 = tpu.memref_squeeze %dma_start3A_9 : memref<1x64xi32, #tpu.memory_space<vmem>> -> memref<64xi32, #tpu.memory_space<vmem>>
    %dma_start3A_11 = arith.constant 0 : i32
    %dma_start3A_12 = arith.constant 0 : i32
    %dma_start3A_13 = tpu.memref_slice %arg2[%dma_start3A_11, %dma_start3A_12] : memref<16384x256xf32, #tpu.memory_space<hbm>> -> memref<16384x256xf32, #tpu.memory_space<hbm>>
    tpu.enqueue_indirect_dma source(%dma_start3A_13 : memref<16384x256xf32, #tpu.memory_space<hbm>>) target(%dma_start3A_7 : memref<64x256xf32, #tpu.memory_space<vmem>>) offsets(%dma_start3A_10 : memref<64xi32, #tpu.memory_space<vmem>>) semaphore(%arg15 : memref<!tpu.dma_semaphore, #tpu.memory_space<semaphore_mem>>)
    %run_scoped3A_14 = arith.constant 1 : i32
    "tpu.region"() ({
      %run_scoped3A_150 = tpu.sem_alloc : memref<!tpu.dma_semaphore, #tpu.memory_space<semaphore_mem>>
      %dma_start3A_151 = arith.constant 0 : i32
      %dma_start3A_152 = tpu.memref_slice %arg13[%run_scoped3A_14, %dma_start3A_151] : memref<3x64xi32, #tpu.memory_space<vmem>> -> memref<1x64xi32, #tpu.memory_space<vmem>>
      %dma_start3A_153 = tpu.memref_squeeze %dma_start3A_152 : memref<1x64xi32, #tpu.memory_space<vmem>> -> memref<64xi32, #tpu.memory_space<vmem>>
      %dma_start3A_154 = tpu.memref_slice %arg7[%mul3A_2] : memref<2048xi32, #tpu.memory_space<hbm>> -> memref<64xi32, #tpu.memory_space<hbm>>
      %dma_start3A_155 = arith.constant 0 : i32
      %dma_start3A_156 = tpu.memref_slice %arg13[%run_scoped3A_14, %dma_start3A_155] : memref<3x64xi32, #tpu.memory_space<vmem>> -> memref<1x64xi32, #tpu.memory_space<vmem>>
      %dma_start3A_157 = tpu.memref_squeeze %dma_start3A_156 : memref<1x64xi32, #tpu.memory_space<vmem>> -> memref<64xi32, #tpu.memory_space<vmem>>
      %dma_start3A_158 = tpu.memref_slice %arg7[%mul3A_2] : memref<2048xi32, #tpu.memory_space<hbm>> -> memref<64xi32, #tpu.memory_space<hbm>>
      tpu.enqueue_dma source(%dma_start3A_158 : memref<64xi32, #tpu.memory_space<hbm>>) target(%dma_start3A_157 : memref<64xi32, #tpu.memory_space<vmem>>) target_semaphore(%run_scoped3A_150 : memref<!tpu.dma_semaphore, #tpu.memory_space<semaphore_mem>>)
      %dma_wait3A_159 = arith.constant 0 : i32
      %dma_wait3A_160 = tpu.memref_slice %arg13[%run_scoped3A_14, %dma_wait3A_159] : memref<3x64xi32, #tpu.memory_space<vmem>> -> memref<1x64xi32, #tpu.memory_space<vmem>>
      %dma_wait3A_161 = tpu.memref_squeeze %dma_wait3A_160 : memref<1x64xi32, #tpu.memory_space<vmem>> -> memref<64xi32, #tpu.memory_space<vmem>>
      %dma_wait3A_162 = tpu.memref_slice %arg7[%mul3A_2] : memref<2048xi32, #tpu.memory_space<hbm>> -> memref<64xi32, #tpu.memory_space<hbm>>
      %dma_wait3A_163 = arith.constant 0 : i32
      %dma_wait3A_164 = tpu.memref_slice %arg13[%run_scoped3A_14, %dma_wait3A_163] : memref<3x64xi32, #tpu.memory_space<vmem>> -> memref<1x64xi32, #tpu.memory_space<vmem>>
      %dma_wait3A_165 = tpu.memref_squeeze %dma_wait3A_164 : memref<1x64xi32, #tpu.memory_space<vmem>> -> memref<64xi32, #tpu.memory_space<vmem>>
      %dma_wait3A_166 = tpu.memref_slice %arg7[%mul3A_2] : memref<2048xi32, #tpu.memory_space<hbm>> -> memref<64xi32, #tpu.memory_space<hbm>>
      tpu.wait_dma2 semaphore(%run_scoped3A_150 : memref<!tpu.dma_semaphore, #tpu.memory_space<semaphore_mem>>) src(%dma_wait3A_166 : memref<64xi32, #tpu.memory_space<hbm>>) dst(%dma_wait3A_165 : memref<64xi32, #tpu.memory_space<vmem>>)
      tpu.yield
    }) : () -> ()
    %dma_start3A_15 = arith.constant 1 : i32
    %dma_start3A_16 = arith.constant 1 : i32
    %dma_start3A_17 = arith.constant 0 : i32
    %dma_start3A_18 = arith.constant 0 : i32
    %dma_start3A_19 = tpu.memref_slice %arg14[%dma_start3A_16, %dma_start3A_17, %dma_start3A_18] : memref<3x64x256xf32, #tpu.memory_space<vmem>> -> memref<1x64x256xf32, #tpu.memory_space<vmem>>
    %dma_start3A_20 = tpu.memref_squeeze %dma_start3A_19 : memref<1x64x256xf32, #tpu.memory_space<vmem>> -> memref<64x256xf32, #tpu.memory_space<vmem>>
    %dma_start3A_21 = arith.constant 0 : i32
    %dma_start3A_22 = tpu.memref_slice %arg13[%dma_start3A_15, %dma_start3A_21] : memref<3x64xi32, #tpu.memory_space<vmem>> -> memref<1x64xi32, #tpu.memory_space<vmem>>
    %dma_start3A_23 = tpu.memref_squeeze %dma_start3A_22 : memref<1x64xi32, #tpu.memory_space<vmem>> -> memref<64xi32, #tpu.memory_space<vmem>>
    %dma_start3A_24 = arith.constant 0 : i32
    %dma_start3A_25 = arith.constant 0 : i32
    %dma_start3A_26 = tpu.memref_slice %arg2[%dma_start3A_24, %dma_start3A_25] : memref<16384x256xf32, #tpu.memory_space<hbm>> -> memref<16384x256xf32, #tpu.memory_space<hbm>>
    tpu.enqueue_indirect_dma source(%dma_start3A_26 : memref<16384x256xf32, #tpu.memory_space<hbm>>) target(%dma_start3A_20 : memref<64x256xf32, #tpu.memory_space<vmem>>) offsets(%dma_start3A_23 : memref<64xi32, #tpu.memory_space<vmem>>) semaphore(%arg16 : memref<!tpu.dma_semaphore, #tpu.memory_space<semaphore_mem>>)
    %run_scoped3A_27 = arith.constant 2 : i32
    "tpu.region"() ({
      %run_scoped3A_150 = tpu.sem_alloc : memref<!tpu.dma_semaphore, #tpu.memory_space<semaphore_mem>>
      %dma_start3A_151 = arith.constant 0 : i32
      %dma_start3A_152 = tpu.memref_slice %arg13[%run_scoped3A_27, %dma_start3A_151] : memref<3x64xi32, #tpu.memory_space<vmem>> -> memref<1x64xi32, #tpu.memory_space<vmem>>
      %dma_start3A_153 = tpu.memref_squeeze %dma_start3A_152 : memref<1x64xi32, #tpu.memory_space<vmem>> -> memref<64xi32, #tpu.memory_space<vmem>>
      %dma_start3A_154 = tpu.memref_slice %arg8[%mul3A_2] : memref<2048xi32, #tpu.memory_space<hbm>> -> memref<64xi32, #tpu.memory_space<hbm>>
      %dma_start3A_155 = arith.constant 0 : i32
      %dma_start3A_156 = tpu.memref_slice %arg13[%run_scoped3A_27, %dma_start3A_155] : memref<3x64xi32, #tpu.memory_space<vmem>> -> memref<1x64xi32, #tpu.memory_space<vmem>>
      %dma_start3A_157 = tpu.memref_squeeze %dma_start3A_156 : memref<1x64xi32, #tpu.memory_space<vmem>> -> memref<64xi32, #tpu.memory_space<vmem>>
      %dma_start3A_158 = tpu.memref_slice %arg8[%mul3A_2] : memref<2048xi32, #tpu.memory_space<hbm>> -> memref<64xi32, #tpu.memory_space<hbm>>
      tpu.enqueue_dma source(%dma_start3A_158 : memref<64xi32, #tpu.memory_space<hbm>>) target(%dma_start3A_157 : memref<64xi32, #tpu.memory_space<vmem>>) target_semaphore(%run_scoped3A_150 : memref<!tpu.dma_semaphore, #tpu.memory_space<semaphore_mem>>)
      %dma_wait3A_159 = arith.constant 0 : i32
      %dma_wait3A_160 = tpu.memref_slice %arg13[%run_scoped3A_27, %dma_wait3A_159] : memref<3x64xi32, #tpu.memory_space<vmem>> -> memref<1x64xi32, #tpu.memory_space<vmem>>
      %dma_wait3A_161 = tpu.memref_squeeze %dma_wait3A_160 : memref<1x64xi32, #tpu.memory_space<vmem>> -> memref<64xi32, #tpu.memory_space<vmem>>
      %dma_wait3A_162 = tpu.memref_slice %arg8[%mul3A_2] : memref<2048xi32, #tpu.memory_space<hbm>> -> memref<64xi32, #tpu.memory_space<hbm>>
      %dma_wait3A_163 = arith.constant 0 : i32
      %dma_wait3A_164 = tpu.memref_slice %arg13[%run_scoped3A_27, %dma_wait3A_163] : memref<3x64xi32, #tpu.memory_space<vmem>> -> memref<1x64xi32, #tpu.memory_space<vmem>>
      %dma_wait3A_165 = tpu.memref_squeeze %dma_wait3A_164 : memref<1x64xi32, #tpu.memory_space<vmem>> -> memref<64xi32, #tpu.memory_space<vmem>>
      %dma_wait3A_166 = tpu.memref_slice %arg8[%mul3A_2] : memref<2048xi32, #tpu.memory_space<hbm>> -> memref<64xi32, #tpu.memory_space<hbm>>
      tpu.wait_dma2 semaphore(%run_scoped3A_150 : memref<!tpu.dma_semaphore, #tpu.memory_space<semaphore_mem>>) src(%dma_wait3A_166 : memref<64xi32, #tpu.memory_space<hbm>>) dst(%dma_wait3A_165 : memref<64xi32, #tpu.memory_space<vmem>>)
      tpu.yield
    }) : () -> ()
    %dma_start3A_28 = arith.constant 2 : i32
    %dma_start3A_29 = arith.constant 2 : i32
    %dma_start3A_30 = arith.constant 0 : i32
    %dma_start3A_31 = arith.constant 0 : i32
    %dma_start3A_32 = tpu.memref_slice %arg14[%dma_start3A_29, %dma_start3A_30, %dma_start3A_31] : memref<3x64x256xf32, #tpu.memory_space<vmem>> -> memref<1x64x256xf32, #tpu.memory_space<vmem>>
    %dma_start3A_33 = tpu.memref_squeeze %dma_start3A_32 : memref<1x64x256xf32, #tpu.memory_space<vmem>> -> memref<64x256xf32, #tpu.memory_space<vmem>>
    %dma_start3A_34 = arith.constant 0 : i32
    %dma_start3A_35 = tpu.memref_slice %arg13[%dma_start3A_28, %dma_start3A_34] : memref<3x64xi32, #tpu.memory_space<vmem>> -> memref<1x64xi32, #tpu.memory_space<vmem>>
    %dma_start3A_36 = tpu.memref_squeeze %dma_start3A_35 : memref<1x64xi32, #tpu.memory_space<vmem>> -> memref<64xi32, #tpu.memory_space<vmem>>
    %dma_start3A_37 = arith.constant 0 : i32
    %dma_start3A_38 = arith.constant 0 : i32
    %dma_start3A_39 = tpu.memref_slice %arg2[%dma_start3A_37, %dma_start3A_38] : memref<16384x256xf32, #tpu.memory_space<hbm>> -> memref<16384x256xf32, #tpu.memory_space<hbm>>
    tpu.enqueue_indirect_dma source(%dma_start3A_39 : memref<16384x256xf32, #tpu.memory_space<hbm>>) target(%dma_start3A_33 : memref<64x256xf32, #tpu.memory_space<vmem>>) offsets(%dma_start3A_36 : memref<64xi32, #tpu.memory_space<vmem>>) semaphore(%arg17 : memref<!tpu.dma_semaphore, #tpu.memory_space<semaphore_mem>>)
    %run_scoped3A_40 = arith.constant 0 : i32
    "tpu.region"() ({
      %run_scoped3A_150 = tpu.sem_alloc : memref<!tpu.dma_semaphore, #tpu.memory_space<semaphore_mem>>
      %dma_start3A_151 = arith.constant 0 : i32
      %dma_start3A_152 = tpu.memref_slice %arg12[%run_scoped3A_40, %dma_start3A_151] : memref<3x64xi32, #tpu.memory_space<vmem>> -> memref<1x64xi32, #tpu.memory_space<vmem>>
      %dma_start3A_153 = tpu.memref_squeeze %dma_start3A_152 : memref<1x64xi32, #tpu.memory_space<vmem>> -> memref<64xi32, #tpu.memory_space<vmem>>
      %dma_start3A_154 = tpu.memref_slice %arg3[%mul3A_2] : memref<2048xi32, #tpu.memory_space<hbm>> -> memref<64xi32, #tpu.memory_space<hbm>>
      %dma_start3A_155 = arith.constant 0 : i32
      %dma_start3A_156 = tpu.memref_slice %arg12[%run_scoped3A_40, %dma_start3A_155] : memref<3x64xi32, #tpu.memory_space<vmem>> -> memref<1x64xi32, #tpu.memory_space<vmem>>
      %dma_start3A_157 = tpu.memref_squeeze %dma_start3A_156 : memref<1x64xi32, #tpu.memory_space<vmem>> -> memref<64xi32, #tpu.memory_space<vmem>>
      %dma_start3A_158 = tpu.memref_slice %arg3[%mul3A_2] : memref<2048xi32, #tpu.memory_space<hbm>> -> memref<64xi32, #tpu.memory_space<hbm>>
      tpu.enqueue_dma source(%dma_start3A_158 : memref<64xi32, #tpu.memory_space<hbm>>) target(%dma_start3A_157 : memref<64xi32, #tpu.memory_space<vmem>>) target_semaphore(%run_scoped3A_150 : memref<!tpu.dma_semaphore, #tpu.memory_space<semaphore_mem>>)
      %dma_wait3A_159 = arith.constant 0 : i32
      %dma_wait3A_160 = tpu.memref_slice %arg12[%run_scoped3A_40, %dma_wait3A_159] : memref<3x64xi32, #tpu.memory_space<vmem>> -> memref<1x64xi32, #tpu.memory_space<vmem>>
      %dma_wait3A_161 = tpu.memref_squeeze %dma_wait3A_160 : memref<1x64xi32, #tpu.memory_space<vmem>> -> memref<64xi32, #tpu.memory_space<vmem>>
      %dma_wait3A_162 = tpu.memref_slice %arg3[%mul3A_2] : memref<2048xi32, #tpu.memory_space<hbm>> -> memref<64xi32, #tpu.memory_space<hbm>>
      %dma_wait3A_163 = arith.constant 0 : i32
      %dma_wait3A_164 = tpu.memref_slice %arg12[%run_scoped3A_40, %dma_wait3A_163] : memref<3x64xi32, #tpu.memory_space<vmem>> -> memref<1x64xi32, #tpu.memory_space<vmem>>
      %dma_wait3A_165 = tpu.memref_squeeze %dma_wait3A_164 : memref<1x64xi32, #tpu.memory_space<vmem>> -> memref<64xi32, #tpu.memory_space<vmem>>
      %dma_wait3A_166 = tpu.memref_slice %arg3[%mul3A_2] : memref<2048xi32, #tpu.memory_space<hbm>> -> memref<64xi32, #tpu.memory_space<hbm>>
      tpu.wait_dma2 semaphore(%run_scoped3A_150 : memref<!tpu.dma_semaphore, #tpu.memory_space<semaphore_mem>>) src(%dma_wait3A_166 : memref<64xi32, #tpu.memory_space<hbm>>) dst(%dma_wait3A_165 : memref<64xi32, #tpu.memory_space<vmem>>)
      tpu.yield
    }) : () -> ()
    %dma_wait3A = arith.constant 0 : i32
    %dma_wait3A_41 = arith.constant 0 : i32
    %dma_wait3A_42 = arith.constant 0 : i32
    %dma_wait3A_43 = arith.constant 0 : i32
    %dma_wait3A_44 = tpu.memref_slice %arg14[%dma_wait3A_41, %dma_wait3A_42, %dma_wait3A_43] : memref<3x64x256xf32, #tpu.memory_space<vmem>> -> memref<1x64x256xf32, #tpu.memory_space<vmem>>
    %dma_wait3A_45 = tpu.memref_squeeze %dma_wait3A_44 : memref<1x64x256xf32, #tpu.memory_space<vmem>> -> memref<64x256xf32, #tpu.memory_space<vmem>>
    %dma_wait3A_46 = arith.constant 0 : i32
    %dma_wait3A_47 = tpu.memref_slice %arg13[%dma_wait3A, %dma_wait3A_46] : memref<3x64xi32, #tpu.memory_space<vmem>> -> memref<1x64xi32, #tpu.memory_space<vmem>>
    %dma_wait3A_48 = tpu.memref_squeeze %dma_wait3A_47 : memref<1x64xi32, #tpu.memory_space<vmem>> -> memref<64xi32, #tpu.memory_space<vmem>>
    %dma_wait3A_49 = arith.constant 0 : i32
    %dma_wait3A_50 = arith.constant 0 : i32
    %dma_wait3A_51 = tpu.memref_slice %arg2[%dma_wait3A_49, %dma_wait3A_50] : memref<16384x256xf32, #tpu.memory_space<hbm>> -> memref<16384x256xf32, #tpu.memory_space<hbm>>
    tpu.wait_indirect_dma semaphore(%arg15 : memref<!tpu.dma_semaphore, #tpu.memory_space<semaphore_mem>>) src(%dma_wait3A_51 : memref<16384x256xf32, #tpu.memory_space<hbm>>) dst(%dma_wait3A_45 : memref<64x256xf32, #tpu.memory_space<vmem>>)
    %dma_start3A_52 = arith.constant 0 : i32
    %dma_start3A_53 = arith.constant 0 : i32
    %dma_start3A_54 = arith.constant 0 : i32
    %dma_start3A_55 = arith.constant 0 : i32
    %dma_start3A_56 = tpu.memref_slice %arg14[%dma_start3A_52, %dma_start3A_54, %dma_start3A_55] : memref<3x64x256xf32, #tpu.memory_space<vmem>> -> memref<1x64x256xf32, #tpu.memory_space<vmem>>
    %dma_start3A_57 = tpu.memref_squeeze %dma_start3A_56 : memref<1x64x256xf32, #tpu.memory_space<vmem>> -> memref<64x256xf32, #tpu.memory_space<vmem>>
    %dma_start3A_58 = arith.constant 0 : i32
    %dma_start3A_59 = tpu.memref_slice %arg12[%dma_start3A_53, %dma_start3A_58] : memref<3x64xi32, #tpu.memory_space<vmem>> -> memref<1x64xi32, #tpu.memory_space<vmem>>
    %dma_start3A_60 = tpu.memref_squeeze %dma_start3A_59 : memref<1x64xi32, #tpu.memory_space<vmem>> -> memref<64xi32, #tpu.memory_space<vmem>>
    %dma_start3A_61 = arith.constant 0 : i32
    %dma_start3A_62 = arith.constant 0 : i32
    %dma_start3A_63 = tpu.memref_slice %arg9[%dma_start3A_61, %dma_start3A_62] : memref<3072x256xf32, #tpu.memory_space<hbm>> -> memref<3072x256xf32, #tpu.memory_space<hbm>>
    tpu.enqueue_indirect_dma source(%dma_start3A_57 : memref<64x256xf32, #tpu.memory_space<vmem>>) target(%dma_start3A_63 : memref<3072x256xf32, #tpu.memory_space<hbm>>) offsets(%dma_start3A_60 : memref<64xi32, #tpu.memory_space<vmem>>) semaphore(%arg15 : memref<!tpu.dma_semaphore, #tpu.memory_space<semaphore_mem>>)
    %run_scoped3A_64 = arith.constant 1 : i32
    "tpu.region"() ({
      %run_scoped3A_150 = tpu.sem_alloc : memref<!tpu.dma_semaphore, #tpu.memory_space<semaphore_mem>>
      %dma_start3A_151 = arith.constant 0 : i32
      %dma_start3A_152 = tpu.memref_slice %arg12[%run_scoped3A_64, %dma_start3A_151] : memref<3x64xi32, #tpu.memory_space<vmem>> -> memref<1x64xi32, #tpu.memory_space<vmem>>
      %dma_start3A_153 = tpu.memref_squeeze %dma_start3A_152 : memref<1x64xi32, #tpu.memory_space<vmem>> -> memref<64xi32, #tpu.memory_space<vmem>>
      %dma_start3A_154 = tpu.memref_slice %arg4[%mul3A_2] : memref<2048xi32, #tpu.memory_space<hbm>> -> memref<64xi32, #tpu.memory_space<hbm>>
      %dma_start3A_155 = arith.constant 0 : i32
      %dma_start3A_156 = tpu.memref_slice %arg12[%run_scoped3A_64, %dma_start3A_155] : memref<3x64xi32, #tpu.memory_space<vmem>> -> memref<1x64xi32, #tpu.memory_space<vmem>>
      %dma_start3A_157 = tpu.memref_squeeze %dma_start3A_156 : memref<1x64xi32, #tpu.memory_space<vmem>> -> memref<64xi32, #tpu.memory_space<vmem>>
      %dma_start3A_158 = tpu.memref_slice %arg4[%mul3A_2] : memref<2048xi32, #tpu.memory_space<hbm>> -> memref<64xi32, #tpu.memory_space<hbm>>
      tpu.enqueue_dma source(%dma_start3A_158 : memref<64xi32, #tpu.memory_space<hbm>>) target(%dma_start3A_157 : memref<64xi32, #tpu.memory_space<vmem>>) target_semaphore(%run_scoped3A_150 : memref<!tpu.dma_semaphore, #tpu.memory_space<semaphore_mem>>)
      %dma_wait3A_159 = arith.constant 0 : i32
      %dma_wait3A_160 = tpu.memref_slice %arg12[%run_scoped3A_64, %dma_wait3A_159] : memref<3x64xi32, #tpu.memory_space<vmem>> -> memref<1x64xi32, #tpu.memory_space<vmem>>
      %dma_wait3A_161 = tpu.memref_squeeze %dma_wait3A_160 : memref<1x64xi32, #tpu.memory_space<vmem>> -> memref<64xi32, #tpu.memory_space<vmem>>
      %dma_wait3A_162 = tpu.memref_slice %arg4[%mul3A_2] : memref<2048xi32, #tpu.memory_space<hbm>> -> memref<64xi32, #tpu.memory_space<hbm>>
      %dma_wait3A_163 = arith.constant 0 : i32
      %dma_wait3A_164 = tpu.memref_slice %arg12[%run_scoped3A_64, %dma_wait3A_163] : memref<3x64xi32, #tpu.memory_space<vmem>> -> memref<1x64xi32, #tpu.memory_space<vmem>>
      %dma_wait3A_165 = tpu.memref_squeeze %dma_wait3A_164 : memref<1x64xi32, #tpu.memory_space<vmem>> -> memref<64xi32, #tpu.memory_space<vmem>>
      %dma_wait3A_166 = tpu.memref_slice %arg4[%mul3A_2] : memref<2048xi32, #tpu.memory_space<hbm>> -> memref<64xi32, #tpu.memory_space<hbm>>
      tpu.wait_dma2 semaphore(%run_scoped3A_150 : memref<!tpu.dma_semaphore, #tpu.memory_space<semaphore_mem>>) src(%dma_wait3A_166 : memref<64xi32, #tpu.memory_space<hbm>>) dst(%dma_wait3A_165 : memref<64xi32, #tpu.memory_space<vmem>>)
      tpu.yield
    }) : () -> ()
    %dma_wait3A_65 = arith.constant 1 : i32
    %dma_wait3A_66 = arith.constant 1 : i32
    %dma_wait3A_67 = arith.constant 0 : i32
    %dma_wait3A_68 = arith.constant 0 : i32
    %dma_wait3A_69 = tpu.memref_slice %arg14[%dma_wait3A_66, %dma_wait3A_67, %dma_wait3A_68] : memref<3x64x256xf32, #tpu.memory_space<vmem>> -> memref<1x64x256xf32, #tpu.memory_space<vmem>>
    %dma_wait3A_70 = tpu.memref_squeeze %dma_wait3A_69 : memref<1x64x256xf32, #tpu.memory_space<vmem>> -> memref<64x256xf32, #tpu.memory_space<vmem>>
    %dma_wait3A_71 = arith.constant 0 : i32
    %dma_wait3A_72 = tpu.memref_slice %arg13[%dma_wait3A_65, %dma_wait3A_71] : memref<3x64xi32, #tpu.memory_space<vmem>> -> memref<1x64xi32, #tpu.memory_space<vmem>>
    %dma_wait3A_73 = tpu.memref_squeeze %dma_wait3A_72 : memref<1x64xi32, #tpu.memory_space<vmem>> -> memref<64xi32, #tpu.memory_space<vmem>>
    %dma_wait3A_74 = arith.constant 0 : i32
    %dma_wait3A_75 = arith.constant 0 : i32
    %dma_wait3A_76 = tpu.memref_slice %arg2[%dma_wait3A_74, %dma_wait3A_75] : memref<16384x256xf32, #tpu.memory_space<hbm>> -> memref<16384x256xf32, #tpu.memory_space<hbm>>
    tpu.wait_indirect_dma semaphore(%arg16 : memref<!tpu.dma_semaphore, #tpu.memory_space<semaphore_mem>>) src(%dma_wait3A_76 : memref<16384x256xf32, #tpu.memory_space<hbm>>) dst(%dma_wait3A_70 : memref<64x256xf32, #tpu.memory_space<vmem>>)
    %dma_start3A_77 = arith.constant 1 : i32
    %dma_start3A_78 = arith.constant 1 : i32
    %dma_start3A_79 = arith.constant 0 : i32
    %dma_start3A_80 = arith.constant 0 : i32
    %dma_start3A_81 = tpu.memref_slice %arg14[%dma_start3A_77, %dma_start3A_79, %dma_start3A_80] : memref<3x64x256xf32, #tpu.memory_space<vmem>> -> memref<1x64x256xf32, #tpu.memory_space<vmem>>
    %dma_start3A_82 = tpu.memref_squeeze %dma_start3A_81 : memref<1x64x256xf32, #tpu.memory_space<vmem>> -> memref<64x256xf32, #tpu.memory_space<vmem>>
    %dma_start3A_83 = arith.constant 0 : i32
    %dma_start3A_84 = tpu.memref_slice %arg12[%dma_start3A_78, %dma_start3A_83] : memref<3x64xi32, #tpu.memory_space<vmem>> -> memref<1x64xi32, #tpu.memory_space<vmem>>
    %dma_start3A_85 = tpu.memref_squeeze %dma_start3A_84 : memref<1x64xi32, #tpu.memory_space<vmem>> -> memref<64xi32, #tpu.memory_space<vmem>>
    %dma_start3A_86 = arith.constant 0 : i32
    %dma_start3A_87 = arith.constant 0 : i32
    %dma_start3A_88 = tpu.memref_slice %arg10[%dma_start3A_86, %dma_start3A_87] : memref<3072x256xf32, #tpu.memory_space<hbm>> -> memref<3072x256xf32, #tpu.memory_space<hbm>>
    tpu.enqueue_indirect_dma source(%dma_start3A_82 : memref<64x256xf32, #tpu.memory_space<vmem>>) target(%dma_start3A_88 : memref<3072x256xf32, #tpu.memory_space<hbm>>) offsets(%dma_start3A_85 : memref<64xi32, #tpu.memory_space<vmem>>) semaphore(%arg16 : memref<!tpu.dma_semaphore, #tpu.memory_space<semaphore_mem>>)
    %run_scoped3A_89 = arith.constant 2 : i32
    "tpu.region"() ({
      %run_scoped3A_150 = tpu.sem_alloc : memref<!tpu.dma_semaphore, #tpu.memory_space<semaphore_mem>>
      %dma_start3A_151 = arith.constant 0 : i32
      %dma_start3A_152 = tpu.memref_slice %arg12[%run_scoped3A_89, %dma_start3A_151] : memref<3x64xi32, #tpu.memory_space<vmem>> -> memref<1x64xi32, #tpu.memory_space<vmem>>
      %dma_start3A_153 = tpu.memref_squeeze %dma_start3A_152 : memref<1x64xi32, #tpu.memory_space<vmem>> -> memref<64xi32, #tpu.memory_space<vmem>>
      %dma_start3A_154 = tpu.memref_slice %arg5[%mul3A_2] : memref<2048xi32, #tpu.memory_space<hbm>> -> memref<64xi32, #tpu.memory_space<hbm>>
      %dma_start3A_155 = arith.constant 0 : i32
      %dma_start3A_156 = tpu.memref_slice %arg12[%run_scoped3A_89, %dma_start3A_155] : memref<3x64xi32, #tpu.memory_space<vmem>> -> memref<1x64xi32, #tpu.memory_space<vmem>>
      %dma_start3A_157 = tpu.memref_squeeze %dma_start3A_156 : memref<1x64xi32, #tpu.memory_space<vmem>> -> memref<64xi32, #tpu.memory_space<vmem>>
      %dma_start3A_158 = tpu.memref_slice %arg5[%mul3A_2] : memref<2048xi32, #tpu.memory_space<hbm>> -> memref<64xi32, #tpu.memory_space<hbm>>
      tpu.enqueue_dma source(%dma_start3A_158 : memref<64xi32, #tpu.memory_space<hbm>>) target(%dma_start3A_157 : memref<64xi32, #tpu.memory_space<vmem>>) target_semaphore(%run_scoped3A_150 : memref<!tpu.dma_semaphore, #tpu.memory_space<semaphore_mem>>)
      %dma_wait3A_159 = arith.constant 0 : i32
      %dma_wait3A_160 = tpu.memref_slice %arg12[%run_scoped3A_89, %dma_wait3A_159] : memref<3x64xi32, #tpu.memory_space<vmem>> -> memref<1x64xi32, #tpu.memory_space<vmem>>
      %dma_wait3A_161 = tpu.memref_squeeze %dma_wait3A_160 : memref<1x64xi32, #tpu.memory_space<vmem>> -> memref<64xi32, #tpu.memory_space<vmem>>
      %dma_wait3A_162 = tpu.memref_slice %arg5[%mul3A_2] : memref<2048xi32, #tpu.memory_space<hbm>> -> memref<64xi32, #tpu.memory_space<hbm>>
      %dma_wait3A_163 = arith.constant 0 : i32
      %dma_wait3A_164 = tpu.memref_slice %arg12[%run_scoped3A_89, %dma_wait3A_163] : memref<3x64xi32, #tpu.memory_space<vmem>> -> memref<1x64xi32, #tpu.memory_space<vmem>>
      %dma_wait3A_165 = tpu.memref_squeeze %dma_wait3A_164 : memref<1x64xi32, #tpu.memory_space<vmem>> -> memref<64xi32, #tpu.memory_space<vmem>>
      %dma_wait3A_166 = tpu.memref_slice %arg5[%mul3A_2] : memref<2048xi32, #tpu.memory_space<hbm>> -> memref<64xi32, #tpu.memory_space<hbm>>
      tpu.wait_dma2 semaphore(%run_scoped3A_150 : memref<!tpu.dma_semaphore, #tpu.memory_space<semaphore_mem>>) src(%dma_wait3A_166 : memref<64xi32, #tpu.memory_space<hbm>>) dst(%dma_wait3A_165 : memref<64xi32, #tpu.memory_space<vmem>>)
      tpu.yield
    }) : () -> ()
    %dma_wait3A_90 = arith.constant 2 : i32
    %dma_wait3A_91 = arith.constant 2 : i32
    %dma_wait3A_92 = arith.constant 0 : i32
    %dma_wait3A_93 = arith.constant 0 : i32
    %dma_wait3A_94 = tpu.memref_slice %arg14[%dma_wait3A_91, %dma_wait3A_92, %dma_wait3A_93] : memref<3x64x256xf32, #tpu.memory_space<vmem>> -> memref<1x64x256xf32, #tpu.memory_space<vmem>>
    %dma_wait3A_95 = tpu.memref_squeeze %dma_wait3A_94 : memref<1x64x256xf32, #tpu.memory_space<vmem>> -> memref<64x256xf32, #tpu.memory_space<vmem>>
    %dma_wait3A_96 = arith.constant 0 : i32
    %dma_wait3A_97 = tpu.memref_slice %arg13[%dma_wait3A_90, %dma_wait3A_96] : memref<3x64xi32, #tpu.memory_space<vmem>> -> memref<1x64xi32, #tpu.memory_space<vmem>>
    %dma_wait3A_98 = tpu.memref_squeeze %dma_wait3A_97 : memref<1x64xi32, #tpu.memory_space<vmem>> -> memref<64xi32, #tpu.memory_space<vmem>>
    %dma_wait3A_99 = arith.constant 0 : i32
    %dma_wait3A_100 = arith.constant 0 : i32
    %dma_wait3A_101 = tpu.memref_slice %arg2[%dma_wait3A_99, %dma_wait3A_100] : memref<16384x256xf32, #tpu.memory_space<hbm>> -> memref<16384x256xf32, #tpu.memory_space<hbm>>
    tpu.wait_indirect_dma semaphore(%arg17 : memref<!tpu.dma_semaphore, #tpu.memory_space<semaphore_mem>>) src(%dma_wait3A_101 : memref<16384x256xf32, #tpu.memory_space<hbm>>) dst(%dma_wait3A_95 : memref<64x256xf32, #tpu.memory_space<vmem>>)
    %dma_start3A_102 = arith.constant 2 : i32
    %dma_start3A_103 = arith.constant 2 : i32
    %dma_start3A_104 = arith.constant 0 : i32
    %dma_start3A_105 = arith.constant 0 : i32
    %dma_start3A_106 = tpu.memref_slice %arg14[%dma_start3A_102, %dma_start3A_104, %dma_start3A_105] : memref<3x64x256xf32, #tpu.memory_space<vmem>> -> memref<1x64x256xf32, #tpu.memory_space<vmem>>
    %dma_start3A_107 = tpu.memref_squeeze %dma_start3A_106 : memref<1x64x256xf32, #tpu.memory_space<vmem>> -> memref<64x256xf32, #tpu.memory_space<vmem>>
    %dma_start3A_108 = arith.constant 0 : i32
    %dma_start3A_109 = tpu.memref_slice %arg12[%dma_start3A_103, %dma_start3A_108] : memref<3x64xi32, #tpu.memory_space<vmem>> -> memref<1x64xi32, #tpu.memory_space<vmem>>
    %dma_start3A_110 = tpu.memref_squeeze %dma_start3A_109 : memref<1x64xi32, #tpu.memory_space<vmem>> -> memref<64xi32, #tpu.memory_space<vmem>>
    %dma_start3A_111 = arith.constant 0 : i32
    %dma_start3A_112 = arith.constant 0 : i32
    %dma_start3A_113 = tpu.memref_slice %arg11[%dma_start3A_111, %dma_start3A_112] : memref<3072x256xf32, #tpu.memory_space<hbm>> -> memref<3072x256xf32, #tpu.memory_space<hbm>>
    tpu.enqueue_indirect_dma source(%dma_start3A_107 : memref<64x256xf32, #tpu.memory_space<vmem>>) target(%dma_start3A_113 : memref<3072x256xf32, #tpu.memory_space<hbm>>) offsets(%dma_start3A_110 : memref<64xi32, #tpu.memory_space<vmem>>) semaphore(%arg17 : memref<!tpu.dma_semaphore, #tpu.memory_space<semaphore_mem>>)
    %dma_wait3A_114 = arith.constant 0 : i32
    %dma_wait3A_115 = arith.constant 0 : i32
    %dma_wait3A_116 = arith.constant 0 : i32
    %dma_wait3A_117 = arith.constant 0 : i32
    %dma_wait3A_118 = tpu.memref_slice %arg14[%dma_wait3A_114, %dma_wait3A_116, %dma_wait3A_117] : memref<3x64x256xf32, #tpu.memory_space<vmem>> -> memref<1x64x256xf32, #tpu.memory_space<vmem>>
    %dma_wait3A_119 = tpu.memref_squeeze %dma_wait3A_118 : memref<1x64x256xf32, #tpu.memory_space<vmem>> -> memref<64x256xf32, #tpu.memory_space<vmem>>
    %dma_wait3A_120 = arith.constant 0 : i32
    %dma_wait3A_121 = tpu.memref_slice %arg12[%dma_wait3A_115, %dma_wait3A_120] : memref<3x64xi32, #tpu.memory_space<vmem>> -> memref<1x64xi32, #tpu.memory_space<vmem>>
    %dma_wait3A_122 = tpu.memref_squeeze %dma_wait3A_121 : memref<1x64xi32, #tpu.memory_space<vmem>> -> memref<64xi32, #tpu.memory_space<vmem>>
    %dma_wait3A_123 = arith.constant 0 : i32
    %dma_wait3A_124 = arith.constant 0 : i32
    %dma_wait3A_125 = tpu.memref_slice %arg9[%dma_wait3A_123, %dma_wait3A_124] : memref<3072x256xf32, #tpu.memory_space<hbm>> -> memref<3072x256xf32, #tpu.memory_space<hbm>>
    tpu.wait_indirect_dma semaphore(%arg15 : memref<!tpu.dma_semaphore, #tpu.memory_space<semaphore_mem>>) src(%dma_wait3A_119 : memref<64x256xf32, #tpu.memory_space<vmem>>) dst(%dma_wait3A_125 : memref<3072x256xf32, #tpu.memory_space<hbm>>)
    %dma_wait3A_126 = arith.constant 1 : i32
    %dma_wait3A_127 = arith.constant 1 : i32
    %dma_wait3A_128 = arith.constant 0 : i32
    %dma_wait3A_129 = arith.constant 0 : i32
    %dma_wait3A_130 = tpu.memref_slice %arg14[%dma_wait3A_126, %dma_wait3A_128, %dma_wait3A_129] : memref<3x64x256xf32, #tpu.memory_space<vmem>> -> memref<1x64x256xf32, #tpu.memory_space<vmem>>
    %dma_wait3A_131 = tpu.memref_squeeze %dma_wait3A_130 : memref<1x64x256xf32, #tpu.memory_space<vmem>> -> memref<64x256xf32, #tpu.memory_space<vmem>>
    %dma_wait3A_132 = arith.constant 0 : i32
    %dma_wait3A_133 = tpu.memref_slice %arg12[%dma_wait3A_127, %dma_wait3A_132] : memref<3x64xi32, #tpu.memory_space<vmem>> -> memref<1x64xi32, #tpu.memory_space<vmem>>
    %dma_wait3A_134 = tpu.memref_squeeze %dma_wait3A_133 : memref<1x64xi32, #tpu.memory_space<vmem>> -> memref<64xi32, #tpu.memory_space<vmem>>
    %dma_wait3A_135 = arith.constant 0 : i32
    %dma_wait3A_136 = arith.constant 0 : i32
    %dma_wait3A_137 = tpu.memref_slice %arg10[%dma_wait3A_135, %dma_wait3A_136] : memref<3072x256xf32, #tpu.memory_space<hbm>> -> memref<3072x256xf32, #tpu.memory_space<hbm>>
    tpu.wait_indirect_dma semaphore(%arg16 : memref<!tpu.dma_semaphore, #tpu.memory_space<semaphore_mem>>) src(%dma_wait3A_131 : memref<64x256xf32, #tpu.memory_space<vmem>>) dst(%dma_wait3A_137 : memref<3072x256xf32, #tpu.memory_space<hbm>>)
    %dma_wait3A_138 = arith.constant 2 : i32
    %dma_wait3A_139 = arith.constant 2 : i32
    %dma_wait3A_140 = arith.constant 0 : i32
    %dma_wait3A_141 = arith.constant 0 : i32
    %dma_wait3A_142 = tpu.memref_slice %arg14[%dma_wait3A_138, %dma_wait3A_140, %dma_wait3A_141] : memref<3x64x256xf32, #tpu.memory_space<vmem>> -> memref<1x64x256xf32, #tpu.memory_space<vmem>>
    %dma_wait3A_143 = tpu.memref_squeeze %dma_wait3A_142 : memref<1x64x256xf32, #tpu.memory_space<vmem>> -> memref<64x256xf32, #tpu.memory_space<vmem>>
    %dma_wait3A_144 = arith.constant 0 : i32
    %dma_wait3A_145 = tpu.memref_slice %arg12[%dma_wait3A_139, %dma_wait3A_144] : memref<3x64xi32, #tpu.memory_space<vmem>> -> memref<1x64xi32, #tpu.memory_space<vmem>>
    %dma_wait3A_146 = tpu.memref_squeeze %dma_wait3A_145 : memref<1x64xi32, #tpu.memory_space<vmem>> -> memref<64xi32, #tpu.memory_space<vmem>>
    %dma_wait3A_147 = arith.constant 0 : i32
    %dma_wait3A_148 = arith.constant 0 : i32
    %dma_wait3A_149 = tpu.memref_slice %arg11[%dma_wait3A_147, %dma_wait3A_148] : memref<3072x256xf32, #tpu.memory_space<hbm>> -> memref<3072x256xf32, #tpu.memory_space<hbm>>
    tpu.wait_indirect_dma semaphore(%arg17 : memref<!tpu.dma_semaphore, #tpu.memory_space<semaphore_mem>>) src(%dma_wait3A_143 : memref<64x256xf32, #tpu.memory_space<vmem>>) dst(%dma_wait3A_149 : memref<3072x256xf32, #tpu.memory_space<hbm>>)
    return
  }
}

#map = affine_map<(d0, d1) -> (0, 0)>
#map1 = affine_map<(d0, d1) -> (0)>
module attributes {stable_mosaic.version = 14 : i64} {
  func.func @k(%arg0: i32, %arg1: i32, %arg2: memref<2048x1024xf32, #tpu.memory_space<hbm>>, %arg3: memref<16384x256xf32, #tpu.memory_space<hbm>>, %arg4: memref<2048xi32, #tpu.memory_space<hbm>>, %arg5: memref<2048xi32, #tpu.memory_space<hbm>>, %arg6: memref<3200x1024xf32, #tpu.memory_space<hbm>>, %arg7: memref<3072x256xf32, #tpu.memory_space<hbm>>, %arg8: memref<64xi32, #tpu.memory_space<vmem>>, %arg9: memref<64xi32, #tpu.memory_space<vmem>>, %arg10: memref<64x1024xf32, #tpu.memory_space<vmem>>, %arg11: memref<64x256xf32, #tpu.memory_space<vmem>>, %arg12: memref<!tpu.dma_semaphore, #tpu.memory_space<semaphore_mem>>, %arg13: memref<!tpu.dma_semaphore, #tpu.memory_space<semaphore_mem>>) attributes {dimension_semantics = [#tpu.dimension_semantics<core_parallel>, #tpu.dimension_semantics<subcore_parallel>], iteration_bounds = array<i64: 2, 16>, scalar_prefetch = 0 : i64, scratch_operands = 6 : i64, tpu.core_type = #tpu.core_type<sc_vector_subcore>, window_params = [{transform_indices = #map}, {transform_indices = #map}, {transform_indices = #map1}, {transform_indices = #map1}, {transform_indices = #map}, {transform_indices = #map}]} {
    %mul3A = arith.constant 2 : i32
    %mul3A_0 = arith.muli %arg1, %mul3A : i32
    %add3A = arith.addi %mul3A_0, %arg0 : i32
    %mul3A_1 = arith.constant 64 : i32
    %mul3A_2 = arith.muli %add3A, %mul3A_1 : i32
    "tpu.region"() ({
      %run_scoped3A = tpu.sem_alloc : memref<!tpu.dma_semaphore, #tpu.memory_space<semaphore_mem>>
      %dma_start3A_19 = tpu.memref_slice %arg4[%mul3A_2] : memref<2048xi32, #tpu.memory_space<hbm>> -> memref<64xi32, #tpu.memory_space<hbm>>
      %dma_start3A_20 = tpu.memref_slice %arg4[%mul3A_2] : memref<2048xi32, #tpu.memory_space<hbm>> -> memref<64xi32, #tpu.memory_space<hbm>>
      tpu.enqueue_dma source(%dma_start3A_20 : memref<64xi32, #tpu.memory_space<hbm>>) target(%arg8 : memref<64xi32, #tpu.memory_space<vmem>>) target_semaphore(%run_scoped3A : memref<!tpu.dma_semaphore, #tpu.memory_space<semaphore_mem>>)
      %dma_wait3A_21 = tpu.memref_slice %arg4[%mul3A_2] : memref<2048xi32, #tpu.memory_space<hbm>> -> memref<64xi32, #tpu.memory_space<hbm>>
      %dma_wait3A_22 = tpu.memref_slice %arg4[%mul3A_2] : memref<2048xi32, #tpu.memory_space<hbm>> -> memref<64xi32, #tpu.memory_space<hbm>>
      tpu.wait_dma2 semaphore(%run_scoped3A : memref<!tpu.dma_semaphore, #tpu.memory_space<semaphore_mem>>) src(%dma_wait3A_22 : memref<64xi32, #tpu.memory_space<hbm>>) dst(%arg8 : memref<64xi32, #tpu.memory_space<vmem>>)
      tpu.yield
    }) : () -> ()
    "tpu.region"() ({
      %run_scoped3A = tpu.sem_alloc : memref<!tpu.dma_semaphore, #tpu.memory_space<semaphore_mem>>
      %dma_start3A_19 = tpu.memref_slice %arg5[%mul3A_2] : memref<2048xi32, #tpu.memory_space<hbm>> -> memref<64xi32, #tpu.memory_space<hbm>>
      %dma_start3A_20 = tpu.memref_slice %arg5[%mul3A_2] : memref<2048xi32, #tpu.memory_space<hbm>> -> memref<64xi32, #tpu.memory_space<hbm>>
      tpu.enqueue_dma source(%dma_start3A_20 : memref<64xi32, #tpu.memory_space<hbm>>) target(%arg9 : memref<64xi32, #tpu.memory_space<vmem>>) target_semaphore(%run_scoped3A : memref<!tpu.dma_semaphore, #tpu.memory_space<semaphore_mem>>)
      %dma_wait3A_21 = tpu.memref_slice %arg5[%mul3A_2] : memref<2048xi32, #tpu.memory_space<hbm>> -> memref<64xi32, #tpu.memory_space<hbm>>
      %dma_wait3A_22 = tpu.memref_slice %arg5[%mul3A_2] : memref<2048xi32, #tpu.memory_space<hbm>> -> memref<64xi32, #tpu.memory_space<hbm>>
      tpu.wait_dma2 semaphore(%run_scoped3A : memref<!tpu.dma_semaphore, #tpu.memory_space<semaphore_mem>>) src(%dma_wait3A_22 : memref<64xi32, #tpu.memory_space<hbm>>) dst(%arg9 : memref<64xi32, #tpu.memory_space<vmem>>)
      tpu.yield
    }) : () -> ()
    %dma_start3A = arith.constant 0 : i32
    %dma_start3A_3 = arith.constant 0 : i32
    %dma_start3A_4 = tpu.memref_slice %arg3[%dma_start3A, %dma_start3A_3] : memref<16384x256xf32, #tpu.memory_space<hbm>> -> memref<16384x256xf32, #tpu.memory_space<hbm>>
    tpu.enqueue_indirect_dma source(%dma_start3A_4 : memref<16384x256xf32, #tpu.memory_space<hbm>>) target(%arg11 : memref<64x256xf32, #tpu.memory_space<vmem>>) offsets(%arg9 : memref<64xi32, #tpu.memory_space<vmem>>) semaphore(%arg12 : memref<!tpu.dma_semaphore, #tpu.memory_space<semaphore_mem>>)
    "tpu.region"() ({
      %run_scoped3A = tpu.sem_alloc : memref<!tpu.dma_semaphore, #tpu.memory_space<semaphore_mem>>
      %dma_start3A_19 = arith.constant 0 : i32
      %dma_start3A_20 = tpu.memref_slice %arg2[%mul3A_2, %dma_start3A_19] : memref<2048x1024xf32, #tpu.memory_space<hbm>> -> memref<64x1024xf32, #tpu.memory_space<hbm>>
      %dma_start3A_21 = arith.constant 0 : i32
      %dma_start3A_22 = tpu.memref_slice %arg2[%mul3A_2, %dma_start3A_21] : memref<2048x1024xf32, #tpu.memory_space<hbm>> -> memref<64x1024xf32, #tpu.memory_space<hbm>>
      tpu.enqueue_dma source(%dma_start3A_22 : memref<64x1024xf32, #tpu.memory_space<hbm>>) target(%arg10 : memref<64x1024xf32, #tpu.memory_space<vmem>>) target_semaphore(%run_scoped3A : memref<!tpu.dma_semaphore, #tpu.memory_space<semaphore_mem>>)
      %dma_wait3A_23 = arith.constant 0 : i32
      %dma_wait3A_24 = tpu.memref_slice %arg2[%mul3A_2, %dma_wait3A_23] : memref<2048x1024xf32, #tpu.memory_space<hbm>> -> memref<64x1024xf32, #tpu.memory_space<hbm>>
      %dma_wait3A_25 = arith.constant 0 : i32
      %dma_wait3A_26 = tpu.memref_slice %arg2[%mul3A_2, %dma_wait3A_25] : memref<2048x1024xf32, #tpu.memory_space<hbm>> -> memref<64x1024xf32, #tpu.memory_space<hbm>>
      tpu.wait_dma2 semaphore(%run_scoped3A : memref<!tpu.dma_semaphore, #tpu.memory_space<semaphore_mem>>) src(%dma_wait3A_26 : memref<64x1024xf32, #tpu.memory_space<hbm>>) dst(%arg10 : memref<64x1024xf32, #tpu.memory_space<vmem>>)
      tpu.yield
    }) : () -> ()
    %dma_start3A_5 = arith.constant 0 : i32
    %dma_start3A_6 = arith.constant 0 : i32
    %dma_start3A_7 = tpu.memref_slice %arg6[%dma_start3A_5, %dma_start3A_6] : memref<3200x1024xf32, #tpu.memory_space<hbm>> -> memref<3200x1024xf32, #tpu.memory_space<hbm>>
    tpu.enqueue_indirect_dma source(%arg10 : memref<64x1024xf32, #tpu.memory_space<vmem>>) target(%dma_start3A_7 : memref<3200x1024xf32, #tpu.memory_space<hbm>>) offsets(%arg8 : memref<64xi32, #tpu.memory_space<vmem>>) semaphore(%arg13 : memref<!tpu.dma_semaphore, #tpu.memory_space<semaphore_mem>>)
    %dma_wait3A = arith.constant 0 : i32
    %dma_wait3A_8 = arith.constant 0 : i32
    %dma_wait3A_9 = tpu.memref_slice %arg3[%dma_wait3A, %dma_wait3A_8] : memref<16384x256xf32, #tpu.memory_space<hbm>> -> memref<16384x256xf32, #tpu.memory_space<hbm>>
    tpu.wait_indirect_dma semaphore(%arg12 : memref<!tpu.dma_semaphore, #tpu.memory_space<semaphore_mem>>) src(%dma_wait3A_9 : memref<16384x256xf32, #tpu.memory_space<hbm>>) dst(%arg11 : memref<64x256xf32, #tpu.memory_space<vmem>>)
    %dma_start3A_10 = arith.constant 0 : i32
    %dma_start3A_11 = arith.constant 0 : i32
    %dma_start3A_12 = tpu.memref_slice %arg7[%dma_start3A_10, %dma_start3A_11] : memref<3072x256xf32, #tpu.memory_space<hbm>> -> memref<3072x256xf32, #tpu.memory_space<hbm>>
    tpu.enqueue_indirect_dma source(%arg11 : memref<64x256xf32, #tpu.memory_space<vmem>>) target(%dma_start3A_12 : memref<3072x256xf32, #tpu.memory_space<hbm>>) offsets(%arg8 : memref<64xi32, #tpu.memory_space<vmem>>) semaphore(%arg12 : memref<!tpu.dma_semaphore, #tpu.memory_space<semaphore_mem>>)
    %dma_wait3A_13 = arith.constant 0 : i32
    %dma_wait3A_14 = arith.constant 0 : i32
    %dma_wait3A_15 = tpu.memref_slice %arg6[%dma_wait3A_13, %dma_wait3A_14] : memref<3200x1024xf32, #tpu.memory_space<hbm>> -> memref<3200x1024xf32, #tpu.memory_space<hbm>>
    tpu.wait_indirect_dma semaphore(%arg13 : memref<!tpu.dma_semaphore, #tpu.memory_space<semaphore_mem>>) src(%arg10 : memref<64x1024xf32, #tpu.memory_space<vmem>>) dst(%dma_wait3A_15 : memref<3200x1024xf32, #tpu.memory_space<hbm>>)
    %dma_wait3A_16 = arith.constant 0 : i32
    %dma_wait3A_17 = arith.constant 0 : i32
    %dma_wait3A_18 = tpu.memref_slice %arg7[%dma_wait3A_16, %dma_wait3A_17] : memref<3072x256xf32, #tpu.memory_space<hbm>> -> memref<3072x256xf32, #tpu.memory_space<hbm>>
    tpu.wait_indirect_dma semaphore(%arg12 : memref<!tpu.dma_semaphore, #tpu.memory_space<semaphore_mem>>) src(%arg11 : memref<64x256xf32, #tpu.memory_space<vmem>>) dst(%dma_wait3A_18 : memref<3072x256xf32, #tpu.memory_space<hbm>>)
    return
  }
}

#map = affine_map<(d0, d1) -> (0, 0)>
#map1 = affine_map<(d0, d1) -> (0)>
module attributes {stable_mosaic.version = 14 : i64} {
  func.func @k(%arg0: i32, %arg1: i32, %arg2: memref<3200x1024xf32, #tpu.memory_space<hbm>>, %arg3: memref<2048xi32, #tpu.memory_space<hbm>>, %arg4: memref<2048xi32, #tpu.memory_space<hbm>>, %arg5: memref<3200x1024xf32, #tpu.memory_space<hbm>>, %arg6: memref<2x32xi32, #tpu.memory_space<vmem>>, %arg7: memref<2x32xi32, #tpu.memory_space<vmem>>, %arg8: memref<2x32x1024xf32, #tpu.memory_space<vmem>>, %arg9: memref<!tpu.dma_semaphore, #tpu.memory_space<semaphore_mem>>, %arg10: memref<!tpu.dma_semaphore, #tpu.memory_space<semaphore_mem>>) attributes {dimension_semantics = [#tpu.dimension_semantics<core_parallel>, #tpu.dimension_semantics<subcore_parallel>], iteration_bounds = array<i64: 2, 16>, scalar_prefetch = 0 : i64, scratch_operands = 5 : i64, tpu.core_type = #tpu.core_type<sc_vector_subcore>, window_params = [{transform_indices = #map}, {transform_indices = #map1}, {transform_indices = #map1}, {transform_indices = #map}]} {
    %mul3A = arith.constant 2 : i32
    %mul3A_0 = arith.muli %arg1, %mul3A : i32
    %add3A = arith.addi %mul3A_0, %arg0 : i32
    %mul3A_1 = arith.constant 64 : i32
    %mul3A_2 = arith.muli %add3A, %mul3A_1 : i32
    %add3A_3 = arith.constant 0 : i32
    %add3A_4 = arith.addi %mul3A_2, %add3A_3 : i32
    %run_scoped3A = arith.constant 0 : i32
    "tpu.region"() ({
      %run_scoped3A_108 = tpu.sem_alloc : memref<!tpu.dma_semaphore, #tpu.memory_space<semaphore_mem>>
      %dma_start3A_109 = arith.constant 0 : i32
      %dma_start3A_110 = tpu.memref_slice %arg6[%run_scoped3A, %dma_start3A_109] : memref<2x32xi32, #tpu.memory_space<vmem>> -> memref<1x32xi32, #tpu.memory_space<vmem>>
      %dma_start3A_111 = tpu.memref_squeeze %dma_start3A_110 : memref<1x32xi32, #tpu.memory_space<vmem>> -> memref<32xi32, #tpu.memory_space<vmem>>
      %dma_start3A_112 = tpu.memref_slice %arg3[%add3A_4] : memref<2048xi32, #tpu.memory_space<hbm>> -> memref<32xi32, #tpu.memory_space<hbm>>
      %dma_start3A_113 = arith.constant 0 : i32
      %dma_start3A_114 = tpu.memref_slice %arg6[%run_scoped3A, %dma_start3A_113] : memref<2x32xi32, #tpu.memory_space<vmem>> -> memref<1x32xi32, #tpu.memory_space<vmem>>
      %dma_start3A_115 = tpu.memref_squeeze %dma_start3A_114 : memref<1x32xi32, #tpu.memory_space<vmem>> -> memref<32xi32, #tpu.memory_space<vmem>>
      %dma_start3A_116 = tpu.memref_slice %arg3[%add3A_4] : memref<2048xi32, #tpu.memory_space<hbm>> -> memref<32xi32, #tpu.memory_space<hbm>>
      tpu.enqueue_dma source(%dma_start3A_116 : memref<32xi32, #tpu.memory_space<hbm>>) target(%dma_start3A_115 : memref<32xi32, #tpu.memory_space<vmem>>) target_semaphore(%run_scoped3A_108 : memref<!tpu.dma_semaphore, #tpu.memory_space<semaphore_mem>>)
      %dma_wait3A_117 = arith.constant 0 : i32
      %dma_wait3A_118 = tpu.memref_slice %arg6[%run_scoped3A, %dma_wait3A_117] : memref<2x32xi32, #tpu.memory_space<vmem>> -> memref<1x32xi32, #tpu.memory_space<vmem>>
      %dma_wait3A_119 = tpu.memref_squeeze %dma_wait3A_118 : memref<1x32xi32, #tpu.memory_space<vmem>> -> memref<32xi32, #tpu.memory_space<vmem>>
      %dma_wait3A_120 = tpu.memref_slice %arg3[%add3A_4] : memref<2048xi32, #tpu.memory_space<hbm>> -> memref<32xi32, #tpu.memory_space<hbm>>
      %dma_wait3A_121 = arith.constant 0 : i32
      %dma_wait3A_122 = tpu.memref_slice %arg6[%run_scoped3A, %dma_wait3A_121] : memref<2x32xi32, #tpu.memory_space<vmem>> -> memref<1x32xi32, #tpu.memory_space<vmem>>
      %dma_wait3A_123 = tpu.memref_squeeze %dma_wait3A_122 : memref<1x32xi32, #tpu.memory_space<vmem>> -> memref<32xi32, #tpu.memory_space<vmem>>
      %dma_wait3A_124 = tpu.memref_slice %arg3[%add3A_4] : memref<2048xi32, #tpu.memory_space<hbm>> -> memref<32xi32, #tpu.memory_space<hbm>>
      tpu.wait_dma2 semaphore(%run_scoped3A_108 : memref<!tpu.dma_semaphore, #tpu.memory_space<semaphore_mem>>) src(%dma_wait3A_124 : memref<32xi32, #tpu.memory_space<hbm>>) dst(%dma_wait3A_123 : memref<32xi32, #tpu.memory_space<vmem>>)
      tpu.yield
    }) : () -> ()
    %dma_start3A = arith.constant 0 : i32
    %dma_start3A_5 = arith.constant 0 : i32
    %dma_start3A_6 = arith.constant 0 : i32
    %dma_start3A_7 = arith.constant 0 : i32
    %dma_start3A_8 = tpu.memref_slice %arg8[%dma_start3A_5, %dma_start3A_6, %dma_start3A_7] : memref<2x32x1024xf32, #tpu.memory_space<vmem>> -> memref<1x32x1024xf32, #tpu.memory_space<vmem>>
    %dma_start3A_9 = tpu.memref_squeeze %dma_start3A_8 : memref<1x32x1024xf32, #tpu.memory_space<vmem>> -> memref<32x1024xf32, #tpu.memory_space<vmem>>
    %dma_start3A_10 = arith.constant 0 : i32
    %dma_start3A_11 = tpu.memref_slice %arg6[%dma_start3A, %dma_start3A_10] : memref<2x32xi32, #tpu.memory_space<vmem>> -> memref<1x32xi32, #tpu.memory_space<vmem>>
    %dma_start3A_12 = tpu.memref_squeeze %dma_start3A_11 : memref<1x32xi32, #tpu.memory_space<vmem>> -> memref<32xi32, #tpu.memory_space<vmem>>
    %dma_start3A_13 = arith.constant 0 : i32
    %dma_start3A_14 = arith.constant 0 : i32
    %dma_start3A_15 = tpu.memref_slice %arg2[%dma_start3A_13, %dma_start3A_14] : memref<3200x1024xf32, #tpu.memory_space<hbm>> -> memref<3200x1024xf32, #tpu.memory_space<hbm>>
    tpu.enqueue_indirect_dma source(%dma_start3A_15 : memref<3200x1024xf32, #tpu.memory_space<hbm>>) target(%dma_start3A_9 : memref<32x1024xf32, #tpu.memory_space<vmem>>) offsets(%dma_start3A_12 : memref<32xi32, #tpu.memory_space<vmem>>) semaphore(%arg9 : memref<!tpu.dma_semaphore, #tpu.memory_space<semaphore_mem>>)
    %add3A_16 = arith.constant 32 : i32
    %add3A_17 = arith.addi %mul3A_2, %add3A_16 : i32
    %run_scoped3A_18 = arith.constant 1 : i32
    "tpu.region"() ({
      %run_scoped3A_108 = tpu.sem_alloc : memref<!tpu.dma_semaphore, #tpu.memory_space<semaphore_mem>>
      %dma_start3A_109 = arith.constant 0 : i32
      %dma_start3A_110 = tpu.memref_slice %arg6[%run_scoped3A_18, %dma_start3A_109] : memref<2x32xi32, #tpu.memory_space<vmem>> -> memref<1x32xi32, #tpu.memory_space<vmem>>
      %dma_start3A_111 = tpu.memref_squeeze %dma_start3A_110 : memref<1x32xi32, #tpu.memory_space<vmem>> -> memref<32xi32, #tpu.memory_space<vmem>>
      %dma_start3A_112 = tpu.memref_slice %arg3[%add3A_17] : memref<2048xi32, #tpu.memory_space<hbm>> -> memref<32xi32, #tpu.memory_space<hbm>>
      %dma_start3A_113 = arith.constant 0 : i32
      %dma_start3A_114 = tpu.memref_slice %arg6[%run_scoped3A_18, %dma_start3A_113] : memref<2x32xi32, #tpu.memory_space<vmem>> -> memref<1x32xi32, #tpu.memory_space<vmem>>
      %dma_start3A_115 = tpu.memref_squeeze %dma_start3A_114 : memref<1x32xi32, #tpu.memory_space<vmem>> -> memref<32xi32, #tpu.memory_space<vmem>>
      %dma_start3A_116 = tpu.memref_slice %arg3[%add3A_17] : memref<2048xi32, #tpu.memory_space<hbm>> -> memref<32xi32, #tpu.memory_space<hbm>>
      tpu.enqueue_dma source(%dma_start3A_116 : memref<32xi32, #tpu.memory_space<hbm>>) target(%dma_start3A_115 : memref<32xi32, #tpu.memory_space<vmem>>) target_semaphore(%run_scoped3A_108 : memref<!tpu.dma_semaphore, #tpu.memory_space<semaphore_mem>>)
      %dma_wait3A_117 = arith.constant 0 : i32
      %dma_wait3A_118 = tpu.memref_slice %arg6[%run_scoped3A_18, %dma_wait3A_117] : memref<2x32xi32, #tpu.memory_space<vmem>> -> memref<1x32xi32, #tpu.memory_space<vmem>>
      %dma_wait3A_119 = tpu.memref_squeeze %dma_wait3A_118 : memref<1x32xi32, #tpu.memory_space<vmem>> -> memref<32xi32, #tpu.memory_space<vmem>>
      %dma_wait3A_120 = tpu.memref_slice %arg3[%add3A_17] : memref<2048xi32, #tpu.memory_space<hbm>> -> memref<32xi32, #tpu.memory_space<hbm>>
      %dma_wait3A_121 = arith.constant 0 : i32
      %dma_wait3A_122 = tpu.memref_slice %arg6[%run_scoped3A_18, %dma_wait3A_121] : memref<2x32xi32, #tpu.memory_space<vmem>> -> memref<1x32xi32, #tpu.memory_space<vmem>>
      %dma_wait3A_123 = tpu.memref_squeeze %dma_wait3A_122 : memref<1x32xi32, #tpu.memory_space<vmem>> -> memref<32xi32, #tpu.memory_space<vmem>>
      %dma_wait3A_124 = tpu.memref_slice %arg3[%add3A_17] : memref<2048xi32, #tpu.memory_space<hbm>> -> memref<32xi32, #tpu.memory_space<hbm>>
      tpu.wait_dma2 semaphore(%run_scoped3A_108 : memref<!tpu.dma_semaphore, #tpu.memory_space<semaphore_mem>>) src(%dma_wait3A_124 : memref<32xi32, #tpu.memory_space<hbm>>) dst(%dma_wait3A_123 : memref<32xi32, #tpu.memory_space<vmem>>)
      tpu.yield
    }) : () -> ()
    %dma_start3A_19 = arith.constant 1 : i32
    %dma_start3A_20 = arith.constant 1 : i32
    %dma_start3A_21 = arith.constant 0 : i32
    %dma_start3A_22 = arith.constant 0 : i32
    %dma_start3A_23 = tpu.memref_slice %arg8[%dma_start3A_20, %dma_start3A_21, %dma_start3A_22] : memref<2x32x1024xf32, #tpu.memory_space<vmem>> -> memref<1x32x1024xf32, #tpu.memory_space<vmem>>
    %dma_start3A_24 = tpu.memref_squeeze %dma_start3A_23 : memref<1x32x1024xf32, #tpu.memory_space<vmem>> -> memref<32x1024xf32, #tpu.memory_space<vmem>>
    %dma_start3A_25 = arith.constant 0 : i32
    %dma_start3A_26 = tpu.memref_slice %arg6[%dma_start3A_19, %dma_start3A_25] : memref<2x32xi32, #tpu.memory_space<vmem>> -> memref<1x32xi32, #tpu.memory_space<vmem>>
    %dma_start3A_27 = tpu.memref_squeeze %dma_start3A_26 : memref<1x32xi32, #tpu.memory_space<vmem>> -> memref<32xi32, #tpu.memory_space<vmem>>
    %dma_start3A_28 = arith.constant 0 : i32
    %dma_start3A_29 = arith.constant 0 : i32
    %dma_start3A_30 = tpu.memref_slice %arg2[%dma_start3A_28, %dma_start3A_29] : memref<3200x1024xf32, #tpu.memory_space<hbm>> -> memref<3200x1024xf32, #tpu.memory_space<hbm>>
    tpu.enqueue_indirect_dma source(%dma_start3A_30 : memref<3200x1024xf32, #tpu.memory_space<hbm>>) target(%dma_start3A_24 : memref<32x1024xf32, #tpu.memory_space<vmem>>) offsets(%dma_start3A_27 : memref<32xi32, #tpu.memory_space<vmem>>) semaphore(%arg10 : memref<!tpu.dma_semaphore, #tpu.memory_space<semaphore_mem>>)
    %add3A_31 = arith.constant 0 : i32
    %add3A_32 = arith.addi %mul3A_2, %add3A_31 : i32
    %run_scoped3A_33 = arith.constant 0 : i32
    "tpu.region"() ({
      %run_scoped3A_108 = tpu.sem_alloc : memref<!tpu.dma_semaphore, #tpu.memory_space<semaphore_mem>>
      %dma_start3A_109 = arith.constant 0 : i32
      %dma_start3A_110 = tpu.memref_slice %arg7[%run_scoped3A_33, %dma_start3A_109] : memref<2x32xi32, #tpu.memory_space<vmem>> -> memref<1x32xi32, #tpu.memory_space<vmem>>
      %dma_start3A_111 = tpu.memref_squeeze %dma_start3A_110 : memref<1x32xi32, #tpu.memory_space<vmem>> -> memref<32xi32, #tpu.memory_space<vmem>>
      %dma_start3A_112 = tpu.memref_slice %arg4[%add3A_32] : memref<2048xi32, #tpu.memory_space<hbm>> -> memref<32xi32, #tpu.memory_space<hbm>>
      %dma_start3A_113 = arith.constant 0 : i32
      %dma_start3A_114 = tpu.memref_slice %arg7[%run_scoped3A_33, %dma_start3A_113] : memref<2x32xi32, #tpu.memory_space<vmem>> -> memref<1x32xi32, #tpu.memory_space<vmem>>
      %dma_start3A_115 = tpu.memref_squeeze %dma_start3A_114 : memref<1x32xi32, #tpu.memory_space<vmem>> -> memref<32xi32, #tpu.memory_space<vmem>>
      %dma_start3A_116 = tpu.memref_slice %arg4[%add3A_32] : memref<2048xi32, #tpu.memory_space<hbm>> -> memref<32xi32, #tpu.memory_space<hbm>>
      tpu.enqueue_dma source(%dma_start3A_116 : memref<32xi32, #tpu.memory_space<hbm>>) target(%dma_start3A_115 : memref<32xi32, #tpu.memory_space<vmem>>) target_semaphore(%run_scoped3A_108 : memref<!tpu.dma_semaphore, #tpu.memory_space<semaphore_mem>>)
      %dma_wait3A_117 = arith.constant 0 : i32
      %dma_wait3A_118 = tpu.memref_slice %arg7[%run_scoped3A_33, %dma_wait3A_117] : memref<2x32xi32, #tpu.memory_space<vmem>> -> memref<1x32xi32, #tpu.memory_space<vmem>>
      %dma_wait3A_119 = tpu.memref_squeeze %dma_wait3A_118 : memref<1x32xi32, #tpu.memory_space<vmem>> -> memref<32xi32, #tpu.memory_space<vmem>>
      %dma_wait3A_120 = tpu.memref_slice %arg4[%add3A_32] : memref<2048xi32, #tpu.memory_space<hbm>> -> memref<32xi32, #tpu.memory_space<hbm>>
      %dma_wait3A_121 = arith.constant 0 : i32
      %dma_wait3A_122 = tpu.memref_slice %arg7[%run_scoped3A_33, %dma_wait3A_121] : memref<2x32xi32, #tpu.memory_space<vmem>> -> memref<1x32xi32, #tpu.memory_space<vmem>>
      %dma_wait3A_123 = tpu.memref_squeeze %dma_wait3A_122 : memref<1x32xi32, #tpu.memory_space<vmem>> -> memref<32xi32, #tpu.memory_space<vmem>>
      %dma_wait3A_124 = tpu.memref_slice %arg4[%add3A_32] : memref<2048xi32, #tpu.memory_space<hbm>> -> memref<32xi32, #tpu.memory_space<hbm>>
      tpu.wait_dma2 semaphore(%run_scoped3A_108 : memref<!tpu.dma_semaphore, #tpu.memory_space<semaphore_mem>>) src(%dma_wait3A_124 : memref<32xi32, #tpu.memory_space<hbm>>) dst(%dma_wait3A_123 : memref<32xi32, #tpu.memory_space<vmem>>)
      tpu.yield
    }) : () -> ()
    %dma_wait3A = arith.constant 0 : i32
    %dma_wait3A_34 = arith.constant 0 : i32
    %dma_wait3A_35 = arith.constant 0 : i32
    %dma_wait3A_36 = arith.constant 0 : i32
    %dma_wait3A_37 = tpu.memref_slice %arg8[%dma_wait3A_34, %dma_wait3A_35, %dma_wait3A_36] : memref<2x32x1024xf32, #tpu.memory_space<vmem>> -> memref<1x32x1024xf32, #tpu.memory_space<vmem>>
    %dma_wait3A_38 = tpu.memref_squeeze %dma_wait3A_37 : memref<1x32x1024xf32, #tpu.memory_space<vmem>> -> memref<32x1024xf32, #tpu.memory_space<vmem>>
    %dma_wait3A_39 = arith.constant 0 : i32
    %dma_wait3A_40 = tpu.memref_slice %arg6[%dma_wait3A, %dma_wait3A_39] : memref<2x32xi32, #tpu.memory_space<vmem>> -> memref<1x32xi32, #tpu.memory_space<vmem>>
    %dma_wait3A_41 = tpu.memref_squeeze %dma_wait3A_40 : memref<1x32xi32, #tpu.memory_space<vmem>> -> memref<32xi32, #tpu.memory_space<vmem>>
    %dma_wait3A_42 = arith.constant 0 : i32
    %dma_wait3A_43 = arith.constant 0 : i32
    %dma_wait3A_44 = tpu.memref_slice %arg2[%dma_wait3A_42, %dma_wait3A_43] : memref<3200x1024xf32, #tpu.memory_space<hbm>> -> memref<3200x1024xf32, #tpu.memory_space<hbm>>
    tpu.wait_indirect_dma semaphore(%arg9 : memref<!tpu.dma_semaphore, #tpu.memory_space<semaphore_mem>>) src(%dma_wait3A_44 : memref<3200x1024xf32, #tpu.memory_space<hbm>>) dst(%dma_wait3A_38 : memref<32x1024xf32, #tpu.memory_space<vmem>>)
    %dma_start3A_45 = arith.constant 0 : i32
    %dma_start3A_46 = arith.constant 0 : i32
    %dma_start3A_47 = arith.constant 0 : i32
    %dma_start3A_48 = arith.constant 0 : i32
    %dma_start3A_49 = tpu.memref_slice %arg8[%dma_start3A_45, %dma_start3A_47, %dma_start3A_48] : memref<2x32x1024xf32, #tpu.memory_space<vmem>> -> memref<1x32x1024xf32, #tpu.memory_space<vmem>>
    %dma_start3A_50 = tpu.memref_squeeze %dma_start3A_49 : memref<1x32x1024xf32, #tpu.memory_space<vmem>> -> memref<32x1024xf32, #tpu.memory_space<vmem>>
    %dma_start3A_51 = arith.constant 0 : i32
    %dma_start3A_52 = tpu.memref_slice %arg7[%dma_start3A_46, %dma_start3A_51] : memref<2x32xi32, #tpu.memory_space<vmem>> -> memref<1x32xi32, #tpu.memory_space<vmem>>
    %dma_start3A_53 = tpu.memref_squeeze %dma_start3A_52 : memref<1x32xi32, #tpu.memory_space<vmem>> -> memref<32xi32, #tpu.memory_space<vmem>>
    %dma_start3A_54 = arith.constant 0 : i32
    %dma_start3A_55 = arith.constant 0 : i32
    %dma_start3A_56 = tpu.memref_slice %arg5[%dma_start3A_54, %dma_start3A_55] : memref<3200x1024xf32, #tpu.memory_space<hbm>> -> memref<3200x1024xf32, #tpu.memory_space<hbm>>
    tpu.enqueue_indirect_dma source(%dma_start3A_50 : memref<32x1024xf32, #tpu.memory_space<vmem>>) target(%dma_start3A_56 : memref<3200x1024xf32, #tpu.memory_space<hbm>>) offsets(%dma_start3A_53 : memref<32xi32, #tpu.memory_space<vmem>>) semaphore(%arg9 : memref<!tpu.dma_semaphore, #tpu.memory_space<semaphore_mem>>)
    %add3A_57 = arith.constant 32 : i32
    %add3A_58 = arith.addi %mul3A_2, %add3A_57 : i32
    %run_scoped3A_59 = arith.constant 1 : i32
    "tpu.region"() ({
      %run_scoped3A_108 = tpu.sem_alloc : memref<!tpu.dma_semaphore, #tpu.memory_space<semaphore_mem>>
      %dma_start3A_109 = arith.constant 0 : i32
      %dma_start3A_110 = tpu.memref_slice %arg7[%run_scoped3A_59, %dma_start3A_109] : memref<2x32xi32, #tpu.memory_space<vmem>> -> memref<1x32xi32, #tpu.memory_space<vmem>>
      %dma_start3A_111 = tpu.memref_squeeze %dma_start3A_110 : memref<1x32xi32, #tpu.memory_space<vmem>> -> memref<32xi32, #tpu.memory_space<vmem>>
      %dma_start3A_112 = tpu.memref_slice %arg4[%add3A_58] : memref<2048xi32, #tpu.memory_space<hbm>> -> memref<32xi32, #tpu.memory_space<hbm>>
      %dma_start3A_113 = arith.constant 0 : i32
      %dma_start3A_114 = tpu.memref_slice %arg7[%run_scoped3A_59, %dma_start3A_113] : memref<2x32xi32, #tpu.memory_space<vmem>> -> memref<1x32xi32, #tpu.memory_space<vmem>>
      %dma_start3A_115 = tpu.memref_squeeze %dma_start3A_114 : memref<1x32xi32, #tpu.memory_space<vmem>> -> memref<32xi32, #tpu.memory_space<vmem>>
      %dma_start3A_116 = tpu.memref_slice %arg4[%add3A_58] : memref<2048xi32, #tpu.memory_space<hbm>> -> memref<32xi32, #tpu.memory_space<hbm>>
      tpu.enqueue_dma source(%dma_start3A_116 : memref<32xi32, #tpu.memory_space<hbm>>) target(%dma_start3A_115 : memref<32xi32, #tpu.memory_space<vmem>>) target_semaphore(%run_scoped3A_108 : memref<!tpu.dma_semaphore, #tpu.memory_space<semaphore_mem>>)
      %dma_wait3A_117 = arith.constant 0 : i32
      %dma_wait3A_118 = tpu.memref_slice %arg7[%run_scoped3A_59, %dma_wait3A_117] : memref<2x32xi32, #tpu.memory_space<vmem>> -> memref<1x32xi32, #tpu.memory_space<vmem>>
      %dma_wait3A_119 = tpu.memref_squeeze %dma_wait3A_118 : memref<1x32xi32, #tpu.memory_space<vmem>> -> memref<32xi32, #tpu.memory_space<vmem>>
      %dma_wait3A_120 = tpu.memref_slice %arg4[%add3A_58] : memref<2048xi32, #tpu.memory_space<hbm>> -> memref<32xi32, #tpu.memory_space<hbm>>
      %dma_wait3A_121 = arith.constant 0 : i32
      %dma_wait3A_122 = tpu.memref_slice %arg7[%run_scoped3A_59, %dma_wait3A_121] : memref<2x32xi32, #tpu.memory_space<vmem>> -> memref<1x32xi32, #tpu.memory_space<vmem>>
      %dma_wait3A_123 = tpu.memref_squeeze %dma_wait3A_122 : memref<1x32xi32, #tpu.memory_space<vmem>> -> memref<32xi32, #tpu.memory_space<vmem>>
      %dma_wait3A_124 = tpu.memref_slice %arg4[%add3A_58] : memref<2048xi32, #tpu.memory_space<hbm>> -> memref<32xi32, #tpu.memory_space<hbm>>
      tpu.wait_dma2 semaphore(%run_scoped3A_108 : memref<!tpu.dma_semaphore, #tpu.memory_space<semaphore_mem>>) src(%dma_wait3A_124 : memref<32xi32, #tpu.memory_space<hbm>>) dst(%dma_wait3A_123 : memref<32xi32, #tpu.memory_space<vmem>>)
      tpu.yield
    }) : () -> ()
    %dma_wait3A_60 = arith.constant 1 : i32
    %dma_wait3A_61 = arith.constant 1 : i32
    %dma_wait3A_62 = arith.constant 0 : i32
    %dma_wait3A_63 = arith.constant 0 : i32
    %dma_wait3A_64 = tpu.memref_slice %arg8[%dma_wait3A_61, %dma_wait3A_62, %dma_wait3A_63] : memref<2x32x1024xf32, #tpu.memory_space<vmem>> -> memref<1x32x1024xf32, #tpu.memory_space<vmem>>
    %dma_wait3A_65 = tpu.memref_squeeze %dma_wait3A_64 : memref<1x32x1024xf32, #tpu.memory_space<vmem>> -> memref<32x1024xf32, #tpu.memory_space<vmem>>
    %dma_wait3A_66 = arith.constant 0 : i32
    %dma_wait3A_67 = tpu.memref_slice %arg6[%dma_wait3A_60, %dma_wait3A_66] : memref<2x32xi32, #tpu.memory_space<vmem>> -> memref<1x32xi32, #tpu.memory_space<vmem>>
    %dma_wait3A_68 = tpu.memref_squeeze %dma_wait3A_67 : memref<1x32xi32, #tpu.memory_space<vmem>> -> memref<32xi32, #tpu.memory_space<vmem>>
    %dma_wait3A_69 = arith.constant 0 : i32
    %dma_wait3A_70 = arith.constant 0 : i32
    %dma_wait3A_71 = tpu.memref_slice %arg2[%dma_wait3A_69, %dma_wait3A_70] : memref<3200x1024xf32, #tpu.memory_space<hbm>> -> memref<3200x1024xf32, #tpu.memory_space<hbm>>
    tpu.wait_indirect_dma semaphore(%arg10 : memref<!tpu.dma_semaphore, #tpu.memory_space<semaphore_mem>>) src(%dma_wait3A_71 : memref<3200x1024xf32, #tpu.memory_space<hbm>>) dst(%dma_wait3A_65 : memref<32x1024xf32, #tpu.memory_space<vmem>>)
    %dma_start3A_72 = arith.constant 1 : i32
    %dma_start3A_73 = arith.constant 1 : i32
    %dma_start3A_74 = arith.constant 0 : i32
    %dma_start3A_75 = arith.constant 0 : i32
    %dma_start3A_76 = tpu.memref_slice %arg8[%dma_start3A_72, %dma_start3A_74, %dma_start3A_75] : memref<2x32x1024xf32, #tpu.memory_space<vmem>> -> memref<1x32x1024xf32, #tpu.memory_space<vmem>>
    %dma_start3A_77 = tpu.memref_squeeze %dma_start3A_76 : memref<1x32x1024xf32, #tpu.memory_space<vmem>> -> memref<32x1024xf32, #tpu.memory_space<vmem>>
    %dma_start3A_78 = arith.constant 0 : i32
    %dma_start3A_79 = tpu.memref_slice %arg7[%dma_start3A_73, %dma_start3A_78] : memref<2x32xi32, #tpu.memory_space<vmem>> -> memref<1x32xi32, #tpu.memory_space<vmem>>
    %dma_start3A_80 = tpu.memref_squeeze %dma_start3A_79 : memref<1x32xi32, #tpu.memory_space<vmem>> -> memref<32xi32, #tpu.memory_space<vmem>>
    %dma_start3A_81 = arith.constant 0 : i32
    %dma_start3A_82 = arith.constant 0 : i32
    %dma_start3A_83 = tpu.memref_slice %arg5[%dma_start3A_81, %dma_start3A_82] : memref<3200x1024xf32, #tpu.memory_space<hbm>> -> memref<3200x1024xf32, #tpu.memory_space<hbm>>
    tpu.enqueue_indirect_dma source(%dma_start3A_77 : memref<32x1024xf32, #tpu.memory_space<vmem>>) target(%dma_start3A_83 : memref<3200x1024xf32, #tpu.memory_space<hbm>>) offsets(%dma_start3A_80 : memref<32xi32, #tpu.memory_space<vmem>>) semaphore(%arg10 : memref<!tpu.dma_semaphore, #tpu.memory_space<semaphore_mem>>)
    %dma_wait3A_84 = arith.constant 0 : i32
    %dma_wait3A_85 = arith.constant 0 : i32
    %dma_wait3A_86 = arith.constant 0 : i32
    %dma_wait3A_87 = arith.constant 0 : i32
    %dma_wait3A_88 = tpu.memref_slice %arg8[%dma_wait3A_84, %dma_wait3A_86, %dma_wait3A_87] : memref<2x32x1024xf32, #tpu.memory_space<vmem>> -> memref<1x32x1024xf32, #tpu.memory_space<vmem>>
    %dma_wait3A_89 = tpu.memref_squeeze %dma_wait3A_88 : memref<1x32x1024xf32, #tpu.memory_space<vmem>> -> memref<32x1024xf32, #tpu.memory_space<vmem>>
    %dma_wait3A_90 = arith.constant 0 : i32
    %dma_wait3A_91 = tpu.memref_slice %arg7[%dma_wait3A_85, %dma_wait3A_90] : memref<2x32xi32, #tpu.memory_space<vmem>> -> memref<1x32xi32, #tpu.memory_space<vmem>>
    %dma_wait3A_92 = tpu.memref_squeeze %dma_wait3A_91 : memref<1x32xi32, #tpu.memory_space<vmem>> -> memref<32xi32, #tpu.memory_space<vmem>>
    %dma_wait3A_93 = arith.constant 0 : i32
    %dma_wait3A_94 = arith.constant 0 : i32
    %dma_wait3A_95 = tpu.memref_slice %arg5[%dma_wait3A_93, %dma_wait3A_94] : memref<3200x1024xf32, #tpu.memory_space<hbm>> -> memref<3200x1024xf32, #tpu.memory_space<hbm>>
    tpu.wait_indirect_dma semaphore(%arg9 : memref<!tpu.dma_semaphore, #tpu.memory_space<semaphore_mem>>) src(%dma_wait3A_89 : memref<32x1024xf32, #tpu.memory_space<vmem>>) dst(%dma_wait3A_95 : memref<3200x1024xf32, #tpu.memory_space<hbm>>)
    %dma_wait3A_96 = arith.constant 1 : i32
    %dma_wait3A_97 = arith.constant 1 : i32
    %dma_wait3A_98 = arith.constant 0 : i32
    %dma_wait3A_99 = arith.constant 0 : i32
    %dma_wait3A_100 = tpu.memref_slice %arg8[%dma_wait3A_96, %dma_wait3A_98, %dma_wait3A_99] : memref<2x32x1024xf32, #tpu.memory_space<vmem>> -> memref<1x32x1024xf32, #tpu.memory_space<vmem>>
    %dma_wait3A_101 = tpu.memref_squeeze %dma_wait3A_100 : memref<1x32x1024xf32, #tpu.memory_space<vmem>> -> memref<32x1024xf32, #tpu.memory_space<vmem>>
    %dma_wait3A_102 = arith.constant 0 : i32
    %dma_wait3A_103 = tpu.memref_slice %arg7[%dma_wait3A_97, %dma_wait3A_102] : memref<2x32xi32, #tpu.memory_space<vmem>> -> memref<1x32xi32, #tpu.memory_space<vmem>>
    %dma_wait3A_104 = tpu.memref_squeeze %dma_wait3A_103 : memref<1x32xi32, #tpu.memory_space<vmem>> -> memref<32xi32, #tpu.memory_space<vmem>>
    %dma_wait3A_105 = arith.constant 0 : i32
    %dma_wait3A_106 = arith.constant 0 : i32
    %dma_wait3A_107 = tpu.memref_slice %arg5[%dma_wait3A_105, %dma_wait3A_106] : memref<3200x1024xf32, #tpu.memory_space<hbm>> -> memref<3200x1024xf32, #tpu.memory_space<hbm>>
    tpu.wait_indirect_dma semaphore(%arg10 : memref<!tpu.dma_semaphore, #tpu.memory_space<semaphore_mem>>) src(%dma_wait3A_101 : memref<32x1024xf32, #tpu.memory_space<vmem>>) dst(%dma_wait3A_107 : memref<3200x1024xf32, #tpu.memory_space<hbm>>)
    return
  }
}

#map = affine_map<(d0, d1) -> (0, 0)>
#map1 = affine_map<(d0, d1) -> (0)>
module attributes {stable_mosaic.version = 14 : i64} {
  func.func @k(%arg0: i32, %arg1: i32, %arg2: memref<3200x1024xf32, #tpu.memory_space<hbm>>, %arg3: memref<2048xi32, #tpu.memory_space<hbm>>, %arg4: memref<2048xi32, #tpu.memory_space<hbm>>, %arg5: memref<3200x1024xf32, #tpu.memory_space<hbm>>, %arg6: memref<2x32xi32, #tpu.memory_space<vmem>>, %arg7: memref<2x32xi32, #tpu.memory_space<vmem>>, %arg8: memref<2x32x1024xf32, #tpu.memory_space<vmem>>, %arg9: memref<!tpu.dma_semaphore, #tpu.memory_space<semaphore_mem>>, %arg10: memref<!tpu.dma_semaphore, #tpu.memory_space<semaphore_mem>>) attributes {dimension_semantics = [#tpu.dimension_semantics<core_parallel>, #tpu.dimension_semantics<subcore_parallel>], iteration_bounds = array<i64: 2, 16>, scalar_prefetch = 0 : i64, scratch_operands = 5 : i64, tpu.core_type = #tpu.core_type<sc_vector_subcore>, window_params = [{transform_indices = #map}, {transform_indices = #map1}, {transform_indices = #map1}, {transform_indices = #map}]} {
    %mul3A = arith.constant 2 : i32
    %mul3A_0 = arith.muli %arg1, %mul3A : i32
    %add3A = arith.addi %mul3A_0, %arg0 : i32
    %mul3A_1 = arith.constant 64 : i32
    %mul3A_2 = arith.muli %add3A, %mul3A_1 : i32
    %add3A_3 = arith.constant 0 : i32
    %add3A_4 = arith.addi %mul3A_2, %add3A_3 : i32
    %run_scoped3A = arith.constant 0 : i32
    "tpu.region"() ({
      %run_scoped3A_108 = tpu.sem_alloc : memref<!tpu.dma_semaphore, #tpu.memory_space<semaphore_mem>>
      %dma_start3A_109 = arith.constant 0 : i32
      %dma_start3A_110 = tpu.memref_slice %arg6[%run_scoped3A, %dma_start3A_109] : memref<2x32xi32, #tpu.memory_space<vmem>> -> memref<1x32xi32, #tpu.memory_space<vmem>>
      %dma_start3A_111 = tpu.memref_squeeze %dma_start3A_110 : memref<1x32xi32, #tpu.memory_space<vmem>> -> memref<32xi32, #tpu.memory_space<vmem>>
      %dma_start3A_112 = tpu.memref_slice %arg3[%add3A_4] : memref<2048xi32, #tpu.memory_space<hbm>> -> memref<32xi32, #tpu.memory_space<hbm>>
      %dma_start3A_113 = arith.constant 0 : i32
      %dma_start3A_114 = tpu.memref_slice %arg6[%run_scoped3A, %dma_start3A_113] : memref<2x32xi32, #tpu.memory_space<vmem>> -> memref<1x32xi32, #tpu.memory_space<vmem>>
      %dma_start3A_115 = tpu.memref_squeeze %dma_start3A_114 : memref<1x32xi32, #tpu.memory_space<vmem>> -> memref<32xi32, #tpu.memory_space<vmem>>
      %dma_start3A_116 = tpu.memref_slice %arg3[%add3A_4] : memref<2048xi32, #tpu.memory_space<hbm>> -> memref<32xi32, #tpu.memory_space<hbm>>
      tpu.enqueue_dma source(%dma_start3A_116 : memref<32xi32, #tpu.memory_space<hbm>>) target(%dma_start3A_115 : memref<32xi32, #tpu.memory_space<vmem>>) target_semaphore(%run_scoped3A_108 : memref<!tpu.dma_semaphore, #tpu.memory_space<semaphore_mem>>)
      %dma_wait3A_117 = arith.constant 0 : i32
      %dma_wait3A_118 = tpu.memref_slice %arg6[%run_scoped3A, %dma_wait3A_117] : memref<2x32xi32, #tpu.memory_space<vmem>> -> memref<1x32xi32, #tpu.memory_space<vmem>>
      %dma_wait3A_119 = tpu.memref_squeeze %dma_wait3A_118 : memref<1x32xi32, #tpu.memory_space<vmem>> -> memref<32xi32, #tpu.memory_space<vmem>>
      %dma_wait3A_120 = tpu.memref_slice %arg3[%add3A_4] : memref<2048xi32, #tpu.memory_space<hbm>> -> memref<32xi32, #tpu.memory_space<hbm>>
      %dma_wait3A_121 = arith.constant 0 : i32
      %dma_wait3A_122 = tpu.memref_slice %arg6[%run_scoped3A, %dma_wait3A_121] : memref<2x32xi32, #tpu.memory_space<vmem>> -> memref<1x32xi32, #tpu.memory_space<vmem>>
      %dma_wait3A_123 = tpu.memref_squeeze %dma_wait3A_122 : memref<1x32xi32, #tpu.memory_space<vmem>> -> memref<32xi32, #tpu.memory_space<vmem>>
      %dma_wait3A_124 = tpu.memref_slice %arg3[%add3A_4] : memref<2048xi32, #tpu.memory_space<hbm>> -> memref<32xi32, #tpu.memory_space<hbm>>
      tpu.wait_dma2 semaphore(%run_scoped3A_108 : memref<!tpu.dma_semaphore, #tpu.memory_space<semaphore_mem>>) src(%dma_wait3A_124 : memref<32xi32, #tpu.memory_space<hbm>>) dst(%dma_wait3A_123 : memref<32xi32, #tpu.memory_space<vmem>>)
      tpu.yield
    }) : () -> ()
    %dma_start3A = arith.constant 0 : i32
    %dma_start3A_5 = arith.constant 0 : i32
    %dma_start3A_6 = arith.constant 0 : i32
    %dma_start3A_7 = arith.constant 0 : i32
    %dma_start3A_8 = tpu.memref_slice %arg8[%dma_start3A_5, %dma_start3A_6, %dma_start3A_7] : memref<2x32x1024xf32, #tpu.memory_space<vmem>> -> memref<1x32x1024xf32, #tpu.memory_space<vmem>>
    %dma_start3A_9 = tpu.memref_squeeze %dma_start3A_8 : memref<1x32x1024xf32, #tpu.memory_space<vmem>> -> memref<32x1024xf32, #tpu.memory_space<vmem>>
    %dma_start3A_10 = arith.constant 0 : i32
    %dma_start3A_11 = tpu.memref_slice %arg6[%dma_start3A, %dma_start3A_10] : memref<2x32xi32, #tpu.memory_space<vmem>> -> memref<1x32xi32, #tpu.memory_space<vmem>>
    %dma_start3A_12 = tpu.memref_squeeze %dma_start3A_11 : memref<1x32xi32, #tpu.memory_space<vmem>> -> memref<32xi32, #tpu.memory_space<vmem>>
    %dma_start3A_13 = arith.constant 0 : i32
    %dma_start3A_14 = arith.constant 0 : i32
    %dma_start3A_15 = tpu.memref_slice %arg2[%dma_start3A_13, %dma_start3A_14] : memref<3200x1024xf32, #tpu.memory_space<hbm>> -> memref<3200x1024xf32, #tpu.memory_space<hbm>>
    tpu.enqueue_indirect_dma source(%dma_start3A_15 : memref<3200x1024xf32, #tpu.memory_space<hbm>>) target(%dma_start3A_9 : memref<32x1024xf32, #tpu.memory_space<vmem>>) offsets(%dma_start3A_12 : memref<32xi32, #tpu.memory_space<vmem>>) semaphore(%arg9 : memref<!tpu.dma_semaphore, #tpu.memory_space<semaphore_mem>>)
    %add3A_16 = arith.constant 32 : i32
    %add3A_17 = arith.addi %mul3A_2, %add3A_16 : i32
    %run_scoped3A_18 = arith.constant 1 : i32
    "tpu.region"() ({
      %run_scoped3A_108 = tpu.sem_alloc : memref<!tpu.dma_semaphore, #tpu.memory_space<semaphore_mem>>
      %dma_start3A_109 = arith.constant 0 : i32
      %dma_start3A_110 = tpu.memref_slice %arg6[%run_scoped3A_18, %dma_start3A_109] : memref<2x32xi32, #tpu.memory_space<vmem>> -> memref<1x32xi32, #tpu.memory_space<vmem>>
      %dma_start3A_111 = tpu.memref_squeeze %dma_start3A_110 : memref<1x32xi32, #tpu.memory_space<vmem>> -> memref<32xi32, #tpu.memory_space<vmem>>
      %dma_start3A_112 = tpu.memref_slice %arg3[%add3A_17] : memref<2048xi32, #tpu.memory_space<hbm>> -> memref<32xi32, #tpu.memory_space<hbm>>
      %dma_start3A_113 = arith.constant 0 : i32
      %dma_start3A_114 = tpu.memref_slice %arg6[%run_scoped3A_18, %dma_start3A_113] : memref<2x32xi32, #tpu.memory_space<vmem>> -> memref<1x32xi32, #tpu.memory_space<vmem>>
      %dma_start3A_115 = tpu.memref_squeeze %dma_start3A_114 : memref<1x32xi32, #tpu.memory_space<vmem>> -> memref<32xi32, #tpu.memory_space<vmem>>
      %dma_start3A_116 = tpu.memref_slice %arg3[%add3A_17] : memref<2048xi32, #tpu.memory_space<hbm>> -> memref<32xi32, #tpu.memory_space<hbm>>
      tpu.enqueue_dma source(%dma_start3A_116 : memref<32xi32, #tpu.memory_space<hbm>>) target(%dma_start3A_115 : memref<32xi32, #tpu.memory_space<vmem>>) target_semaphore(%run_scoped3A_108 : memref<!tpu.dma_semaphore, #tpu.memory_space<semaphore_mem>>)
      %dma_wait3A_117 = arith.constant 0 : i32
      %dma_wait3A_118 = tpu.memref_slice %arg6[%run_scoped3A_18, %dma_wait3A_117] : memref<2x32xi32, #tpu.memory_space<vmem>> -> memref<1x32xi32, #tpu.memory_space<vmem>>
      %dma_wait3A_119 = tpu.memref_squeeze %dma_wait3A_118 : memref<1x32xi32, #tpu.memory_space<vmem>> -> memref<32xi32, #tpu.memory_space<vmem>>
      %dma_wait3A_120 = tpu.memref_slice %arg3[%add3A_17] : memref<2048xi32, #tpu.memory_space<hbm>> -> memref<32xi32, #tpu.memory_space<hbm>>
      %dma_wait3A_121 = arith.constant 0 : i32
      %dma_wait3A_122 = tpu.memref_slice %arg6[%run_scoped3A_18, %dma_wait3A_121] : memref<2x32xi32, #tpu.memory_space<vmem>> -> memref<1x32xi32, #tpu.memory_space<vmem>>
      %dma_wait3A_123 = tpu.memref_squeeze %dma_wait3A_122 : memref<1x32xi32, #tpu.memory_space<vmem>> -> memref<32xi32, #tpu.memory_space<vmem>>
      %dma_wait3A_124 = tpu.memref_slice %arg3[%add3A_17] : memref<2048xi32, #tpu.memory_space<hbm>> -> memref<32xi32, #tpu.memory_space<hbm>>
      tpu.wait_dma2 semaphore(%run_scoped3A_108 : memref<!tpu.dma_semaphore, #tpu.memory_space<semaphore_mem>>) src(%dma_wait3A_124 : memref<32xi32, #tpu.memory_space<hbm>>) dst(%dma_wait3A_123 : memref<32xi32, #tpu.memory_space<vmem>>)
      tpu.yield
    }) : () -> ()
    %dma_start3A_19 = arith.constant 1 : i32
    %dma_start3A_20 = arith.constant 1 : i32
    %dma_start3A_21 = arith.constant 0 : i32
    %dma_start3A_22 = arith.constant 0 : i32
    %dma_start3A_23 = tpu.memref_slice %arg8[%dma_start3A_20, %dma_start3A_21, %dma_start3A_22] : memref<2x32x1024xf32, #tpu.memory_space<vmem>> -> memref<1x32x1024xf32, #tpu.memory_space<vmem>>
    %dma_start3A_24 = tpu.memref_squeeze %dma_start3A_23 : memref<1x32x1024xf32, #tpu.memory_space<vmem>> -> memref<32x1024xf32, #tpu.memory_space<vmem>>
    %dma_start3A_25 = arith.constant 0 : i32
    %dma_start3A_26 = tpu.memref_slice %arg6[%dma_start3A_19, %dma_start3A_25] : memref<2x32xi32, #tpu.memory_space<vmem>> -> memref<1x32xi32, #tpu.memory_space<vmem>>
    %dma_start3A_27 = tpu.memref_squeeze %dma_start3A_26 : memref<1x32xi32, #tpu.memory_space<vmem>> -> memref<32xi32, #tpu.memory_space<vmem>>
    %dma_start3A_28 = arith.constant 0 : i32
    %dma_start3A_29 = arith.constant 0 : i32
    %dma_start3A_30 = tpu.memref_slice %arg2[%dma_start3A_28, %dma_start3A_29] : memref<3200x1024xf32, #tpu.memory_space<hbm>> -> memref<3200x1024xf32, #tpu.memory_space<hbm>>
    tpu.enqueue_indirect_dma source(%dma_start3A_30 : memref<3200x1024xf32, #tpu.memory_space<hbm>>) target(%dma_start3A_24 : memref<32x1024xf32, #tpu.memory_space<vmem>>) offsets(%dma_start3A_27 : memref<32xi32, #tpu.memory_space<vmem>>) semaphore(%arg10 : memref<!tpu.dma_semaphore, #tpu.memory_space<semaphore_mem>>)
    %add3A_31 = arith.constant 0 : i32
    %add3A_32 = arith.addi %mul3A_2, %add3A_31 : i32
    %run_scoped3A_33 = arith.constant 0 : i32
    "tpu.region"() ({
      %run_scoped3A_108 = tpu.sem_alloc : memref<!tpu.dma_semaphore, #tpu.memory_space<semaphore_mem>>
      %dma_start3A_109 = arith.constant 0 : i32
      %dma_start3A_110 = tpu.memref_slice %arg7[%run_scoped3A_33, %dma_start3A_109] : memref<2x32xi32, #tpu.memory_space<vmem>> -> memref<1x32xi32, #tpu.memory_space<vmem>>
      %dma_start3A_111 = tpu.memref_squeeze %dma_start3A_110 : memref<1x32xi32, #tpu.memory_space<vmem>> -> memref<32xi32, #tpu.memory_space<vmem>>
      %dma_start3A_112 = tpu.memref_slice %arg4[%add3A_32] : memref<2048xi32, #tpu.memory_space<hbm>> -> memref<32xi32, #tpu.memory_space<hbm>>
      %dma_start3A_113 = arith.constant 0 : i32
      %dma_start3A_114 = tpu.memref_slice %arg7[%run_scoped3A_33, %dma_start3A_113] : memref<2x32xi32, #tpu.memory_space<vmem>> -> memref<1x32xi32, #tpu.memory_space<vmem>>
      %dma_start3A_115 = tpu.memref_squeeze %dma_start3A_114 : memref<1x32xi32, #tpu.memory_space<vmem>> -> memref<32xi32, #tpu.memory_space<vmem>>
      %dma_start3A_116 = tpu.memref_slice %arg4[%add3A_32] : memref<2048xi32, #tpu.memory_space<hbm>> -> memref<32xi32, #tpu.memory_space<hbm>>
      tpu.enqueue_dma source(%dma_start3A_116 : memref<32xi32, #tpu.memory_space<hbm>>) target(%dma_start3A_115 : memref<32xi32, #tpu.memory_space<vmem>>) target_semaphore(%run_scoped3A_108 : memref<!tpu.dma_semaphore, #tpu.memory_space<semaphore_mem>>)
      %dma_wait3A_117 = arith.constant 0 : i32
      %dma_wait3A_118 = tpu.memref_slice %arg7[%run_scoped3A_33, %dma_wait3A_117] : memref<2x32xi32, #tpu.memory_space<vmem>> -> memref<1x32xi32, #tpu.memory_space<vmem>>
      %dma_wait3A_119 = tpu.memref_squeeze %dma_wait3A_118 : memref<1x32xi32, #tpu.memory_space<vmem>> -> memref<32xi32, #tpu.memory_space<vmem>>
      %dma_wait3A_120 = tpu.memref_slice %arg4[%add3A_32] : memref<2048xi32, #tpu.memory_space<hbm>> -> memref<32xi32, #tpu.memory_space<hbm>>
      %dma_wait3A_121 = arith.constant 0 : i32
      %dma_wait3A_122 = tpu.memref_slice %arg7[%run_scoped3A_33, %dma_wait3A_121] : memref<2x32xi32, #tpu.memory_space<vmem>> -> memref<1x32xi32, #tpu.memory_space<vmem>>
      %dma_wait3A_123 = tpu.memref_squeeze %dma_wait3A_122 : memref<1x32xi32, #tpu.memory_space<vmem>> -> memref<32xi32, #tpu.memory_space<vmem>>
      %dma_wait3A_124 = tpu.memref_slice %arg4[%add3A_32] : memref<2048xi32, #tpu.memory_space<hbm>> -> memref<32xi32, #tpu.memory_space<hbm>>
      tpu.wait_dma2 semaphore(%run_scoped3A_108 : memref<!tpu.dma_semaphore, #tpu.memory_space<semaphore_mem>>) src(%dma_wait3A_124 : memref<32xi32, #tpu.memory_space<hbm>>) dst(%dma_wait3A_123 : memref<32xi32, #tpu.memory_space<vmem>>)
      tpu.yield
    }) : () -> ()
    %dma_wait3A = arith.constant 0 : i32
    %dma_wait3A_34 = arith.constant 0 : i32
    %dma_wait3A_35 = arith.constant 0 : i32
    %dma_wait3A_36 = arith.constant 0 : i32
    %dma_wait3A_37 = tpu.memref_slice %arg8[%dma_wait3A_34, %dma_wait3A_35, %dma_wait3A_36] : memref<2x32x1024xf32, #tpu.memory_space<vmem>> -> memref<1x32x1024xf32, #tpu.memory_space<vmem>>
    %dma_wait3A_38 = tpu.memref_squeeze %dma_wait3A_37 : memref<1x32x1024xf32, #tpu.memory_space<vmem>> -> memref<32x1024xf32, #tpu.memory_space<vmem>>
    %dma_wait3A_39 = arith.constant 0 : i32
    %dma_wait3A_40 = tpu.memref_slice %arg6[%dma_wait3A, %dma_wait3A_39] : memref<2x32xi32, #tpu.memory_space<vmem>> -> memref<1x32xi32, #tpu.memory_space<vmem>>
    %dma_wait3A_41 = tpu.memref_squeeze %dma_wait3A_40 : memref<1x32xi32, #tpu.memory_space<vmem>> -> memref<32xi32, #tpu.memory_space<vmem>>
    %dma_wait3A_42 = arith.constant 0 : i32
    %dma_wait3A_43 = arith.constant 0 : i32
    %dma_wait3A_44 = tpu.memref_slice %arg2[%dma_wait3A_42, %dma_wait3A_43] : memref<3200x1024xf32, #tpu.memory_space<hbm>> -> memref<3200x1024xf32, #tpu.memory_space<hbm>>
    tpu.wait_indirect_dma semaphore(%arg9 : memref<!tpu.dma_semaphore, #tpu.memory_space<semaphore_mem>>) src(%dma_wait3A_44 : memref<3200x1024xf32, #tpu.memory_space<hbm>>) dst(%dma_wait3A_38 : memref<32x1024xf32, #tpu.memory_space<vmem>>)
    %dma_start3A_45 = arith.constant 0 : i32
    %dma_start3A_46 = arith.constant 0 : i32
    %dma_start3A_47 = arith.constant 0 : i32
    %dma_start3A_48 = arith.constant 0 : i32
    %dma_start3A_49 = tpu.memref_slice %arg8[%dma_start3A_45, %dma_start3A_47, %dma_start3A_48] : memref<2x32x1024xf32, #tpu.memory_space<vmem>> -> memref<1x32x1024xf32, #tpu.memory_space<vmem>>
    %dma_start3A_50 = tpu.memref_squeeze %dma_start3A_49 : memref<1x32x1024xf32, #tpu.memory_space<vmem>> -> memref<32x1024xf32, #tpu.memory_space<vmem>>
    %dma_start3A_51 = arith.constant 0 : i32
    %dma_start3A_52 = tpu.memref_slice %arg7[%dma_start3A_46, %dma_start3A_51] : memref<2x32xi32, #tpu.memory_space<vmem>> -> memref<1x32xi32, #tpu.memory_space<vmem>>
    %dma_start3A_53 = tpu.memref_squeeze %dma_start3A_52 : memref<1x32xi32, #tpu.memory_space<vmem>> -> memref<32xi32, #tpu.memory_space<vmem>>
    %dma_start3A_54 = arith.constant 0 : i32
    %dma_start3A_55 = arith.constant 0 : i32
    %dma_start3A_56 = tpu.memref_slice %arg5[%dma_start3A_54, %dma_start3A_55] : memref<3200x1024xf32, #tpu.memory_space<hbm>> -> memref<3200x1024xf32, #tpu.memory_space<hbm>>
    tpu.enqueue_indirect_dma source(%dma_start3A_50 : memref<32x1024xf32, #tpu.memory_space<vmem>>) target(%dma_start3A_56 : memref<3200x1024xf32, #tpu.memory_space<hbm>>) offsets(%dma_start3A_53 : memref<32xi32, #tpu.memory_space<vmem>>) semaphore(%arg9 : memref<!tpu.dma_semaphore, #tpu.memory_space<semaphore_mem>>)
    %add3A_57 = arith.constant 32 : i32
    %add3A_58 = arith.addi %mul3A_2, %add3A_57 : i32
    %run_scoped3A_59 = arith.constant 1 : i32
    "tpu.region"() ({
      %run_scoped3A_108 = tpu.sem_alloc : memref<!tpu.dma_semaphore, #tpu.memory_space<semaphore_mem>>
      %dma_start3A_109 = arith.constant 0 : i32
      %dma_start3A_110 = tpu.memref_slice %arg7[%run_scoped3A_59, %dma_start3A_109] : memref<2x32xi32, #tpu.memory_space<vmem>> -> memref<1x32xi32, #tpu.memory_space<vmem>>
      %dma_start3A_111 = tpu.memref_squeeze %dma_start3A_110 : memref<1x32xi32, #tpu.memory_space<vmem>> -> memref<32xi32, #tpu.memory_space<vmem>>
      %dma_start3A_112 = tpu.memref_slice %arg4[%add3A_58] : memref<2048xi32, #tpu.memory_space<hbm>> -> memref<32xi32, #tpu.memory_space<hbm>>
      %dma_start3A_113 = arith.constant 0 : i32
      %dma_start3A_114 = tpu.memref_slice %arg7[%run_scoped3A_59, %dma_start3A_113] : memref<2x32xi32, #tpu.memory_space<vmem>> -> memref<1x32xi32, #tpu.memory_space<vmem>>
      %dma_start3A_115 = tpu.memref_squeeze %dma_start3A_114 : memref<1x32xi32, #tpu.memory_space<vmem>> -> memref<32xi32, #tpu.memory_space<vmem>>
      %dma_start3A_116 = tpu.memref_slice %arg4[%add3A_58] : memref<2048xi32, #tpu.memory_space<hbm>> -> memref<32xi32, #tpu.memory_space<hbm>>
      tpu.enqueue_dma source(%dma_start3A_116 : memref<32xi32, #tpu.memory_space<hbm>>) target(%dma_start3A_115 : memref<32xi32, #tpu.memory_space<vmem>>) target_semaphore(%run_scoped3A_108 : memref<!tpu.dma_semaphore, #tpu.memory_space<semaphore_mem>>)
      %dma_wait3A_117 = arith.constant 0 : i32
      %dma_wait3A_118 = tpu.memref_slice %arg7[%run_scoped3A_59, %dma_wait3A_117] : memref<2x32xi32, #tpu.memory_space<vmem>> -> memref<1x32xi32, #tpu.memory_space<vmem>>
      %dma_wait3A_119 = tpu.memref_squeeze %dma_wait3A_118 : memref<1x32xi32, #tpu.memory_space<vmem>> -> memref<32xi32, #tpu.memory_space<vmem>>
      %dma_wait3A_120 = tpu.memref_slice %arg4[%add3A_58] : memref<2048xi32, #tpu.memory_space<hbm>> -> memref<32xi32, #tpu.memory_space<hbm>>
      %dma_wait3A_121 = arith.constant 0 : i32
      %dma_wait3A_122 = tpu.memref_slice %arg7[%run_scoped3A_59, %dma_wait3A_121] : memref<2x32xi32, #tpu.memory_space<vmem>> -> memref<1x32xi32, #tpu.memory_space<vmem>>
      %dma_wait3A_123 = tpu.memref_squeeze %dma_wait3A_122 : memref<1x32xi32, #tpu.memory_space<vmem>> -> memref<32xi32, #tpu.memory_space<vmem>>
      %dma_wait3A_124 = tpu.memref_slice %arg4[%add3A_58] : memref<2048xi32, #tpu.memory_space<hbm>> -> memref<32xi32, #tpu.memory_space<hbm>>
      tpu.wait_dma2 semaphore(%run_scoped3A_108 : memref<!tpu.dma_semaphore, #tpu.memory_space<semaphore_mem>>) src(%dma_wait3A_124 : memref<32xi32, #tpu.memory_space<hbm>>) dst(%dma_wait3A_123 : memref<32xi32, #tpu.memory_space<vmem>>)
      tpu.yield
    }) : () -> ()
    %dma_wait3A_60 = arith.constant 1 : i32
    %dma_wait3A_61 = arith.constant 1 : i32
    %dma_wait3A_62 = arith.constant 0 : i32
    %dma_wait3A_63 = arith.constant 0 : i32
    %dma_wait3A_64 = tpu.memref_slice %arg8[%dma_wait3A_61, %dma_wait3A_62, %dma_wait3A_63] : memref<2x32x1024xf32, #tpu.memory_space<vmem>> -> memref<1x32x1024xf32, #tpu.memory_space<vmem>>
    %dma_wait3A_65 = tpu.memref_squeeze %dma_wait3A_64 : memref<1x32x1024xf32, #tpu.memory_space<vmem>> -> memref<32x1024xf32, #tpu.memory_space<vmem>>
    %dma_wait3A_66 = arith.constant 0 : i32
    %dma_wait3A_67 = tpu.memref_slice %arg6[%dma_wait3A_60, %dma_wait3A_66] : memref<2x32xi32, #tpu.memory_space<vmem>> -> memref<1x32xi32, #tpu.memory_space<vmem>>
    %dma_wait3A_68 = tpu.memref_squeeze %dma_wait3A_67 : memref<1x32xi32, #tpu.memory_space<vmem>> -> memref<32xi32, #tpu.memory_space<vmem>>
    %dma_wait3A_69 = arith.constant 0 : i32
    %dma_wait3A_70 = arith.constant 0 : i32
    %dma_wait3A_71 = tpu.memref_slice %arg2[%dma_wait3A_69, %dma_wait3A_70] : memref<3200x1024xf32, #tpu.memory_space<hbm>> -> memref<3200x1024xf32, #tpu.memory_space<hbm>>
    tpu.wait_indirect_dma semaphore(%arg10 : memref<!tpu.dma_semaphore, #tpu.memory_space<semaphore_mem>>) src(%dma_wait3A_71 : memref<3200x1024xf32, #tpu.memory_space<hbm>>) dst(%dma_wait3A_65 : memref<32x1024xf32, #tpu.memory_space<vmem>>)
    %dma_start3A_72 = arith.constant 1 : i32
    %dma_start3A_73 = arith.constant 1 : i32
    %dma_start3A_74 = arith.constant 0 : i32
    %dma_start3A_75 = arith.constant 0 : i32
    %dma_start3A_76 = tpu.memref_slice %arg8[%dma_start3A_72, %dma_start3A_74, %dma_start3A_75] : memref<2x32x1024xf32, #tpu.memory_space<vmem>> -> memref<1x32x1024xf32, #tpu.memory_space<vmem>>
    %dma_start3A_77 = tpu.memref_squeeze %dma_start3A_76 : memref<1x32x1024xf32, #tpu.memory_space<vmem>> -> memref<32x1024xf32, #tpu.memory_space<vmem>>
    %dma_start3A_78 = arith.constant 0 : i32
    %dma_start3A_79 = tpu.memref_slice %arg7[%dma_start3A_73, %dma_start3A_78] : memref<2x32xi32, #tpu.memory_space<vmem>> -> memref<1x32xi32, #tpu.memory_space<vmem>>
    %dma_start3A_80 = tpu.memref_squeeze %dma_start3A_79 : memref<1x32xi32, #tpu.memory_space<vmem>> -> memref<32xi32, #tpu.memory_space<vmem>>
    %dma_start3A_81 = arith.constant 0 : i32
    %dma_start3A_82 = arith.constant 0 : i32
    %dma_start3A_83 = tpu.memref_slice %arg5[%dma_start3A_81, %dma_start3A_82] : memref<3200x1024xf32, #tpu.memory_space<hbm>> -> memref<3200x1024xf32, #tpu.memory_space<hbm>>
    tpu.enqueue_indirect_dma source(%dma_start3A_77 : memref<32x1024xf32, #tpu.memory_space<vmem>>) target(%dma_start3A_83 : memref<3200x1024xf32, #tpu.memory_space<hbm>>) offsets(%dma_start3A_80 : memref<32xi32, #tpu.memory_space<vmem>>) semaphore(%arg10 : memref<!tpu.dma_semaphore, #tpu.memory_space<semaphore_mem>>)
    %dma_wait3A_84 = arith.constant 0 : i32
    %dma_wait3A_85 = arith.constant 0 : i32
    %dma_wait3A_86 = arith.constant 0 : i32
    %dma_wait3A_87 = arith.constant 0 : i32
    %dma_wait3A_88 = tpu.memref_slice %arg8[%dma_wait3A_84, %dma_wait3A_86, %dma_wait3A_87] : memref<2x32x1024xf32, #tpu.memory_space<vmem>> -> memref<1x32x1024xf32, #tpu.memory_space<vmem>>
    %dma_wait3A_89 = tpu.memref_squeeze %dma_wait3A_88 : memref<1x32x1024xf32, #tpu.memory_space<vmem>> -> memref<32x1024xf32, #tpu.memory_space<vmem>>
    %dma_wait3A_90 = arith.constant 0 : i32
    %dma_wait3A_91 = tpu.memref_slice %arg7[%dma_wait3A_85, %dma_wait3A_90] : memref<2x32xi32, #tpu.memory_space<vmem>> -> memref<1x32xi32, #tpu.memory_space<vmem>>
    %dma_wait3A_92 = tpu.memref_squeeze %dma_wait3A_91 : memref<1x32xi32, #tpu.memory_space<vmem>> -> memref<32xi32, #tpu.memory_space<vmem>>
    %dma_wait3A_93 = arith.constant 0 : i32
    %dma_wait3A_94 = arith.constant 0 : i32
    %dma_wait3A_95 = tpu.memref_slice %arg5[%dma_wait3A_93, %dma_wait3A_94] : memref<3200x1024xf32, #tpu.memory_space<hbm>> -> memref<3200x1024xf32, #tpu.memory_space<hbm>>
    tpu.wait_indirect_dma semaphore(%arg9 : memref<!tpu.dma_semaphore, #tpu.memory_space<semaphore_mem>>) src(%dma_wait3A_89 : memref<32x1024xf32, #tpu.memory_space<vmem>>) dst(%dma_wait3A_95 : memref<3200x1024xf32, #tpu.memory_space<hbm>>)
    %dma_wait3A_96 = arith.constant 1 : i32
    %dma_wait3A_97 = arith.constant 1 : i32
    %dma_wait3A_98 = arith.constant 0 : i32
    %dma_wait3A_99 = arith.constant 0 : i32
    %dma_wait3A_100 = tpu.memref_slice %arg8[%dma_wait3A_96, %dma_wait3A_98, %dma_wait3A_99] : memref<2x32x1024xf32, #tpu.memory_space<vmem>> -> memref<1x32x1024xf32, #tpu.memory_space<vmem>>
    %dma_wait3A_101 = tpu.memref_squeeze %dma_wait3A_100 : memref<1x32x1024xf32, #tpu.memory_space<vmem>> -> memref<32x1024xf32, #tpu.memory_space<vmem>>
    %dma_wait3A_102 = arith.constant 0 : i32
    %dma_wait3A_103 = tpu.memref_slice %arg7[%dma_wait3A_97, %dma_wait3A_102] : memref<2x32xi32, #tpu.memory_space<vmem>> -> memref<1x32xi32, #tpu.memory_space<vmem>>
    %dma_wait3A_104 = tpu.memref_squeeze %dma_wait3A_103 : memref<1x32xi32, #tpu.memory_space<vmem>> -> memref<32xi32, #tpu.memory_space<vmem>>
    %dma_wait3A_105 = arith.constant 0 : i32
    %dma_wait3A_106 = arith.constant 0 : i32
    %dma_wait3A_107 = tpu.memref_slice %arg5[%dma_wait3A_105, %dma_wait3A_106] : memref<3200x1024xf32, #tpu.memory_space<hbm>> -> memref<3200x1024xf32, #tpu.memory_space<hbm>>
    tpu.wait_indirect_dma semaphore(%arg10 : memref<!tpu.dma_semaphore, #tpu.memory_space<semaphore_mem>>) src(%dma_wait3A_101 : memref<32x1024xf32, #tpu.memory_space<vmem>>) dst(%dma_wait3A_107 : memref<3200x1024xf32, #tpu.memory_space<hbm>>)
    return
  }
}

#map = affine_map<(d0, d1) -> (0, 0)>
#map1 = affine_map<(d0, d1) -> (0)>
module attributes {stable_mosaic.version = 14 : i64} {
  func.func @k(%arg0: i32, %arg1: i32, %arg2: memref<3200x1024xf32, #tpu.memory_space<hbm>>, %arg3: memref<2048xi32, #tpu.memory_space<hbm>>, %arg4: memref<2048x1024xf32, #tpu.memory_space<hbm>>, %arg5: memref<2x32xi32, #tpu.memory_space<vmem>>, %arg6: memref<2x32x1024xf32, #tpu.memory_space<vmem>>, %arg7: memref<!tpu.dma_semaphore, #tpu.memory_space<semaphore_mem>>, %arg8: memref<!tpu.dma_semaphore, #tpu.memory_space<semaphore_mem>>) attributes {dimension_semantics = [#tpu.dimension_semantics<core_parallel>, #tpu.dimension_semantics<subcore_parallel>], iteration_bounds = array<i64: 2, 16>, scalar_prefetch = 0 : i64, scratch_operands = 4 : i64, tpu.core_type = #tpu.core_type<sc_vector_subcore>, window_params = [{transform_indices = #map}, {transform_indices = #map1}, {transform_indices = #map}]} {
    %mul3A = arith.constant 2 : i32
    %mul3A_0 = arith.muli %arg1, %mul3A : i32
    %add3A = arith.addi %mul3A_0, %arg0 : i32
    %mul3A_1 = arith.constant 64 : i32
    %mul3A_2 = arith.muli %add3A, %mul3A_1 : i32
    %add3A_3 = arith.constant 0 : i32
    %add3A_4 = arith.addi %mul3A_2, %add3A_3 : i32
    %run_scoped3A = arith.constant 0 : i32
    "tpu.region"() ({
      %run_scoped3A_60 = tpu.sem_alloc : memref<!tpu.dma_semaphore, #tpu.memory_space<semaphore_mem>>
      %dma_start3A_61 = arith.constant 0 : i32
      %dma_start3A_62 = tpu.memref_slice %arg5[%run_scoped3A, %dma_start3A_61] : memref<2x32xi32, #tpu.memory_space<vmem>> -> memref<1x32xi32, #tpu.memory_space<vmem>>
      %dma_start3A_63 = tpu.memref_squeeze %dma_start3A_62 : memref<1x32xi32, #tpu.memory_space<vmem>> -> memref<32xi32, #tpu.memory_space<vmem>>
      %dma_start3A_64 = tpu.memref_slice %arg3[%add3A_4] : memref<2048xi32, #tpu.memory_space<hbm>> -> memref<32xi32, #tpu.memory_space<hbm>>
      %dma_start3A_65 = arith.constant 0 : i32
      %dma_start3A_66 = tpu.memref_slice %arg5[%run_scoped3A, %dma_start3A_65] : memref<2x32xi32, #tpu.memory_space<vmem>> -> memref<1x32xi32, #tpu.memory_space<vmem>>
      %dma_start3A_67 = tpu.memref_squeeze %dma_start3A_66 : memref<1x32xi32, #tpu.memory_space<vmem>> -> memref<32xi32, #tpu.memory_space<vmem>>
      %dma_start3A_68 = tpu.memref_slice %arg3[%add3A_4] : memref<2048xi32, #tpu.memory_space<hbm>> -> memref<32xi32, #tpu.memory_space<hbm>>
      tpu.enqueue_dma source(%dma_start3A_68 : memref<32xi32, #tpu.memory_space<hbm>>) target(%dma_start3A_67 : memref<32xi32, #tpu.memory_space<vmem>>) target_semaphore(%run_scoped3A_60 : memref<!tpu.dma_semaphore, #tpu.memory_space<semaphore_mem>>)
      %dma_wait3A_69 = arith.constant 0 : i32
      %dma_wait3A_70 = tpu.memref_slice %arg5[%run_scoped3A, %dma_wait3A_69] : memref<2x32xi32, #tpu.memory_space<vmem>> -> memref<1x32xi32, #tpu.memory_space<vmem>>
      %dma_wait3A_71 = tpu.memref_squeeze %dma_wait3A_70 : memref<1x32xi32, #tpu.memory_space<vmem>> -> memref<32xi32, #tpu.memory_space<vmem>>
      %dma_wait3A_72 = tpu.memref_slice %arg3[%add3A_4] : memref<2048xi32, #tpu.memory_space<hbm>> -> memref<32xi32, #tpu.memory_space<hbm>>
      %dma_wait3A_73 = arith.constant 0 : i32
      %dma_wait3A_74 = tpu.memref_slice %arg5[%run_scoped3A, %dma_wait3A_73] : memref<2x32xi32, #tpu.memory_space<vmem>> -> memref<1x32xi32, #tpu.memory_space<vmem>>
      %dma_wait3A_75 = tpu.memref_squeeze %dma_wait3A_74 : memref<1x32xi32, #tpu.memory_space<vmem>> -> memref<32xi32, #tpu.memory_space<vmem>>
      %dma_wait3A_76 = tpu.memref_slice %arg3[%add3A_4] : memref<2048xi32, #tpu.memory_space<hbm>> -> memref<32xi32, #tpu.memory_space<hbm>>
      tpu.wait_dma2 semaphore(%run_scoped3A_60 : memref<!tpu.dma_semaphore, #tpu.memory_space<semaphore_mem>>) src(%dma_wait3A_76 : memref<32xi32, #tpu.memory_space<hbm>>) dst(%dma_wait3A_75 : memref<32xi32, #tpu.memory_space<vmem>>)
      tpu.yield
    }) : () -> ()
    %dma_start3A = arith.constant 0 : i32
    %dma_start3A_5 = arith.constant 0 : i32
    %dma_start3A_6 = arith.constant 0 : i32
    %dma_start3A_7 = arith.constant 0 : i32
    %dma_start3A_8 = tpu.memref_slice %arg6[%dma_start3A_5, %dma_start3A_6, %dma_start3A_7] : memref<2x32x1024xf32, #tpu.memory_space<vmem>> -> memref<1x32x1024xf32, #tpu.memory_space<vmem>>
    %dma_start3A_9 = tpu.memref_squeeze %dma_start3A_8 : memref<1x32x1024xf32, #tpu.memory_space<vmem>> -> memref<32x1024xf32, #tpu.memory_space<vmem>>
    %dma_start3A_10 = arith.constant 0 : i32
    %dma_start3A_11 = tpu.memref_slice %arg5[%dma_start3A, %dma_start3A_10] : memref<2x32xi32, #tpu.memory_space<vmem>> -> memref<1x32xi32, #tpu.memory_space<vmem>>
    %dma_start3A_12 = tpu.memref_squeeze %dma_start3A_11 : memref<1x32xi32, #tpu.memory_space<vmem>> -> memref<32xi32, #tpu.memory_space<vmem>>
    %dma_start3A_13 = arith.constant 0 : i32
    %dma_start3A_14 = arith.constant 0 : i32
    %dma_start3A_15 = tpu.memref_slice %arg2[%dma_start3A_13, %dma_start3A_14] : memref<3200x1024xf32, #tpu.memory_space<hbm>> -> memref<3200x1024xf32, #tpu.memory_space<hbm>>
    tpu.enqueue_indirect_dma source(%dma_start3A_15 : memref<3200x1024xf32, #tpu.memory_space<hbm>>) target(%dma_start3A_9 : memref<32x1024xf32, #tpu.memory_space<vmem>>) offsets(%dma_start3A_12 : memref<32xi32, #tpu.memory_space<vmem>>) semaphore(%arg7 : memref<!tpu.dma_semaphore, #tpu.memory_space<semaphore_mem>>)
    %add3A_16 = arith.constant 32 : i32
    %add3A_17 = arith.addi %mul3A_2, %add3A_16 : i32
    %run_scoped3A_18 = arith.constant 1 : i32
    "tpu.region"() ({
      %run_scoped3A_60 = tpu.sem_alloc : memref<!tpu.dma_semaphore, #tpu.memory_space<semaphore_mem>>
      %dma_start3A_61 = arith.constant 0 : i32
      %dma_start3A_62 = tpu.memref_slice %arg5[%run_scoped3A_18, %dma_start3A_61] : memref<2x32xi32, #tpu.memory_space<vmem>> -> memref<1x32xi32, #tpu.memory_space<vmem>>
      %dma_start3A_63 = tpu.memref_squeeze %dma_start3A_62 : memref<1x32xi32, #tpu.memory_space<vmem>> -> memref<32xi32, #tpu.memory_space<vmem>>
      %dma_start3A_64 = tpu.memref_slice %arg3[%add3A_17] : memref<2048xi32, #tpu.memory_space<hbm>> -> memref<32xi32, #tpu.memory_space<hbm>>
      %dma_start3A_65 = arith.constant 0 : i32
      %dma_start3A_66 = tpu.memref_slice %arg5[%run_scoped3A_18, %dma_start3A_65] : memref<2x32xi32, #tpu.memory_space<vmem>> -> memref<1x32xi32, #tpu.memory_space<vmem>>
      %dma_start3A_67 = tpu.memref_squeeze %dma_start3A_66 : memref<1x32xi32, #tpu.memory_space<vmem>> -> memref<32xi32, #tpu.memory_space<vmem>>
      %dma_start3A_68 = tpu.memref_slice %arg3[%add3A_17] : memref<2048xi32, #tpu.memory_space<hbm>> -> memref<32xi32, #tpu.memory_space<hbm>>
      tpu.enqueue_dma source(%dma_start3A_68 : memref<32xi32, #tpu.memory_space<hbm>>) target(%dma_start3A_67 : memref<32xi32, #tpu.memory_space<vmem>>) target_semaphore(%run_scoped3A_60 : memref<!tpu.dma_semaphore, #tpu.memory_space<semaphore_mem>>)
      %dma_wait3A_69 = arith.constant 0 : i32
      %dma_wait3A_70 = tpu.memref_slice %arg5[%run_scoped3A_18, %dma_wait3A_69] : memref<2x32xi32, #tpu.memory_space<vmem>> -> memref<1x32xi32, #tpu.memory_space<vmem>>
      %dma_wait3A_71 = tpu.memref_squeeze %dma_wait3A_70 : memref<1x32xi32, #tpu.memory_space<vmem>> -> memref<32xi32, #tpu.memory_space<vmem>>
      %dma_wait3A_72 = tpu.memref_slice %arg3[%add3A_17] : memref<2048xi32, #tpu.memory_space<hbm>> -> memref<32xi32, #tpu.memory_space<hbm>>
      %dma_wait3A_73 = arith.constant 0 : i32
      %dma_wait3A_74 = tpu.memref_slice %arg5[%run_scoped3A_18, %dma_wait3A_73] : memref<2x32xi32, #tpu.memory_space<vmem>> -> memref<1x32xi32, #tpu.memory_space<vmem>>
      %dma_wait3A_75 = tpu.memref_squeeze %dma_wait3A_74 : memref<1x32xi32, #tpu.memory_space<vmem>> -> memref<32xi32, #tpu.memory_space<vmem>>
      %dma_wait3A_76 = tpu.memref_slice %arg3[%add3A_17] : memref<2048xi32, #tpu.memory_space<hbm>> -> memref<32xi32, #tpu.memory_space<hbm>>
      tpu.wait_dma2 semaphore(%run_scoped3A_60 : memref<!tpu.dma_semaphore, #tpu.memory_space<semaphore_mem>>) src(%dma_wait3A_76 : memref<32xi32, #tpu.memory_space<hbm>>) dst(%dma_wait3A_75 : memref<32xi32, #tpu.memory_space<vmem>>)
      tpu.yield
    }) : () -> ()
    %dma_start3A_19 = arith.constant 1 : i32
    %dma_start3A_20 = arith.constant 1 : i32
    %dma_start3A_21 = arith.constant 0 : i32
    %dma_start3A_22 = arith.constant 0 : i32
    %dma_start3A_23 = tpu.memref_slice %arg6[%dma_start3A_20, %dma_start3A_21, %dma_start3A_22] : memref<2x32x1024xf32, #tpu.memory_space<vmem>> -> memref<1x32x1024xf32, #tpu.memory_space<vmem>>
    %dma_start3A_24 = tpu.memref_squeeze %dma_start3A_23 : memref<1x32x1024xf32, #tpu.memory_space<vmem>> -> memref<32x1024xf32, #tpu.memory_space<vmem>>
    %dma_start3A_25 = arith.constant 0 : i32
    %dma_start3A_26 = tpu.memref_slice %arg5[%dma_start3A_19, %dma_start3A_25] : memref<2x32xi32, #tpu.memory_space<vmem>> -> memref<1x32xi32, #tpu.memory_space<vmem>>
    %dma_start3A_27 = tpu.memref_squeeze %dma_start3A_26 : memref<1x32xi32, #tpu.memory_space<vmem>> -> memref<32xi32, #tpu.memory_space<vmem>>
    %dma_start3A_28 = arith.constant 0 : i32
    %dma_start3A_29 = arith.constant 0 : i32
    %dma_start3A_30 = tpu.memref_slice %arg2[%dma_start3A_28, %dma_start3A_29] : memref<3200x1024xf32, #tpu.memory_space<hbm>> -> memref<3200x1024xf32, #tpu.memory_space<hbm>>
    tpu.enqueue_indirect_dma source(%dma_start3A_30 : memref<3200x1024xf32, #tpu.memory_space<hbm>>) target(%dma_start3A_24 : memref<32x1024xf32, #tpu.memory_space<vmem>>) offsets(%dma_start3A_27 : memref<32xi32, #tpu.memory_space<vmem>>) semaphore(%arg8 : memref<!tpu.dma_semaphore, #tpu.memory_space<semaphore_mem>>)
    %dma_wait3A = arith.constant 0 : i32
    %dma_wait3A_31 = arith.constant 0 : i32
    %dma_wait3A_32 = arith.constant 0 : i32
    %dma_wait3A_33 = arith.constant 0 : i32
    %dma_wait3A_34 = tpu.memref_slice %arg6[%dma_wait3A_31, %dma_wait3A_32, %dma_wait3A_33] : memref<2x32x1024xf32, #tpu.memory_space<vmem>> -> memref<1x32x1024xf32, #tpu.memory_space<vmem>>
    %dma_wait3A_35 = tpu.memref_squeeze %dma_wait3A_34 : memref<1x32x1024xf32, #tpu.memory_space<vmem>> -> memref<32x1024xf32, #tpu.memory_space<vmem>>
    %dma_wait3A_36 = arith.constant 0 : i32
    %dma_wait3A_37 = tpu.memref_slice %arg5[%dma_wait3A, %dma_wait3A_36] : memref<2x32xi32, #tpu.memory_space<vmem>> -> memref<1x32xi32, #tpu.memory_space<vmem>>
    %dma_wait3A_38 = tpu.memref_squeeze %dma_wait3A_37 : memref<1x32xi32, #tpu.memory_space<vmem>> -> memref<32xi32, #tpu.memory_space<vmem>>
    %dma_wait3A_39 = arith.constant 0 : i32
    %dma_wait3A_40 = arith.constant 0 : i32
    %dma_wait3A_41 = tpu.memref_slice %arg2[%dma_wait3A_39, %dma_wait3A_40] : memref<3200x1024xf32, #tpu.memory_space<hbm>> -> memref<3200x1024xf32, #tpu.memory_space<hbm>>
    tpu.wait_indirect_dma semaphore(%arg7 : memref<!tpu.dma_semaphore, #tpu.memory_space<semaphore_mem>>) src(%dma_wait3A_41 : memref<3200x1024xf32, #tpu.memory_space<hbm>>) dst(%dma_wait3A_35 : memref<32x1024xf32, #tpu.memory_space<vmem>>)
    %add3A_42 = arith.constant 0 : i32
    %add3A_43 = arith.addi %mul3A_2, %add3A_42 : i32
    %run_scoped3A_44 = arith.constant 0 : i32
    "tpu.region"() ({
      %run_scoped3A_60 = tpu.sem_alloc : memref<!tpu.dma_semaphore, #tpu.memory_space<semaphore_mem>>
      %dma_start3A_61 = arith.constant 0 : i32
      %dma_start3A_62 = arith.constant 0 : i32
      %dma_start3A_63 = tpu.memref_slice %arg6[%run_scoped3A_44, %dma_start3A_61, %dma_start3A_62] : memref<2x32x1024xf32, #tpu.memory_space<vmem>> -> memref<1x32x1024xf32, #tpu.memory_space<vmem>>
      %dma_start3A_64 = tpu.memref_squeeze %dma_start3A_63 : memref<1x32x1024xf32, #tpu.memory_space<vmem>> -> memref<32x1024xf32, #tpu.memory_space<vmem>>
      %dma_start3A_65 = arith.constant 0 : i32
      %dma_start3A_66 = tpu.memref_slice %arg4[%add3A_43, %dma_start3A_65] : memref<2048x1024xf32, #tpu.memory_space<hbm>> -> memref<32x1024xf32, #tpu.memory_space<hbm>>
      %dma_start3A_67 = arith.constant 0 : i32
      %dma_start3A_68 = tpu.memref_slice %arg4[%add3A_43, %dma_start3A_67] : memref<2048x1024xf32, #tpu.memory_space<hbm>> -> memref<32x1024xf32, #tpu.memory_space<hbm>>
      %dma_start3A_69 = arith.constant 0 : i32
      %dma_start3A_70 = arith.constant 0 : i32
      %dma_start3A_71 = tpu.memref_slice %arg6[%run_scoped3A_44, %dma_start3A_69, %dma_start3A_70] : memref<2x32x1024xf32, #tpu.memory_space<vmem>> -> memref<1x32x1024xf32, #tpu.memory_space<vmem>>
      %dma_start3A_72 = tpu.memref_squeeze %dma_start3A_71 : memref<1x32x1024xf32, #tpu.memory_space<vmem>> -> memref<32x1024xf32, #tpu.memory_space<vmem>>
      tpu.enqueue_dma source(%dma_start3A_72 : memref<32x1024xf32, #tpu.memory_space<vmem>>) target(%dma_start3A_68 : memref<32x1024xf32, #tpu.memory_space<hbm>>) target_semaphore(%run_scoped3A_60 : memref<!tpu.dma_semaphore, #tpu.memory_space<semaphore_mem>>)
      %dma_wait3A_73 = arith.constant 0 : i32
      %dma_wait3A_74 = arith.constant 0 : i32
      %dma_wait3A_75 = tpu.memref_slice %arg6[%run_scoped3A_44, %dma_wait3A_73, %dma_wait3A_74] : memref<2x32x1024xf32, #tpu.memory_space<vmem>> -> memref<1x32x1024xf32, #tpu.memory_space<vmem>>
      %dma_wait3A_76 = tpu.memref_squeeze %dma_wait3A_75 : memref<1x32x1024xf32, #tpu.memory_space<vmem>> -> memref<32x1024xf32, #tpu.memory_space<vmem>>
      %dma_wait3A_77 = arith.constant 0 : i32
      %dma_wait3A_78 = tpu.memref_slice %arg4[%add3A_43, %dma_wait3A_77] : memref<2048x1024xf32, #tpu.memory_space<hbm>> -> memref<32x1024xf32, #tpu.memory_space<hbm>>
      %dma_wait3A_79 = arith.constant 0 : i32
      %dma_wait3A_80 = tpu.memref_slice %arg4[%add3A_43, %dma_wait3A_79] : memref<2048x1024xf32, #tpu.memory_space<hbm>> -> memref<32x1024xf32, #tpu.memory_space<hbm>>
      %dma_wait3A_81 = arith.constant 0 : i32
      %dma_wait3A_82 = arith.constant 0 : i32
      %dma_wait3A_83 = tpu.memref_slice %arg6[%run_scoped3A_44, %dma_wait3A_81, %dma_wait3A_82] : memref<2x32x1024xf32, #tpu.memory_space<vmem>> -> memref<1x32x1024xf32, #tpu.memory_space<vmem>>
      %dma_wait3A_84 = tpu.memref_squeeze %dma_wait3A_83 : memref<1x32x1024xf32, #tpu.memory_space<vmem>> -> memref<32x1024xf32, #tpu.memory_space<vmem>>
      tpu.wait_dma2 semaphore(%run_scoped3A_60 : memref<!tpu.dma_semaphore, #tpu.memory_space<semaphore_mem>>) src(%dma_wait3A_84 : memref<32x1024xf32, #tpu.memory_space<vmem>>) dst(%dma_wait3A_80 : memref<32x1024xf32, #tpu.memory_space<hbm>>)
      tpu.yield
    }) : () -> ()
    %dma_wait3A_45 = arith.constant 1 : i32
    %dma_wait3A_46 = arith.constant 1 : i32
    %dma_wait3A_47 = arith.constant 0 : i32
    %dma_wait3A_48 = arith.constant 0 : i32
    %dma_wait3A_49 = tpu.memref_slice %arg6[%dma_wait3A_46, %dma_wait3A_47, %dma_wait3A_48] : memref<2x32x1024xf32, #tpu.memory_space<vmem>> -> memref<1x32x1024xf32, #tpu.memory_space<vmem>>
    %dma_wait3A_50 = tpu.memref_squeeze %dma_wait3A_49 : memref<1x32x1024xf32, #tpu.memory_space<vmem>> -> memref<32x1024xf32, #tpu.memory_space<vmem>>
    %dma_wait3A_51 = arith.constant 0 : i32
    %dma_wait3A_52 = tpu.memref_slice %arg5[%dma_wait3A_45, %dma_wait3A_51] : memref<2x32xi32, #tpu.memory_space<vmem>> -> memref<1x32xi32, #tpu.memory_space<vmem>>
    %dma_wait3A_53 = tpu.memref_squeeze %dma_wait3A_52 : memref<1x32xi32, #tpu.memory_space<vmem>> -> memref<32xi32, #tpu.memory_space<vmem>>
    %dma_wait3A_54 = arith.constant 0 : i32
    %dma_wait3A_55 = arith.constant 0 : i32
    %dma_wait3A_56 = tpu.memref_slice %arg2[%dma_wait3A_54, %dma_wait3A_55] : memref<3200x1024xf32, #tpu.memory_space<hbm>> -> memref<3200x1024xf32, #tpu.memory_space<hbm>>
    tpu.wait_indirect_dma semaphore(%arg8 : memref<!tpu.dma_semaphore, #tpu.memory_space<semaphore_mem>>) src(%dma_wait3A_56 : memref<3200x1024xf32, #tpu.memory_space<hbm>>) dst(%dma_wait3A_50 : memref<32x1024xf32, #tpu.memory_space<vmem>>)
    %add3A_57 = arith.constant 32 : i32
    %add3A_58 = arith.addi %mul3A_2, %add3A_57 : i32
    %run_scoped3A_59 = arith.constant 1 : i32
    "tpu.region"() ({
      %run_scoped3A_60 = tpu.sem_alloc : memref<!tpu.dma_semaphore, #tpu.memory_space<semaphore_mem>>
      %dma_start3A_61 = arith.constant 0 : i32
      %dma_start3A_62 = arith.constant 0 : i32
      %dma_start3A_63 = tpu.memref_slice %arg6[%run_scoped3A_59, %dma_start3A_61, %dma_start3A_62] : memref<2x32x1024xf32, #tpu.memory_space<vmem>> -> memref<1x32x1024xf32, #tpu.memory_space<vmem>>
      %dma_start3A_64 = tpu.memref_squeeze %dma_start3A_63 : memref<1x32x1024xf32, #tpu.memory_space<vmem>> -> memref<32x1024xf32, #tpu.memory_space<vmem>>
      %dma_start3A_65 = arith.constant 0 : i32
      %dma_start3A_66 = tpu.memref_slice %arg4[%add3A_58, %dma_start3A_65] : memref<2048x1024xf32, #tpu.memory_space<hbm>> -> memref<32x1024xf32, #tpu.memory_space<hbm>>
      %dma_start3A_67 = arith.constant 0 : i32
      %dma_start3A_68 = tpu.memref_slice %arg4[%add3A_58, %dma_start3A_67] : memref<2048x1024xf32, #tpu.memory_space<hbm>> -> memref<32x1024xf32, #tpu.memory_space<hbm>>
      %dma_start3A_69 = arith.constant 0 : i32
      %dma_start3A_70 = arith.constant 0 : i32
      %dma_start3A_71 = tpu.memref_slice %arg6[%run_scoped3A_59, %dma_start3A_69, %dma_start3A_70] : memref<2x32x1024xf32, #tpu.memory_space<vmem>> -> memref<1x32x1024xf32, #tpu.memory_space<vmem>>
      %dma_start3A_72 = tpu.memref_squeeze %dma_start3A_71 : memref<1x32x1024xf32, #tpu.memory_space<vmem>> -> memref<32x1024xf32, #tpu.memory_space<vmem>>
      tpu.enqueue_dma source(%dma_start3A_72 : memref<32x1024xf32, #tpu.memory_space<vmem>>) target(%dma_start3A_68 : memref<32x1024xf32, #tpu.memory_space<hbm>>) target_semaphore(%run_scoped3A_60 : memref<!tpu.dma_semaphore, #tpu.memory_space<semaphore_mem>>)
      %dma_wait3A_73 = arith.constant 0 : i32
      %dma_wait3A_74 = arith.constant 0 : i32
      %dma_wait3A_75 = tpu.memref_slice %arg6[%run_scoped3A_59, %dma_wait3A_73, %dma_wait3A_74] : memref<2x32x1024xf32, #tpu.memory_space<vmem>> -> memref<1x32x1024xf32, #tpu.memory_space<vmem>>
      %dma_wait3A_76 = tpu.memref_squeeze %dma_wait3A_75 : memref<1x32x1024xf32, #tpu.memory_space<vmem>> -> memref<32x1024xf32, #tpu.memory_space<vmem>>
      %dma_wait3A_77 = arith.constant 0 : i32
      %dma_wait3A_78 = tpu.memref_slice %arg4[%add3A_58, %dma_wait3A_77] : memref<2048x1024xf32, #tpu.memory_space<hbm>> -> memref<32x1024xf32, #tpu.memory_space<hbm>>
      %dma_wait3A_79 = arith.constant 0 : i32
      %dma_wait3A_80 = tpu.memref_slice %arg4[%add3A_58, %dma_wait3A_79] : memref<2048x1024xf32, #tpu.memory_space<hbm>> -> memref<32x1024xf32, #tpu.memory_space<hbm>>
      %dma_wait3A_81 = arith.constant 0 : i32
      %dma_wait3A_82 = arith.constant 0 : i32
      %dma_wait3A_83 = tpu.memref_slice %arg6[%run_scoped3A_59, %dma_wait3A_81, %dma_wait3A_82] : memref<2x32x1024xf32, #tpu.memory_space<vmem>> -> memref<1x32x1024xf32, #tpu.memory_space<vmem>>
      %dma_wait3A_84 = tpu.memref_squeeze %dma_wait3A_83 : memref<1x32x1024xf32, #tpu.memory_space<vmem>> -> memref<32x1024xf32, #tpu.memory_space<vmem>>
      tpu.wait_dma2 semaphore(%run_scoped3A_60 : memref<!tpu.dma_semaphore, #tpu.memory_space<semaphore_mem>>) src(%dma_wait3A_84 : memref<32x1024xf32, #tpu.memory_space<vmem>>) dst(%dma_wait3A_80 : memref<32x1024xf32, #tpu.memory_space<hbm>>)
      tpu.yield
    }) : () -> ()
    return
  }
}

module attributes {stable_mosaic.version = 14 : i64} {
  func.func @_dispatch_body(%arg0: i32, %arg1: i32, %arg2: memref<256x4xi32, #tpu.memory_space<vmem>>, %arg3: memref<256x4xi32, #tpu.memory_space<vmem>>, %arg4: memref<256x4xi32, #tpu.memory_space<vmem>>, %arg5: memref<4x32xi32, #tpu.memory_space<vmem>>, %arg6: memref<4x16xf32, #tpu.memory_space<vmem>>, %arg7: memref<4x16xf32, #tpu.memory_space<vmem>>, %arg8: memref<4x16xf32, #tpu.memory_space<vmem>>) attributes {dimension_semantics = [#tpu.dimension_semantics<arbitrary>, #tpu.dimension_semantics<arbitrary>], iteration_bounds = array<i64: 2, 8>, scalar_prefetch = 0 : i64, scratch_operands = 3 : i64, tpu.core_type = #tpu.core_type<tc>, window_params = [{transform_indices = @transform_0, window_bounds = array<i64: 256, 4>}, {transform_indices = @transform_1, window_bounds = array<i64: 256, 4>}, {transform_indices = @transform_2, window_bounds = array<i64: 256, 4>}, {pipeline_mode = #tpu.pipeline_mode<synchronous>, transform_indices = @transform_3, window_bounds = array<i64: 4, 32>}]} {
    %get3A = arith.constant 0 : index
    %get3A_0 = arith.constant 0 : index
    %get3A_1 = vector.load %arg2[%get3A, %get3A_0] : memref<256x4xi32, #tpu.memory_space<vmem>>, vector<256x4xi32>
    %iota3A = tpu.iota {dimensions = array<i32: 1>} : vector<256x16xi32>
    %broadcast_in_dim3A = arith.constant false
    %broadcast_in_dim3A_2 = vector.broadcast %broadcast_in_dim3A : i1 to vector<256x1xi1>
    %slice3A = vector.extract_strided_slice %get3A_1 {offsets = [0, 0], sizes = [256, 1], strides = [1, 1]} : vector<256x4xi32> to vector<256x1xi32>
    %eq3A = arith.constant 8 : i32
    %eq3A_3 = vector.broadcast %eq3A : i32 to vector<256x1xi32>
    %eq3A_4 = arith.cmpi eq, %slice3A, %eq3A_3 : vector<256x1xi32>
    %or3A = arith.ori %broadcast_in_dim3A_2, %eq3A_4 : vector<256x1xi1>
    %jit3A = arith.constant 8 : i32
    %broadcast_in_dim3A_5 = vector.broadcast %jit3A : i32 to vector<256x1xi32>
    %select_n3A = arith.select %or3A, %broadcast_in_dim3A_5, %slice3A : vector<256x1xi1>, vector<256x1xi32>
    %eq3A_6 = vector.broadcast %select_n3A : vector<256x1xi32> to vector<256x16xi32>
    %eq3A_7 = arith.cmpi eq, %iota3A, %eq3A_6 : vector<256x16xi32>
    %convert_element_type3A = arith.extui %eq3A_7 : vector<256x16xi1> to vector<256x16xi32>
    %convert_element_type3A_8 = arith.sitofp %convert_element_type3A : vector<256x16xi32> to vector<256x16xf32>
    %slice3A_9 = vector.extract_strided_slice %get3A_1 {offsets = [0, 1], sizes = [256, 1], strides = [1, 1]} : vector<256x4xi32> to vector<256x1xi32>
    %eq3A_10 = arith.constant 8 : i32
    %eq3A_11 = vector.broadcast %eq3A_10 : i32 to vector<256x1xi32>
    %eq3A_12 = arith.cmpi eq, %slice3A_9, %eq3A_11 : vector<256x1xi32>
    %or3A_13 = arith.ori %or3A, %eq3A_12 : vector<256x1xi1>
    %jit3A_14 = arith.constant 8 : i32
    %broadcast_in_dim3A_15 = vector.broadcast %jit3A_14 : i32 to vector<256x1xi32>
    %select_n3A_16 = arith.select %or3A_13, %broadcast_in_dim3A_15, %slice3A_9 : vector<256x1xi1>, vector<256x1xi32>
    %eq3A_17 = vector.broadcast %select_n3A_16 : vector<256x1xi32> to vector<256x16xi32>
    %eq3A_18 = arith.cmpi eq, %iota3A, %eq3A_17 : vector<256x16xi32>
    %convert_element_type3A_19 = arith.extui %eq3A_18 : vector<256x16xi1> to vector<256x16xi32>
    %convert_element_type3A_20 = arith.sitofp %convert_element_type3A_19 : vector<256x16xi32> to vector<256x16xf32>
    %slice3A_21 = vector.extract_strided_slice %get3A_1 {offsets = [0, 2], sizes = [256, 1], strides = [1, 1]} : vector<256x4xi32> to vector<256x1xi32>
    %eq3A_22 = arith.constant 8 : i32
    %eq3A_23 = vector.broadcast %eq3A_22 : i32 to vector<256x1xi32>
    %eq3A_24 = arith.cmpi eq, %slice3A_21, %eq3A_23 : vector<256x1xi32>
    %or3A_25 = arith.ori %or3A_13, %eq3A_24 : vector<256x1xi1>
    %jit3A_26 = arith.constant 8 : i32
    %broadcast_in_dim3A_27 = vector.broadcast %jit3A_26 : i32 to vector<256x1xi32>
    %select_n3A_28 = arith.select %or3A_25, %broadcast_in_dim3A_27, %slice3A_21 : vector<256x1xi1>, vector<256x1xi32>
    %eq3A_29 = vector.broadcast %select_n3A_28 : vector<256x1xi32> to vector<256x16xi32>
    %eq3A_30 = arith.cmpi eq, %iota3A, %eq3A_29 : vector<256x16xi32>
    %convert_element_type3A_31 = arith.extui %eq3A_30 : vector<256x16xi1> to vector<256x16xi32>
    %convert_element_type3A_32 = arith.sitofp %convert_element_type3A_31 : vector<256x16xi32> to vector<256x16xf32>
    %slice3A_33 = vector.extract_strided_slice %get3A_1 {offsets = [0, 3], sizes = [256, 1], strides = [1, 1]} : vector<256x4xi32> to vector<256x1xi32>
    %eq3A_34 = arith.constant 8 : i32
    %eq3A_35 = vector.broadcast %eq3A_34 : i32 to vector<256x1xi32>
    %eq3A_36 = arith.cmpi eq, %slice3A_33, %eq3A_35 : vector<256x1xi32>
    %or3A_37 = arith.ori %or3A_25, %eq3A_36 : vector<256x1xi1>
    %jit3A_38 = arith.constant 8 : i32
    %broadcast_in_dim3A_39 = vector.broadcast %jit3A_38 : i32 to vector<256x1xi32>
    %select_n3A_40 = arith.select %or3A_37, %broadcast_in_dim3A_39, %slice3A_33 : vector<256x1xi1>, vector<256x1xi32>
    %eq3A_41 = vector.broadcast %select_n3A_40 : vector<256x1xi32> to vector<256x16xi32>
    %eq3A_42 = arith.cmpi eq, %iota3A, %eq3A_41 : vector<256x16xi32>
    %convert_element_type3A_43 = arith.extui %eq3A_42 : vector<256x16xi1> to vector<256x16xi32>
    %convert_element_type3A_44 = arith.sitofp %convert_element_type3A_43 : vector<256x16xi32> to vector<256x16xf32>
    %eq3A_45 = arith.constant 0 : i32
    %eq3A_46 = arith.cmpi eq, %arg0, %eq3A_45 : i32
    %convert_element_type3A_47 = arith.extui %eq3A_46 : i1 to i32
    %cond3A = arith.constant 0 : i32
    %cond3A_48 = arith.cmpi ne, %convert_element_type3A_47, %cond3A : i32
    scf.if %cond3A_48 {
      %eq3A_54 = arith.constant 0 : i32
      %eq3A_55 = arith.cmpi eq, %arg1, %eq3A_54 : i32
      %convert_element_type3A_56 = arith.extui %eq3A_55 : i1 to i32
      %cond3A_57 = arith.constant 0 : i32
      %cond3A_58 = arith.cmpi ne, %convert_element_type3A_56, %cond3A_57 : i32
      scf.if %cond3A_58 {
        %broadcast_in_dim3A_96 = arith.constant 0.000000e+00 : f32
        %broadcast_in_dim3A_97 = vector.broadcast %broadcast_in_dim3A_96 : f32 to vector<4x16xf32>
        %swap3A_98 = arith.constant 0 : index
        %swap3A_99 = arith.constant 0 : index
        %swap3A_100 = vector.load %arg6[%swap3A_98, %swap3A_99] : memref<4x16xf32, #tpu.memory_space<vmem>>, vector<4x16xf32>
        tpu.vector_store %arg6[%swap3A_98, %swap3A_99], %broadcast_in_dim3A_97 {strides = array<i32>} : memref<4x16xf32, #tpu.memory_space<vmem>>, vector<4x16xf32>,
      } else {
      }
      %get3A_59 = arith.constant 0 : index
      %get3A_60 = arith.constant 0 : index
      %get3A_61 = vector.load %arg6[%get3A_59, %get3A_60] : memref<4x16xf32, #tpu.memory_space<vmem>>, vector<1x16xf32>
      %reduce_sum3A = arith.constant dense<0.000000e+00> : vector<16xf32>
      %reduce_sum3A_62 = vector.multi_reduction <add>, %convert_element_type3A_8, %reduce_sum3A [0] : vector<256x16xf32> to vector<16xf32>
      %broadcast_in_dim3A_63 = vector.shape_cast %reduce_sum3A_62 : vector<16xf32> to vector<1x16xf32>
      %add3A = arith.addf %get3A_61, %broadcast_in_dim3A_63 : vector<1x16xf32>
      %swap3A = arith.constant 0 : index
      %swap3A_64 = arith.constant 0 : index
      %swap3A_65 = vector.load %arg6[%swap3A, %swap3A_64] : memref<4x16xf32, #tpu.memory_space<vmem>>, vector<1x16xf32>
      tpu.vector_store %arg6[%swap3A, %swap3A_64], %add3A {strides = array<i32>} : memref<4x16xf32, #tpu.memory_space<vmem>>, vector<1x16xf32>,
      %get3A_66 = arith.constant 1 : index
      %get3A_67 = arith.constant 0 : index
      %get3A_68 = vector.load %arg6[%get3A_66, %get3A_67] : memref<4x16xf32, #tpu.memory_space<vmem>>, vector<1x16xf32>
      %reduce_sum3A_69 = arith.constant dense<0.000000e+00> : vector<16xf32>
      %reduce_sum3A_70 = vector.multi_reduction <add>, %convert_element_type3A_20, %reduce_sum3A_69 [0] : vector<256x16xf32> to vector<16xf32>
      %broadcast_in_dim3A_71 = vector.shape_cast %reduce_sum3A_70 : vector<16xf32> to vector<1x16xf32>
      %add3A_72 = arith.addf %get3A_68, %broadcast_in_dim3A_71 : vector<1x16xf32>
      %swap3A_73 = arith.constant 1 : index
      %swap3A_74 = arith.constant 0 : index
      %swap3A_75 = vector.load %arg6[%swap3A_73, %swap3A_74] : memref<4x16xf32, #tpu.memory_space<vmem>>, vector<1x16xf32>
      tpu.vector_store %arg6[%swap3A_73, %swap3A_74], %add3A_72 {strides = array<i32>} : memref<4x16xf32, #tpu.memory_space<vmem>>, vector<1x16xf32>,
      %get3A_76 = arith.constant 2 : index
      %get3A_77 = arith.constant 0 : index
      %get3A_78 = vector.load %arg6[%get3A_76, %get3A_77] : memref<4x16xf32, #tpu.memory_space<vmem>>, vector<1x16xf32>
      %reduce_sum3A_79 = arith.constant dense<0.000000e+00> : vector<16xf32>
      %reduce_sum3A_80 = vector.multi_reduction <add>, %convert_element_type3A_32, %reduce_sum3A_79 [0] : vector<256x16xf32> to vector<16xf32>
      %broadcast_in_dim3A_81 = vector.shape_cast %reduce_sum3A_80 : vector<16xf32> to vector<1x16xf32>
      %add3A_82 = arith.addf %get3A_78, %broadcast_in_dim3A_81 : vector<1x16xf32>
      %swap3A_83 = arith.constant 2 : index
      %swap3A_84 = arith.constant 0 : index
      %swap3A_85 = vector.load %arg6[%swap3A_83, %swap3A_84] : memref<4x16xf32, #tpu.memory_space<vmem>>, vector<1x16xf32>
      tpu.vector_store %arg6[%swap3A_83, %swap3A_84], %add3A_82 {strides = array<i32>} : memref<4x16xf32, #tpu.memory_space<vmem>>, vector<1x16xf32>,
      %get3A_86 = arith.constant 3 : index
      %get3A_87 = arith.constant 0 : index
      %get3A_88 = vector.load %arg6[%get3A_86, %get3A_87] : memref<4x16xf32, #tpu.memory_space<vmem>>, vector<1x16xf32>
      %reduce_sum3A_89 = arith.constant dense<0.000000e+00> : vector<16xf32>
      %reduce_sum3A_90 = vector.multi_reduction <add>, %convert_element_type3A_44, %reduce_sum3A_89 [0] : vector<256x16xf32> to vector<16xf32>
      %broadcast_in_dim3A_91 = vector.shape_cast %reduce_sum3A_90 : vector<16xf32> to vector<1x16xf32>
      %add3A_92 = arith.addf %get3A_88, %broadcast_in_dim3A_91 : vector<1x16xf32>
      %swap3A_93 = arith.constant 3 : index
      %swap3A_94 = arith.constant 0 : index
      %swap3A_95 = vector.load %arg6[%swap3A_93, %swap3A_94] : memref<4x16xf32, #tpu.memory_space<vmem>>, vector<1x16xf32>
      tpu.vector_store %arg6[%swap3A_93, %swap3A_94], %add3A_92 {strides = array<i32>} : memref<4x16xf32, #tpu.memory_space<vmem>>, vector<1x16xf32>,
    } else {
    }
    %eq3A_49 = arith.constant 1 : i32
    %eq3A_50 = arith.cmpi eq, %arg0, %eq3A_49 : i32
    %convert_element_type3A_51 = arith.extui %eq3A_50 : i1 to i32
    %cond3A_52 = arith.constant 0 : i32
    %cond3A_53 = arith.cmpi ne, %convert_element_type3A_51, %cond3A_52 : i32
    scf.if %cond3A_53 {
      %eq3A_54 = arith.constant 0 : i32
      %eq3A_55 = arith.cmpi eq, %arg1, %eq3A_54 : i32
      %convert_element_type3A_56 = arith.extui %eq3A_55 : i1 to i32
      %cond3A_57 = arith.constant 0 : i32
      %cond3A_58 = arith.cmpi ne, %convert_element_type3A_56, %cond3A_57 : i32
      scf.if %cond3A_58 {
        %get3A_227 = arith.constant 0 : index
        %get3A_228 = arith.constant 0 : index
        %get3A_229 = vector.load %arg6[%get3A_227, %get3A_228] : memref<4x16xf32, #tpu.memory_space<vmem>>, vector<4x16xf32>
        %mul3A_230 = arith.constant 7.812500e-03 : f32
        %mul3A_231 = vector.broadcast %mul3A_230 : f32 to vector<4x16xf32>
        %mul3A_232 = arith.mulf %get3A_229, %mul3A_231 : vector<4x16xf32>
        %ceil3A = math.ceil %mul3A_232 : vector<4x16xf32>
        %mul3A_233 = arith.constant 1.280000e+02 : f32
        %mul3A_234 = vector.broadcast %mul3A_233 : f32 to vector<4x16xf32>
        %mul3A_235 = arith.mulf %ceil3A, %mul3A_234 : vector<4x16xf32>
        %broadcast_in_dim3A_236 = arith.constant 0.000000e+00 : f32
        %broadcast_in_dim3A_237 = vector.broadcast %broadcast_in_dim3A_236 : f32 to vector<4x1xf32>
        %slice3A_238 = vector.extract_strided_slice %mul3A_235 {offsets = [0, 0], sizes = [4, 1], strides = [1, 1]} : vector<4x16xf32> to vector<4x1xf32>
        %add3A_239 = arith.addf %broadcast_in_dim3A_237, %slice3A_238 : vector<4x1xf32>
        %slice3A_240 = vector.extract_strided_slice %mul3A_235 {offsets = [0, 1], sizes = [4, 1], strides = [1, 1]} : vector<4x16xf32> to vector<4x1xf32>
        %add3A_241 = arith.addf %add3A_239, %slice3A_240 : vector<4x1xf32>
        %slice3A_242 = vector.extract_strided_slice %mul3A_235 {offsets = [0, 2], sizes = [4, 1], strides = [1, 1]} : vector<4x16xf32> to vector<4x1xf32>
        %add3A_243 = arith.addf %add3A_241, %slice3A_242 : vector<4x1xf32>
        %slice3A_244 = vector.extract_strided_slice %mul3A_235 {offsets = [0, 3], sizes = [4, 1], strides = [1, 1]} : vector<4x16xf32> to vector<4x1xf32>
        %add3A_245 = arith.addf %add3A_243, %slice3A_244 : vector<4x1xf32>
        %slice3A_246 = vector.extract_strided_slice %mul3A_235 {offsets = [0, 4], sizes = [4, 1], strides = [1, 1]} : vector<4x16xf32> to vector<4x1xf32>
        %add3A_247 = arith.addf %add3A_245, %slice3A_246 : vector<4x1xf32>
        %slice3A_248 = vector.extract_strided_slice %mul3A_235 {offsets = [0, 5], sizes = [4, 1], strides = [1, 1]} : vector<4x16xf32> to vector<4x1xf32>
        %add3A_249 = arith.addf %add3A_247, %slice3A_248 : vector<4x1xf32>
        %slice3A_250 = vector.extract_strided_slice %mul3A_235 {offsets = [0, 6], sizes = [4, 1], strides = [1, 1]} : vector<4x16xf32> to vector<4x1xf32>
        %add3A_251 = arith.addf %add3A_249, %slice3A_250 : vector<4x1xf32>
        %slice3A_252 = vector.extract_strided_slice %mul3A_235 {offsets = [0, 7], sizes = [4, 1], strides = [1, 1]} : vector<4x16xf32> to vector<4x1xf32>
        %add3A_253 = arith.addf %add3A_251, %slice3A_252 : vector<4x1xf32>
        %concatenate3A_254 = tpu.concatenate %broadcast_in_dim3A_237, %add3A_239, %add3A_241, %add3A_243, %add3A_245, %add3A_247, %add3A_249, %add3A_251, %add3A_253, %add3A_253, %add3A_253, %add3A_253, %add3A_253, %add3A_253, %add3A_253, %add3A_253 in 1 : vector<4x1xf32>, vector<4x1xf32>, vector<4x1xf32>, vector<4x1xf32>, vector<4x1xf32>, vector<4x1xf32>, vector<4x1xf32>, vector<4x1xf32>, vector<4x1xf32>, vector<4x1xf32>, vector<4x1xf32>, vector<4x1xf32>, vector<4x1xf32>, vector<4x1xf32>, vector<4x1xf32>, vector<4x1xf32> -> vector<4x16xf32>
        %swap3A_255 = arith.constant 0 : index
        %swap3A_256 = arith.constant 0 : index
        %swap3A_257 = vector.load %arg8[%swap3A_255, %swap3A_256] : memref<4x16xf32, #tpu.memory_space<vmem>>, vector<4x16xf32>
        tpu.vector_store %arg8[%swap3A_255, %swap3A_256], %concatenate3A_254 {strides = array<i32>} : memref<4x16xf32, #tpu.memory_space<vmem>>, vector<4x16xf32>,
        %broadcast_in_dim3A_258 = arith.constant 0.000000e+00 : f32
        %broadcast_in_dim3A_259 = vector.broadcast %broadcast_in_dim3A_258 : f32 to vector<4x16xf32>
        %swap3A_260 = arith.constant 0 : index
        %swap3A_261 = arith.constant 0 : index
        %swap3A_262 = vector.load %arg7[%swap3A_260, %swap3A_261] : memref<4x16xf32, #tpu.memory_space<vmem>>, vector<4x16xf32>
        tpu.vector_store %arg7[%swap3A_260, %swap3A_261], %broadcast_in_dim3A_259 {strides = array<i32>} : memref<4x16xf32, #tpu.memory_space<vmem>>, vector<4x16xf32>,
        %iota3A_263 = tpu.iota {dimensions = array<i32: 1>} : vector<4x32xi32>
        %convert_element_type3A_264 = arith.sitofp %iota3A_263 : vector<4x32xi32> to vector<4x32xf32>
        %mul3A_265 = arith.constant 1.280000e+02 : f32
        %mul3A_266 = vector.broadcast %mul3A_265 : f32 to vector<4x32xf32>
        %mul3A_267 = arith.mulf %convert_element_type3A_264, %mul3A_266 : vector<4x32xf32>
        %broadcast_in_dim3A_268 = arith.constant 8 : i32
        %broadcast_in_dim3A_269 = vector.broadcast %broadcast_in_dim3A_268 : i32 to vector<4x32xi32>
        %slice3A_270 = vector.extract_strided_slice %concatenate3A_254 {offsets = [0, 0], sizes = [4, 1], strides = [1, 1]} : vector<4x16xf32> to vector<4x1xf32>
        %ge3A = vector.broadcast %slice3A_270 : vector<4x1xf32> to vector<4x32xf32>
        %ge3A_271 = arith.cmpf oge, %mul3A_267, %ge3A : vector<4x32xf32>
        %slice3A_272 = vector.extract_strided_slice %mul3A_235 {offsets = [0, 0], sizes = [4, 1], strides = [1, 1]} : vector<4x16xf32> to vector<4x1xf32>
        %add3A_273 = arith.addf %slice3A_270, %slice3A_272 : vector<4x1xf32>
        %lt3A_274 = vector.broadcast %add3A_273 : vector<4x1xf32> to vector<4x32xf32>
        %lt3A_275 = arith.cmpf olt, %mul3A_267, %lt3A_274 : vector<4x32xf32>
        %and3A = arith.andi %ge3A_271, %lt3A_275 : vector<4x32xi1>
        %jit3A_276 = arith.constant 0 : i32
        %broadcast_in_dim3A_277 = vector.broadcast %jit3A_276 : i32 to vector<4x32xi32>
        %select_n3A_278 = arith.select %and3A, %broadcast_in_dim3A_277, %broadcast_in_dim3A_269 : vector<4x32xi1>, vector<4x32xi32>
        %slice3A_279 = vector.extract_strided_slice %concatenate3A_254 {offsets = [0, 1], sizes = [4, 1], strides = [1, 1]} : vector<4x16xf32> to vector<4x1xf32>
        %ge3A_280 = vector.broadcast %slice3A_279 : vector<4x1xf32> to vector<4x32xf32>
        %ge3A_281 = arith.cmpf oge, %mul3A_267, %ge3A_280 : vector<4x32xf32>
        %slice3A_282 = vector.extract_strided_slice %mul3A_235 {offsets = [0, 1], sizes = [4, 1], strides = [1, 1]} : vector<4x16xf32> to vector<4x1xf32>
        %add3A_283 = arith.addf %slice3A_279, %slice3A_282 : vector<4x1xf32>
        %lt3A_284 = vector.broadcast %add3A_283 : vector<4x1xf32> to vector<4x32xf32>
        %lt3A_285 = arith.cmpf olt, %mul3A_267, %lt3A_284 : vector<4x32xf32>
        %and3A_286 = arith.andi %ge3A_281, %lt3A_285 : vector<4x32xi1>
        %jit3A_287 = arith.constant 1 : i32
        %broadcast_in_dim3A_288 = vector.broadcast %jit3A_287 : i32 to vector<4x32xi32>
        %select_n3A_289 = arith.select %and3A_286, %broadcast_in_dim3A_288, %select_n3A_278 : vector<4x32xi1>, vector<4x32xi32>
        %slice3A_290 = vector.extract_strided_slice %concatenate3A_254 {offsets = [0, 2], sizes = [4, 1], strides = [1, 1]} : vector<4x16xf32> to vector<4x1xf32>
        %ge3A_291 = vector.broadcast %slice3A_290 : vector<4x1xf32> to vector<4x32xf32>
        %ge3A_292 = arith.cmpf oge, %mul3A_267, %ge3A_291 : vector<4x32xf32>
        %slice3A_293 = vector.extract_strided_slice %mul3A_235 {offsets = [0, 2], sizes = [4, 1], strides = [1, 1]} : vector<4x16xf32> to vector<4x1xf32>
        %add3A_294 = arith.addf %slice3A_290, %slice3A_293 : vector<4x1xf32>
        %lt3A_295 = vector.broadcast %add3A_294 : vector<4x1xf32> to vector<4x32xf32>
        %lt3A_296 = arith.cmpf olt, %mul3A_267, %lt3A_295 : vector<4x32xf32>
        %and3A_297 = arith.andi %ge3A_292, %lt3A_296 : vector<4x32xi1>
        %jit3A_298 = arith.constant 2 : i32
        %broadcast_in_dim3A_299 = vector.broadcast %jit3A_298 : i32 to vector<4x32xi32>
        %select_n3A_300 = arith.select %and3A_297, %broadcast_in_dim3A_299, %select_n3A_289 : vector<4x32xi1>, vector<4x32xi32>
        %slice3A_301 = vector.extract_strided_slice %concatenate3A_254 {offsets = [0, 3], sizes = [4, 1], strides = [1, 1]} : vector<4x16xf32> to vector<4x1xf32>
        %ge3A_302 = vector.broadcast %slice3A_301 : vector<4x1xf32> to vector<4x32xf32>
        %ge3A_303 = arith.cmpf oge, %mul3A_267, %ge3A_302 : vector<4x32xf32>
        %slice3A_304 = vector.extract_strided_slice %mul3A_235 {offsets = [0, 3], sizes = [4, 1], strides = [1, 1]} : vector<4x16xf32> to vector<4x1xf32>
        %add3A_305 = arith.addf %slice3A_301, %slice3A_304 : vector<4x1xf32>
        %lt3A_306 = vector.broadcast %add3A_305 : vector<4x1xf32> to vector<4x32xf32>
        %lt3A_307 = arith.cmpf olt, %mul3A_267, %lt3A_306 : vector<4x32xf32>
        %and3A_308 = arith.andi %ge3A_303, %lt3A_307 : vector<4x32xi1>
        %jit3A_309 = arith.constant 3 : i32
        %broadcast_in_dim3A_310 = vector.broadcast %jit3A_309 : i32 to vector<4x32xi32>
        %select_n3A_311 = arith.select %and3A_308, %broadcast_in_dim3A_310, %select_n3A_300 : vector<4x32xi1>, vector<4x32xi32>
        %slice3A_312 = vector.extract_strided_slice %concatenate3A_254 {offsets = [0, 4], sizes = [4, 1], strides = [1, 1]} : vector<4x16xf32> to vector<4x1xf32>
        %ge3A_313 = vector.broadcast %slice3A_312 : vector<4x1xf32> to vector<4x32xf32>
        %ge3A_314 = arith.cmpf oge, %mul3A_267, %ge3A_313 : vector<4x32xf32>
        %slice3A_315 = vector.extract_strided_slice %mul3A_235 {offsets = [0, 4], sizes = [4, 1], strides = [1, 1]} : vector<4x16xf32> to vector<4x1xf32>
        %add3A_316 = arith.addf %slice3A_312, %slice3A_315 : vector<4x1xf32>
        %lt3A_317 = vector.broadcast %add3A_316 : vector<4x1xf32> to vector<4x32xf32>
        %lt3A_318 = arith.cmpf olt, %mul3A_267, %lt3A_317 : vector<4x32xf32>
        %and3A_319 = arith.andi %ge3A_314, %lt3A_318 : vector<4x32xi1>
        %jit3A_320 = arith.constant 4 : i32
        %broadcast_in_dim3A_321 = vector.broadcast %jit3A_320 : i32 to vector<4x32xi32>
        %select_n3A_322 = arith.select %and3A_319, %broadcast_in_dim3A_321, %select_n3A_311 : vector<4x32xi1>, vector<4x32xi32>
        %slice3A_323 = vector.extract_strided_slice %concatenate3A_254 {offsets = [0, 5], sizes = [4, 1], strides = [1, 1]} : vector<4x16xf32> to vector<4x1xf32>
        %ge3A_324 = vector.broadcast %slice3A_323 : vector<4x1xf32> to vector<4x32xf32>
        %ge3A_325 = arith.cmpf oge, %mul3A_267, %ge3A_324 : vector<4x32xf32>
        %slice3A_326 = vector.extract_strided_slice %mul3A_235 {offsets = [0, 5], sizes = [4, 1], strides = [1, 1]} : vector<4x16xf32> to vector<4x1xf32>
        %add3A_327 = arith.addf %slice3A_323, %slice3A_326 : vector<4x1xf32>
        %lt3A_328 = vector.broadcast %add3A_327 : vector<4x1xf32> to vector<4x32xf32>
        %lt3A_329 = arith.cmpf olt, %mul3A_267, %lt3A_328 : vector<4x32xf32>
        %and3A_330 = arith.andi %ge3A_325, %lt3A_329 : vector<4x32xi1>
        %jit3A_331 = arith.constant 5 : i32
        %broadcast_in_dim3A_332 = vector.broadcast %jit3A_331 : i32 to vector<4x32xi32>
        %select_n3A_333 = arith.select %and3A_330, %broadcast_in_dim3A_332, %select_n3A_322 : vector<4x32xi1>, vector<4x32xi32>
        %slice3A_334 = vector.extract_strided_slice %concatenate3A_254 {offsets = [0, 6], sizes = [4, 1], strides = [1, 1]} : vector<4x16xf32> to vector<4x1xf32>
        %ge3A_335 = vector.broadcast %slice3A_334 : vector<4x1xf32> to vector<4x32xf32>
        %ge3A_336 = arith.cmpf oge, %mul3A_267, %ge3A_335 : vector<4x32xf32>
        %slice3A_337 = vector.extract_strided_slice %mul3A_235 {offsets = [0, 6], sizes = [4, 1], strides = [1, 1]} : vector<4x16xf32> to vector<4x1xf32>
        %add3A_338 = arith.addf %slice3A_334, %slice3A_337 : vector<4x1xf32>
        %lt3A_339 = vector.broadcast %add3A_338 : vector<4x1xf32> to vector<4x32xf32>
        %lt3A_340 = arith.cmpf olt, %mul3A_267, %lt3A_339 : vector<4x32xf32>
        %and3A_341 = arith.andi %ge3A_336, %lt3A_340 : vector<4x32xi1>
        %jit3A_342 = arith.constant 6 : i32
        %broadcast_in_dim3A_343 = vector.broadcast %jit3A_342 : i32 to vector<4x32xi32>
        %select_n3A_344 = arith.select %and3A_341, %broadcast_in_dim3A_343, %select_n3A_333 : vector<4x32xi1>, vector<4x32xi32>
        %slice3A_345 = vector.extract_strided_slice %concatenate3A_254 {offsets = [0, 7], sizes = [4, 1], strides = [1, 1]} : vector<4x16xf32> to vector<4x1xf32>
        %ge3A_346 = vector.broadcast %slice3A_345 : vector<4x1xf32> to vector<4x32xf32>
        %ge3A_347 = arith.cmpf oge, %mul3A_267, %ge3A_346 : vector<4x32xf32>
        %slice3A_348 = vector.extract_strided_slice %mul3A_235 {offsets = [0, 7], sizes = [4, 1], strides = [1, 1]} : vector<4x16xf32> to vector<4x1xf32>
        %add3A_349 = arith.addf %slice3A_345, %slice3A_348 : vector<4x1xf32>
        %lt3A_350 = vector.broadcast %add3A_349 : vector<4x1xf32> to vector<4x32xf32>
        %lt3A_351 = arith.cmpf olt, %mul3A_267, %lt3A_350 : vector<4x32xf32>
        %and3A_352 = arith.andi %ge3A_347, %lt3A_351 : vector<4x32xi1>
        %jit3A_353 = arith.constant 7 : i32
        %broadcast_in_dim3A_354 = vector.broadcast %jit3A_353 : i32 to vector<4x32xi32>
        %select_n3A_355 = arith.select %and3A_352, %broadcast_in_dim3A_354, %select_n3A_344 : vector<4x32xi1>, vector<4x32xi32>
        %swap3A_356 = arith.constant 0 : index
        %swap3A_357 = arith.constant 0 : index
        %swap3A_358 = vector.load %arg5[%swap3A_356, %swap3A_357] : memref<4x32xi32, #tpu.memory_space<vmem>>, vector<4x32xi32>
        tpu.vector_store %arg5[%swap3A_356, %swap3A_357], %select_n3A_355 {strides = array<i32>} : memref<4x32xi32, #tpu.memory_space<vmem>>, vector<4x32xi32>,
      } else {
      }
      %iota3A_59 = tpu.iota {dimensions = array<i32: 1>} : vector<256x256xi32>
      %iota3A_60 = tpu.iota {dimensions = array<i32: 0>} : vector<256x256xi32>
      %lt3A = arith.cmpi slt, %iota3A_59, %iota3A_60 : vector<256x256xi32>
      %convert_element_type3A_61 = arith.extui %lt3A : vector<256x256xi1> to vector<256x256xi32>
      %convert_element_type3A_62 = arith.sitofp %convert_element_type3A_61 : vector<256x256xi32> to vector<256x256xf32>
      %iota3A_63 = tpu.iota {dimensions = array<i32: 0>} : vector<256x1xi32>
      %mul3A = arith.constant 256 : i32
      %mul3A_64 = arith.muli %arg1, %mul3A : i32
      %add3A = vector.broadcast %mul3A_64 : i32 to vector<256x1xi32>
      %add3A_65 = arith.addi %iota3A_63, %add3A : vector<256x1xi32>
      %iota3A_66 = tpu.iota {dimensions = array<i32: 1>} : vector<256x16xi32>
      %convert_element_type3A_67 = arith.sitofp %iota3A_66 : vector<256x16xi32> to vector<256x16xf32>
      %dot_general3A = arith.constant dense<0.000000e+00> : vector<256x16xf32>
      %dot_general3A_68 = tpu.matmul %convert_element_type3A_62, %convert_element_type3A_8, %dot_general3A {dimension_numbers = #tpu.dot_dimension_numbers<[1], [0], [0], [1], [0, 0, 1, 1], [], []>, transpose_lhs_hint = false} : vector<256x256xf32>, vector<256x16xf32>, vector<256x16xf32> -> vector<256x16xf32>
      %get3A_69 = arith.constant 0 : index
      %get3A_70 = arith.constant 0 : index
      %get3A_71 = vector.load %arg7[%get3A_69, %get3A_70] : memref<4x16xf32, #tpu.memory_space<vmem>>, vector<1x16xf32>
      %add3A_72 = vector.broadcast %get3A_71 : vector<1x16xf32> to vector<256x16xf32>
      %add3A_73 = arith.addf %dot_general3A_68, %add3A_72 : vector<256x16xf32>
      %get3A_74 = arith.constant 0 : index
      %get3A_75 = arith.constant 0 : index
      %get3A_76 = vector.load %arg8[%get3A_74, %get3A_75] : memref<4x16xf32, #tpu.memory_space<vmem>>, vector<1x16xf32>
      %add3A_77 = vector.broadcast %get3A_76 : vector<1x16xf32> to vector<256x16xf32>
      %add3A_78 = arith.addf %add3A_73, %add3A_77 : vector<256x16xf32>
      %mul3A_79 = arith.mulf %add3A_78, %convert_element_type3A_8 : vector<256x16xf32>
      %reduce_sum3A = arith.constant dense<0.000000e+00> : vector<256xf32>
      %reduce_sum3A_80 = vector.multi_reduction <add>, %mul3A_79, %reduce_sum3A [1] : vector<256x16xf32> to vector<256xf32>
      %broadcast_in_dim3A_81 = vector.shape_cast %reduce_sum3A_80 : vector<256xf32> to vector<256x1xf32>
      %get3A_82 = arith.constant 0 : index
      %get3A_83 = arith.constant 0 : index
      %get3A_84 = vector.load %arg7[%get3A_82, %get3A_83] : memref<4x16xf32, #tpu.memory_space<vmem>>, vector<1x16xf32>
      %reduce_sum3A_85 = arith.constant dense<0.000000e+00> : vector<16xf32>
      %reduce_sum3A_86 = vector.multi_reduction <add>, %convert_element_type3A_8, %reduce_sum3A_85 [0] : vector<256x16xf32> to vector<16xf32>
      %broadcast_in_dim3A_87 = vector.shape_cast %reduce_sum3A_86 : vector<16xf32> to vector<1x16xf32>
      %add3A_88 = arith.addf %get3A_84, %broadcast_in_dim3A_87 : vector<1x16xf32>
      %swap3A = arith.constant 0 : index
      %swap3A_89 = arith.constant 0 : index
      %swap3A_90 = vector.load %arg7[%swap3A, %swap3A_89] : memref<4x16xf32, #tpu.memory_space<vmem>>, vector<1x16xf32>
      tpu.vector_store %arg7[%swap3A, %swap3A_89], %add3A_88 {strides = array<i32>} : memref<4x16xf32, #tpu.memory_space<vmem>>, vector<1x16xf32>,
      %convert_element_type3A_91 = arith.fptosi %broadcast_in_dim3A_81 : vector<256x1xf32> to vector<256x1xi32>
      %mul3A_92 = arith.mulf %convert_element_type3A_8, %convert_element_type3A_67 : vector<256x16xf32>
      %reduce_sum3A_93 = arith.constant dense<0.000000e+00> : vector<256xf32>
      %reduce_sum3A_94 = vector.multi_reduction <add>, %mul3A_92, %reduce_sum3A_93 [1] : vector<256x16xf32> to vector<256xf32>
      %broadcast_in_dim3A_95 = vector.shape_cast %reduce_sum3A_94 : vector<256xf32> to vector<256x1xf32>
      %convert_element_type3A_96 = arith.fptosi %broadcast_in_dim3A_95 : vector<256x1xf32> to vector<256x1xi32>
      %mul3A_97 = arith.constant 8 : i32
      %mul3A_98 = vector.broadcast %mul3A_97 : i32 to vector<256x1xi32>
      %mul3A_99 = arith.muli %add3A_65, %mul3A_98 : vector<256x1xi32>
      %min3A = arith.constant 7 : i32
      %min3A_100 = vector.broadcast %min3A : i32 to vector<256x1xi32>
      %min3A_101 = arith.minsi %convert_element_type3A_96, %min3A_100 : vector<256x1xi32>
      %add3A_102 = arith.addi %mul3A_99, %min3A_101 : vector<256x1xi32>
      %dot_general3A_103 = arith.constant dense<0.000000e+00> : vector<256x16xf32>
      %dot_general3A_104 = tpu.matmul %convert_element_type3A_62, %convert_element_type3A_20, %dot_general3A_103 {dimension_numbers = #tpu.dot_dimension_numbers<[1], [0], [0], [1], [0, 0, 1, 1], [], []>, transpose_lhs_hint = false} : vector<256x256xf32>, vector<256x16xf32>, vector<256x16xf32> -> vector<256x16xf32>
      %get3A_105 = arith.constant 1 : index
      %get3A_106 = arith.constant 0 : index
      %get3A_107 = vector.load %arg7[%get3A_105, %get3A_106] : memref<4x16xf32, #tpu.memory_space<vmem>>, vector<1x16xf32>
      %add3A_108 = vector.broadcast %get3A_107 : vector<1x16xf32> to vector<256x16xf32>
      %add3A_109 = arith.addf %dot_general3A_104, %add3A_108 : vector<256x16xf32>
      %get3A_110 = arith.constant 1 : index
      %get3A_111 = arith.constant 0 : index
      %get3A_112 = vector.load %arg8[%get3A_110, %get3A_111] : memref<4x16xf32, #tpu.memory_space<vmem>>, vector<1x16xf32>
      %add3A_113 = vector.broadcast %get3A_112 : vector<1x16xf32> to vector<256x16xf32>
      %add3A_114 = arith.addf %add3A_109, %add3A_113 : vector<256x16xf32>
      %mul3A_115 = arith.mulf %add3A_114, %convert_element_type3A_20 : vector<256x16xf32>
      %reduce_sum3A_116 = arith.constant dense<0.000000e+00> : vector<256xf32>
      %reduce_sum3A_117 = vector.multi_reduction <add>, %mul3A_115, %reduce_sum3A_116 [1] : vector<256x16xf32> to vector<256xf32>
      %broadcast_in_dim3A_118 = vector.shape_cast %reduce_sum3A_117 : vector<256xf32> to vector<256x1xf32>
      %get3A_119 = arith.constant 1 : index
      %get3A_120 = arith.constant 0 : index
      %get3A_121 = vector.load %arg7[%get3A_119, %get3A_120] : memref<4x16xf32, #tpu.memory_space<vmem>>, vector<1x16xf32>
      %reduce_sum3A_122 = arith.constant dense<0.000000e+00> : vector<16xf32>
      %reduce_sum3A_123 = vector.multi_reduction <add>, %convert_element_type3A_20, %reduce_sum3A_122 [0] : vector<256x16xf32> to vector<16xf32>
      %broadcast_in_dim3A_124 = vector.shape_cast %reduce_sum3A_123 : vector<16xf32> to vector<1x16xf32>
      %add3A_125 = arith.addf %get3A_121, %broadcast_in_dim3A_124 : vector<1x16xf32>
      %swap3A_126 = arith.constant 1 : index
      %swap3A_127 = arith.constant 0 : index
      %swap3A_128 = vector.load %arg7[%swap3A_126, %swap3A_127] : memref<4x16xf32, #tpu.memory_space<vmem>>, vector<1x16xf32>
      tpu.vector_store %arg7[%swap3A_126, %swap3A_127], %add3A_125 {strides = array<i32>} : memref<4x16xf32, #tpu.memory_space<vmem>>, vector<1x16xf32>,
      %convert_element_type3A_129 = arith.fptosi %broadcast_in_dim3A_118 : vector<256x1xf32> to vector<256x1xi32>
      %mul3A_130 = arith.mulf %convert_element_type3A_20, %convert_element_type3A_67 : vector<256x16xf32>
      %reduce_sum3A_131 = arith.constant dense<0.000000e+00> : vector<256xf32>
      %reduce_sum3A_132 = vector.multi_reduction <add>, %mul3A_130, %reduce_sum3A_131 [1] : vector<256x16xf32> to vector<256xf32>
      %broadcast_in_dim3A_133 = vector.shape_cast %reduce_sum3A_132 : vector<256xf32> to vector<256x1xf32>
      %convert_element_type3A_134 = arith.fptosi %broadcast_in_dim3A_133 : vector<256x1xf32> to vector<256x1xi32>
      %mul3A_135 = arith.constant 8 : i32
      %mul3A_136 = vector.broadcast %mul3A_135 : i32 to vector<256x1xi32>
      %mul3A_137 = arith.muli %add3A_65, %mul3A_136 : vector<256x1xi32>
      %min3A_138 = arith.constant 7 : i32
      %min3A_139 = vector.broadcast %min3A_138 : i32 to vector<256x1xi32>
      %min3A_140 = arith.minsi %convert_element_type3A_134, %min3A_139 : vector<256x1xi32>
      %add3A_141 = arith.addi %mul3A_137, %min3A_140 : vector<256x1xi32>
      %dot_general3A_142 = arith.constant dense<0.000000e+00> : vector<256x16xf32>
      %dot_general3A_143 = tpu.matmul %convert_element_type3A_62, %convert_element_type3A_32, %dot_general3A_142 {dimension_numbers = #tpu.dot_dimension_numbers<[1], [0], [0], [1], [0, 0, 1, 1], [], []>, transpose_lhs_hint = false} : vector<256x256xf32>, vector<256x16xf32>, vector<256x16xf32> -> vector<256x16xf32>
      %get3A_144 = arith.constant 2 : index
      %get3A_145 = arith.constant 0 : index
      %get3A_146 = vector.load %arg7[%get3A_144, %get3A_145] : memref<4x16xf32, #tpu.memory_space<vmem>>, vector<1x16xf32>
      %add3A_147 = vector.broadcast %get3A_146 : vector<1x16xf32> to vector<256x16xf32>
      %add3A_148 = arith.addf %dot_general3A_143, %add3A_147 : vector<256x16xf32>
      %get3A_149 = arith.constant 2 : index
      %get3A_150 = arith.constant 0 : index
      %get3A_151 = vector.load %arg8[%get3A_149, %get3A_150] : memref<4x16xf32, #tpu.memory_space<vmem>>, vector<1x16xf32>
      %add3A_152 = vector.broadcast %get3A_151 : vector<1x16xf32> to vector<256x16xf32>
      %add3A_153 = arith.addf %add3A_148, %add3A_152 : vector<256x16xf32>
      %mul3A_154 = arith.mulf %add3A_153, %convert_element_type3A_32 : vector<256x16xf32>
      %reduce_sum3A_155 = arith.constant dense<0.000000e+00> : vector<256xf32>
      %reduce_sum3A_156 = vector.multi_reduction <add>, %mul3A_154, %reduce_sum3A_155 [1] : vector<256x16xf32> to vector<256xf32>
      %broadcast_in_dim3A_157 = vector.shape_cast %reduce_sum3A_156 : vector<256xf32> to vector<256x1xf32>
      %get3A_158 = arith.constant 2 : index
      %get3A_159 = arith.constant 0 : index
      %get3A_160 = vector.load %arg7[%get3A_158, %get3A_159] : memref<4x16xf32, #tpu.memory_space<vmem>>, vector<1x16xf32>
      %reduce_sum3A_161 = arith.constant dense<0.000000e+00> : vector<16xf32>
      %reduce_sum3A_162 = vector.multi_reduction <add>, %convert_element_type3A_32, %reduce_sum3A_161 [0] : vector<256x16xf32> to vector<16xf32>
      %broadcast_in_dim3A_163 = vector.shape_cast %reduce_sum3A_162 : vector<16xf32> to vector<1x16xf32>
      %add3A_164 = arith.addf %get3A_160, %broadcast_in_dim3A_163 : vector<1x16xf32>
      %swap3A_165 = arith.constant 2 : index
      %swap3A_166 = arith.constant 0 : index
      %swap3A_167 = vector.load %arg7[%swap3A_165, %swap3A_166] : memref<4x16xf32, #tpu.memory_space<vmem>>, vector<1x16xf32>
      tpu.vector_store %arg7[%swap3A_165, %swap3A_166], %add3A_164 {strides = array<i32>} : memref<4x16xf32, #tpu.memory_space<vmem>>, vector<1x16xf32>,
      %convert_element_type3A_168 = arith.fptosi %broadcast_in_dim3A_157 : vector<256x1xf32> to vector<256x1xi32>
      %mul3A_169 = arith.mulf %convert_element_type3A_32, %convert_element_type3A_67 : vector<256x16xf32>
      %reduce_sum3A_170 = arith.constant dense<0.000000e+00> : vector<256xf32>
      %reduce_sum3A_171 = vector.multi_reduction <add>, %mul3A_169, %reduce_sum3A_170 [1] : vector<256x16xf32> to vector<256xf32>
      %broadcast_in_dim3A_172 = vector.shape_cast %reduce_sum3A_171 : vector<256xf32> to vector<256x1xf32>
      %convert_element_type3A_173 = arith.fptosi %broadcast_in_dim3A_172 : vector<256x1xf32> to vector<256x1xi32>
      %mul3A_174 = arith.constant 8 : i32
      %mul3A_175 = vector.broadcast %mul3A_174 : i32 to vector<256x1xi32>
      %mul3A_176 = arith.muli %add3A_65, %mul3A_175 : vector<256x1xi32>
      %min3A_177 = arith.constant 7 : i32
      %min3A_178 = vector.broadcast %min3A_177 : i32 to vector<256x1xi32>
      %min3A_179 = arith.minsi %convert_element_type3A_173, %min3A_178 : vector<256x1xi32>
      %add3A_180 = arith.addi %mul3A_176, %min3A_179 : vector<256x1xi32>
      %dot_general3A_181 = arith.constant dense<0.000000e+00> : vector<256x16xf32>
      %dot_general3A_182 = tpu.matmul %convert_element_type3A_62, %convert_element_type3A_44, %dot_general3A_181 {dimension_numbers = #tpu.dot_dimension_numbers<[1], [0], [0], [1], [0, 0, 1, 1], [], []>, transpose_lhs_hint = false} : vector<256x256xf32>, vector<256x16xf32>, vector<256x16xf32> -> vector<256x16xf32>
      %get3A_183 = arith.constant 3 : index
      %get3A_184 = arith.constant 0 : index
      %get3A_185 = vector.load %arg7[%get3A_183, %get3A_184] : memref<4x16xf32, #tpu.memory_space<vmem>>, vector<1x16xf32>
      %add3A_186 = vector.broadcast %get3A_185 : vector<1x16xf32> to vector<256x16xf32>
      %add3A_187 = arith.addf %dot_general3A_182, %add3A_186 : vector<256x16xf32>
      %get3A_188 = arith.constant 3 : index
      %get3A_189 = arith.constant 0 : index
      %get3A_190 = vector.load %arg8[%get3A_188, %get3A_189] : memref<4x16xf32, #tpu.memory_space<vmem>>, vector<1x16xf32>
      %add3A_191 = vector.broadcast %get3A_190 : vector<1x16xf32> to vector<256x16xf32>
      %add3A_192 = arith.addf %add3A_187, %add3A_191 : vector<256x16xf32>
      %mul3A_193 = arith.mulf %add3A_192, %convert_element_type3A_44 : vector<256x16xf32>
      %reduce_sum3A_194 = arith.constant dense<0.000000e+00> : vector<256xf32>
      %reduce_sum3A_195 = vector.multi_reduction <add>, %mul3A_193, %reduce_sum3A_194 [1] : vector<256x16xf32> to vector<256xf32>
      %broadcast_in_dim3A_196 = vector.shape_cast %reduce_sum3A_195 : vector<256xf32> to vector<256x1xf32>
      %get3A_197 = arith.constant 3 : index
      %get3A_198 = arith.constant 0 : index
      %get3A_199 = vector.load %arg7[%get3A_197, %get3A_198] : memref<4x16xf32, #tpu.memory_space<vmem>>, vector<1x16xf32>
      %reduce_sum3A_200 = arith.constant dense<0.000000e+00> : vector<16xf32>
      %reduce_sum3A_201 = vector.multi_reduction <add>, %convert_element_type3A_44, %reduce_sum3A_200 [0] : vector<256x16xf32> to vector<16xf32>
      %broadcast_in_dim3A_202 = vector.shape_cast %reduce_sum3A_201 : vector<16xf32> to vector<1x16xf32>
      %add3A_203 = arith.addf %get3A_199, %broadcast_in_dim3A_202 : vector<1x16xf32>
      %swap3A_204 = arith.constant 3 : index
      %swap3A_205 = arith.constant 0 : index
      %swap3A_206 = vector.load %arg7[%swap3A_204, %swap3A_205] : memref<4x16xf32, #tpu.memory_space<vmem>>, vector<1x16xf32>
      tpu.vector_store %arg7[%swap3A_204, %swap3A_205], %add3A_203 {strides = array<i32>} : memref<4x16xf32, #tpu.memory_space<vmem>>, vector<1x16xf32>,
      %convert_element_type3A_207 = arith.fptosi %broadcast_in_dim3A_196 : vector<256x1xf32> to vector<256x1xi32>
      %mul3A_208 = arith.mulf %convert_element_type3A_44, %convert_element_type3A_67 : vector<256x16xf32>
      %reduce_sum3A_209 = arith.constant dense<0.000000e+00> : vector<256xf32>
      %reduce_sum3A_210 = vector.multi_reduction <add>, %mul3A_208, %reduce_sum3A_209 [1] : vector<256x16xf32> to vector<256xf32>
      %broadcast_in_dim3A_211 = vector.shape_cast %reduce_sum3A_210 : vector<256xf32> to vector<256x1xf32>
      %convert_element_type3A_212 = arith.fptosi %broadcast_in_dim3A_211 : vector<256x1xf32> to vector<256x1xi32>
      %mul3A_213 = arith.constant 8 : i32
      %mul3A_214 = vector.broadcast %mul3A_213 : i32 to vector<256x1xi32>
      %mul3A_215 = arith.muli %add3A_65, %mul3A_214 : vector<256x1xi32>
      %min3A_216 = arith.constant 7 : i32
      %min3A_217 = vector.broadcast %min3A_216 : i32 to vector<256x1xi32>
      %min3A_218 = arith.minsi %convert_element_type3A_212, %min3A_217 : vector<256x1xi32>
      %add3A_219 = arith.addi %mul3A_215, %min3A_218 : vector<256x1xi32>
      %concatenate3A = tpu.concatenate %convert_element_type3A_91, %convert_element_type3A_129, %convert_element_type3A_168, %convert_element_type3A_207 in 1 : vector<256x1xi32>, vector<256x1xi32>, vector<256x1xi32>, vector<256x1xi32> -> vector<256x4xi32>
      %swap3A_220 = arith.constant 0 : index
      %swap3A_221 = arith.constant 0 : index
      %swap3A_222 = vector.load %arg3[%swap3A_220, %swap3A_221] : memref<256x4xi32, #tpu.memory_space<vmem>>, vector<256x4xi32>
      tpu.vector_store %arg3[%swap3A_220, %swap3A_221], %concatenate3A {strides = array<i32>} : memref<256x4xi32, #tpu.memory_space<vmem>>, vector<256x4xi32>,
      %concatenate3A_223 = tpu.concatenate %add3A_102, %add3A_141, %add3A_180, %add3A_219 in 1 : vector<256x1xi32>, vector<256x1xi32>, vector<256x1xi32>, vector<256x1xi32> -> vector<256x4xi32>
      %swap3A_224 = arith.constant 0 : index
      %swap3A_225 = arith.constant 0 : index
      %swap3A_226 = vector.load %arg4[%swap3A_224, %swap3A_225] : memref<256x4xi32, #tpu.memory_space<vmem>>, vector<256x4xi32>
      tpu.vector_store %arg4[%swap3A_224, %swap3A_225], %concatenate3A_223 {strides = array<i32>} : memref<256x4xi32, #tpu.memory_space<vmem>>, vector<256x4xi32>,
    } else {
    }
    return
  }
  func.func @transform_0(%arg0: i32, %arg1: i32) -> (i32, i32) {
    %c0_i32 = arith.constant 0 : i32
    %c0_i32_0 = arith.constant 0 : i32
    return %arg1, %c0_i32 : i32, i32
  }
  func.func @transform_1(%arg0: i32, %arg1: i32) -> (i32, i32) {
    %c0_i32 = arith.constant 0 : i32
    %c0_i32_0 = arith.constant 0 : i32
    return %arg1, %c0_i32 : i32, i32
  }
  func.func @transform_2(%arg0: i32, %arg1: i32) -> (i32, i32) {
    %c0_i32 = arith.constant 0 : i32
    %c0_i32_0 = arith.constant 0 : i32
    return %arg1, %c0_i32 : i32, i32
  }
  func.func @transform_3(%arg0: i32, %arg1: i32) -> (i32, i32) {
    %c0_i32 = arith.constant 0 : i32
    %c0_i32_0 = arith.constant 0 : i32
    %c0_i32_1 = arith.constant 0 : i32
    return %c0_i32, %c0_i32_0 : i32, i32
  }
}

module attributes {stable_mosaic.version = 14 : i64} {
  func.func @_proj_body(%arg0: i32, %arg1: memref<256x1024xf32, #tpu.memory_space<vmem>>, %arg2: memref<1024x1024xf32, #tpu.memory_space<vmem>>, %arg3: memref<1x1024xf32, #tpu.memory_space<vmem>>, %arg4: memref<8x1024x256xbf16, #tpu.memory_space<vmem>>, %arg5: memref<1024x36xf32, #tpu.memory_space<vmem>>, %arg6: memref<256x1024xf32, #tpu.memory_space<vmem>>, %arg7: memref<256x4xi32, #tpu.memory_space<vmem>>, %arg8: memref<256x8x256xf32, #tpu.memory_space<vmem>>) attributes {dimension_semantics = [#tpu.dimension_semantics<arbitrary>], iteration_bounds = array<i64: 8>, scalar_prefetch = 0 : i64, scratch_operands = 0 : i64, tpu.core_type = #tpu.core_type<tc>, window_params = [{transform_indices = @transform_0, window_bounds = array<i64: 256, 1024>}, {pipeline_mode = #tpu.pipeline_mode<synchronous>, transform_indices = @transform_1, window_bounds = array<i64: 1024, 1024>}, {pipeline_mode = #tpu.pipeline_mode<synchronous>, transform_indices = @transform_2, window_bounds = array<i64: 1, 1024>}, {pipeline_mode = #tpu.pipeline_mode<synchronous>, transform_indices = @transform_3, window_bounds = array<i64: 8, 1024, 256>}, {pipeline_mode = #tpu.pipeline_mode<synchronous>, transform_indices = @transform_4, window_bounds = array<i64: 1024, 36>}, {transform_indices = @transform_5, window_bounds = array<i64: 256, 1024>}, {transform_indices = @transform_6, window_bounds = array<i64: 256, 4>}, {transform_indices = @transform_7, window_bounds = array<i64: 256, 8, 256>}]} {
    %get3A = arith.constant 0 : index
    %get3A_0 = arith.constant 0 : index
    %get3A_1 = vector.load %arg1[%get3A, %get3A_0] : memref<256x1024xf32, #tpu.memory_space<vmem>>, vector<256x1024xf32>
    %get3A_2 = arith.constant 0 : index
    %get3A_3 = arith.constant 0 : index
    %get3A_4 = vector.load %arg2[%get3A_2, %get3A_3] : memref<1024x1024xf32, #tpu.memory_space<vmem>>, vector<1024x1024xf32>
    %dot_general3A = arith.constant dense<0.000000e+00> : vector<256x1024xf32>
    %dot_general3A_5 = tpu.matmul %get3A_1, %get3A_4, %dot_general3A {dimension_numbers = #tpu.dot_dimension_numbers<[1], [0], [0], [1], [0, 0, 1, 1], [], []>, transpose_lhs_hint = false} : vector<256x1024xf32>, vector<1024x1024xf32>, vector<256x1024xf32> -> vector<256x1024xf32>
    %get3A_6 = arith.constant 0 : index
    %get3A_7 = arith.constant 0 : index
    %get3A_8 = vector.load %arg3[%get3A_6, %get3A_7] : memref<1x1024xf32, #tpu.memory_space<vmem>>, vector<1x1024xf32>
    %add3A = vector.broadcast %get3A_8 : vector<1x1024xf32> to vector<256x1024xf32>
    %add3A_9 = arith.addf %dot_general3A_5, %add3A : vector<256x1024xf32>
    %swap3A = arith.constant 0 : index
    %swap3A_10 = arith.constant 0 : index
    %swap3A_11 = vector.load %arg6[%swap3A, %swap3A_10] : memref<256x1024xf32, #tpu.memory_space<vmem>>, vector<256x1024xf32>
    tpu.vector_store %arg6[%swap3A, %swap3A_10], %add3A_9 {strides = array<i32>} : memref<256x1024xf32, #tpu.memory_space<vmem>>, vector<256x1024xf32>,
    %convert_element_type3A = arith.truncf %add3A_9 : vector<256x1024xf32> to vector<256x1024xbf16>
    %get3A_12 = arith.constant 0 : index
    %get3A_13 = arith.constant 0 : index
    %get3A_14 = arith.constant 0 : index
    %get3A_15 = vector.load %arg4[%get3A_12, %get3A_13, %get3A_14] : memref<8x1024x256xbf16, #tpu.memory_space<vmem>>, vector<1x1024x256xbf16>
    %get3A_16 = vector.shape_cast %get3A_15 : vector<1x1024x256xbf16> to vector<1024x256xbf16>
    %dot_general3A_17 = arith.constant dense<0.000000e+00> : vector<256x256xf32>
    %dot_general3A_18 = tpu.matmul %convert_element_type3A, %get3A_16, %dot_general3A_17 {dimension_numbers = #tpu.dot_dimension_numbers<[1], [0], [0], [1], [0, 0, 1, 1], [], []>, transpose_lhs_hint = false} : vector<256x1024xbf16>, vector<1024x256xbf16>, vector<256x256xf32> -> vector<256x256xf32>
    %tanh3A = math.tanh %dot_general3A_18 : vector<256x256xf32>
    %swap3A_19 = arith.constant 0 : index
    %swap3A_20 = arith.constant 0 : index
    %swap3A_21 = arith.constant 0 : index
    %swap3A_22 = vector.load %arg8[%swap3A_19, %swap3A_20, %swap3A_21] : memref<256x8x256xf32, #tpu.memory_space<vmem>>, vector<256x1x256xf32>
    %swap3A_23 = vector.shape_cast %swap3A_22 : vector<256x1x256xf32> to vector<256x256xf32>
    %swap3A_24 = vector.shape_cast %tanh3A : vector<256x256xf32> to vector<256x1x256xf32>
    tpu.vector_store %arg8[%swap3A_19, %swap3A_20, %swap3A_21], %swap3A_24 {strides = array<i32>} : memref<256x8x256xf32, #tpu.memory_space<vmem>>, vector<256x1x256xf32>,
    %get3A_25 = arith.constant 1 : index
    %get3A_26 = arith.constant 0 : index
    %get3A_27 = arith.constant 0 : index
    %get3A_28 = vector.load %arg4[%get3A_25, %get3A_26, %get3A_27] : memref<8x1024x256xbf16, #tpu.memory_space<vmem>>, vector<1x1024x256xbf16>
    %get3A_29 = vector.shape_cast %get3A_28 : vector<1x1024x256xbf16> to vector<1024x256xbf16>
    %dot_general3A_30 = arith.constant dense<0.000000e+00> : vector<256x256xf32>
    %dot_general3A_31 = tpu.matmul %convert_element_type3A, %get3A_29, %dot_general3A_30 {dimension_numbers = #tpu.dot_dimension_numbers<[1], [0], [0], [1], [0, 0, 1, 1], [], []>, transpose_lhs_hint = false} : vector<256x1024xbf16>, vector<1024x256xbf16>, vector<256x256xf32> -> vector<256x256xf32>
    %tanh3A_32 = math.tanh %dot_general3A_31 : vector<256x256xf32>
    %swap3A_33 = arith.constant 0 : index
    %swap3A_34 = arith.constant 1 : index
    %swap3A_35 = arith.constant 0 : index
    %swap3A_36 = vector.load %arg8[%swap3A_33, %swap3A_34, %swap3A_35] : memref<256x8x256xf32, #tpu.memory_space<vmem>>, vector<256x1x256xf32>
    %swap3A_37 = vector.shape_cast %swap3A_36 : vector<256x1x256xf32> to vector<256x256xf32>
    %swap3A_38 = vector.shape_cast %tanh3A_32 : vector<256x256xf32> to vector<256x1x256xf32>
    tpu.vector_store %arg8[%swap3A_33, %swap3A_34, %swap3A_35], %swap3A_38 {strides = array<i32>} : memref<256x8x256xf32, #tpu.memory_space<vmem>>, vector<256x1x256xf32>,
    %get3A_39 = arith.constant 2 : index
    %get3A_40 = arith.constant 0 : index
    %get3A_41 = arith.constant 0 : index
    %get3A_42 = vector.load %arg4[%get3A_39, %get3A_40, %get3A_41] : memref<8x1024x256xbf16, #tpu.memory_space<vmem>>, vector<1x1024x256xbf16>
    %get3A_43 = vector.shape_cast %get3A_42 : vector<1x1024x256xbf16> to vector<1024x256xbf16>
    %dot_general3A_44 = arith.constant dense<0.000000e+00> : vector<256x256xf32>
    %dot_general3A_45 = tpu.matmul %convert_element_type3A, %get3A_43, %dot_general3A_44 {dimension_numbers = #tpu.dot_dimension_numbers<[1], [0], [0], [1], [0, 0, 1, 1], [], []>, transpose_lhs_hint = false} : vector<256x1024xbf16>, vector<1024x256xbf16>, vector<256x256xf32> -> vector<256x256xf32>
    %tanh3A_46 = math.tanh %dot_general3A_45 : vector<256x256xf32>
    %swap3A_47 = arith.constant 0 : index
    %swap3A_48 = arith.constant 2 : index
    %swap3A_49 = arith.constant 0 : index
    %swap3A_50 = vector.load %arg8[%swap3A_47, %swap3A_48, %swap3A_49] : memref<256x8x256xf32, #tpu.memory_space<vmem>>, vector<256x1x256xf32>
    %swap3A_51 = vector.shape_cast %swap3A_50 : vector<256x1x256xf32> to vector<256x256xf32>
    %swap3A_52 = vector.shape_cast %tanh3A_46 : vector<256x256xf32> to vector<256x1x256xf32>
    tpu.vector_store %arg8[%swap3A_47, %swap3A_48, %swap3A_49], %swap3A_52 {strides = array<i32>} : memref<256x8x256xf32, #tpu.memory_space<vmem>>, vector<256x1x256xf32>,
    %get3A_53 = arith.constant 3 : index
    %get3A_54 = arith.constant 0 : index
    %get3A_55 = arith.constant 0 : index
    %get3A_56 = vector.load %arg4[%get3A_53, %get3A_54, %get3A_55] : memref<8x1024x256xbf16, #tpu.memory_space<vmem>>, vector<1x1024x256xbf16>
    %get3A_57 = vector.shape_cast %get3A_56 : vector<1x1024x256xbf16> to vector<1024x256xbf16>
    %dot_general3A_58 = arith.constant dense<0.000000e+00> : vector<256x256xf32>
    %dot_general3A_59 = tpu.matmul %convert_element_type3A, %get3A_57, %dot_general3A_58 {dimension_numbers = #tpu.dot_dimension_numbers<[1], [0], [0], [1], [0, 0, 1, 1], [], []>, transpose_lhs_hint = false} : vector<256x1024xbf16>, vector<1024x256xbf16>, vector<256x256xf32> -> vector<256x256xf32>
    %tanh3A_60 = math.tanh %dot_general3A_59 : vector<256x256xf32>
    %swap3A_61 = arith.constant 0 : index
    %swap3A_62 = arith.constant 3 : index
    %swap3A_63 = arith.constant 0 : index
    %swap3A_64 = vector.load %arg8[%swap3A_61, %swap3A_62, %swap3A_63] : memref<256x8x256xf32, #tpu.memory_space<vmem>>, vector<256x1x256xf32>
    %swap3A_65 = vector.shape_cast %swap3A_64 : vector<256x1x256xf32> to vector<256x256xf32>
    %swap3A_66 = vector.shape_cast %tanh3A_60 : vector<256x256xf32> to vector<256x1x256xf32>
    tpu.vector_store %arg8[%swap3A_61, %swap3A_62, %swap3A_63], %swap3A_66 {strides = array<i32>} : memref<256x8x256xf32, #tpu.memory_space<vmem>>, vector<256x1x256xf32>,
    %get3A_67 = arith.constant 4 : index
    %get3A_68 = arith.constant 0 : index
    %get3A_69 = arith.constant 0 : index
    %get3A_70 = vector.load %arg4[%get3A_67, %get3A_68, %get3A_69] : memref<8x1024x256xbf16, #tpu.memory_space<vmem>>, vector<1x1024x256xbf16>
    %get3A_71 = vector.shape_cast %get3A_70 : vector<1x1024x256xbf16> to vector<1024x256xbf16>
    %dot_general3A_72 = arith.constant dense<0.000000e+00> : vector<256x256xf32>
    %dot_general3A_73 = tpu.matmul %convert_element_type3A, %get3A_71, %dot_general3A_72 {dimension_numbers = #tpu.dot_dimension_numbers<[1], [0], [0], [1], [0, 0, 1, 1], [], []>, transpose_lhs_hint = false} : vector<256x1024xbf16>, vector<1024x256xbf16>, vector<256x256xf32> -> vector<256x256xf32>
    %tanh3A_74 = math.tanh %dot_general3A_73 : vector<256x256xf32>
    %swap3A_75 = arith.constant 0 : index
    %swap3A_76 = arith.constant 4 : index
    %swap3A_77 = arith.constant 0 : index
    %swap3A_78 = vector.load %arg8[%swap3A_75, %swap3A_76, %swap3A_77] : memref<256x8x256xf32, #tpu.memory_space<vmem>>, vector<256x1x256xf32>
    %swap3A_79 = vector.shape_cast %swap3A_78 : vector<256x1x256xf32> to vector<256x256xf32>
    %swap3A_80 = vector.shape_cast %tanh3A_74 : vector<256x256xf32> to vector<256x1x256xf32>
    tpu.vector_store %arg8[%swap3A_75, %swap3A_76, %swap3A_77], %swap3A_80 {strides = array<i32>} : memref<256x8x256xf32, #tpu.memory_space<vmem>>, vector<256x1x256xf32>,
    %get3A_81 = arith.constant 5 : index
    %get3A_82 = arith.constant 0 : index
    %get3A_83 = arith.constant 0 : index
    %get3A_84 = vector.load %arg4[%get3A_81, %get3A_82, %get3A_83] : memref<8x1024x256xbf16, #tpu.memory_space<vmem>>, vector<1x1024x256xbf16>
    %get3A_85 = vector.shape_cast %get3A_84 : vector<1x1024x256xbf16> to vector<1024x256xbf16>
    %dot_general3A_86 = arith.constant dense<0.000000e+00> : vector<256x256xf32>
    %dot_general3A_87 = tpu.matmul %convert_element_type3A, %get3A_85, %dot_general3A_86 {dimension_numbers = #tpu.dot_dimension_numbers<[1], [0], [0], [1], [0, 0, 1, 1], [], []>, transpose_lhs_hint = false} : vector<256x1024xbf16>, vector<1024x256xbf16>, vector<256x256xf32> -> vector<256x256xf32>
    %tanh3A_88 = math.tanh %dot_general3A_87 : vector<256x256xf32>
    %swap3A_89 = arith.constant 0 : index
    %swap3A_90 = arith.constant 5 : index
    %swap3A_91 = arith.constant 0 : index
    %swap3A_92 = vector.load %arg8[%swap3A_89, %swap3A_90, %swap3A_91] : memref<256x8x256xf32, #tpu.memory_space<vmem>>, vector<256x1x256xf32>
    %swap3A_93 = vector.shape_cast %swap3A_92 : vector<256x1x256xf32> to vector<256x256xf32>
    %swap3A_94 = vector.shape_cast %tanh3A_88 : vector<256x256xf32> to vector<256x1x256xf32>
    tpu.vector_store %arg8[%swap3A_89, %swap3A_90, %swap3A_91], %swap3A_94 {strides = array<i32>} : memref<256x8x256xf32, #tpu.memory_space<vmem>>, vector<256x1x256xf32>,
    %get3A_95 = arith.constant 6 : index
    %get3A_96 = arith.constant 0 : index
    %get3A_97 = arith.constant 0 : index
    %get3A_98 = vector.load %arg4[%get3A_95, %get3A_96, %get3A_97] : memref<8x1024x256xbf16, #tpu.memory_space<vmem>>, vector<1x1024x256xbf16>
    %get3A_99 = vector.shape_cast %get3A_98 : vector<1x1024x256xbf16> to vector<1024x256xbf16>
    %dot_general3A_100 = arith.constant dense<0.000000e+00> : vector<256x256xf32>
    %dot_general3A_101 = tpu.matmul %convert_element_type3A, %get3A_99, %dot_general3A_100 {dimension_numbers = #tpu.dot_dimension_numbers<[1], [0], [0], [1], [0, 0, 1, 1], [], []>, transpose_lhs_hint = false} : vector<256x1024xbf16>, vector<1024x256xbf16>, vector<256x256xf32> -> vector<256x256xf32>
    %tanh3A_102 = math.tanh %dot_general3A_101 : vector<256x256xf32>
    %swap3A_103 = arith.constant 0 : index
    %swap3A_104 = arith.constant 6 : index
    %swap3A_105 = arith.constant 0 : index
    %swap3A_106 = vector.load %arg8[%swap3A_103, %swap3A_104, %swap3A_105] : memref<256x8x256xf32, #tpu.memory_space<vmem>>, vector<256x1x256xf32>
    %swap3A_107 = vector.shape_cast %swap3A_106 : vector<256x1x256xf32> to vector<256x256xf32>
    %swap3A_108 = vector.shape_cast %tanh3A_102 : vector<256x256xf32> to vector<256x1x256xf32>
    tpu.vector_store %arg8[%swap3A_103, %swap3A_104, %swap3A_105], %swap3A_108 {strides = array<i32>} : memref<256x8x256xf32, #tpu.memory_space<vmem>>, vector<256x1x256xf32>,
    %get3A_109 = arith.constant 7 : index
    %get3A_110 = arith.constant 0 : index
    %get3A_111 = arith.constant 0 : index
    %get3A_112 = vector.load %arg4[%get3A_109, %get3A_110, %get3A_111] : memref<8x1024x256xbf16, #tpu.memory_space<vmem>>, vector<1x1024x256xbf16>
    %get3A_113 = vector.shape_cast %get3A_112 : vector<1x1024x256xbf16> to vector<1024x256xbf16>
    %dot_general3A_114 = arith.constant dense<0.000000e+00> : vector<256x256xf32>
    %dot_general3A_115 = tpu.matmul %convert_element_type3A, %get3A_113, %dot_general3A_114 {dimension_numbers = #tpu.dot_dimension_numbers<[1], [0], [0], [1], [0, 0, 1, 1], [], []>, transpose_lhs_hint = false} : vector<256x1024xbf16>, vector<1024x256xbf16>, vector<256x256xf32> -> vector<256x256xf32>
    %tanh3A_116 = math.tanh %dot_general3A_115 : vector<256x256xf32>
    %swap3A_117 = arith.constant 0 : index
    %swap3A_118 = arith.constant 7 : index
    %swap3A_119 = arith.constant 0 : index
    %swap3A_120 = vector.load %arg8[%swap3A_117, %swap3A_118, %swap3A_119] : memref<256x8x256xf32, #tpu.memory_space<vmem>>, vector<256x1x256xf32>
    %swap3A_121 = vector.shape_cast %swap3A_120 : vector<256x1x256xf32> to vector<256x256xf32>
    %swap3A_122 = vector.shape_cast %tanh3A_116 : vector<256x256xf32> to vector<256x1x256xf32>
    tpu.vector_store %arg8[%swap3A_117, %swap3A_118, %swap3A_119], %swap3A_122 {strides = array<i32>} : memref<256x8x256xf32, #tpu.memory_space<vmem>>, vector<256x1x256xf32>,
    %get3A_123 = arith.constant 0 : index
    %get3A_124 = arith.constant 0 : index
    %get3A_125 = vector.load %arg5[%get3A_123, %get3A_124] : memref<1024x36xf32, #tpu.memory_space<vmem>>, vector<1024x36xf32>
    %dot_general3A_126 = arith.constant dense<0.000000e+00> : vector<256x36xf32>
    %dot_general3A_127 = tpu.matmul %add3A_9, %get3A_125, %dot_general3A_126 {dimension_numbers = #tpu.dot_dimension_numbers<[1], [0], [0], [1], [0, 0, 1, 1], [], []>, transpose_lhs_hint = false} : vector<256x1024xf32>, vector<1024x36xf32>, vector<256x36xf32> -> vector<256x36xf32>
    %slice3A = vector.extract_strided_slice %dot_general3A_127 {offsets = [0, 0], sizes = [256, 9], strides = [1, 1]} : vector<256x36xf32> to vector<256x9xf32>
    %slice3A_128 = vector.extract_strided_slice %slice3A {offsets = [0, 0], sizes = [256, 1], strides = [1, 1]} : vector<256x9xf32> to vector<256x1xf32>
    %broadcast_in_dim3A = arith.constant 0 : i32
    %broadcast_in_dim3A_129 = vector.broadcast %broadcast_in_dim3A : i32 to vector<256x1xi32>
    %slice3A_130 = vector.extract_strided_slice %slice3A {offsets = [0, 1], sizes = [256, 1], strides = [1, 1]} : vector<256x9xf32> to vector<256x1xf32>
    %gt3A = arith.cmpf ogt, %slice3A_130, %slice3A_128 : vector<256x1xf32>
    %jit3A = arith.constant 1 : i32
    %broadcast_in_dim3A_131 = vector.broadcast %jit3A : i32 to vector<256x1xi32>
    %select_n3A = arith.select %gt3A, %broadcast_in_dim3A_131, %broadcast_in_dim3A_129 : vector<256x1xi1>, vector<256x1xi32>
    %slice3A_132 = vector.extract_strided_slice %slice3A {offsets = [0, 1], sizes = [256, 1], strides = [1, 1]} : vector<256x9xf32> to vector<256x1xf32>
    %max3A = arith.maximumf %slice3A_128, %slice3A_132 : vector<256x1xf32>
    %slice3A_133 = vector.extract_strided_slice %slice3A {offsets = [0, 2], sizes = [256, 1], strides = [1, 1]} : vector<256x9xf32> to vector<256x1xf32>
    %gt3A_134 = arith.cmpf ogt, %slice3A_133, %max3A : vector<256x1xf32>
    %jit3A_135 = arith.constant 2 : i32
    %broadcast_in_dim3A_136 = vector.broadcast %jit3A_135 : i32 to vector<256x1xi32>
    %select_n3A_137 = arith.select %gt3A_134, %broadcast_in_dim3A_136, %select_n3A : vector<256x1xi1>, vector<256x1xi32>
    %slice3A_138 = vector.extract_strided_slice %slice3A {offsets = [0, 2], sizes = [256, 1], strides = [1, 1]} : vector<256x9xf32> to vector<256x1xf32>
    %max3A_139 = arith.maximumf %max3A, %slice3A_138 : vector<256x1xf32>
    %slice3A_140 = vector.extract_strided_slice %slice3A {offsets = [0, 3], sizes = [256, 1], strides = [1, 1]} : vector<256x9xf32> to vector<256x1xf32>
    %gt3A_141 = arith.cmpf ogt, %slice3A_140, %max3A_139 : vector<256x1xf32>
    %jit3A_142 = arith.constant 3 : i32
    %broadcast_in_dim3A_143 = vector.broadcast %jit3A_142 : i32 to vector<256x1xi32>
    %select_n3A_144 = arith.select %gt3A_141, %broadcast_in_dim3A_143, %select_n3A_137 : vector<256x1xi1>, vector<256x1xi32>
    %slice3A_145 = vector.extract_strided_slice %slice3A {offsets = [0, 3], sizes = [256, 1], strides = [1, 1]} : vector<256x9xf32> to vector<256x1xf32>
    %max3A_146 = arith.maximumf %max3A_139, %slice3A_145 : vector<256x1xf32>
    %slice3A_147 = vector.extract_strided_slice %slice3A {offsets = [0, 4], sizes = [256, 1], strides = [1, 1]} : vector<256x9xf32> to vector<256x1xf32>
    %gt3A_148 = arith.cmpf ogt, %slice3A_147, %max3A_146 : vector<256x1xf32>
    %jit3A_149 = arith.constant 4 : i32
    %broadcast_in_dim3A_150 = vector.broadcast %jit3A_149 : i32 to vector<256x1xi32>
    %select_n3A_151 = arith.select %gt3A_148, %broadcast_in_dim3A_150, %select_n3A_144 : vector<256x1xi1>, vector<256x1xi32>
    %slice3A_152 = vector.extract_strided_slice %slice3A {offsets = [0, 4], sizes = [256, 1], strides = [1, 1]} : vector<256x9xf32> to vector<256x1xf32>
    %max3A_153 = arith.maximumf %max3A_146, %slice3A_152 : vector<256x1xf32>
    %slice3A_154 = vector.extract_strided_slice %slice3A {offsets = [0, 5], sizes = [256, 1], strides = [1, 1]} : vector<256x9xf32> to vector<256x1xf32>
    %gt3A_155 = arith.cmpf ogt, %slice3A_154, %max3A_153 : vector<256x1xf32>
    %jit3A_156 = arith.constant 5 : i32
    %broadcast_in_dim3A_157 = vector.broadcast %jit3A_156 : i32 to vector<256x1xi32>
    %select_n3A_158 = arith.select %gt3A_155, %broadcast_in_dim3A_157, %select_n3A_151 : vector<256x1xi1>, vector<256x1xi32>
    %slice3A_159 = vector.extract_strided_slice %slice3A {offsets = [0, 5], sizes = [256, 1], strides = [1, 1]} : vector<256x9xf32> to vector<256x1xf32>
    %max3A_160 = arith.maximumf %max3A_153, %slice3A_159 : vector<256x1xf32>
    %slice3A_161 = vector.extract_strided_slice %slice3A {offsets = [0, 6], sizes = [256, 1], strides = [1, 1]} : vector<256x9xf32> to vector<256x1xf32>
    %gt3A_162 = arith.cmpf ogt, %slice3A_161, %max3A_160 : vector<256x1xf32>
    %jit3A_163 = arith.constant 6 : i32
    %broadcast_in_dim3A_164 = vector.broadcast %jit3A_163 : i32 to vector<256x1xi32>
    %select_n3A_165 = arith.select %gt3A_162, %broadcast_in_dim3A_164, %select_n3A_158 : vector<256x1xi1>, vector<256x1xi32>
    %slice3A_166 = vector.extract_strided_slice %slice3A {offsets = [0, 6], sizes = [256, 1], strides = [1, 1]} : vector<256x9xf32> to vector<256x1xf32>
    %max3A_167 = arith.maximumf %max3A_160, %slice3A_166 : vector<256x1xf32>
    %slice3A_168 = vector.extract_strided_slice %slice3A {offsets = [0, 7], sizes = [256, 1], strides = [1, 1]} : vector<256x9xf32> to vector<256x1xf32>
    %gt3A_169 = arith.cmpf ogt, %slice3A_168, %max3A_167 : vector<256x1xf32>
    %jit3A_170 = arith.constant 7 : i32
    %broadcast_in_dim3A_171 = vector.broadcast %jit3A_170 : i32 to vector<256x1xi32>
    %select_n3A_172 = arith.select %gt3A_169, %broadcast_in_dim3A_171, %select_n3A_165 : vector<256x1xi1>, vector<256x1xi32>
    %slice3A_173 = vector.extract_strided_slice %slice3A {offsets = [0, 7], sizes = [256, 1], strides = [1, 1]} : vector<256x9xf32> to vector<256x1xf32>
    %max3A_174 = arith.maximumf %max3A_167, %slice3A_173 : vector<256x1xf32>
    %slice3A_175 = vector.extract_strided_slice %slice3A {offsets = [0, 8], sizes = [256, 1], strides = [1, 1]} : vector<256x9xf32> to vector<256x1xf32>
    %gt3A_176 = arith.cmpf ogt, %slice3A_175, %max3A_174 : vector<256x1xf32>
    %jit3A_177 = arith.constant 8 : i32
    %broadcast_in_dim3A_178 = vector.broadcast %jit3A_177 : i32 to vector<256x1xi32>
    %select_n3A_179 = arith.select %gt3A_176, %broadcast_in_dim3A_178, %select_n3A_172 : vector<256x1xi1>, vector<256x1xi32>
    %slice3A_180 = vector.extract_strided_slice %dot_general3A_127 {offsets = [0, 9], sizes = [256, 9], strides = [1, 1]} : vector<256x36xf32> to vector<256x9xf32>
    %slice3A_181 = vector.extract_strided_slice %slice3A_180 {offsets = [0, 0], sizes = [256, 1], strides = [1, 1]} : vector<256x9xf32> to vector<256x1xf32>
    %broadcast_in_dim3A_182 = arith.constant 0 : i32
    %broadcast_in_dim3A_183 = vector.broadcast %broadcast_in_dim3A_182 : i32 to vector<256x1xi32>
    %slice3A_184 = vector.extract_strided_slice %slice3A_180 {offsets = [0, 1], sizes = [256, 1], strides = [1, 1]} : vector<256x9xf32> to vector<256x1xf32>
    %gt3A_185 = arith.cmpf ogt, %slice3A_184, %slice3A_181 : vector<256x1xf32>
    %jit3A_186 = arith.constant 1 : i32
    %broadcast_in_dim3A_187 = vector.broadcast %jit3A_186 : i32 to vector<256x1xi32>
    %select_n3A_188 = arith.select %gt3A_185, %broadcast_in_dim3A_187, %broadcast_in_dim3A_183 : vector<256x1xi1>, vector<256x1xi32>
    %slice3A_189 = vector.extract_strided_slice %slice3A_180 {offsets = [0, 1], sizes = [256, 1], strides = [1, 1]} : vector<256x9xf32> to vector<256x1xf32>
    %max3A_190 = arith.maximumf %slice3A_181, %slice3A_189 : vector<256x1xf32>
    %slice3A_191 = vector.extract_strided_slice %slice3A_180 {offsets = [0, 2], sizes = [256, 1], strides = [1, 1]} : vector<256x9xf32> to vector<256x1xf32>
    %gt3A_192 = arith.cmpf ogt, %slice3A_191, %max3A_190 : vector<256x1xf32>
    %jit3A_193 = arith.constant 2 : i32
    %broadcast_in_dim3A_194 = vector.broadcast %jit3A_193 : i32 to vector<256x1xi32>
    %select_n3A_195 = arith.select %gt3A_192, %broadcast_in_dim3A_194, %select_n3A_188 : vector<256x1xi1>, vector<256x1xi32>
    %slice3A_196 = vector.extract_strided_slice %slice3A_180 {offsets = [0, 2], sizes = [256, 1], strides = [1, 1]} : vector<256x9xf32> to vector<256x1xf32>
    %max3A_197 = arith.maximumf %max3A_190, %slice3A_196 : vector<256x1xf32>
    %slice3A_198 = vector.extract_strided_slice %slice3A_180 {offsets = [0, 3], sizes = [256, 1], strides = [1, 1]} : vector<256x9xf32> to vector<256x1xf32>
    %gt3A_199 = arith.cmpf ogt, %slice3A_198, %max3A_197 : vector<256x1xf32>
    %jit3A_200 = arith.constant 3 : i32
    %broadcast_in_dim3A_201 = vector.broadcast %jit3A_200 : i32 to vector<256x1xi32>
    %select_n3A_202 = arith.select %gt3A_199, %broadcast_in_dim3A_201, %select_n3A_195 : vector<256x1xi1>, vector<256x1xi32>
    %slice3A_203 = vector.extract_strided_slice %slice3A_180 {offsets = [0, 3], sizes = [256, 1], strides = [1, 1]} : vector<256x9xf32> to vector<256x1xf32>
    %max3A_204 = arith.maximumf %max3A_197, %slice3A_203 : vector<256x1xf32>
    %slice3A_205 = vector.extract_strided_slice %slice3A_180 {offsets = [0, 4], sizes = [256, 1], strides = [1, 1]} : vector<256x9xf32> to vector<256x1xf32>
    %gt3A_206 = arith.cmpf ogt, %slice3A_205, %max3A_204 : vector<256x1xf32>
    %jit3A_207 = arith.constant 4 : i32
    %broadcast_in_dim3A_208 = vector.broadcast %jit3A_207 : i32 to vector<256x1xi32>
    %select_n3A_209 = arith.select %gt3A_206, %broadcast_in_dim3A_208, %select_n3A_202 : vector<256x1xi1>, vector<256x1xi32>
    %slice3A_210 = vector.extract_strided_slice %slice3A_180 {offsets = [0, 4], sizes = [256, 1], strides = [1, 1]} : vector<256x9xf32> to vector<256x1xf32>
    %max3A_211 = arith.maximumf %max3A_204, %slice3A_210 : vector<256x1xf32>
    %slice3A_212 = vector.extract_strided_slice %slice3A_180 {offsets = [0, 5], sizes = [256, 1], strides = [1, 1]} : vector<256x9xf32> to vector<256x1xf32>
    %gt3A_213 = arith.cmpf ogt, %slice3A_212, %max3A_211 : vector<256x1xf32>
    %jit3A_214 = arith.constant 5 : i32
    %broadcast_in_dim3A_215 = vector.broadcast %jit3A_214 : i32 to vector<256x1xi32>
    %select_n3A_216 = arith.select %gt3A_213, %broadcast_in_dim3A_215, %select_n3A_209 : vector<256x1xi1>, vector<256x1xi32>
    %slice3A_217 = vector.extract_strided_slice %slice3A_180 {offsets = [0, 5], sizes = [256, 1], strides = [1, 1]} : vector<256x9xf32> to vector<256x1xf32>
    %max3A_218 = arith.maximumf %max3A_211, %slice3A_217 : vector<256x1xf32>
    %slice3A_219 = vector.extract_strided_slice %slice3A_180 {offsets = [0, 6], sizes = [256, 1], strides = [1, 1]} : vector<256x9xf32> to vector<256x1xf32>
    %gt3A_220 = arith.cmpf ogt, %slice3A_219, %max3A_218 : vector<256x1xf32>
    %jit3A_221 = arith.constant 6 : i32
    %broadcast_in_dim3A_222 = vector.broadcast %jit3A_221 : i32 to vector<256x1xi32>
    %select_n3A_223 = arith.select %gt3A_220, %broadcast_in_dim3A_222, %select_n3A_216 : vector<256x1xi1>, vector<256x1xi32>
    %slice3A_224 = vector.extract_strided_slice %slice3A_180 {offsets = [0, 6], sizes = [256, 1], strides = [1, 1]} : vector<256x9xf32> to vector<256x1xf32>
    %max3A_225 = arith.maximumf %max3A_218, %slice3A_224 : vector<256x1xf32>
    %slice3A_226 = vector.extract_strided_slice %slice3A_180 {offsets = [0, 7], sizes = [256, 1], strides = [1, 1]} : vector<256x9xf32> to vector<256x1xf32>
    %gt3A_227 = arith.cmpf ogt, %slice3A_226, %max3A_225 : vector<256x1xf32>
    %jit3A_228 = arith.constant 7 : i32
    %broadcast_in_dim3A_229 = vector.broadcast %jit3A_228 : i32 to vector<256x1xi32>
    %select_n3A_230 = arith.select %gt3A_227, %broadcast_in_dim3A_229, %select_n3A_223 : vector<256x1xi1>, vector<256x1xi32>
    %slice3A_231 = vector.extract_strided_slice %slice3A_180 {offsets = [0, 7], sizes = [256, 1], strides = [1, 1]} : vector<256x9xf32> to vector<256x1xf32>
    %max3A_232 = arith.maximumf %max3A_225, %slice3A_231 : vector<256x1xf32>
    %slice3A_233 = vector.extract_strided_slice %slice3A_180 {offsets = [0, 8], sizes = [256, 1], strides = [1, 1]} : vector<256x9xf32> to vector<256x1xf32>
    %gt3A_234 = arith.cmpf ogt, %slice3A_233, %max3A_232 : vector<256x1xf32>
    %jit3A_235 = arith.constant 8 : i32
    %broadcast_in_dim3A_236 = vector.broadcast %jit3A_235 : i32 to vector<256x1xi32>
    %select_n3A_237 = arith.select %gt3A_234, %broadcast_in_dim3A_236, %select_n3A_230 : vector<256x1xi1>, vector<256x1xi32>
    %slice3A_238 = vector.extract_strided_slice %dot_general3A_127 {offsets = [0, 18], sizes = [256, 9], strides = [1, 1]} : vector<256x36xf32> to vector<256x9xf32>
    %slice3A_239 = vector.extract_strided_slice %slice3A_238 {offsets = [0, 0], sizes = [256, 1], strides = [1, 1]} : vector<256x9xf32> to vector<256x1xf32>
    %broadcast_in_dim3A_240 = arith.constant 0 : i32
    %broadcast_in_dim3A_241 = vector.broadcast %broadcast_in_dim3A_240 : i32 to vector<256x1xi32>
    %slice3A_242 = vector.extract_strided_slice %slice3A_238 {offsets = [0, 1], sizes = [256, 1], strides = [1, 1]} : vector<256x9xf32> to vector<256x1xf32>
    %gt3A_243 = arith.cmpf ogt, %slice3A_242, %slice3A_239 : vector<256x1xf32>
    %jit3A_244 = arith.constant 1 : i32
    %broadcast_in_dim3A_245 = vector.broadcast %jit3A_244 : i32 to vector<256x1xi32>
    %select_n3A_246 = arith.select %gt3A_243, %broadcast_in_dim3A_245, %broadcast_in_dim3A_241 : vector<256x1xi1>, vector<256x1xi32>
    %slice3A_247 = vector.extract_strided_slice %slice3A_238 {offsets = [0, 1], sizes = [256, 1], strides = [1, 1]} : vector<256x9xf32> to vector<256x1xf32>
    %max3A_248 = arith.maximumf %slice3A_239, %slice3A_247 : vector<256x1xf32>
    %slice3A_249 = vector.extract_strided_slice %slice3A_238 {offsets = [0, 2], sizes = [256, 1], strides = [1, 1]} : vector<256x9xf32> to vector<256x1xf32>
    %gt3A_250 = arith.cmpf ogt, %slice3A_249, %max3A_248 : vector<256x1xf32>
    %jit3A_251 = arith.constant 2 : i32
    %broadcast_in_dim3A_252 = vector.broadcast %jit3A_251 : i32 to vector<256x1xi32>
    %select_n3A_253 = arith.select %gt3A_250, %broadcast_in_dim3A_252, %select_n3A_246 : vector<256x1xi1>, vector<256x1xi32>
    %slice3A_254 = vector.extract_strided_slice %slice3A_238 {offsets = [0, 2], sizes = [256, 1], strides = [1, 1]} : vector<256x9xf32> to vector<256x1xf32>
    %max3A_255 = arith.maximumf %max3A_248, %slice3A_254 : vector<256x1xf32>
    %slice3A_256 = vector.extract_strided_slice %slice3A_238 {offsets = [0, 3], sizes = [256, 1], strides = [1, 1]} : vector<256x9xf32> to vector<256x1xf32>
    %gt3A_257 = arith.cmpf ogt, %slice3A_256, %max3A_255 : vector<256x1xf32>
    %jit3A_258 = arith.constant 3 : i32
    %broadcast_in_dim3A_259 = vector.broadcast %jit3A_258 : i32 to vector<256x1xi32>
    %select_n3A_260 = arith.select %gt3A_257, %broadcast_in_dim3A_259, %select_n3A_253 : vector<256x1xi1>, vector<256x1xi32>
    %slice3A_261 = vector.extract_strided_slice %slice3A_238 {offsets = [0, 3], sizes = [256, 1], strides = [1, 1]} : vector<256x9xf32> to vector<256x1xf32>
    %max3A_262 = arith.maximumf %max3A_255, %slice3A_261 : vector<256x1xf32>
    %slice3A_263 = vector.extract_strided_slice %slice3A_238 {offsets = [0, 4], sizes = [256, 1], strides = [1, 1]} : vector<256x9xf32> to vector<256x1xf32>
    %gt3A_264 = arith.cmpf ogt, %slice3A_263, %max3A_262 : vector<256x1xf32>
    %jit3A_265 = arith.constant 4 : i32
    %broadcast_in_dim3A_266 = vector.broadcast %jit3A_265 : i32 to vector<256x1xi32>
    %select_n3A_267 = arith.select %gt3A_264, %broadcast_in_dim3A_266, %select_n3A_260 : vector<256x1xi1>, vector<256x1xi32>
    %slice3A_268 = vector.extract_strided_slice %slice3A_238 {offsets = [0, 4], sizes = [256, 1], strides = [1, 1]} : vector<256x9xf32> to vector<256x1xf32>
    %max3A_269 = arith.maximumf %max3A_262, %slice3A_268 : vector<256x1xf32>
    %slice3A_270 = vector.extract_strided_slice %slice3A_238 {offsets = [0, 5], sizes = [256, 1], strides = [1, 1]} : vector<256x9xf32> to vector<256x1xf32>
    %gt3A_271 = arith.cmpf ogt, %slice3A_270, %max3A_269 : vector<256x1xf32>
    %jit3A_272 = arith.constant 5 : i32
    %broadcast_in_dim3A_273 = vector.broadcast %jit3A_272 : i32 to vector<256x1xi32>
    %select_n3A_274 = arith.select %gt3A_271, %broadcast_in_dim3A_273, %select_n3A_267 : vector<256x1xi1>, vector<256x1xi32>
    %slice3A_275 = vector.extract_strided_slice %slice3A_238 {offsets = [0, 5], sizes = [256, 1], strides = [1, 1]} : vector<256x9xf32> to vector<256x1xf32>
    %max3A_276 = arith.maximumf %max3A_269, %slice3A_275 : vector<256x1xf32>
    %slice3A_277 = vector.extract_strided_slice %slice3A_238 {offsets = [0, 6], sizes = [256, 1], strides = [1, 1]} : vector<256x9xf32> to vector<256x1xf32>
    %gt3A_278 = arith.cmpf ogt, %slice3A_277, %max3A_276 : vector<256x1xf32>
    %jit3A_279 = arith.constant 6 : i32
    %broadcast_in_dim3A_280 = vector.broadcast %jit3A_279 : i32 to vector<256x1xi32>
    %select_n3A_281 = arith.select %gt3A_278, %broadcast_in_dim3A_280, %select_n3A_274 : vector<256x1xi1>, vector<256x1xi32>
    %slice3A_282 = vector.extract_strided_slice %slice3A_238 {offsets = [0, 6], sizes = [256, 1], strides = [1, 1]} : vector<256x9xf32> to vector<256x1xf32>
    %max3A_283 = arith.maximumf %max3A_276, %slice3A_282 : vector<256x1xf32>
    %slice3A_284 = vector.extract_strided_slice %slice3A_238 {offsets = [0, 7], sizes = [256, 1], strides = [1, 1]} : vector<256x9xf32> to vector<256x1xf32>
    %gt3A_285 = arith.cmpf ogt, %slice3A_284, %max3A_283 : vector<256x1xf32>
    %jit3A_286 = arith.constant 7 : i32
    %broadcast_in_dim3A_287 = vector.broadcast %jit3A_286 : i32 to vector<256x1xi32>
    %select_n3A_288 = arith.select %gt3A_285, %broadcast_in_dim3A_287, %select_n3A_281 : vector<256x1xi1>, vector<256x1xi32>
    %slice3A_289 = vector.extract_strided_slice %slice3A_238 {offsets = [0, 7], sizes = [256, 1], strides = [1, 1]} : vector<256x9xf32> to vector<256x1xf32>
    %max3A_290 = arith.maximumf %max3A_283, %slice3A_289 : vector<256x1xf32>
    %slice3A_291 = vector.extract_strided_slice %slice3A_238 {offsets = [0, 8], sizes = [256, 1], strides = [1, 1]} : vector<256x9xf32> to vector<256x1xf32>
    %gt3A_292 = arith.cmpf ogt, %slice3A_291, %max3A_290 : vector<256x1xf32>
    %jit3A_293 = arith.constant 8 : i32
    %broadcast_in_dim3A_294 = vector.broadcast %jit3A_293 : i32 to vector<256x1xi32>
    %select_n3A_295 = arith.select %gt3A_292, %broadcast_in_dim3A_294, %select_n3A_288 : vector<256x1xi1>, vector<256x1xi32>
    %slice3A_296 = vector.extract_strided_slice %dot_general3A_127 {offsets = [0, 27], sizes = [256, 9], strides = [1, 1]} : vector<256x36xf32> to vector<256x9xf32>
    %slice3A_297 = vector.extract_strided_slice %slice3A_296 {offsets = [0, 0], sizes = [256, 1], strides = [1, 1]} : vector<256x9xf32> to vector<256x1xf32>
    %broadcast_in_dim3A_298 = arith.constant 0 : i32
    %broadcast_in_dim3A_299 = vector.broadcast %broadcast_in_dim3A_298 : i32 to vector<256x1xi32>
    %slice3A_300 = vector.extract_strided_slice %slice3A_296 {offsets = [0, 1], sizes = [256, 1], strides = [1, 1]} : vector<256x9xf32> to vector<256x1xf32>
    %gt3A_301 = arith.cmpf ogt, %slice3A_300, %slice3A_297 : vector<256x1xf32>
    %jit3A_302 = arith.constant 1 : i32
    %broadcast_in_dim3A_303 = vector.broadcast %jit3A_302 : i32 to vector<256x1xi32>
    %select_n3A_304 = arith.select %gt3A_301, %broadcast_in_dim3A_303, %broadcast_in_dim3A_299 : vector<256x1xi1>, vector<256x1xi32>
    %slice3A_305 = vector.extract_strided_slice %slice3A_296 {offsets = [0, 1], sizes = [256, 1], strides = [1, 1]} : vector<256x9xf32> to vector<256x1xf32>
    %max3A_306 = arith.maximumf %slice3A_297, %slice3A_305 : vector<256x1xf32>
    %slice3A_307 = vector.extract_strided_slice %slice3A_296 {offsets = [0, 2], sizes = [256, 1], strides = [1, 1]} : vector<256x9xf32> to vector<256x1xf32>
    %gt3A_308 = arith.cmpf ogt, %slice3A_307, %max3A_306 : vector<256x1xf32>
    %jit3A_309 = arith.constant 2 : i32
    %broadcast_in_dim3A_310 = vector.broadcast %jit3A_309 : i32 to vector<256x1xi32>
    %select_n3A_311 = arith.select %gt3A_308, %broadcast_in_dim3A_310, %select_n3A_304 : vector<256x1xi1>, vector<256x1xi32>
    %slice3A_312 = vector.extract_strided_slice %slice3A_296 {offsets = [0, 2], sizes = [256, 1], strides = [1, 1]} : vector<256x9xf32> to vector<256x1xf32>
    %max3A_313 = arith.maximumf %max3A_306, %slice3A_312 : vector<256x1xf32>
    %slice3A_314 = vector.extract_strided_slice %slice3A_296 {offsets = [0, 3], sizes = [256, 1], strides = [1, 1]} : vector<256x9xf32> to vector<256x1xf32>
    %gt3A_315 = arith.cmpf ogt, %slice3A_314, %max3A_313 : vector<256x1xf32>
    %jit3A_316 = arith.constant 3 : i32
    %broadcast_in_dim3A_317 = vector.broadcast %jit3A_316 : i32 to vector<256x1xi32>
    %select_n3A_318 = arith.select %gt3A_315, %broadcast_in_dim3A_317, %select_n3A_311 : vector<256x1xi1>, vector<256x1xi32>
    %slice3A_319 = vector.extract_strided_slice %slice3A_296 {offsets = [0, 3], sizes = [256, 1], strides = [1, 1]} : vector<256x9xf32> to vector<256x1xf32>
    %max3A_320 = arith.maximumf %max3A_313, %slice3A_319 : vector<256x1xf32>
    %slice3A_321 = vector.extract_strided_slice %slice3A_296 {offsets = [0, 4], sizes = [256, 1], strides = [1, 1]} : vector<256x9xf32> to vector<256x1xf32>
    %gt3A_322 = arith.cmpf ogt, %slice3A_321, %max3A_320 : vector<256x1xf32>
    %jit3A_323 = arith.constant 4 : i32
    %broadcast_in_dim3A_324 = vector.broadcast %jit3A_323 : i32 to vector<256x1xi32>
    %select_n3A_325 = arith.select %gt3A_322, %broadcast_in_dim3A_324, %select_n3A_318 : vector<256x1xi1>, vector<256x1xi32>
    %slice3A_326 = vector.extract_strided_slice %slice3A_296 {offsets = [0, 4], sizes = [256, 1], strides = [1, 1]} : vector<256x9xf32> to vector<256x1xf32>
    %max3A_327 = arith.maximumf %max3A_320, %slice3A_326 : vector<256x1xf32>
    %slice3A_328 = vector.extract_strided_slice %slice3A_296 {offsets = [0, 5], sizes = [256, 1], strides = [1, 1]} : vector<256x9xf32> to vector<256x1xf32>
    %gt3A_329 = arith.cmpf ogt, %slice3A_328, %max3A_327 : vector<256x1xf32>
    %jit3A_330 = arith.constant 5 : i32
    %broadcast_in_dim3A_331 = vector.broadcast %jit3A_330 : i32 to vector<256x1xi32>
    %select_n3A_332 = arith.select %gt3A_329, %broadcast_in_dim3A_331, %select_n3A_325 : vector<256x1xi1>, vector<256x1xi32>
    %slice3A_333 = vector.extract_strided_slice %slice3A_296 {offsets = [0, 5], sizes = [256, 1], strides = [1, 1]} : vector<256x9xf32> to vector<256x1xf32>
    %max3A_334 = arith.maximumf %max3A_327, %slice3A_333 : vector<256x1xf32>
    %slice3A_335 = vector.extract_strided_slice %slice3A_296 {offsets = [0, 6], sizes = [256, 1], strides = [1, 1]} : vector<256x9xf32> to vector<256x1xf32>
    %gt3A_336 = arith.cmpf ogt, %slice3A_335, %max3A_334 : vector<256x1xf32>
    %jit3A_337 = arith.constant 6 : i32
    %broadcast_in_dim3A_338 = vector.broadcast %jit3A_337 : i32 to vector<256x1xi32>
    %select_n3A_339 = arith.select %gt3A_336, %broadcast_in_dim3A_338, %select_n3A_332 : vector<256x1xi1>, vector<256x1xi32>
    %slice3A_340 = vector.extract_strided_slice %slice3A_296 {offsets = [0, 6], sizes = [256, 1], strides = [1, 1]} : vector<256x9xf32> to vector<256x1xf32>
    %max3A_341 = arith.maximumf %max3A_334, %slice3A_340 : vector<256x1xf32>
    %slice3A_342 = vector.extract_strided_slice %slice3A_296 {offsets = [0, 7], sizes = [256, 1], strides = [1, 1]} : vector<256x9xf32> to vector<256x1xf32>
    %gt3A_343 = arith.cmpf ogt, %slice3A_342, %max3A_341 : vector<256x1xf32>
    %jit3A_344 = arith.constant 7 : i32
    %broadcast_in_dim3A_345 = vector.broadcast %jit3A_344 : i32 to vector<256x1xi32>
    %select_n3A_346 = arith.select %gt3A_343, %broadcast_in_dim3A_345, %select_n3A_339 : vector<256x1xi1>, vector<256x1xi32>
    %slice3A_347 = vector.extract_strided_slice %slice3A_296 {offsets = [0, 7], sizes = [256, 1], strides = [1, 1]} : vector<256x9xf32> to vector<256x1xf32>
    %max3A_348 = arith.maximumf %max3A_341, %slice3A_347 : vector<256x1xf32>
    %slice3A_349 = vector.extract_strided_slice %slice3A_296 {offsets = [0, 8], sizes = [256, 1], strides = [1, 1]} : vector<256x9xf32> to vector<256x1xf32>
    %gt3A_350 = arith.cmpf ogt, %slice3A_349, %max3A_348 : vector<256x1xf32>
    %jit3A_351 = arith.constant 8 : i32
    %broadcast_in_dim3A_352 = vector.broadcast %jit3A_351 : i32 to vector<256x1xi32>
    %select_n3A_353 = arith.select %gt3A_350, %broadcast_in_dim3A_352, %select_n3A_346 : vector<256x1xi1>, vector<256x1xi32>
    %concatenate3A = tpu.concatenate %select_n3A_179, %select_n3A_237, %select_n3A_295, %select_n3A_353 in 1 : vector<256x1xi32>, vector<256x1xi32>, vector<256x1xi32>, vector<256x1xi32> -> vector<256x4xi32>
    %swap3A_354 = arith.constant 0 : index
    %swap3A_355 = arith.constant 0 : index
    %swap3A_356 = vector.load %arg7[%swap3A_354, %swap3A_355] : memref<256x4xi32, #tpu.memory_space<vmem>>, vector<256x4xi32>
    tpu.vector_store %arg7[%swap3A_354, %swap3A_355], %concatenate3A {strides = array<i32>} : memref<256x4xi32, #tpu.memory_space<vmem>>, vector<256x4xi32>,
    return
  }
  func.func @transform_0(%arg0: i32) -> (i32, i32) {
    %c0_i32 = arith.constant 0 : i32
    %c0_i32_0 = arith.constant 0 : i32
    return %arg0, %c0_i32 : i32, i32
  }
  func.func @transform_1(%arg0: i32) -> (i32, i32) {
    %c0_i32 = arith.constant 0 : i32
    %c0_i32_0 = arith.constant 0 : i32
    %c0_i32_1 = arith.constant 0 : i32
    return %c0_i32, %c0_i32_0 : i32, i32
  }
  func.func @transform_2(%arg0: i32) -> (i32, i32) {
    %c0_i32 = arith.constant 0 : i32
    %c0_i32_0 = arith.constant 0 : i32
    %c0_i32_1 = arith.constant 0 : i32
    return %c0_i32, %c0_i32_0 : i32, i32
  }
  func.func @transform_3(%arg0: i32) -> (i32, i32, i32) {
    %c0_i32 = arith.constant 0 : i32
    %c0_i32_0 = arith.constant 0 : i32
    %c0_i32_1 = arith.constant 0 : i32
    %c0_i32_2 = arith.constant 0 : i32
    return %c0_i32, %c0_i32_0, %c0_i32_1 : i32, i32, i32
  }
  func.func @transform_4(%arg0: i32) -> (i32, i32) {
    %c0_i32 = arith.constant 0 : i32
    %c0_i32_0 = arith.constant 0 : i32
    %c0_i32_1 = arith.constant 0 : i32
    return %c0_i32, %c0_i32_0 : i32, i32
  }
  func.func @transform_5(%arg0: i32) -> (i32, i32) {
    %c0_i32 = arith.constant 0 : i32
    %c0_i32_0 = arith.constant 0 : i32
    return %arg0, %c0_i32 : i32, i32
  }
  func.func @transform_6(%arg0: i32) -> (i32, i32) {
    %c0_i32 = arith.constant 0 : i32
    %c0_i32_0 = arith.constant 0 : i32
    return %arg0, %c0_i32 : i32, i32
  }
  func.func @transform_7(%arg0: i32) -> (i32, i32, i32) {
    %c0_i32 = arith.constant 0 : i32
    %c0_i32_0 = arith.constant 0 : i32
    %c0_i32_1 = arith.constant 0 : i32
    return %arg0, %c0_i32, %c0_i32_0 : i32, i32, i32
  }
}

module attributes {stable_mosaic.version = 14 : i64} {
  func.func @_mm_body(%arg0: i32, %arg1: memref<32xi32, #tpu.memory_space<smem>>, %arg2: memref<128x1024xf32, #tpu.memory_space<vmem>>, %arg3: memref<128x256xf32, #tpu.memory_space<vmem>>, %arg4: memref<1x1024x1024xbf16, #tpu.memory_space<vmem>>, %arg5: memref<1x256x1024xbf16, #tpu.memory_space<vmem>>, %arg6: memref<1x1x1024xf32, #tpu.memory_space<vmem>>, %arg7: memref<128x1024xf32, #tpu.memory_space<vmem>>) attributes {dimension_semantics = [#tpu.dimension_semantics<arbitrary>], iteration_bounds = array<i64: 24>, scalar_prefetch = 1 : i64, scratch_operands = 0 : i64, tpu.core_type = #tpu.core_type<tc>, window_params = [{transform_indices = @transform_0, window_bounds = array<i64: 128, 1024>}, {transform_indices = @transform_1, window_bounds = array<i64: 128, 256>}, {transform_indices = @transform_2, window_bounds = array<i64: 1, 1024, 1024>}, {transform_indices = @transform_3, window_bounds = array<i64: 1, 256, 1024>}, {transform_indices = @transform_4, window_bounds = array<i64: 1, 1, 1024>}, {transform_indices = @transform_5, window_bounds = array<i64: 128, 1024>}]} {
    %get3A = arith.index_cast %arg0 : i32 to index
    %get3A_0 = memref.load %arg1[%get3A] : memref<32xi32, #tpu.memory_space<smem>>
    %lt3A = arith.constant 8 : i32
    %lt3A_1 = arith.cmpi slt, %get3A_0, %lt3A : i32
    %convert_element_type3A = arith.extui %lt3A_1 : i1 to i32
    %cond3A = arith.constant 0 : i32
    %cond3A_2 = arith.cmpi ne, %convert_element_type3A, %cond3A : i32
    scf.if %cond3A_2 {
      %get3A_3 = arith.constant 0 : index
      %get3A_4 = arith.constant 0 : index
      %get3A_5 = vector.load %arg2[%get3A_3, %get3A_4] : memref<128x1024xf32, #tpu.memory_space<vmem>>, vector<128x1024xf32>
      %convert_element_type3A_6 = arith.truncf %get3A_5 : vector<128x1024xf32> to vector<128x1024xbf16>
      %get3A_7 = arith.constant 0 : index
      %get3A_8 = arith.constant 0 : index
      %get3A_9 = arith.constant 0 : index
      %get3A_10 = vector.load %arg4[%get3A_7, %get3A_8, %get3A_9] : memref<1x1024x1024xbf16, #tpu.memory_space<vmem>>, vector<1x1024x1024xbf16>
      %get3A_11 = vector.shape_cast %get3A_10 : vector<1x1024x1024xbf16> to vector<1024x1024xbf16>
      %dot_general3A = arith.constant dense<0.000000e+00> : vector<128x1024xf32>
      %dot_general3A_12 = tpu.matmul %convert_element_type3A_6, %get3A_11, %dot_general3A {dimension_numbers = #tpu.dot_dimension_numbers<[1], [0], [0], [1], [0, 0, 1, 1], [], []>, transpose_lhs_hint = false} : vector<128x1024xbf16>, vector<1024x1024xbf16>, vector<128x1024xf32> -> vector<128x1024xf32>
      %get3A_13 = arith.constant 0 : index
      %get3A_14 = arith.constant 0 : index
      %get3A_15 = vector.load %arg3[%get3A_13, %get3A_14] : memref<128x256xf32, #tpu.memory_space<vmem>>, vector<128x256xf32>
      %convert_element_type3A_16 = arith.truncf %get3A_15 : vector<128x256xf32> to vector<128x256xbf16>
      %get3A_17 = arith.constant 0 : index
      %get3A_18 = arith.constant 0 : index
      %get3A_19 = arith.constant 0 : index
      %get3A_20 = vector.load %arg5[%get3A_17, %get3A_18, %get3A_19] : memref<1x256x1024xbf16, #tpu.memory_space<vmem>>, vector<1x256x1024xbf16>
      %get3A_21 = vector.shape_cast %get3A_20 : vector<1x256x1024xbf16> to vector<256x1024xbf16>
      %dot_general3A_22 = arith.constant dense<0.000000e+00> : vector<128x1024xf32>
      %dot_general3A_23 = tpu.matmul %convert_element_type3A_16, %get3A_21, %dot_general3A_22 {dimension_numbers = #tpu.dot_dimension_numbers<[1], [0], [0], [1], [0, 0, 1, 1], [], []>, transpose_lhs_hint = false} : vector<128x256xbf16>, vector<256x1024xbf16>, vector<128x1024xf32> -> vector<128x1024xf32>
      %add3A = arith.addf %dot_general3A_12, %dot_general3A_23 : vector<128x1024xf32>
      %get3A_24 = arith.constant 0 : index
      %get3A_25 = arith.constant 0 : index
      %get3A_26 = arith.constant 0 : index
      %get3A_27 = vector.load %arg6[%get3A_24, %get3A_25, %get3A_26] : memref<1x1x1024xf32, #tpu.memory_space<vmem>>, vector<1x1x1024xf32>
      %get3A_28 = vector.shape_cast %get3A_27 : vector<1x1x1024xf32> to vector<1x1024xf32>
      %add3A_29 = vector.broadcast %get3A_28 : vector<1x1024xf32> to vector<128x1024xf32>
      %add3A_30 = arith.addf %add3A, %add3A_29 : vector<128x1024xf32>
      %max3A = arith.constant 0.000000e+00 : f32
      %max3A_31 = vector.broadcast %max3A : f32 to vector<128x1024xf32>
      %max3A_32 = arith.maximumf %add3A_30, %max3A_31 : vector<128x1024xf32>
      %swap3A = arith.constant 0 : index
      %swap3A_33 = arith.constant 0 : index
      %swap3A_34 = vector.load %arg7[%swap3A, %swap3A_33] : memref<128x1024xf32, #tpu.memory_space<vmem>>, vector<128x1024xf32>
      tpu.vector_store %arg7[%swap3A, %swap3A_33], %max3A_32 {strides = array<i32>} : memref<128x1024xf32, #tpu.memory_space<vmem>>, vector<128x1024xf32>,
    } else {
    }
    return
  }
  func.func @transform_0(%arg0: i32, %arg1: memref<32xi32, #tpu.memory_space<smem>>) -> (i32, i32) {
    %get3A = arith.index_cast %arg0 : i32 to index
    %get3A_0 = memref.load %arg1[%get3A] : memref<32xi32, #tpu.memory_space<smem>>
    %lt3A = arith.constant 8 : i32
    %lt3A_1 = arith.cmpi slt, %get3A_0, %lt3A : i32
    %jit3A = arith.constant 0 : i32
    %select_n3A = arith.select %lt3A_1, %arg0, %jit3A : i32
    %c0_i32 = arith.constant 0 : i32
    %c0_i32_2 = arith.constant 0 : i32
    return %select_n3A, %c0_i32 : i32, i32
  }
  func.func @transform_1(%arg0: i32, %arg1: memref<32xi32, #tpu.memory_space<smem>>) -> (i32, i32) {
    %get3A = arith.index_cast %arg0 : i32 to index
    %get3A_0 = memref.load %arg1[%get3A] : memref<32xi32, #tpu.memory_space<smem>>
    %lt3A = arith.constant 8 : i32
    %lt3A_1 = arith.cmpi slt, %get3A_0, %lt3A : i32
    %jit3A = arith.constant 0 : i32
    %select_n3A = arith.select %lt3A_1, %arg0, %jit3A : i32
    %c0_i32 = arith.constant 0 : i32
    %c0_i32_2 = arith.constant 0 : i32
    return %select_n3A, %c0_i32 : i32, i32
  }
  func.func @transform_2(%arg0: i32, %arg1: memref<32xi32, #tpu.memory_space<smem>>) -> (i32, i32, i32) {
    %get3A = arith.index_cast %arg0 : i32 to index
    %get3A_0 = memref.load %arg1[%get3A] : memref<32xi32, #tpu.memory_space<smem>>
    %min3A = arith.constant 7 : i32
    %min3A_1 = arith.minsi %get3A_0, %min3A : i32
    %c0_i32 = arith.constant 0 : i32
    %c0_i32_2 = arith.constant 0 : i32
    %c0_i32_3 = arith.constant 0 : i32
    return %min3A_1, %c0_i32, %c0_i32_2 : i32, i32, i32
  }
  func.func @transform_3(%arg0: i32, %arg1: memref<32xi32, #tpu.memory_space<smem>>) -> (i32, i32, i32) {
    %get3A = arith.index_cast %arg0 : i32 to index
    %get3A_0 = memref.load %arg1[%get3A] : memref<32xi32, #tpu.memory_space<smem>>
    %min3A = arith.constant 7 : i32
    %min3A_1 = arith.minsi %get3A_0, %min3A : i32
    %c0_i32 = arith.constant 0 : i32
    %c0_i32_2 = arith.constant 0 : i32
    %c0_i32_3 = arith.constant 0 : i32
    return %min3A_1, %c0_i32, %c0_i32_2 : i32, i32, i32
  }
  func.func @transform_4(%arg0: i32, %arg1: memref<32xi32, #tpu.memory_space<smem>>) -> (i32, i32, i32) {
    %get3A = arith.index_cast %arg0 : i32 to index
    %get3A_0 = memref.load %arg1[%get3A] : memref<32xi32, #tpu.memory_space<smem>>
    %min3A = arith.constant 7 : i32
    %min3A_1 = arith.minsi %get3A_0, %min3A : i32
    %c0_i32 = arith.constant 0 : i32
    %c0_i32_2 = arith.constant 0 : i32
    %c0_i32_3 = arith.constant 0 : i32
    return %min3A_1, %c0_i32, %c0_i32_2 : i32, i32, i32
  }
  func.func @transform_5(%arg0: i32, %arg1: memref<32xi32, #tpu.memory_space<smem>>) -> (i32, i32) {
    %get3A = arith.index_cast %arg0 : i32 to index
    %get3A_0 = memref.load %arg1[%get3A] : memref<32xi32, #tpu.memory_space<smem>>
    %lt3A = arith.constant 8 : i32
    %lt3A_1 = arith.cmpi slt, %get3A_0, %lt3A : i32
    %jit3A = arith.constant 24 : i32
    %select_n3A = arith.select %lt3A_1, %arg0, %jit3A : i32
    %c0_i32 = arith.constant 0 : i32
    %c0_i32_2 = arith.constant 0 : i32
    return %select_n3A, %c0_i32 : i32, i32
  }
}

</mosaic_0001>

<sc_bundles>
// kernel: kernel.14.cloned.1.call-start
scs
__scs_entry_jumppad:
0x0: {  	(pc) =	sbr.rel $0x88, $3  }
0x1: {  	(tag) =	ssettag $0x0;
	lr =	simm.s32 $0x1  }
0x2: {  	[smem:$0x3F99] =	sst lr;
	_ =	strace $0xD0000000  }
0x3: {  	_ = 	snop  }
0x4: {  	_ = 	snop  }
0x5: {  	_ = 	snop  }
0x6: {  	_ = 	snop  }
0x7: {  	_ = 	snop  }
__scs_overlays_trampoline_lowered:
0x8: {  	[smem:$0x3FA8] =	sst s0  }
0x9: {  	[smem:$0x3FA9] =	sst s1  }
0xa: {  	[smem:$0x3FAA] =	sst s2  }
0xb: {  	[smem:$0x3FAB] =	sst s3  }
0xc: {  	[smem:$0x3FAC] =	sst s4  }
0xd: {  	[smem:$0x3FAD] =	sst s5  }
0xe: {  	[smem:$0x3FAE] =	sst s6  }
0xf: {  	[smem:$0x3FAF] =	sst s7  }
0x10: {  	[smem:$0x3FB0] =	sst s8  }
0x11: {  	[smem:$0x3FB1] =	sst s9;
	s0 =	simm.s32 @!p0 $0x0  }
0x12: {  	s1 =	sld [smem:$0x3F97];
	s0 =	simm.s32 @p0 $0x1  }
0x13: {  	[smem:$0x3FB2] =	sst s0;
	s0 =	simm.s32 @!p1 $0x0  }
0x14: {  	s2 =	sld [smem:$0x3F96];
	s0 =	simm.s32 @p1 $0x1  }
0x15: {  	[smem:$0x3FB3] =	sst s0;
	s0 =	simm.s32 @!p2 $0x0  }
0x16: {  	s3 =	sld [smem:$0x3FDB];
	s0 =	simm.s32 @p2 $0x1  }
0x17: {  	s4 =	simm.s32 $0x1BF5;
	[smem:$0x3FB5] =	sst s0  }
0x18: {  	s0 =	sld [smem:$0x3F98];
	_ =	swait.ge [sflag:s4], $0x0  }
0x19: {  	s7 =	sld [smem:$0x3F99]  }
0x1a: {  	s8 =	sadd.s32 $0xFFFFE003, lr  }
0x1b: {  	s9 =	sadd.s32 $0xFFFFFEF7, lr;
	s5 =	simm.s32 $0xFFFFFFFF;
	p2 =	slt.u32 s8, $0xFFFFF086  }
0x1c: {  	p1 =	slt.u32 s9, $0xF7A;
	s5 =	simm.s32 @!p2 $0x0  }
0x1d: {  	s5 =	simm.s32 @p1 $0x1;
	p0 =	seq.s32 s7, s2  }
0x1e: {  	s7 =	smul.u32 @!p0 $0xF7A, s2;
	p2 =	seq.s32 @!p0 s5, $0x0  }
0x1f: {  	s9 =	smul.u32 $0xF7A, s1;
	s8 =	simm.s32 @!p0 $0x1BF5;
	p2 =	por !p2, p0  }
0x20: {  	[sflag:s8] =	ssyncset.s32 @!p0 $0xFFFFF086;
	s6 =	sadd.s32 @!p0 s3, s7;
	s7 =	simm.s32 @!p0 $0x108  }
0x21: {  	s3 =	sadd.s32 s3, s9;
	s6 =	sadd.s32 @!p0 $0x88, s6;
	s7 =	simm.s32 @p2 $0x1082  }
0x22: {  	[simem:s7], [sflag:s8] =	dma.local @!p0 [hbm:s6], $0xF7A  }
0x23: {  	s9 =	sor.u32 $0xD0000000, s2;
	s6 =	simm.s32 $0x108;
	_ =	swait.ge @!p0 [sflag:s8], $0x0  }
0x24: {  	s3 =	sadd.s32 $0x88, s3;
	s6 =	simm.s32 @!p1 $0x1082;
	[sflag:s4] =	ssyncset.s32 $0xFFFFF086  }
0x25: {  	[simem:s6], [sflag:s4] =	dma.local [hbm:s3], $0xF7A  }
0x26: {  	[smem:$0x3F99] =	sst s1;
	(tag) =	ssettag s2;
	_ =	strace s9  }
0x27: {  	s1 =	sld [smem:$0x3FA9]  }
0x28: {  	s2 =	sld [smem:$0x3FAA]  }
0x29: {  	s4 =	sld [smem:$0x3FAC]  }
0x2a: {  	p0 =	seq.s32 s5, $0x0;
	s5 =	sld [smem:$0x3FAD]  }
0x2b: {  	s6 =	sld [smem:$0x3FAE]  }
0x2c: {  	s7 =	sld [smem:$0x3FAF]  }
0x2d: {  	s3 =	simm.s32 $0x108;
	s8 =	sld [smem:$0x3FB0]  }
0x2e: {  	s3 =	simm.s32 @!p0 $0x1082;
	s9 =	sld [smem:$0x3FB1]  }
0x2f: {  	lr =	sadd.s32 s0, s3;
	s0 =	sld [smem:$0x3FA8]  }
0x30: {  	s3 =	sld [smem:$0x3FAB]  }
0x31: {  	[smem:$0x3FB4] =	sst s10  }
0x32: {  	s10 =	sld [smem:$0x3FB2];
	_ =	sdelay $0x3  }
0x33: {  	p0 =	seq.s32 s10, $0x1;
	s10 =	sld [smem:$0x3FB4];
	_ =	sdelay $0x3  }
0x34: {  	[smem:$0x3FB4] =	sst s10  }
0x35: {  	s10 =	sld [smem:$0x3FB3];
	_ =	sdelay $0x3  }
0x36: {  	p1 =	seq.s32 s10, $0x1;
	s10 =	sld [smem:$0x3FB4];
	_ =	sdelay $0x3  }
0x37: {  	[smem:$0x3FB4] =	sst s10  }
0x38: {  	s10 =	sld [smem:$0x3FB5]  }
0x39: {  	_ = 	snop;
	(pc) =	sbr.ind lr, $3  }
0x3a: {  	_ = 	snop  }
0x3b: {  	_ = 	snop  }
0x3c: {  	p2 =	seq.s32 s10, $0x1;
	s10 =	sld [smem:$0x3FB4]  }
0x3d: {  	_ =	shalt  }
0x3e: {  	_ =	shalt  }
0x3f: {  	_ =	shalt  }
0x40: {  	_ =	shalt  }
0x41: {  	_ =	shalt  }
0x42: {  	_ =	shalt  }
0x43: {  	_ =	shalt  }
0x44: {  	_ =	shalt  }
0x45: {  	_ =	shalt  }
0x46: {  	_ =	shalt  }
0x47: {  	_ =	shalt  }
0x48: {  	_ =	shalt  }
0x49: {  	_ =	shalt  }
0x4a: {  	_ =	shalt  }
0x4b: {  	_ =	shalt  }
0x4c: {  	_ =	shalt  }
0x4d: {  	_ =	shalt  }
0x4e: {  	_ =	shalt  }
0x4f: {  	_ =	shalt  }
0x50: {  	_ =	shalt  }
0x51: {  	_ =	shalt  }
0x52: {  	_ =	shalt  }
0x53: {  	_ =	shalt  }
0x54: {  	_ =	shalt  }
0x55: {  	_ =	shalt  }
0x56: {  	_ =	shalt  }
0x57: {  	_ =	shalt  }
0x58: {  	_ =	shalt  }
0x59: {  	_ =	shalt  }
0x5a: {  	_ =	shalt  }
0x5b: {  	_ =	shalt  }
0x5c: {  	_ =	shalt  }
0x5d: {  	_ =	shalt  }
0x5e: {  	_ =	shalt  }
0x5f: {  	_ =	shalt  }
0x60: {  	_ =	shalt  }
0x61: {  	_ =	shalt  }
0x62: {  	_ =	shalt  }
0x63: {  	_ =	shalt  }
0x64: {  	_ =	shalt  }
0x65: {  	_ =	shalt  }
0x66: {  	_ =	shalt  }
0x67: {  	_ =	shalt  }
0x68: {  	_ =	shalt  }
0x69: {  	_ =	shalt  }
0x6a: {  	_ =	shalt  }
0x6b: {  	_ =	shalt  }
0x6c: {  	_ =	shalt  }
0x6d: {  	_ =	shalt  }
0x6e: {  	_ =	shalt  }
0x6f: {  	_ =	shalt  }
0x70: {  	_ =	shalt  }
0x71: {  	_ =	shalt  }
0x72: {  	_ =	shalt  }
0x73: {  	_ =	shalt  }
0x74: {  	_ =	shalt  }
0x75: {  	_ =	shalt  }
0x76: {  	_ =	shalt  }
0x77: {  	_ =	shalt  }
0x78: {  	_ =	shalt  }
0x79: {  	_ =	shalt  }
0x7a: {  	_ =	shalt  }
0x7b: {  	_ =	shalt  }
0x7c: {  	_ =	shalt  }
0x7d: {  	_ =	shalt  }
0x7e: {  	_ =	shalt  }
0x7f: {  	_ =	shalt  }
0x80: {  	_ =	shalt  }
0x81: {  	_ =	shalt  }
0x82: {  	_ =	shalt  }
0x83: {  	_ =	shalt  }
0x84: {  	_ =	shalt  }
0x85: {  	_ =	shalt  }
0x86: {  	_ =	shalt  }
0x87: {  	_ =	shalt  }
.Lfunc_end0:
.L_simem_size_0:
called_computation_lowered:
.L_overlay_start_0:
0x88: {  	s2 =	sld [smem:$0x3FD9]  }
0x89: {  	s3 =	sld [smem:$0x3FFE];
	_ =	sdelay $0x1  }
0x8a: {  	s1 =	srdreg.scid  }
0x8b: {  	s0 =	sand.u32 $0x1, s1  }
0x8c: {  	s14 =	sshll.u32 s0, $0xA;
	s2 =	sadd.s32 s3, s2  }
0x8d: {  	s2 =	sadd.s32 s2, s14  }
0x8e: {  	[smem:$0x3FC0] =	sst s2  }
0x8f: {  	_ = 	snop  }
0x90: {  	s2 =	sld [smem:$0x3FD0];
	_ =	sdelay $0x2  }
0x91: {  	s15 =	simm.s32 $0xB;
	s4 =	simm.s32 $0x10  }
0x92: {  	[smem:s4], [sflag:s15] =	dma.local [hbm:s2], $0x1  }
0x93: {  	_ =	swait.eq [sflag:s15], $0x1  }
0x94: {  	[sflag:s15] =	ssyncset.done $0x0  }
0x95: {  	s16 =	sld [smem:$0x10];
	[sflag:s15] =	ssyncadd.s32 $0xFFFFFFFF  }
0x96: {  	s17 =	sld [smem:$0x12];
	(tm) =	ssettm $0x1  }
0x97: {  	s18 =	sld [smem:$0x3FFB];
	_ =	sdelay $0x3  }
0x98: {  	_ =	strace s18  }
0x99: {  	s4 =	sld [smem:$0x3FFC];
	_ =	sdelay $0x3  }
0x9a: {  	_ =	strace s4  }
0x9b: {  	s4 =	sld [smem:$0x3FFD];
	_ =	sdelay $0x3  }
0x9c: {  	_ =	strace s4  }
0x9d: {  	_ =	strace $0x8FFFFFFF  }
0x9e: {  	s19 =	sld [smem:$0x3FDB];
	_ =	sdelay $0x1  }
0x9f: {  	s5 =	simm.s32 $_scs_section_size  }
0xa0: {  	s6 =	simm.s32 $_size__tile_overlayer_lowered;
	s7 =	simm.s32 $_tile_overlayer_lowered  }
0xa1: {  	s22 =	simm.s32 $0x1BFF;
	s21 =	sshll.u32 s7, $0x1;
	s4 =	sadd.s32 s5, s19  }
0xa2: {  	s8 =	simm.s32 $0x0;
	s20 =	sshll.u32 s6, $0x1;
	s6 =	sadd.s32 s21, s4  }
0xa3: {  	[timem:s8], [sflag:s22] =	dma.local [hbm:s6], s20  }
0xa4: {  	_ =	swait.ge [sflag:s22], s20  }
0xa5: {  	s5 =	ssub.s32 $0x0, s20;
	[sflag:s22] =	ssyncset.done $0x0  }
0xa6: {  	[sflag:s22] =	ssyncadd.s32 s5;
	_ =	sdelay $0x1  }
0xa7: {  	s23 =	simm.s32 $0x1B8B  }
0xa8: {  	_ =	swait.ge [sflag:s23], $0x1  }
0xa9: {  	[sflag:s23] =	ssyncset.done $0x0  }
0xaa: {  	s25 =	simm.s32 $0x1B8E;
	s24 =	sld [smem:$0x3FFE];
	[sflag:s23] =	ssyncadd.s32 $0xFFFFFFFF  }
0xab: {  	s26 =	simm.s32 $execute0_lowered;
	[smem:$0x3FD2] =	sst s25  }
0xac: {  	s6 =	sshll.u32 s26, $0x1;
	_ =	strace $0x80000046;
	[dreg:$0x1] =	wrdreg $0xFFFFFFFF  }
0xad: {  	s28 =	simm.s32 $_size_execute0_lowered;
	s4 =	sadd.s32 s4, s6;
	[dreg:$0x0] =	wrdreg $0x0  }
0xae: {  	s6 =	sshll.u32 s28, $0x1;
	[dreg:$0x2] =	wrdreg s4  }
0xaf: {  	[dreg:$0x3] =	wrdreg s6  }
0xb0: {  	[dreg:$0x4] =	wrdreg $0xC0  }
0xb1: {  	_ =	task [dreg:s8], $0x5FFFF  }
0xb2: {  	[dreg:$0x1] =	wrdreg $0xFFFFFFFF  }
0xb3: {  	[dreg:$0x0] =	wrdreg $0x60  }
0xb4: {  	[dreg:$0x2] =	wrdreg s16  }
0xb5: {  	[dreg:$0x3] =	wrdreg s17  }
0xb6: {  	[dreg:$0x4] =	wrdreg s24  }
0xb7: {  	[dreg:$0x5] =	wrdreg $0xA  }
0xb8: {  	_ =	task.clear_ibuf [dreg:s8], $0x6FFFF;
	_ =	strace $0x90000046  }
0xb9: {  	s29 =	simm.s32 $0xA;
	_ =	strace $0x80000048  }
0xba: {  	_ =	swait.ge [sflag:s29], $0x1  }
0xbb: {  	[sflag:s29] =	ssyncadd.s32 $0xFFFFFFFF  }
0xbc: {  	_ =	strace $0x90000048  }
0xbd: {  	_ =	sfence  }
0xbe: {  	s30 =	sld [smem:$0x0];
	_ =	sdelay $0x2  }
0xbf: {  	s31 =	sshll.u32 s1, $0xD;
	s1 =	sshrl.u32 s1, $0x2  }
0xc0: {  	s3 =	sand.u32 $0x4000, s31;
	s1 =	sadd.s32 s1, s30  }
0xc1: {  	s0 =	sor.u32 s3, s0;
	s1 =	sshll.u32 s1, $0x11  }
0xc2: {  	s0 =	sor.u32 s1, s0  }
0xc3: {  	s0 =	sadd.s32 $0x8F2B, s0  }
0xc4: {  	[sflag:s0] =	ssyncadd.remote.s32 $0x1  }
0xc5: {  	_ =	sfence.sel $0xFFFF  }
0xc6: {  	[dreg:$0x0] =	wrdreg $0xFFFFFFFF;
	(pc) =	sbr.abs _section_cstart, $3  }
0xc7: {  	[dreg:$0x1] =	wrdreg $0xFFFFFFFF  }
0xc8: {  	_ =	task.clear_ibuf [dreg:s8], $0x2FFFF;
	_ =	strace $0x9FFFFFFF  }
0xc9: {  	(tm) =	ssettm $0x7FFFFFFF  }
tec
execute0_lowered:
.L_overlay_start_1:
0x0: {  	(tag) =	ssettag $0x1  }
0x1: {  	s4 =	rddreg [dreg:$0x0]  }
0x2: {  	s1 =	srdreg.scid;
	s2 =	rddreg [dreg:$0x1]  }
0x3: {  	s0 =	stileid.u32;
	s8 =	rddreg [dreg:$0x2]  }
0x4: {  	s9 =	simm.s32 $0x1900;
	s10 =	simm.s32 $0x2100;
	s1 =	sand.u32 $0x1, s1  }
0x5: {  	s11 =	simm.s32 $0x2900;
	s3 =	sshll.u32 s0, $0x7;
	s5 =	sshll.u32 s1, $0x6  }
0x6: {  	s12 =	simm.s32 $0x3100;
	s5 =	sor.u32 s5, s3;
	s3 =	simm.s32 $0x0  }
0x7: {  	s13 =	simm.s32 $0x3900;
	s15 =	simm.s32 $0x4100;
	[smem:$0x7FF] =	sst s3  }
0x8: {  	s16 =	simm.s32 $0x4900;
	_ =	strace $0x80000047;
	[dreg:$0xa] =	wrdreg s9  }
0x9: {  	s17 =	simm.s32 $0x5900;
	s18 =	simm.s32 $0x6900;
	[dreg:$0xb] =	wrdreg s10  }
0xa: {  	s19 =	simm.s32 $0x7100;
	s20 =	simm.s32 $0x7900;
	[dreg:$0xc] =	wrdreg s11  }
0xb: {  	s21 =	simm.s32 $0x8100;
	s22 =	simm.s32 $0x8900;
	[dreg:$0xd] =	wrdreg s12  }
0xc: {  	s23 =	simm.s32 $0x9100;
	s24 =	simm.s32 $0x9900;
	[dreg:$0xe] =	wrdreg s13  }
0xd: {  	s25 =	simm.s32 $0xA100;
	s26 =	simm.s32 $0xA900;
	[dreg:$0xf] =	wrdreg s15  }
0xe: {  	s28 =	simm.s32 $0xE900;
	s29 =	simm.s32 $0xF100;
	[dreg:$0x10] =	wrdreg s16  }
0xf: {  	s30 =	simm.s32 $0xF900;
	s1 =	ssub.s32 $0x2, s1;
	[dreg:$0x12] =	wrdreg s17  }
0x10: {  	s31 =	simm.s32 $0x1;
	s14 =	sshrl.u32 s1, $0x1;
	[dreg:$0x14] =	wrdreg s18  }
0x11: {  	s6 =	sshrl.u32 s5, $0x3;
	s5 =	sshll.u32 s5, $0x7;
	[dreg:$0x15] =	wrdreg s19  }
0x12: {  	s1 =	ssub.s32 s1, s14;
	s14 =	simm.s32 $0x11900;
	[dreg:$0x16] =	wrdreg s20  }
0x13: {  	s6 =	sadd.s32 s6, s8;
	s4 =	sadd.s32 s4, s5;
	[dreg:$0x17] =	wrdreg s21  }
0x14: {  	s5 =	simm.s32 $0x80;
	s9 =	simm.s32 $0x5100;
	[dreg:$0x18] =	wrdreg s22  }
0x15: {  	s10 =	simm.s32 $0x6100;
	s11 =	simm.s32 $0x10100;
	[dreg:$0x19] =	wrdreg s23  }
0x16: {  	s12 =	simm.s32 $0x10900;
	s13 =	simm.s32 $0x11100;
	[dreg:$0x1a] =	wrdreg s24  }
0x17: {  	s15 =	simm.s32 $0x12100;
	s16 =	simm.s32 $0x12900;
	[dreg:$0x1b] =	wrdreg s25  }
0x18: {  	s17 =	simm.s32 $0x13100;
	s18 =	simm.s32 $0x13900;
	[dreg:$0x1c] =	wrdreg s26  }
0x19: {  	s19 =	simm.s32 $0x100;
	s21 =	simm.s32 $0xB900;
	[dreg:$0x6] =	wrdreg s4  }
0x1a: {  	s22 =	simm.s32 $0xC100;
	s23 =	simm.s32 $0xC900;
	[dreg:$0x7] =	wrdreg s5  }
0x1b: {  	s24 =	simm.s32 $0xD100;
	s25 =	simm.s32 $0xD900;
	[dreg:$0x11] =	wrdreg s9  }
0x1c: {  	s26 =	simm.s32 $0xE100;
	s7 =	sadd.s32 $0xAE00, s6;
	[dreg:$0x13] =	wrdreg s10  }
0x1d: {  	s6 =	sadd.s32 $0xA800, s6;
	s4 =	sadd.s32 $0xB600, s8;
	[dreg:$0x4] =	wrdreg s7  }
0x1e: {  	s5 =	sadd.s32 $0x6F600, s8;
	[dreg:$0x5] =	wrdreg s6;
	s6 =	simm.s32 $0x900  }
0x1f: {  	v2 =	vlaneseq.u32;
	s9 =	smax.u32 s1, $0x1;
	s7 =	simm.s32 $0x1100;
	[dreg:$0x8] =	wrdreg s6  }
0x20: {  	vm0 =	vmmov $0xffff;
	v1 =	vshrl.u32 v2, $0x3;
	s10 =	simm.s32 $0x3;
	s1 =	simm.s32 $0x2;
	[dreg:$0x9] =	wrdreg s7  }
0x21: {  	v0 =	vand.u32 $0x7, v2;
	v2 =	vor.u32 $0x8, v2;
	v1 =	vmul.u32 $0x8, v1;
	s6 =	sadd.s32 $0xB700, s8;
	s7 =	sadd.s32 $0xB800, s8;
	s8 =	sadd.s32 $0xB900, s8  }
.LBB2_1:
0x22: {  	s0 =	rddreg [dreg:$0x4]  }
0x23: {  	[tilespmem:s3], [sflag:$0x3] =	stream.linear.gather [hbm4b:s0+s3], $0x40, $0x38;
	[tilespmem:$0x14100] =	vst v63  }
0x24: {  	_ =	swait.ge [sflag:s10], $0x40  }
0x25: {  	s0 =	rddreg [dreg:$0x5];
	[sflag:s10] =	ssyncset.done $0x0  }
0x26: {  	s20 =	rddreg [dreg:$0x7];
	[sflag:s10] =	ssyncadd.s32 $0xFFFFFFC0  }
0x27: {  	[tilespmem:s20], [sflag:$0x3] =	stream.linear.gather [hbm4b:s0+s3], $0x40, $0x38;
	[tilespmem:$0x14100] =	vst v63  }
0x28: {  	_ =	swait.ge [sflag:s10], $0x40  }
0x29: {  	[sflag:s10] =	ssyncset.done $0x0  }
0x2a: {  	[sflag:s10] =	ssyncadd.s32 $0xFFFFFFC0  }
0x2b: {  	v3 =	vld [tilespmem:$0x80];
	_ =	sdelay $0x4  }
0x2c: {  	v4 =	vshll.u32 v3, $0x1  }
0x2d: {  	v3 =	vand.u32 $0x7, v3;
	v4 =	vand.u32 $0xFFFFFFF0, v4  }
0x2e: {  	v3 =	vor.u32 v3, v4  }
0x2f: {  	v4 =	vperm.xlane v3, v0;
	_ =	sdelay $0x1  }
0x30: {  	v3 =	vperm.xlane v3, v2;
	v4 =	vadd.s32 v1, v4;
	_ =	sdelay $0x1  }
0x31: {  	v3 =	vadd.s32 v1, v3;
	_ =	sdelay $0x2  }
0x32: {  	[tilespmem:s11], [sflag:$0x1] =	stream.indirect_vreg.gather [hbm4b:s2+s3], $0x80, v4, vm0, $0xb8;
	[tilespmem:$0x14100] =	vst v63  }
0x33: {  	_ = 	snop  }
0x34: {  	[tilespmem:s12], [sflag:$0x1] =	stream.indirect_vreg.gather [hbm4b:s2+s3], $0x80, v3, vm0, $0xb8;
	[tilespmem:$0x14100] =	vst v63  }
0x35: {  	v3 =	vld [tilespmem:$0x90];
	_ =	sdelay $0x4  }
0x36: {  	v53 =	vshll.u32 v3, $0x1  }
0x37: {  	v3 =	vand.u32 $0x7, v3;
	v4 =	vand.u32 $0xFFFFFFF0, v53  }
0x38: {  	v3 =	vor.u32 v3, v4  }
0x39: {  	v4 =	vperm.xlane v3, v0;
	_ =	sdelay $0x1  }
0x3a: {  	v3 =	vperm.xlane v3, v2;
	v4 =	vadd.s32 v1, v4;
	_ =	sdelay $0x1  }
0x3b: {  	v3 =	vadd.s32 v1, v3;
	_ =	sdelay $0x2  }
0x3c: {  	[tilespmem:s13], [sflag:$0x1] =	stream.indirect_vreg.gather [hbm4b:s2+s3], $0x80, v4, vm0, $0xb8;
	[tilespmem:$0x14100] =	vst v63  }
0x3d: {  	_ = 	snop  }
0x3e: {  	[tilespmem:s14], [sflag:$0x1] =	stream.indirect_vreg.gather [hbm4b:s2+s3], $0x80, v3, vm0, $0xb8;
	[tilespmem:$0x14100] =	vst v63  }
0x3f: {  	v3 =	vld [tilespmem:$0xA0];
	_ =	sdelay $0x4  }
0x40: {  	v54 =	vshll.u32 v3, $0x1  }
0x41: {  	v3 =	vand.u32 $0x7, v3;
	v4 =	vand.u32 $0xFFFFFFF0, v54  }
0x42: {  	v3 =	vor.u32 v3, v4  }
0x43: {  	v4 =	vperm.xlane v3, v0;
	_ =	sdelay $0x1  }
0x44: {  	v3 =	vperm.xlane v3, v2;
	v4 =	vadd.s32 v1, v4;
	_ =	sdelay $0x1  }
0x45: {  	v3 =	vadd.s32 v1, v3;
	_ =	sdelay $0x2  }
0x46: {  	[tilespmem:s15], [sflag:$0x1] =	stream.indirect_vreg.gather [hbm4b:s2+s3], $0x80, v4, vm0, $0xb8;
	[tilespmem:$0x14100] =	vst v63  }
0x47: {  	_ = 	snop  }
0x48: {  	[tilespmem:s16], [sflag:$0x1] =	stream.indirect_vreg.gather [hbm4b:s2+s3], $0x80, v3, vm0, $0xb8;
	[tilespmem:$0x14100] =	vst v63  }
0x49: {  	v3 =	vld [tilespmem:$0xB0];
	_ =	sdelay $0x4  }
0x4a: {  	v55 =	vshll.u32 v3, $0x1  }
0x4b: {  	v3 =	vand.u32 $0x7, v3;
	v4 =	vand.u32 $0xFFFFFFF0, v55  }
0x4c: {  	v3 =	vor.u32 v3, v4  }
0x4d: {  	v4 =	vperm.xlane v3, v0;
	_ =	sdelay $0x1  }
0x4e: {  	v3 =	vperm.xlane v3, v2;
	v4 =	vadd.s32 v1, v4;
	_ =	sdelay $0x1  }
0x4f: {  	v3 =	vadd.s32 v1, v3;
	_ =	sdelay $0x2  }
0x50: {  	[tilespmem:s17], [sflag:$0x1] =	stream.indirect_vreg.gather [hbm4b:s2+s3], $0x80, v4, vm0, $0xb8;
	[tilespmem:$0x14100] =	vst v63  }
0x51: {  	_ = 	snop  }
0x52: {  	[tilespmem:s18], [sflag:$0x1] =	stream.indirect_vreg.gather [hbm4b:s2+s3], $0x80, v3, vm0, $0xb8;
	[tilespmem:$0x14100] =	vst v63  }
0x53: {  	s20 =	rddreg [dreg:$0x6]  }
0x54: {  	[tilespmem:s19], [sflag:$0x3] =	stream.linear.gather [hbm4b:s20+s3], $0x10000, $0x38;
	[tilespmem:$0x14100] =	vst v63  }
0x55: {  	_ =	swait.ge [sflag:s10], $0x10000  }
0x56: {  	[sflag:s10] =	ssyncset.done $0x0  }
0x57: {  	[sflag:s10] =	ssyncadd.s32 $0xFFFF0000  }
0x58: {  	v3 =	vld [tilespmem:$0x0];
	_ =	sdelay $0x4  }
0x59: {  	v56 =	vshll.u32 v3, $0x3  }
0x5a: {  	v3 =	vand.u32 $0x7, v3;
	v4 =	vand.u32 $0xFFFFFFC0, v56  }
0x5b: {  	v3 =	vor.u32 v3, v4  }
0x5c: {  	v4 =	vperm.xlane v3, v0;
	_ =	sdelay $0x1  }
0x5d: {  	v4 =	vadd.s32 v1, v4;
	_ =	sdelay $0x4  }
0x5e: {  	[hbm4b:s4+s3] =	stream.indirect_vreg.scatter [tilespmem:s19], [sflag:$0x2], $0x80, v4, vm0, $0xb8;
	[tilespmem:$0x14100] =	vst v63  }
0x5f: {  	s0 =	rddreg [dreg:$0x8];
	v3 =	vperm.xlane v3, v2  }
0x60: {  	[hbm4b:s6+s3] =	stream.indirect_vreg.scatter [tilespmem:s0], [sflag:$0x2], $0x80, v4, vm0, $0xb8;
	[tilespmem:$0x14100] =	vst v63  }
0x61: {  	s20 =	rddreg [dreg:$0x9];
	v3 =	vadd.s32 v1, v3  }
0x62: {  	[hbm4b:s7+s3] =	stream.indirect_vreg.scatter [tilespmem:s20], [sflag:$0x2], $0x80, v4, vm0, $0xb8;
	[tilespmem:$0x14100] =	vst v63  }
0x63: {  	s0 =	rddreg [dreg:$0xa]  }
0x64: {  	[hbm4b:s8+s3] =	stream.indirect_vreg.scatter [tilespmem:s0], [sflag:$0x2], $0x80, v4, vm0, $0xb8;
	[tilespmem:$0x14100] =	vst v63  }
0x65: {  	s20 =	rddreg [dreg:$0xb]  }
0x66: {  	[hbm4b:s4+s3] =	stream.indirect_vreg.scatter [tilespmem:s20], [sflag:$0x2], $0x80, v3, vm0, $0xb8;
	[tilespmem:$0x14100] =	vst v63  }
0x67: {  	s0 =	rddreg [dreg:$0xc]  }
0x68: {  	[hbm4b:s6+s3] =	stream.indirect_vreg.scatter [tilespmem:s0], [sflag:$0x2], $0x80, v3, vm0, $0xb8;
	[tilespmem:$0x14100] =	vst v63  }
0x69: {  	s20 =	rddreg [dreg:$0xd]  }
0x6a: {  	[hbm4b:s7+s3] =	stream.indirect_vreg.scatter [tilespmem:s20], [sflag:$0x2], $0x80, v3, vm0, $0xb8;
	[tilespmem:$0x14100] =	vst v63  }
0x6b: {  	s0 =	rddreg [dreg:$0xe]  }
0x6c: {  	[hbm4b:s8+s3] =	stream.indirect_vreg.scatter [tilespmem:s0], [sflag:$0x2], $0x80, v3, vm0, $0xb8;
	[tilespmem:$0x14100] =	vst v63  }
0x6d: {  	v3 =	vld [tilespmem:$0x10];
	_ =	sdelay $0x4  }
0x6e: {  	v57 =	vshll.u32 v3, $0x3  }
0x6f: {  	v3 =	vand.u32 $0x7, v3;
	v4 =	vand.u32 $0xFFFFFFC0, v57  }
0x70: {  	v3 =	vor.u32 v3, v4  }
0x71: {  	v4 =	vperm.xlane v3, v0;
	_ =	sdelay $0x1  }
0x72: {  	v4 =	vadd.s32 v1, v4;
	_ =	sdelay $0x3  }
0x73: {  	s0 =	rddreg [dreg:$0xf]  }
0x74: {  	[hbm4b:s4+s3] =	stream.indirect_vreg.scatter [tilespmem:s0], [sflag:$0x2], $0x80, v4, vm0, $0xb8;
	[tilespmem:$0x14100] =	vst v63  }
0x75: {  	s20 =	rddreg [dreg:$0x10];
	v3 =	vperm.xlane v3, v2  }
0x76: {  	[hbm4b:s6+s3] =	stream.indirect_vreg.scatter [tilespmem:s20], [sflag:$0x2], $0x80, v4, vm0, $0xb8;
	[tilespmem:$0x14100] =	vst v63  }
0x77: {  	v3 =	vadd.s32 v1, v3;
	s0 =	rddreg [dreg:$0x11]  }
0x78: {  	[hbm4b:s7+s3] =	stream.indirect_vreg.scatter [tilespmem:s0], [sflag:$0x2], $0x80, v4, vm0, $0xb8;
	[tilespmem:$0x14100] =	vst v63  }
0x79: {  	s20 =	rddreg [dreg:$0x12]  }
0x7a: {  	[hbm4b:s8+s3] =	stream.indirect_vreg.scatter [tilespmem:s20], [sflag:$0x2], $0x80, v4, vm0, $0xb8;
	[tilespmem:$0x14100] =	vst v63  }
0x7b: {  	s0 =	rddreg [dreg:$0x13]  }
0x7c: {  	[hbm4b:s4+s3] =	stream.indirect_vreg.scatter [tilespmem:s0], [sflag:$0x2], $0x80, v3, vm0, $0xb8;
	[tilespmem:$0x14100] =	vst v63  }
0x7d: {  	s20 =	rddreg [dreg:$0x14]  }
0x7e: {  	[hbm4b:s6+s3] =	stream.indirect_vreg.scatter [tilespmem:s20], [sflag:$0x2], $0x80, v3, vm0, $0xb8;
	[tilespmem:$0x14100] =	vst v63  }
0x7f: {  	s0 =	rddreg [dreg:$0x15]  }
0x80: {  	[hbm4b:s7+s3] =	stream.indirect_vreg.scatter [tilespmem:s0], [sflag:$0x2], $0x80, v3, vm0, $0xb8;
	[tilespmem:$0x14100] =	vst v63  }
0x81: {  	s20 =	rddreg [dreg:$0x16]  }
0x82: {  	[hbm4b:s8+s3] =	stream.indirect_vreg.scatter [tilespmem:s20], [sflag:$0x2], $0x80, v3, vm0, $0xb8;
	[tilespmem:$0x14100] =	vst v63  }
0x83: {  	v3 =	vld [tilespmem:$0x20];
	_ =	sdelay $0x4  }
0x84: {  	v58 =	vshll.u32 v3, $0x3  }
0x85: {  	v3 =	vand.u32 $0x7, v3;
	v4 =	vand.u32 $0xFFFFFFC0, v58  }
0x86: {  	v3 =	vor.u32 v3, v4  }
0x87: {  	v4 =	vperm.xlane v3, v0;
	_ =	sdelay $0x1  }
0x88: {  	v4 =	vadd.s32 v1, v4;
	_ =	sdelay $0x3  }
0x89: {  	s0 =	rddreg [dreg:$0x17]  }
0x8a: {  	[hbm4b:s4+s3] =	stream.indirect_vreg.scatter [tilespmem:s0], [sflag:$0x2], $0x80, v4, vm0, $0xb8;
	[tilespmem:$0x14100] =	vst v63  }
0x8b: {  	s20 =	rddreg [dreg:$0x18];
	v3 =	vperm.xlane v3, v2  }
0x8c: {  	[hbm4b:s6+s3] =	stream.indirect_vreg.scatter [tilespmem:s20], [sflag:$0x2], $0x80, v4, vm0, $0xb8;
	[tilespmem:$0x14100] =	vst v63  }
0x8d: {  	v3 =	vadd.s32 v1, v3;
	s0 =	rddreg [dreg:$0x19]  }
0x8e: {  	[hbm4b:s7+s3] =	stream.indirect_vreg.scatter [tilespmem:s0], [sflag:$0x2], $0x80, v4, vm0, $0xb8;
	[tilespmem:$0x14100] =	vst v63  }
0x8f: {  	s20 =	rddreg [dreg:$0x1a]  }
0x90: {  	[hbm4b:s8+s3] =	stream.indirect_vreg.scatter [tilespmem:s20], [sflag:$0x2], $0x80, v4, vm0, $0xb8;
	[tilespmem:$0x14100] =	vst v63  }
0x91: {  	s0 =	rddreg [dreg:$0x1b]  }
0x92: {  	[hbm4b:s4+s3] =	stream.indirect_vreg.scatter [tilespmem:s0], [sflag:$0x2], $0x80, v3, vm0, $0xb8;
	[tilespmem:$0x14100] =	vst v63  }
0x93: {  	s20 =	rddreg [dreg:$0x1c]  }
0x94: {  	[hbm4b:s6+s3] =	stream.indirect_vreg.scatter [tilespmem:s20], [sflag:$0x2], $0x80, v3, vm0, $0xb8;
	[tilespmem:$0x14100] =	vst v63  }
0x95: {  	s20 =	simm.s32 $0xB100  }
0x96: {  	[hbm4b:s7+s3] =	stream.indirect_vreg.scatter [tilespmem:s20], [sflag:$0x2], $0x80, v3, vm0, $0xb8;
	[tilespmem:$0x14100] =	vst v63  }
0x97: {  	_ = 	snop  }
0x98: {  	[hbm4b:s8+s3] =	stream.indirect_vreg.scatter [tilespmem:s21], [sflag:$0x2], $0x80, v3, vm0, $0xb8;
	[tilespmem:$0x14100] =	vst v63  }
0x99: {  	v3 =	vld [tilespmem:$0x30];
	_ =	sdelay $0x4  }
0x9a: {  	v59 =	vshll.u32 v3, $0x3  }
0x9b: {  	v3 =	vand.u32 $0x7, v3;
	v4 =	vand.u32 $0xFFFFFFC0, v59  }
0x9c: {  	v3 =	vor.u32 v3, v4  }
0x9d: {  	v4 =	vperm.xlane v3, v0;
	_ =	sdelay $0x1  }
0x9e: {  	v4 =	vadd.s32 v1, v4;
	_ =	sdelay $0x4  }
0x9f: {  	[hbm4b:s4+s3] =	stream.indirect_vreg.scatter [tilespmem:s22], [sflag:$0x2], $0x80, v4, vm0, $0xb8;
	[tilespmem:$0x14100] =	vst v63  }
0xa0: {  	v3 =	vperm.xlane v3, v2  }
0xa1: {  	[hbm4b:s6+s3] =	stream.indirect_vreg.scatter [tilespmem:s23], [sflag:$0x2], $0x80, v4, vm0, $0xb8;
	[tilespmem:$0x14100] =	vst v63  }
0xa2: {  	v3 =	vadd.s32 v1, v3  }
0xa3: {  	[hbm4b:s7+s3] =	stream.indirect_vreg.scatter [tilespmem:s24], [sflag:$0x2], $0x80, v4, vm0, $0xb8;
	[tilespmem:$0x14100] =	vst v63  }
0xa4: {  	_ = 	snop  }
0xa5: {  	[hbm4b:s8+s3] =	stream.indirect_vreg.scatter [tilespmem:s25], [sflag:$0x2], $0x80, v4, vm0, $0xb8;
	[tilespmem:$0x14100] =	vst v63  }
0xa6: {  	_ = 	snop  }
0xa7: {  	[hbm4b:s4+s3] =	stream.indirect_vreg.scatter [tilespmem:s26], [sflag:$0x2], $0x80, v3, vm0, $0xb8;
	[tilespmem:$0x14100] =	vst v63  }
0xa8: {  	_ = 	snop  }
0xa9: {  	[hbm4b:s6+s3] =	stream.indirect_vreg.scatter [tilespmem:s28], [sflag:$0x2], $0x80, v3, vm0, $0xb8;
	[tilespmem:$0x14100] =	vst v63  }
0xaa: {  	_ = 	snop  }
0xab: {  	[hbm4b:s7+s3] =	stream.indirect_vreg.scatter [tilespmem:s29], [sflag:$0x2], $0x80, v3, vm0, $0xb8;
	[tilespmem:$0x14100] =	vst v63  }
0xac: {  	_ = 	snop  }
0xad: {  	[hbm4b:s8+s3] =	stream.indirect_vreg.scatter [tilespmem:s30], [sflag:$0x2], $0x80, v3, vm0, $0xb8;
	[tilespmem:$0x14100] =	vst v63  }
0xae: {  	_ =	swait.ge [sflag:s31], $0x4000  }
0xaf: {  	[sflag:s31] =	ssyncset.done $0x0  }
0xb0: {  	[sflag:s31] =	ssyncadd.s32 $0xFFFFC000  }
0xb1: {  	v3 =	vld [tilespmem:$0x0];
	_ =	sdelay $0x4  }
0xb2: {  	v60 =	vshll.u32 v3, $0x1  }
0xb3: {  	v3 =	vand.u32 $0x7, v3;
	v4 =	vand.u32 $0xFFFFFFF0, v60  }
0xb4: {  	v3 =	vor.u32 v3, v4  }
0xb5: {  	v4 =	vperm.xlane v3, v0;
	_ =	sdelay $0x1  }
0xb6: {  	v3 =	vperm.xlane v3, v2;
	v4 =	vadd.s32 v1, v4;
	_ =	sdelay $0x1  }
0xb7: {  	v3 =	vadd.s32 v1, v3;
	_ =	sdelay $0x2  }
0xb8: {  	[hbm4b:s5+s3] =	stream.indirect_vreg.scatter [tilespmem:s11], [sflag:$0x1], $0x80, v4, vm0, $0xb8;
	[tilespmem:$0x14100] =	vst v63  }
0xb9: {  	_ = 	snop  }
0xba: {  	[hbm4b:s5+s3] =	stream.indirect_vreg.scatter [tilespmem:s12], [sflag:$0x1], $0x80, v3, vm0, $0xb8;
	[tilespmem:$0x14100] =	vst v63  }
0xbb: {  	v3 =	vld [tilespmem:$0x10];
	_ =	sdelay $0x4  }
0xbc: {  	v61 =	vshll.u32 v3, $0x1  }
0xbd: {  	v3 =	vand.u32 $0x7, v3;
	v4 =	vand.u32 $0xFFFFFFF0, v61  }
0xbe: {  	v3 =	vor.u32 v3, v4  }
0xbf: {  	v4 =	vperm.xlane v3, v0;
	_ =	sdelay $0x1  }
0xc0: {  	v3 =	vperm.xlane v3, v2;
	v4 =	vadd.s32 v1, v4;
	_ =	sdelay $0x1  }
0xc1: {  	v3 =	vadd.s32 v1, v3;
	_ =	sdelay $0x2  }
0xc2: {  	[hbm4b:s5+s3] =	stream.indirect_vreg.scatter [tilespmem:s13], [sflag:$0x1], $0x80, v4, vm0, $0xb8;
	[tilespmem:$0x14100] =	vst v63  }
0xc3: {  	_ = 	snop  }
0xc4: {  	[hbm4b:s5+s3] =	stream.indirect_vreg.scatter [tilespmem:s14], [sflag:$0x1], $0x80, v3, vm0, $0xb8;
	[tilespmem:$0x14100] =	vst v63  }
0xc5: {  	v3 =	vld [tilespmem:$0x20];
	_ =	sdelay $0x4  }
0xc6: {  	v62 =	vshll.u32 v3, $0x1  }
0xc7: {  	v3 =	vand.u32 $0x7, v3;
	v4 =	vand.u32 $0xFFFFFFF0, v62  }
0xc8: {  	v3 =	vor.u32 v3, v4  }
0xc9: {  	v4 =	vperm.xlane v3, v0;
	_ =	sdelay $0x1  }
0xca: {  	v3 =	vperm.xlane v3, v2;
	v4 =	vadd.s32 v1, v4;
	_ =	sdelay $0x1  }
0xcb: {  	v3 =	vadd.s32 v1, v3;
	_ =	sdelay $0x2  }
0xcc: {  	[hbm4b:s5+s3] =	stream.indirect_vreg.scatter [tilespmem:s15], [sflag:$0x1], $0x80, v4, vm0, $0xb8;
	[tilespmem:$0x14100] =	vst v63  }
0xcd: {  	_ = 	snop  }
0xce: {  	[hbm4b:s5+s3] =	stream.indirect_vreg.scatter [tilespmem:s16], [sflag:$0x1], $0x80, v3, vm0, $0xb8;
	[tilespmem:$0x14100] =	vst v63  }
0xcf: {  	v3 =	vld [tilespmem:$0x30];
	_ =	sdelay $0x4  }
0xd0: {  	v63 =	vshll.u32 v3, $0x1  }
0xd1: {  	v3 =	vand.u32 $0x7, v3;
	v4 =	vand.u32 $0xFFFFFFF0, v63  }
0xd2: {  	v3 =	vor.u32 v3, v4  }
0xd3: {  	v4 =	vperm.xlane v3, v0;
	_ =	sdelay $0x1  }
0xd4: {  	v3 =	vperm.xlane v3, v2;
	v4 =	vadd.s32 v1, v4;
	_ =	sdelay $0x1  }
0xd5: {  	v3 =	vadd.s32 v1, v3;
	_ =	sdelay $0x2  }
0xd6: {  	[hbm4b:s5+s3] =	stream.indirect_vreg.scatter [tilespmem:s17], [sflag:$0x1], $0x80, v4, vm0, $0xb8;
	[tilespmem:$0x14100] =	vst v63  }
0xd7: {  	_ = 	snop  }
0xd8: {  	[hbm4b:s5+s3] =	stream.indirect_vreg.scatter [tilespmem:s18], [sflag:$0x1], $0x80, v3, vm0, $0xb8;
	[tilespmem:$0x14100] =	vst v63  }
0xd9: {  	p0 =	sne.s32 s9, $0x1;
	_ =	swait.ge [sflag:s1], $0x10000  }
.Ltmp0:
0xda: {  	[sflag:s1] =	ssyncset.done $0x0;
	(pc) =	sbr.rel @p0 .LBB2_1-.Ltmp0, $4  }
0xdb: {  	[sflag:s1] =	ssyncadd.s32 $0xFFFF0000  }
0xdc: {  	_ =	swait.ge [sflag:s31], $0x4000  }
0xdd: {  	[sflag:s31] =	ssyncset.done $0x0  }
0xde: {  	s9 =	sadd.s32 $0xFFFFFFFF, s9;
	[sflag:s31] =	ssyncadd.s32 $0xFFFFC000  }
0xdf: {  	_ =	sfence.sel $0x180000  }
0xe0: {  	[bflag:$0x0] =	sbarrier.arrive $0xFFFF  }
0xe1: {  	_ =	strace $0x90000047  }
0xe2: {  	s0 =	stileid.u32;
	[bflag:$0x2] =	sbarrier.arrive $0xFFFF  }
0xe3: {  	p0 =	sne.s32 s0, $0x0;
	s0 =	rddreg [dreg:$0x3]  }
0xe4: {  	s0 =	sadd.s32 @!p0 $0x100000, s0  }
0xe5: {  	[sflag:s0] =	ssyncadd.tile.s32 @!p0 $0x1;
	_ =	shalt  }
.Lfunc_end2:
_tile_overlayer_lowered:
.L_overlay_start_2:
0xe6: {  	(tag) =	ssettag $0x2  }
0xe7: {  	s0 =	rddreg [dreg:$0x0];
	s2 =	stileid.u32  }
0xe8: {  	s1 =	rddreg [dreg:$0x1];
	p0 =	sne.s32 s2, $0x0  }
0xe9: {  	s3 =	rddreg [dreg:$0x2];
	[bflag:$0x3] =	sbarrier.arrive $0xFFFF;
	s2 =	simm.s32 @!p0 $0x1C03  }
0xea: {  	[timem:s3], [sflag:s2] =	dma.local @!p0 [hbm:s0], s1  }
0xeb: {  	s0 =	simm.s32 @!p0 $0x3  }
0xec: {  	_ =	swait.ge @!p0 [sflag:s0], s1  }
0xed: {  	s1 =	ssub.s32 @!p0 $0x0, s1;
	[sflag:s0] =	ssyncset.done @!p0 $0x0  }
0xee: {  	[sflag:s0] =	ssyncadd.s32 @!p0 s1  }
0xef: {  	[bflag:$0x3] =	sbarrier.arrive $0xFFFF  }
0xf0: {  	_ =	shalt  }

// kernel: kernel.17.cloned.1.call-start
scs
__scs_entry_jumppad:
0x0: {  	(pc) =	sbr.rel $0x88, $3  }
0x1: {  	(tag) =	ssettag $0x0;
	lr =	simm.s32 $0x1  }
0x2: {  	[smem:$0x3F99] =	sst lr;
	_ =	strace $0xD0000000  }
0x3: {  	_ = 	snop  }
0x4: {  	_ = 	snop  }
0x5: {  	_ = 	snop  }
0x6: {  	_ = 	snop  }
0x7: {  	_ = 	snop  }
__scs_overlays_trampoline_lowered:
0x8: {  	[smem:$0x3FA8] =	sst s0  }
0x9: {  	[smem:$0x3FA9] =	sst s1  }
0xa: {  	[smem:$0x3FAA] =	sst s2  }
0xb: {  	[smem:$0x3FAB] =	sst s3  }
0xc: {  	[smem:$0x3FAC] =	sst s4  }
0xd: {  	[smem:$0x3FAD] =	sst s5  }
0xe: {  	[smem:$0x3FAE] =	sst s6  }
0xf: {  	[smem:$0x3FAF] =	sst s7  }
0x10: {  	[smem:$0x3FB0] =	sst s8  }
0x11: {  	[smem:$0x3FB1] =	sst s9;
	s0 =	simm.s32 @!p0 $0x0  }
0x12: {  	s1 =	sld [smem:$0x3F97];
	s0 =	simm.s32 @p0 $0x1  }
0x13: {  	[smem:$0x3FB2] =	sst s0;
	s0 =	simm.s32 @!p1 $0x0  }
0x14: {  	s2 =	sld [smem:$0x3F96];
	s0 =	simm.s32 @p1 $0x1  }
0x15: {  	[smem:$0x3FB3] =	sst s0;
	s0 =	simm.s32 @!p2 $0x0  }
0x16: {  	s3 =	sld [smem:$0x3FDB];
	s0 =	simm.s32 @p2 $0x1  }
0x17: {  	s4 =	simm.s32 $0x1BF5;
	[smem:$0x3FB5] =	sst s0  }
0x18: {  	s0 =	sld [smem:$0x3F98];
	_ =	swait.ge [sflag:s4], $0x0  }
0x19: {  	s7 =	sld [smem:$0x3F99]  }
0x1a: {  	s8 =	sadd.s32 $0xFFFFE003, lr  }
0x1b: {  	s9 =	sadd.s32 $0xFFFFFEF7, lr;
	s5 =	simm.s32 $0xFFFFFFFF;
	p2 =	slt.u32 s8, $0xFFFFF086  }
0x1c: {  	p1 =	slt.u32 s9, $0xF7A;
	s5 =	simm.s32 @!p2 $0x0  }
0x1d: {  	s5 =	simm.s32 @p1 $0x1;
	p0 =	seq.s32 s7, s2  }
0x1e: {  	s7 =	smul.u32 @!p0 $0xF7A, s2;
	p2 =	seq.s32 @!p0 s5, $0x0  }
0x1f: {  	s9 =	smul.u32 $0xF7A, s1;
	s8 =	simm.s32 @!p0 $0x1BF5;
	p2 =	por !p2, p0  }
0x20: {  	[sflag:s8] =	ssyncset.s32 @!p0 $0xFFFFF086;
	s6 =	sadd.s32 @!p0 s3, s7;
	s7 =	simm.s32 @!p0 $0x108  }
0x21: {  	s3 =	sadd.s32 s3, s9;
	s6 =	sadd.s32 @!p0 $0x88, s6;
	s7 =	simm.s32 @p2 $0x1082  }
0x22: {  	[simem:s7], [sflag:s8] =	dma.local @!p0 [hbm:s6], $0xF7A  }
0x23: {  	s9 =	sor.u32 $0xD0000000, s2;
	s6 =	simm.s32 $0x108;
	_ =	swait.ge @!p0 [sflag:s8], $0x0  }
0x24: {  	s3 =	sadd.s32 $0x88, s3;
	s6 =	simm.s32 @!p1 $0x1082;
	[sflag:s4] =	ssyncset.s32 $0xFFFFF086  }
0x25: {  	[simem:s6], [sflag:s4] =	dma.local [hbm:s3], $0xF7A  }
0x26: {  	[smem:$0x3F99] =	sst s1;
	(tag) =	ssettag s2;
	_ =	strace s9  }
0x27: {  	s1 =	sld [smem:$0x3FA9]  }
0x28: {  	s2 =	sld [smem:$0x3FAA]  }
0x29: {  	s4 =	sld [smem:$0x3FAC]  }
0x2a: {  	p0 =	seq.s32 s5, $0x0;
	s5 =	sld [smem:$0x3FAD]  }
0x2b: {  	s6 =	sld [smem:$0x3FAE]  }
0x2c: {  	s7 =	sld [smem:$0x3FAF]  }
0x2d: {  	s3 =	simm.s32 $0x108;
	s8 =	sld [smem:$0x3FB0]  }
0x2e: {  	s3 =	simm.s32 @!p0 $0x1082;
	s9 =	sld [smem:$0x3FB1]  }
0x2f: {  	lr =	sadd.s32 s0, s3;
	s0 =	sld [smem:$0x3FA8]  }
0x30: {  	s3 =	sld [smem:$0x3FAB]  }
0x31: {  	[smem:$0x3FB4] =	sst s10  }
0x32: {  	s10 =	sld [smem:$0x3FB2];
	_ =	sdelay $0x3  }
0x33: {  	p0 =	seq.s32 s10, $0x1;
	s10 =	sld [smem:$0x3FB4];
	_ =	sdelay $0x3  }
0x34: {  	[smem:$0x3FB4] =	sst s10  }
0x35: {  	s10 =	sld [smem:$0x3FB3];
	_ =	sdelay $0x3  }
0x36: {  	p1 =	seq.s32 s10, $0x1;
	s10 =	sld [smem:$0x3FB4];
	_ =	sdelay $0x3  }
0x37: {  	[smem:$0x3FB4] =	sst s10  }
0x38: {  	s10 =	sld [smem:$0x3FB5]  }
0x39: {  	_ = 	snop;
	(pc) =	sbr.ind lr, $3  }
0x3a: {  	_ = 	snop  }
0x3b: {  	_ = 	snop  }
0x3c: {  	p2 =	seq.s32 s10, $0x1;
	s10 =	sld [smem:$0x3FB4]  }
0x3d: {  	_ =	shalt  }
0x3e: {  	_ =	shalt  }
0x3f: {  	_ =	shalt  }
0x40: {  	_ =	shalt  }
0x41: {  	_ =	shalt  }
0x42: {  	_ =	shalt  }
0x43: {  	_ =	shalt  }
0x44: {  	_ =	shalt  }
0x45: {  	_ =	shalt  }
0x46: {  	_ =	shalt  }
0x47: {  	_ =	shalt  }
0x48: {  	_ =	shalt  }
0x49: {  	_ =	shalt  }
0x4a: {  	_ =	shalt  }
0x4b: {  	_ =	shalt  }
0x4c: {  	_ =	shalt  }
0x4d: {  	_ =	shalt  }
0x4e: {  	_ =	shalt  }
0x4f: {  	_ =	shalt  }
0x50: {  	_ =	shalt  }
0x51: {  	_ =	shalt  }
0x52: {  	_ =	shalt  }
0x53: {  	_ =	shalt  }
0x54: {  	_ =	shalt  }
0x55: {  	_ =	shalt  }
0x56: {  	_ =	shalt  }
0x57: {  	_ =	shalt  }
0x58: {  	_ =	shalt  }
0x59: {  	_ =	shalt  }
0x5a: {  	_ =	shalt  }
0x5b: {  	_ =	shalt  }
0x5c: {  	_ =	shalt  }
0x5d: {  	_ =	shalt  }
0x5e: {  	_ =	shalt  }
0x5f: {  	_ =	shalt  }
0x60: {  	_ =	shalt  }
0x61: {  	_ =	shalt  }
0x62: {  	_ =	shalt  }
0x63: {  	_ =	shalt  }
0x64: {  	_ =	shalt  }
0x65: {  	_ =	shalt  }
0x66: {  	_ =	shalt  }
0x67: {  	_ =	shalt  }
0x68: {  	_ =	shalt  }
0x69: {  	_ =	shalt  }
0x6a: {  	_ =	shalt  }
0x6b: {  	_ =	shalt  }
0x6c: {  	_ =	shalt  }
0x6d: {  	_ =	shalt  }
0x6e: {  	_ =	shalt  }
0x6f: {  	_ =	shalt  }
0x70: {  	_ =	shalt  }
0x71: {  	_ =	shalt  }
0x72: {  	_ =	shalt  }
0x73: {  	_ =	shalt  }
0x74: {  	_ =	shalt  }
0x75: {  	_ =	shalt  }
0x76: {  	_ =	shalt  }
0x77: {  	_ =	shalt  }
0x78: {  	_ =	shalt  }
0x79: {  	_ =	shalt  }
0x7a: {  	_ =	shalt  }
0x7b: {  	_ =	shalt  }
0x7c: {  	_ =	shalt  }
0x7d: {  	_ =	shalt  }
0x7e: {  	_ =	shalt  }
0x7f: {  	_ =	shalt  }
0x80: {  	_ =	shalt  }
0x81: {  	_ =	shalt  }
0x82: {  	_ =	shalt  }
0x83: {  	_ =	shalt  }
0x84: {  	_ =	shalt  }
0x85: {  	_ =	shalt  }
0x86: {  	_ =	shalt  }
0x87: {  	_ =	shalt  }
.Lfunc_end0:
.L_simem_size_0:
called_computation.1_lowered:
.L_overlay_start_0:
0x88: {  	s2 =	sld [smem:$0x3FD9]  }
0x89: {  	s3 =	sld [smem:$0x3FFE];
	_ =	sdelay $0x1  }
0x8a: {  	s1 =	srdreg.scid  }
0x8b: {  	s0 =	sand.u32 $0x1, s1  }
0x8c: {  	s15 =	sshll.u32 s0, $0xA;
	s2 =	sadd.s32 s3, s2  }
0x8d: {  	s2 =	sadd.s32 s2, s15  }
0x8e: {  	[smem:$0x3FC0] =	sst s2  }
0x8f: {  	_ = 	snop  }
0x90: {  	s2 =	sld [smem:$0x3FD0];
	_ =	sdelay $0x2  }
0x91: {  	s4 =	simm.s32 $0xB;
	s16 =	simm.s32 $0x10  }
0x92: {  	[smem:s16], [sflag:s4] =	dma.local [hbm:s2], $0x1  }
0x93: {  	_ =	swait.eq [sflag:s4], $0x1  }
0x94: {  	[sflag:s4] =	ssyncset.done $0x0  }
0x95: {  	s17 =	sld [smem:$0x11];
	[sflag:s4] =	ssyncadd.s32 $0xFFFFFFFF  }
0x96: {  	s18 =	sld [smem:$0x12];
	(tm) =	ssettm $0x1  }
0x97: {  	s19 =	sld [smem:$0x3FFB];
	_ =	sdelay $0x3  }
0x98: {  	_ =	strace s19  }
0x99: {  	s2 =	sld [smem:$0x3FFC];
	_ =	sdelay $0x3  }
0x9a: {  	_ =	strace s2  }
0x9b: {  	s2 =	sld [smem:$0x3FFD];
	_ =	sdelay $0x3  }
0x9c: {  	_ =	strace s2  }
0x9d: {  	_ =	strace $0x8FFFFFFF  }
0x9e: {  	s20 =	sld [smem:$0x3FDB];
	_ =	sdelay $0x1  }
0x9f: {  	s5 =	simm.s32 $_scs_section_size  }
0xa0: {  	s6 =	simm.s32 $_size__tile_overlayer_lowered;
	s7 =	simm.s32 $_tile_overlayer_lowered  }
0xa1: {  	s8 =	simm.s32 $0x1BFF;
	s21 =	sshll.u32 s7, $0x1;
	s5 =	sadd.s32 s5, s20  }
0xa2: {  	s22 =	simm.s32 $0x0;
	s6 =	sshll.u32 s6, $0x1;
	s7 =	sadd.s32 s21, s5  }
0xa3: {  	[timem:s22], [sflag:s8] =	dma.local [hbm:s7], s6  }
0xa4: {  	_ =	swait.ge [sflag:s8], s6  }
0xa5: {  	s6 =	ssub.s32 $0x0, s6;
	[sflag:s8] =	ssyncset.done $0x0  }
0xa6: {  	[sflag:s8] =	ssyncadd.s32 s6;
	_ =	sdelay $0x1  }
0xa7: {  	s23 =	simm.s32 $0x1B8B  }
0xa8: {  	_ =	swait.ge [sflag:s23], $0x1  }
0xa9: {  	[sflag:s23] =	ssyncset.done $0x0  }
0xaa: {  	[sflag:s23] =	ssyncadd.s32 $0xFFFFFFFF  }
0xab: {  	s6 =	sld [smem:$0x0]  }
0xac: {  	s7 =	sand.u32 $0xFFFFFFFE, s1  }
0xad: {  	p0 =	sne.s32 s1, s7  }
0xae: {  	s7 =	sshll.u32 @p0 s7, $0xE  }
0xaf: {  	s7 =	sadd.s32 @p0 $0x11B8D, s7;
	s8 =	sshll.u32 @p0 s6, $0x11  }
0xb0: {  	s7 =	sor.u32 @p0 s8, s7  }
0xb1: {  	[sflag:s7] =	ssyncadd.remote.s32 @p0 $0x1;
	_ =	sdelay $0x1  }
0xb2: {  	s7 =	simm.s32 @p0 $0x1B8D  }
0xb3: {  	_ =	swait.eq @p0 [sflag:s7], $0x1  }
0xb4: {  	[sflag:s7] =	ssyncadd.s32 @p0 $0xFFFFFFFF  }
0xb5: {  	s8 =	sshll.u32 @!p0 s1, $0xE  }
0xb6: {  	s8 =	sor.u32 @!p0 $0x4000, s8;
	s7 =	simm.s32 @!p0 $0x1B8D  }
0xb7: {  	s6 =	sshll.u32 @!p0 s6, $0x11;
	s8 =	sadd.s32 @!p0 $0x11B8D, s8;
	_ =	swait.eq @!p0 [sflag:s7], $0x1  }
0xb8: {  	s6 =	sor.u32 @!p0 s6, s8;
	[sflag:s7] =	ssyncadd.s32 @!p0 $0xFFFFFFFF  }
0xb9: {  	s25 =	simm.s32 $0x1B8E;
	s24 =	sld [smem:$0x3FFE];
	[sflag:s6] =	ssyncadd.remote.s32 @!p0 $0x1  }
0xba: {  	s26 =	simm.s32 $execute0_lowered;
	[smem:$0x3FD2] =	sst s25  }
0xbb: {  	s7 =	sshll.u32 s26, $0x1;
	_ =	strace $0x80000049;
	[dreg:$0x1] =	wrdreg $0xFFFFFFFF  }
0xbc: {  	s28 =	simm.s32 $_size_execute0_lowered;
	s5 =	sadd.s32 s5, s7;
	[dreg:$0x0] =	wrdreg $0x0  }
0xbd: {  	s7 =	sshll.u32 s28, $0x1;
	[dreg:$0x2] =	wrdreg s5  }
0xbe: {  	[dreg:$0x3] =	wrdreg s7  }
0xbf: {  	[dreg:$0x4] =	wrdreg $0xC0  }
0xc0: {  	_ =	task [dreg:s22], $0x5FFFF  }
0xc1: {  	[dreg:$0x1] =	wrdreg $0xFFFFFFFF  }
0xc2: {  	[dreg:$0x0] =	wrdreg $0x60  }
0xc3: {  	[dreg:$0x2] =	wrdreg s18  }
0xc4: {  	[dreg:$0x3] =	wrdreg s24  }
0xc5: {  	[dreg:$0x4] =	wrdreg s17  }
0xc6: {  	[dreg:$0x5] =	wrdreg $0x9  }
0xc7: {  	_ =	task.clear_ibuf [dreg:s22], $0x6FFFF;
	_ =	strace $0x90000049  }
0xc8: {  	s29 =	simm.s32 $0x9;
	_ =	strace $0x8000004B  }
0xc9: {  	_ =	swait.ge [sflag:s29], $0x1  }
0xca: {  	[sflag:s29] =	ssyncadd.s32 $0xFFFFFFFF  }
0xcb: {  	_ =	strace $0x9000004B  }
0xcc: {  	_ =	sfence  }
0xcd: {  	s30 =	sld [smem:$0x0];
	_ =	sdelay $0x2  }
0xce: {  	s31 =	sshll.u32 s1, $0xD;
	s1 =	sshrl.u32 s1, $0x2  }
0xcf: {  	s4 =	sand.u32 $0x4000, s31;
	s1 =	sadd.s32 s1, s30  }
0xd0: {  	s0 =	sor.u32 s4, s0;
	s1 =	sshll.u32 s1, $0x11  }
0xd1: {  	s0 =	sor.u32 s1, s0  }
0xd2: {  	s0 =	sadd.s32 $0x8F2B, s0  }
0xd3: {  	[sflag:s0] =	ssyncadd.remote.s32 $0x1  }
0xd4: {  	_ =	sfence.sel $0xFFFF  }
0xd5: {  	[dreg:$0x0] =	wrdreg $0xFFFFFFFF;
	(pc) =	sbr.abs _section_cstart, $3  }
0xd6: {  	[dreg:$0x1] =	wrdreg $0xFFFFFFFF  }
0xd7: {  	_ =	task.clear_ibuf [dreg:s22], $0x2FFFF;
	_ =	strace $0x9FFFFFFF  }
0xd8: {  	(tm) =	ssettm $0x7FFFFFFF  }
0xd9: {  	_ =	shalt  }
tec
execute0_lowered:
.L_overlay_start_1:
0x0: {  	(tag) =	ssettag $0x1  }
0x1: {  	s1 =	rddreg [dreg:$0x0]  }
0x2: {  	s0 =	srdreg.scid;
	s2 =	rddreg [dreg:$0x1]  }
0x3: {  	s3 =	stileid.u32;
	s5 =	rddreg [dreg:$0x2];
	s22 =	simm.s32 $0x200  }
0x4: {  	s23 =	simm.s32 $0x280;
	s24 =	simm.s32 $0x300;
	s25 =	simm.s32 $0x80  }
0x5: {  	s26 =	simm.s32 $0x100;
	s9 =	simm.s32 $0x1;
	s10 =	simm.s32 $0x2  }
0x6: {  	s11 =	simm.s32 $0x3;
	s14 =	simm.s32 $0x400;
	s15 =	simm.s32 $0xC00  }
0x7: {  	s16 =	simm.s32 $0x1400;
	s4 =	sshll.u32 s3, $0x4;
	s3 =	simm.s32 $0x0  }
0x8: {  	s28 =	simm.s32 $0x6C00;
	s29 =	simm.s32 $0x7400;
	[smem:$0x7FF] =	sst s3  }
0x9: {  	s30 =	simm.s32 $0x7C00;
	_ =	strace $0x8000004A;
	[dreg:$0xa] =	wrdreg s22  }
0xa: {  	s31 =	simm.s32 $0x8400;
	s0 =	sand.u32 $0x1, s0;
	[dreg:$0xb] =	wrdreg s23  }
0xb: {  	s6 =	sshll.u32 s0, $0x3;
	s0 =	ssub.s32 $0x2, s0;
	[dreg:$0xc] =	wrdreg s24  }
0xc: {  	s6 =	sor.u32 s6, s4;
	s4 =	sadd.s32 $0x87600, s2;
	[dreg:$0xd] =	wrdreg s25  }
0xd: {  	s20 =	sshrl.u32 s0, $0x1;
	[dreg:$0xe] =	wrdreg s26;
	s22 =	simm.s32 $0x4400  }
0xe: {  	s23 =	simm.s32 $0x4C00;
	s24 =	simm.s32 $0x5400;
	s25 =	simm.s32 $0x5C00  }
0xf: {  	s26 =	simm.s32 $0x6400;
	s7 =	sadd.s32 s6, s2;
	s6 =	sadd.s32 s5, s6  }
0x10: {  	s5 =	sadd.s32 $0x9F600, s2;
	s17 =	sadd.s32 $0xAC00, s7;
	[dreg:$0x6] =	wrdreg s6  }
0x11: {  	s0 =	ssub.s32 s0, s20;
	s8 =	sadd.s32 $0xAA00, s7;
	[dreg:$0x4] =	wrdreg s17  }
0x12: {  	s20 =	simm.s32 $0x3400;
	s18 =	sadd.s32 $0xB000, s7;
	[dreg:$0x5] =	wrdreg s8  }
0x13: {  	s19 =	sadd.s32 $0xB200, s7;
	s21 =	sadd.s32 $0xB400, s7;
	[dreg:$0x7] =	wrdreg s18  }
0x14: {  	v2 =	vlaneseq.u32;
	s6 =	sadd.s32 $0xB7600, s2;
	s7 =	smax.u32 s0, $0x1;
	[dreg:$0x8] =	wrdreg s19  }
0x15: {  	vm0 =	vmmov $0xffff;
	v1 =	vshrl.u32 v2, $0x3;
	[dreg:$0x9] =	wrdreg s21;
	s8 =	simm.s32 $0x4;
	s17 =	simm.s32 $0x1C00  }
0x16: {  	v0 =	vand.u32 $0x7, v2;
	v2 =	vor.u32 $0x8, v2;
	v1 =	vmul.u32 $0x8, v1;
	s18 =	simm.s32 $0x2400;
	s19 =	simm.s32 $0x2C00;
	s21 =	simm.s32 $0x3C00  }
.LBB2_1:
0x17: {  	s12 =	rddreg [dreg:$0x4]  }
0x18: {  	s13 =	rddreg [dreg:$0xa]  }
0x19: {  	[tilespmem:s13], [sflag:$0x4] =	stream.linear.gather [hbm4b:s12+s3], $0x40, $0x38;
	[tilespmem:$0xC400] =	vst v63  }
0x1a: {  	_ =	swait.ge [sflag:s8], $0x40  }
0x1b: {  	[sflag:s8] =	ssyncset.done $0x0  }
0x1c: {  	[sflag:s8] =	ssyncadd.s32 $0xFFFFFFC0  }
0x1d: {  	v3 =	vld [tilespmem:$0x200];
	_ =	sdelay $0x4  }
0x1e: {  	v4 =	vshll.u32 v3, $0x1  }
0x1f: {  	v3 =	vand.u32 $0x7, v3;
	v4 =	vand.u32 $0xFFFFFFF0, v4  }
0x20: {  	v3 =	vor.u32 v3, v4  }
0x21: {  	v4 =	vperm.xlane v3, v0;
	_ =	sdelay $0x1  }
0x22: {  	v3 =	vperm.xlane v3, v2;
	v4 =	vadd.s32 v1, v4;
	_ =	sdelay $0x1  }
0x23: {  	v3 =	vadd.s32 v1, v3;
	_ =	sdelay $0x2  }
0x24: {  	[tilespmem:s14], [sflag:$0x1] =	stream.indirect_vreg.gather [hbm4b:s1+s3], $0x80, v4, vm0, $0xb8;
	[tilespmem:$0xC400] =	vst v63  }
0x25: {  	_ = 	snop  }
0x26: {  	[tilespmem:s15], [sflag:$0x1] =	stream.indirect_vreg.gather [hbm4b:s1+s3], $0x80, v3, vm0, $0xb8;
	[tilespmem:$0xC400] =	vst v63  }
0x27: {  	v3 =	vld [tilespmem:$0x210];
	_ =	sdelay $0x4  }
0x28: {  	v41 =	vshll.u32 v3, $0x1  }
0x29: {  	v3 =	vand.u32 $0x7, v3;
	v4 =	vand.u32 $0xFFFFFFF0, v41  }
0x2a: {  	v3 =	vor.u32 v3, v4  }
0x2b: {  	v4 =	vperm.xlane v3, v0;
	_ =	sdelay $0x1  }
0x2c: {  	v3 =	vperm.xlane v3, v2;
	v4 =	vadd.s32 v1, v4;
	_ =	sdelay $0x1  }
0x2d: {  	v3 =	vadd.s32 v1, v3;
	_ =	sdelay $0x2  }
0x2e: {  	[tilespmem:s16], [sflag:$0x1] =	stream.indirect_vreg.gather [hbm4b:s1+s3], $0x80, v4, vm0, $0xb8;
	[tilespmem:$0xC400] =	vst v63  }
0x2f: {  	_ = 	snop  }
0x30: {  	[tilespmem:s17], [sflag:$0x1] =	stream.indirect_vreg.gather [hbm4b:s1+s3], $0x80, v3, vm0, $0xb8;
	[tilespmem:$0xC400] =	vst v63  }
0x31: {  	v3 =	vld [tilespmem:$0x220];
	_ =	sdelay $0x4  }
0x32: {  	v42 =	vshll.u32 v3, $0x1  }
0x33: {  	v3 =	vand.u32 $0x7, v3;
	v4 =	vand.u32 $0xFFFFFFF0, v42  }
0x34: {  	v3 =	vor.u32 v3, v4  }
0x35: {  	v4 =	vperm.xlane v3, v0;
	_ =	sdelay $0x1  }
0x36: {  	v3 =	vperm.xlane v3, v2;
	v4 =	vadd.s32 v1, v4;
	_ =	sdelay $0x1  }
0x37: {  	v3 =	vadd.s32 v1, v3;
	_ =	sdelay $0x2  }
0x38: {  	[tilespmem:s18], [sflag:$0x1] =	stream.indirect_vreg.gather [hbm4b:s1+s3], $0x80, v4, vm0, $0xb8;
	[tilespmem:$0xC400] =	vst v63  }
0x39: {  	_ = 	snop  }
0x3a: {  	[tilespmem:s19], [sflag:$0x1] =	stream.indirect_vreg.gather [hbm4b:s1+s3], $0x80, v3, vm0, $0xb8;
	[tilespmem:$0xC400] =	vst v63  }
0x3b: {  	v3 =	vld [tilespmem:$0x230];
	_ =	sdelay $0x4  }
0x3c: {  	v43 =	vshll.u32 v3, $0x1  }
0x3d: {  	v3 =	vand.u32 $0x7, v3;
	v4 =	vand.u32 $0xFFFFFFF0, v43  }
0x3e: {  	v3 =	vor.u32 v3, v4  }
0x3f: {  	v4 =	vperm.xlane v3, v0;
	_ =	sdelay $0x1  }
0x40: {  	v3 =	vperm.xlane v3, v2;
	v4 =	vadd.s32 v1, v4;
	_ =	sdelay $0x1  }
0x41: {  	v3 =	vadd.s32 v1, v3;
	_ =	sdelay $0x2  }
0x42: {  	[tilespmem:s20], [sflag:$0x1] =	stream.indirect_vreg.gather [hbm4b:s1+s3], $0x80, v4, vm0, $0xb8;
	[tilespmem:$0xC400] =	vst v63  }
0x43: {  	s0 =	rddreg [dreg:$0x5]  }
0x44: {  	[tilespmem:s21], [sflag:$0x1] =	stream.indirect_vreg.gather [hbm4b:s1+s3], $0x80, v3, vm0, $0xb8;
	[tilespmem:$0xC400] =	vst v63  }
0x45: {  	s2 =	rddreg [dreg:$0xb]  }
0x46: {  	[tilespmem:s2], [sflag:$0x4] =	stream.linear.gather [hbm4b:s0+s3], $0x40, $0x38;
	[tilespmem:$0xC400] =	vst v63  }
0x47: {  	_ =	swait.ge [sflag:s8], $0x40  }
0x48: {  	[sflag:s8] =	ssyncset.done $0x0  }
0x49: {  	[sflag:s8] =	ssyncadd.s32 $0xFFFFFFC0  }
0x4a: {  	v3 =	vld [tilespmem:$0x280];
	_ =	sdelay $0x4  }
0x4b: {  	v44 =	vshll.u32 v3, $0x1  }
0x4c: {  	v3 =	vand.u32 $0x7, v3;
	v4 =	vand.u32 $0xFFFFFFF0, v44  }
0x4d: {  	v3 =	vor.u32 v3, v4  }
0x4e: {  	v4 =	vperm.xlane v3, v0;
	_ =	sdelay $0x1  }
0x4f: {  	v3 =	vperm.xlane v3, v2;
	v4 =	vadd.s32 v1, v4;
	_ =	sdelay $0x1  }
0x50: {  	v3 =	vadd.s32 v1, v3;
	_ =	sdelay $0x2  }
0x51: {  	[tilespmem:s22], [sflag:$0x2] =	stream.indirect_vreg.gather [hbm4b:s1+s3], $0x80, v4, vm0, $0xb8;
	[tilespmem:$0xC400] =	vst v63  }
0x52: {  	_ = 	snop  }
0x53: {  	[tilespmem:s23], [sflag:$0x2] =	stream.indirect_vreg.gather [hbm4b:s1+s3], $0x80, v3, vm0, $0xb8;
	[tilespmem:$0xC400] =	vst v63  }
0x54: {  	v3 =	vld [tilespmem:$0x290];
	_ =	sdelay $0x4  }
0x55: {  	v45 =	vshll.u32 v3, $0x1  }
0x56: {  	v3 =	vand.u32 $0x7, v3;
	v4 =	vand.u32 $0xFFFFFFF0, v45  }
0x57: {  	v3 =	vor.u32 v3, v4  }
0x58: {  	v4 =	vperm.xlane v3, v0;
	_ =	sdelay $0x1  }
0x59: {  	v3 =	vperm.xlane v3, v2;
	v4 =	vadd.s32 v1, v4;
	_ =	sdelay $0x1  }
0x5a: {  	v3 =	vadd.s32 v1, v3;
	_ =	sdelay $0x2  }
0x5b: {  	[tilespmem:s24], [sflag:$0x2] =	stream.indirect_vreg.gather [hbm4b:s1+s3], $0x80, v4, vm0, $0xb8;
	[tilespmem:$0xC400] =	vst v63  }
0x5c: {  	_ = 	snop  }
0x5d: {  	[tilespmem:s25], [sflag:$0x2] =	stream.indirect_vreg.gather [hbm4b:s1+s3], $0x80, v3, vm0, $0xb8;
	[tilespmem:$0xC400] =	vst v63  }
0x5e: {  	v3 =	vld [tilespmem:$0x2A0];
	_ =	sdelay $0x4  }
0x5f: {  	v46 =	vshll.u32 v3, $0x1  }
0x60: {  	v3 =	vand.u32 $0x7, v3;
	v4 =	vand.u32 $0xFFFFFFF0, v46  }
0x61: {  	v3 =	vor.u32 v3, v4  }
0x62: {  	v4 =	vperm.xlane v3, v0;
	_ =	sdelay $0x1  }
0x63: {  	v3 =	vperm.xlane v3, v2;
	v4 =	vadd.s32 v1, v4;
	_ =	sdelay $0x1  }
0x64: {  	v3 =	vadd.s32 v1, v3;
	_ =	sdelay $0x2  }
0x65: {  	[tilespmem:s26], [sflag:$0x2] =	stream.indirect_vreg.gather [hbm4b:s1+s3], $0x80, v4, vm0, $0xb8;
	[tilespmem:$0xC400] =	vst v63  }
0x66: {  	_ = 	snop  }
0x67: {  	[tilespmem:s28], [sflag:$0x2] =	stream.indirect_vreg.gather [hbm4b:s1+s3], $0x80, v3, vm0, $0xb8;
	[tilespmem:$0xC400] =	vst v63  }
0x68: {  	v3 =	vld [tilespmem:$0x2B0];
	_ =	sdelay $0x4  }
0x69: {  	v47 =	vshll.u32 v3, $0x1  }
0x6a: {  	v3 =	vand.u32 $0x7, v3;
	v4 =	vand.u32 $0xFFFFFFF0, v47  }
0x6b: {  	v3 =	vor.u32 v3, v4  }
0x6c: {  	v4 =	vperm.xlane v3, v0;
	_ =	sdelay $0x1  }
0x6d: {  	v3 =	vperm.xlane v3, v2;
	v4 =	vadd.s32 v1, v4;
	_ =	sdelay $0x1  }
0x6e: {  	v3 =	vadd.s32 v1, v3;
	_ =	sdelay $0x2  }
0x6f: {  	[tilespmem:s29], [sflag:$0x2] =	stream.indirect_vreg.gather [hbm4b:s1+s3], $0x80, v4, vm0, $0xb8;
	[tilespmem:$0xC400] =	vst v63  }
0x70: {  	s0 =	rddreg [dreg:$0x6]  }
0x71: {  	[tilespmem:s30], [sflag:$0x2] =	stream.indirect_vreg.gather [hbm4b:s1+s3], $0x80, v3, vm0, $0xb8;
	[tilespmem:$0xC400] =	vst v63  }
0x72: {  	s2 =	rddreg [dreg:$0xc]  }
0x73: {  	[tilespmem:s2], [sflag:$0x4] =	stream.linear.gather [hbm4b:s0+s3], $0x40, $0x38;
	[tilespmem:$0xC400] =	vst v63  }
0x74: {  	_ =	swait.ge [sflag:s8], $0x40  }
0x75: {  	[sflag:s8] =	ssyncset.done $0x0  }
0x76: {  	[sflag:s8] =	ssyncadd.s32 $0xFFFFFFC0  }
0x77: {  	v3 =	vld [tilespmem:$0x300];
	_ =	sdelay $0x4  }
0x78: {  	v48 =	vshll.u32 v3, $0x1  }
0x79: {  	v3 =	vand.u32 $0x7, v3;
	v4 =	vand.u32 $0xFFFFFFF0, v48  }
0x7a: {  	v3 =	vor.u32 v3, v4  }
0x7b: {  	v4 =	vperm.xlane v3, v0;
	_ =	sdelay $0x1  }
0x7c: {  	v3 =	vperm.xlane v3, v2;
	v4 =	vadd.s32 v1, v4;
	_ =	sdelay $0x1  }
0x7d: {  	v3 =	vadd.s32 v1, v3;
	_ =	sdelay $0x2  }
0x7e: {  	[tilespmem:s31], [sflag:$0x3] =	stream.indirect_vreg.gather [hbm4b:s1+s3], $0x80, v4, vm0, $0xb8;
	[tilespmem:$0xC400] =	vst v63  }
0x7f: {  	s2 =	simm.s32 $0x8C00  }
0x80: {  	[tilespmem:s2], [sflag:$0x3] =	stream.indirect_vreg.gather [hbm4b:s1+s3], $0x80, v3, vm0, $0xb8;
	[tilespmem:$0xC400] =	vst v63  }
0x81: {  	v3 =	vld [tilespmem:$0x310];
	_ =	sdelay $0x4  }
0x82: {  	v49 =	vshll.u32 v3, $0x1  }
0x83: {  	v3 =	vand.u32 $0x7, v3;
	v4 =	vand.u32 $0xFFFFFFF0, v49  }
0x84: {  	v3 =	vor.u32 v3, v4  }
0x85: {  	v4 =	vperm.xlane v3, v0;
	_ =	sdelay $0x1  }
0x86: {  	v3 =	vperm.xlane v3, v2;
	v4 =	vadd.s32 v1, v4;
	_ =	sdelay $0x1  }
0x87: {  	v3 =	vadd.s32 v1, v3;
	_ =	sdelay $0x1  }
0x88: {  	s0 =	simm.s32 $0x9400  }
0x89: {  	[tilespmem:s0], [sflag:$0x3] =	stream.indirect_vreg.gather [hbm4b:s1+s3], $0x80, v4, vm0, $0xb8;
	[tilespmem:$0xC400] =	vst v63  }
0x8a: {  	s13 =	simm.s32 $0x9C00  }
0x8b: {  	[tilespmem:s13], [sflag:$0x3] =	stream.indirect_vreg.gather [hbm4b:s1+s3], $0x80, v3, vm0, $0xb8;
	[tilespmem:$0xC400] =	vst v63  }
0x8c: {  	v3 =	vld [tilespmem:$0x320];
	_ =	sdelay $0x4  }
0x8d: {  	v50 =	vshll.u32 v3, $0x1  }
0x8e: {  	v3 =	vand.u32 $0x7, v3;
	v4 =	vand.u32 $0xFFFFFFF0, v50  }
0x8f: {  	v3 =	vor.u32 v3, v4  }
0x90: {  	v4 =	vperm.xlane v3, v0;
	_ =	sdelay $0x1  }
0x91: {  	v3 =	vperm.xlane v3, v2;
	v4 =	vadd.s32 v1, v4;
	_ =	sdelay $0x1  }
0x92: {  	v3 =	vadd.s32 v1, v3;
	_ =	sdelay $0x1  }
0x93: {  	s12 =	simm.s32 $0xA400  }
0x94: {  	[tilespmem:s12], [sflag:$0x3] =	stream.indirect_vreg.gather [hbm4b:s1+s3], $0x80, v4, vm0, $0xb8;
	[tilespmem:$0xC400] =	vst v63  }
0x95: {  	s13 =	simm.s32 $0xAC00  }
0x96: {  	[tilespmem:s13], [sflag:$0x3] =	stream.indirect_vreg.gather [hbm4b:s1+s3], $0x80, v3, vm0, $0xb8;
	[tilespmem:$0xC400] =	vst v63  }
0x97: {  	v3 =	vld [tilespmem:$0x330];
	_ =	sdelay $0x4  }
0x98: {  	v51 =	vshll.u32 v3, $0x1  }
0x99: {  	v3 =	vand.u32 $0x7, v3;
	v4 =	vand.u32 $0xFFFFFFF0, v51  }
0x9a: {  	v3 =	vor.u32 v3, v4  }
0x9b: {  	v4 =	vperm.xlane v3, v0;
	_ =	sdelay $0x1  }
0x9c: {  	v3 =	vperm.xlane v3, v2;
	v4 =	vadd.s32 v1, v4;
	_ =	sdelay $0x1  }
0x9d: {  	v3 =	vadd.s32 v1, v3;
	_ =	sdelay $0x1  }
0x9e: {  	s12 =	simm.s32 $0xB400  }
0x9f: {  	[tilespmem:s12], [sflag:$0x3] =	stream.indirect_vreg.gather [hbm4b:s1+s3], $0x80, v4, vm0, $0xb8;
	[tilespmem:$0xC400] =	vst v63  }
0xa0: {  	s0 =	simm.s32 $0xBC00  }
0xa1: {  	[tilespmem:s0], [sflag:$0x3] =	stream.indirect_vreg.gather [hbm4b:s1+s3], $0x80, v3, vm0, $0xb8;
	[tilespmem:$0xC400] =	vst v63  }
0xa2: {  	s13 =	rddreg [dreg:$0x7]  }
0xa3: {  	[tilespmem:s3], [sflag:$0x4] =	stream.linear.gather [hbm4b:s13+s3], $0x40, $0x38;
	[tilespmem:$0xC400] =	vst v63  }
0xa4: {  	_ =	swait.ge [sflag:s8], $0x40  }
0xa5: {  	[sflag:s8] =	ssyncset.done $0x0  }
0xa6: {  	[sflag:s8] =	ssyncadd.s32 $0xFFFFFFC0  }
0xa7: {  	_ =	swait.ge [sflag:s9], $0x4000  }
0xa8: {  	[sflag:s9] =	ssyncset.done $0x0  }
0xa9: {  	[sflag:s9] =	ssyncadd.s32 $0xFFFFC000  }
0xaa: {  	v3 =	vld [tilespmem:$0x0];
	_ =	sdelay $0x4  }
0xab: {  	v52 =	vshll.u32 v3, $0x1  }
0xac: {  	v3 =	vand.u32 $0x7, v3;
	v4 =	vand.u32 $0xFFFFFFF0, v52  }
0xad: {  	v3 =	vor.u32 v3, v4  }
0xae: {  	v4 =	vperm.xlane v3, v0;
	_ =	sdelay $0x1  }
0xaf: {  	v3 =	vperm.xlane v3, v2;
	v4 =	vadd.s32 v1, v4;
	_ =	sdelay $0x1  }
0xb0: {  	v3 =	vadd.s32 v1, v3;
	_ =	sdelay $0x2  }
0xb1: {  	[hbm4b:s4+s3] =	stream.indirect_vreg.scatter [tilespmem:s14], [sflag:$0x1], $0x80, v4, vm0, $0xb8;
	[tilespmem:$0xC400] =	vst v63  }
0xb2: {  	_ = 	snop  }
0xb3: {  	[hbm4b:s4+s3] =	stream.indirect_vreg.scatter [tilespmem:s15], [sflag:$0x1], $0x80, v3, vm0, $0xb8;
	[tilespmem:$0xC400] =	vst v63  }
0xb4: {  	v3 =	vld [tilespmem:$0x10];
	_ =	sdelay $0x4  }
0xb5: {  	v53 =	vshll.u32 v3, $0x1  }
0xb6: {  	v3 =	vand.u32 $0x7, v3;
	v4 =	vand.u32 $0xFFFFFFF0, v53  }
0xb7: {  	v3 =	vor.u32 v3, v4  }
0xb8: {  	v4 =	vperm.xlane v3, v0;
	_ =	sdelay $0x1  }
0xb9: {  	v3 =	vperm.xlane v3, v2;
	v4 =	vadd.s32 v1, v4;
	_ =	sdelay $0x1  }
0xba: {  	v3 =	vadd.s32 v1, v3;
	_ =	sdelay $0x2  }
0xbb: {  	[hbm4b:s4+s3] =	stream.indirect_vreg.scatter [tilespmem:s16], [sflag:$0x1], $0x80, v4, vm0, $0xb8;
	[tilespmem:$0xC400] =	vst v63  }
0xbc: {  	_ = 	snop  }
0xbd: {  	[hbm4b:s4+s3] =	stream.indirect_vreg.scatter [tilespmem:s17], [sflag:$0x1], $0x80, v3, vm0, $0xb8;
	[tilespmem:$0xC400] =	vst v63  }
0xbe: {  	v3 =	vld [tilespmem:$0x20];
	_ =	sdelay $0x4  }
0xbf: {  	v54 =	vshll.u32 v3, $0x1  }
0xc0: {  	v3 =	vand.u32 $0x7, v3;
	v4 =	vand.u32 $0xFFFFFFF0, v54  }
0xc1: {  	v3 =	vor.u32 v3, v4  }
0xc2: {  	v4 =	vperm.xlane v3, v0;
	_ =	sdelay $0x1  }
0xc3: {  	v3 =	vperm.xlane v3, v2;
	v4 =	vadd.s32 v1, v4;
	_ =	sdelay $0x1  }
0xc4: {  	v3 =	vadd.s32 v1, v3;
	_ =	sdelay $0x2  }
0xc5: {  	[hbm4b:s4+s3] =	stream.indirect_vreg.scatter [tilespmem:s18], [sflag:$0x1], $0x80, v4, vm0, $0xb8;
	[tilespmem:$0xC400] =	vst v63  }
0xc6: {  	_ = 	snop  }
0xc7: {  	[hbm4b:s4+s3] =	stream.indirect_vreg.scatter [tilespmem:s19], [sflag:$0x1], $0x80, v3, vm0, $0xb8;
	[tilespmem:$0xC400] =	vst v63  }
0xc8: {  	v3 =	vld [tilespmem:$0x30];
	_ =	sdelay $0x4  }
0xc9: {  	v55 =	vshll.u32 v3, $0x1  }
0xca: {  	v3 =	vand.u32 $0x7, v3;
	v4 =	vand.u32 $0xFFFFFFF0, v55  }
0xcb: {  	v3 =	vor.u32 v3, v4  }
0xcc: {  	v4 =	vperm.xlane v3, v0;
	_ =	sdelay $0x1  }
0xcd: {  	v3 =	vperm.xlane v3, v2;
	v4 =	vadd.s32 v1, v4;
	_ =	sdelay $0x1  }
0xce: {  	v3 =	vadd.s32 v1, v3;
	_ =	sdelay $0x2  }
0xcf: {  	[hbm4b:s4+s3] =	stream.indirect_vreg.scatter [tilespmem:s20], [sflag:$0x1], $0x80, v4, vm0, $0xb8;
	[tilespmem:$0xC400] =	vst v63  }
0xd0: {  	s12 =	rddreg [dreg:$0x8]  }
0xd1: {  	[hbm4b:s4+s3] =	stream.indirect_vreg.scatter [tilespmem:s21], [sflag:$0x1], $0x80, v3, vm0, $0xb8;
	[tilespmem:$0xC400] =	vst v63  }
0xd2: {  	s13 =	rddreg [dreg:$0xd]  }
0xd3: {  	[tilespmem:s13], [sflag:$0x4] =	stream.linear.gather [hbm4b:s12+s3], $0x40, $0x38;
	[tilespmem:$0xC400] =	vst v63  }
0xd4: {  	_ =	swait.ge [sflag:s8], $0x40  }
0xd5: {  	[sflag:s8] =	ssyncset.done $0x0  }
0xd6: {  	[sflag:s8] =	ssyncadd.s32 $0xFFFFFFC0  }
0xd7: {  	_ =	swait.ge [sflag:s10], $0x4000  }
0xd8: {  	[sflag:s10] =	ssyncset.done $0x0  }
0xd9: {  	[sflag:s10] =	ssyncadd.s32 $0xFFFFC000  }
0xda: {  	v3 =	vld [tilespmem:$0x80];
	_ =	sdelay $0x4  }
0xdb: {  	v56 =	vshll.u32 v3, $0x1  }
0xdc: {  	v3 =	vand.u32 $0x7, v3;
	v4 =	vand.u32 $0xFFFFFFF0, v56  }
0xdd: {  	v3 =	vor.u32 v3, v4  }
0xde: {  	v4 =	vperm.xlane v3, v0;
	_ =	sdelay $0x1  }
0xdf: {  	v3 =	vperm.xlane v3, v2;
	v4 =	vadd.s32 v1, v4;
	_ =	sdelay $0x1  }
0xe0: {  	v3 =	vadd.s32 v1, v3;
	_ =	sdelay $0x2  }
0xe1: {  	[hbm4b:s5+s3] =	stream.indirect_vreg.scatter [tilespmem:s22], [sflag:$0x2], $0x80, v4, vm0, $0xb8;
	[tilespmem:$0xC400] =	vst v63  }
0xe2: {  	_ = 	snop  }
0xe3: {  	[hbm4b:s5+s3] =	stream.indirect_vreg.scatter [tilespmem:s23], [sflag:$0x2], $0x80, v3, vm0, $0xb8;
	[tilespmem:$0xC400] =	vst v63  }
0xe4: {  	v3 =	vld [tilespmem:$0x90];
	_ =	sdelay $0x4  }
0xe5: {  	v57 =	vshll.u32 v3, $0x1  }
0xe6: {  	v3 =	vand.u32 $0x7, v3;
	v4 =	vand.u32 $0xFFFFFFF0, v57  }
0xe7: {  	v3 =	vor.u32 v3, v4  }
0xe8: {  	v4 =	vperm.xlane v3, v0;
	_ =	sdelay $0x1  }
0xe9: {  	v3 =	vperm.xlane v3, v2;
	v4 =	vadd.s32 v1, v4;
	_ =	sdelay $0x1  }
0xea: {  	v3 =	vadd.s32 v1, v3;
	_ =	sdelay $0x2  }
0xeb: {  	[hbm4b:s5+s3] =	stream.indirect_vreg.scatter [tilespmem:s24], [sflag:$0x2], $0x80, v4, vm0, $0xb8;
	[tilespmem:$0xC400] =	vst v63  }
0xec: {  	_ = 	snop  }
0xed: {  	[hbm4b:s5+s3] =	stream.indirect_vreg.scatter [tilespmem:s25], [sflag:$0x2], $0x80, v3, vm0, $0xb8;
	[tilespmem:$0xC400] =	vst v63  }
0xee: {  	v3 =	vld [tilespmem:$0xA0];
	_ =	sdelay $0x4  }
0xef: {  	v58 =	vshll.u32 v3, $0x1  }
0xf0: {  	v3 =	vand.u32 $0x7, v3;
	v4 =	vand.u32 $0xFFFFFFF0, v58  }
0xf1: {  	v3 =	vor.u32 v3, v4  }
0xf2: {  	v4 =	vperm.xlane v3, v0;
	_ =	sdelay $0x1  }
0xf3: {  	v3 =	vperm.xlane v3, v2;
	v4 =	vadd.s32 v1, v4;
	_ =	sdelay $0x1  }
0xf4: {  	v3 =	vadd.s32 v1, v3;
	_ =	sdelay $0x2  }
0xf5: {  	[hbm4b:s5+s3] =	stream.indirect_vreg.scatter [tilespmem:s26], [sflag:$0x2], $0x80, v4, vm0, $0xb8;
	[tilespmem:$0xC400] =	vst v63  }
0xf6: {  	_ = 	snop  }
0xf7: {  	[hbm4b:s5+s3] =	stream.indirect_vreg.scatter [tilespmem:s28], [sflag:$0x2], $0x80, v3, vm0, $0xb8;
	[tilespmem:$0xC400] =	vst v63  }
0xf8: {  	v3 =	vld [tilespmem:$0xB0];
	_ =	sdelay $0x4  }
0xf9: {  	v59 =	vshll.u32 v3, $0x1  }
0xfa: {  	v3 =	vand.u32 $0x7, v3;
	v4 =	vand.u32 $0xFFFFFFF0, v59  }
0xfb: {  	v3 =	vor.u32 v3, v4  }
0xfc: {  	v4 =	vperm.xlane v3, v0;
	_ =	sdelay $0x1  }
0xfd: {  	v3 =	vperm.xlane v3, v2;
	v4 =	vadd.s32 v1, v4;
	_ =	sdelay $0x1  }
0xfe: {  	v3 =	vadd.s32 v1, v3;
	_ =	sdelay $0x2  }
0xff: {  	[hbm4b:s5+s3] =	stream.indirect_vreg.scatter [tilespmem:s29], [sflag:$0x2], $0x80, v4, vm0, $0xb8;
	[tilespmem:$0xC400] =	vst v63  }
0x100: {  	s12 =	rddreg [dreg:$0x9]  }
0x101: {  	[hbm4b:s5+s3] =	stream.indirect_vreg.scatter [tilespmem:s30], [sflag:$0x2], $0x80, v3, vm0, $0xb8;
	[tilespmem:$0xC400] =	vst v63  }
0x102: {  	s13 =	rddreg [dreg:$0xe]  }
0x103: {  	[tilespmem:s13], [sflag:$0x4] =	stream.linear.gather [hbm4b:s12+s3], $0x40, $0x38;
	[tilespmem:$0xC400] =	vst v63  }
0x104: {  	_ =	swait.ge [sflag:s8], $0x40  }
0x105: {  	[sflag:s8] =	ssyncset.done $0x0  }
0x106: {  	[sflag:s8] =	ssyncadd.s32 $0xFFFFFFC0  }
0x107: {  	_ =	swait.ge [sflag:s11], $0x4000  }
0x108: {  	[sflag:s11] =	ssyncset.done $0x0  }
0x109: {  	[sflag:s11] =	ssyncadd.s32 $0xFFFFC000  }
0x10a: {  	v3 =	vld [tilespmem:$0x100];
	_ =	sdelay $0x4  }
0x10b: {  	v60 =	vshll.u32 v3, $0x1  }
0x10c: {  	v3 =	vand.u32 $0x7, v3;
	v4 =	vand.u32 $0xFFFFFFF0, v60  }
0x10d: {  	v3 =	vor.u32 v3, v4  }
0x10e: {  	v4 =	vperm.xlane v3, v0;
	_ =	sdelay $0x1  }
0x10f: {  	v3 =	vperm.xlane v3, v2;
	v4 =	vadd.s32 v1, v4;
	_ =	sdelay $0x1  }
0x110: {  	v3 =	vadd.s32 v1, v3;
	_ =	sdelay $0x2  }
0x111: {  	[hbm4b:s6+s3] =	stream.indirect_vreg.scatter [tilespmem:s31], [sflag:$0x3], $0x80, v4, vm0, $0xb8;
	[tilespmem:$0xC400] =	vst v63  }
0x112: {  	_ = 	snop  }
0x113: {  	[hbm4b:s6+s3] =	stream.indirect_vreg.scatter [tilespmem:s2], [sflag:$0x3], $0x80, v3, vm0, $0xb8;
	[tilespmem:$0xC400] =	vst v63  }
0x114: {  	v3 =	vld [tilespmem:$0x110];
	_ =	sdelay $0x4  }
0x115: {  	v61 =	vshll.u32 v3, $0x1  }
0x116: {  	v3 =	vand.u32 $0x7, v3;
	v4 =	vand.u32 $0xFFFFFFF0, v61  }
0x117: {  	v3 =	vor.u32 v3, v4  }
0x118: {  	v4 =	vperm.xlane v3, v0;
	_ =	sdelay $0x1  }
0x119: {  	v3 =	vperm.xlane v3, v2;
	v4 =	vadd.s32 v1, v4;
	_ =	sdelay $0x1  }
0x11a: {  	v3 =	vadd.s32 v1, v3;
	_ =	sdelay $0x1  }
0x11b: {  	s13 =	simm.s32 $0x9400  }
0x11c: {  	[hbm4b:s6+s3] =	stream.indirect_vreg.scatter [tilespmem:s13], [sflag:$0x3], $0x80, v4, vm0, $0xb8;
	[tilespmem:$0xC400] =	vst v63  }
0x11d: {  	s12 =	simm.s32 $0x9C00  }
0x11e: {  	[hbm4b:s6+s3] =	stream.indirect_vreg.scatter [tilespmem:s12], [sflag:$0x3], $0x80, v3, vm0, $0xb8;
	[tilespmem:$0xC400] =	vst v63  }
0x11f: {  	v3 =	vld [tilespmem:$0x120];
	_ =	sdelay $0x4  }
0x120: {  	v62 =	vshll.u32 v3, $0x1  }
0x121: {  	v3 =	vand.u32 $0x7, v3;
	v4 =	vand.u32 $0xFFFFFFF0, v62  }
0x122: {  	v3 =	vor.u32 v3, v4  }
0x123: {  	v4 =	vperm.xlane v3, v0;
	_ =	sdelay $0x1  }
0x124: {  	v3 =	vperm.xlane v3, v2;
	v4 =	vadd.s32 v1, v4;
	_ =	sdelay $0x1  }
0x125: {  	v3 =	vadd.s32 v1, v3;
	_ =	sdelay $0x1  }
0x126: {  	s13 =	simm.s32 $0xA400  }
0x127: {  	[hbm4b:s6+s3] =	stream.indirect_vreg.scatter [tilespmem:s13], [sflag:$0x3], $0x80, v4, vm0, $0xb8;
	[tilespmem:$0xC400] =	vst v63  }
0x128: {  	s12 =	simm.s32 $0xAC00  }
0x129: {  	[hbm4b:s6+s3] =	stream.indirect_vreg.scatter [tilespmem:s12], [sflag:$0x3], $0x80, v3, vm0, $0xb8;
	[tilespmem:$0xC400] =	vst v63  }
0x12a: {  	v3 =	vld [tilespmem:$0x130];
	_ =	sdelay $0x4  }
0x12b: {  	v63 =	vshll.u32 v3, $0x1  }
0x12c: {  	v3 =	vand.u32 $0x7, v3;
	v4 =	vand.u32 $0xFFFFFFF0, v63  }
0x12d: {  	v3 =	vor.u32 v3, v4  }
0x12e: {  	v4 =	vperm.xlane v3, v0;
	_ =	sdelay $0x1  }
0x12f: {  	v3 =	vperm.xlane v3, v2;
	v4 =	vadd.s32 v1, v4;
	_ =	sdelay $0x1  }
0x130: {  	v3 =	vadd.s32 v1, v3;
	_ =	sdelay $0x1  }
0x131: {  	s13 =	simm.s32 $0xB400  }
0x132: {  	[hbm4b:s6+s3] =	stream.indirect_vreg.scatter [tilespmem:s13], [sflag:$0x3], $0x80, v4, vm0, $0xb8;
	[tilespmem:$0xC400] =	vst v63  }
0x133: {  	_ = 	snop  }
0x134: {  	[hbm4b:s6+s3] =	stream.indirect_vreg.scatter [tilespmem:s0], [sflag:$0x3], $0x80, v3, vm0, $0xb8;
	[tilespmem:$0xC400] =	vst v63  }
0x135: {  	_ =	swait.ge [sflag:s9], $0x4000  }
0x136: {  	[sflag:s9] =	ssyncset.done $0x0  }
0x137: {  	[sflag:s9] =	ssyncadd.s32 $0xFFFFC000  }
0x138: {  	p0 =	sne.s32 s7, $0x1;
	_ =	swait.ge [sflag:s10], $0x4000  }
.Ltmp0:
0x139: {  	[sflag:s10] =	ssyncset.done $0x0;
	(pc) =	sbr.rel @p0 .LBB2_1-.Ltmp0, $4  }
0x13a: {  	[sflag:s10] =	ssyncadd.s32 $0xFFFFC000  }
0x13b: {  	_ =	swait.ge [sflag:s11], $0x4000  }
0x13c: {  	[sflag:s11] =	ssyncset.done $0x0  }
0x13d: {  	s7 =	sadd.s32 $0xFFFFFFFF, s7;
	[sflag:s11] =	ssyncadd.s32 $0xFFFFC000  }
0x13e: {  	_ =	sfence.sel $0x180000  }
0x13f: {  	[bflag:$0x0] =	sbarrier.arrive $0xFFFF  }
0x140: {  	_ =	strace $0x9000004A  }
0x141: {  	s0 =	stileid.u32;
	[bflag:$0x2] =	sbarrier.arrive $0xFFFF  }
0x142: {  	p0 =	sne.s32 s0, $0x0;
	s0 =	rddreg [dreg:$0x3]  }
0x143: {  	s0 =	sadd.s32 @!p0 $0x100000, s0  }
0x144: {  	[sflag:s0] =	ssyncadd.tile.s32 @!p0 $0x1;
	_ =	shalt  }
.Lfunc_end2:
_tile_overlayer_lowered:
.L_overlay_start_2:
0x145: {  	(tag) =	ssettag $0x2  }
0x146: {  	s0 =	rddreg [dreg:$0x0];
	s2 =	stileid.u32  }
0x147: {  	s1 =	rddreg [dreg:$0x1];
	p0 =	sne.s32 s2, $0x0  }
0x148: {  	s3 =	rddreg [dreg:$0x2];
	[bflag:$0x3] =	sbarrier.arrive $0xFFFF;
	s2 =	simm.s32 @!p0 $0x1C04  }
0x149: {  	[timem:s3], [sflag:s2] =	dma.local @!p0 [hbm:s0], s1  }
0x14a: {  	s0 =	simm.s32 @!p0 $0x4  }
0x14b: {  	_ =	swait.ge @!p0 [sflag:s0], s1  }
0x14c: {  	s1 =	ssub.s32 @!p0 $0x0, s1;
	[sflag:s0] =	ssyncset.done @!p0 $0x0  }
0x14d: {  	[sflag:s0] =	ssyncadd.s32 @!p0 s1  }
0x14e: {  	[bflag:$0x3] =	sbarrier.arrive $0xFFFF  }
0x14f: {  	_ =	shalt  }

// kernel: kernel.20.cloned.1.call-start
scs
__scs_entry_jumppad:
0x0: {  	(pc) =	sbr.rel $0x88, $3  }
0x1: {  	(tag) =	ssettag $0x0;
	lr =	simm.s32 $0x1  }
0x2: {  	[smem:$0x3F99] =	sst lr;
	_ =	strace $0xD0000000  }
0x3: {  	_ = 	snop  }
0x4: {  	_ = 	snop  }
0x5: {  	_ = 	snop  }
0x6: {  	_ = 	snop  }
0x7: {  	_ = 	snop  }
__scs_overlays_trampoline_lowered:
0x8: {  	[smem:$0x3FA8] =	sst s0  }
0x9: {  	[smem:$0x3FA9] =	sst s1  }
0xa: {  	[smem:$0x3FAA] =	sst s2  }
0xb: {  	[smem:$0x3FAB] =	sst s3  }
0xc: {  	[smem:$0x3FAC] =	sst s4  }
0xd: {  	[smem:$0x3FAD] =	sst s5  }
0xe: {  	[smem:$0x3FAE] =	sst s6  }
0xf: {  	[smem:$0x3FAF] =	sst s7  }
0x10: {  	[smem:$0x3FB0] =	sst s8  }
0x11: {  	[smem:$0x3FB1] =	sst s9;
	s0 =	simm.s32 @!p0 $0x0  }
0x12: {  	s1 =	sld [smem:$0x3F97];
	s0 =	simm.s32 @p0 $0x1  }
0x13: {  	[smem:$0x3FB2] =	sst s0;
	s0 =	simm.s32 @!p1 $0x0  }
0x14: {  	s2 =	sld [smem:$0x3F96];
	s0 =	simm.s32 @p1 $0x1  }
0x15: {  	[smem:$0x3FB3] =	sst s0;
	s0 =	simm.s32 @!p2 $0x0  }
0x16: {  	s3 =	sld [smem:$0x3FDB];
	s0 =	simm.s32 @p2 $0x1  }
0x17: {  	s4 =	simm.s32 $0x1BF5;
	[smem:$0x3FB5] =	sst s0  }
0x18: {  	s0 =	sld [smem:$0x3F98];
	_ =	swait.ge [sflag:s4], $0x0  }
0x19: {  	s7 =	sld [smem:$0x3F99]  }
0x1a: {  	s8 =	sadd.s32 $0xFFFFE003, lr  }
0x1b: {  	s9 =	sadd.s32 $0xFFFFFEF7, lr;
	s5 =	simm.s32 $0xFFFFFFFF;
	p2 =	slt.u32 s8, $0xFFFFF086  }
0x1c: {  	p1 =	slt.u32 s9, $0xF7A;
	s5 =	simm.s32 @!p2 $0x0  }
0x1d: {  	s5 =	simm.s32 @p1 $0x1;
	p0 =	seq.s32 s7, s2  }
0x1e: {  	s7 =	smul.u32 @!p0 $0xF7A, s2;
	p2 =	seq.s32 @!p0 s5, $0x0  }
0x1f: {  	s9 =	smul.u32 $0xF7A, s1;
	s8 =	simm.s32 @!p0 $0x1BF5;
	p2 =	por !p2, p0  }
0x20: {  	[sflag:s8] =	ssyncset.s32 @!p0 $0xFFFFF086;
	s6 =	sadd.s32 @!p0 s3, s7;
	s7 =	simm.s32 @!p0 $0x108  }
0x21: {  	s3 =	sadd.s32 s3, s9;
	s6 =	sadd.s32 @!p0 $0x88, s6;
	s7 =	simm.s32 @p2 $0x1082  }
0x22: {  	[simem:s7], [sflag:s8] =	dma.local @!p0 [hbm:s6], $0xF7A  }
0x23: {  	s9 =	sor.u32 $0xD0000000, s2;
	s6 =	simm.s32 $0x108;
	_ =	swait.ge @!p0 [sflag:s8], $0x0  }
0x24: {  	s3 =	sadd.s32 $0x88, s3;
	s6 =	simm.s32 @!p1 $0x1082;
	[sflag:s4] =	ssyncset.s32 $0xFFFFF086  }
0x25: {  	[simem:s6], [sflag:s4] =	dma.local [hbm:s3], $0xF7A  }
0x26: {  	[smem:$0x3F99] =	sst s1;
	(tag) =	ssettag s2;
	_ =	strace s9  }
0x27: {  	s1 =	sld [smem:$0x3FA9]  }
0x28: {  	s2 =	sld [smem:$0x3FAA]  }
0x29: {  	s4 =	sld [smem:$0x3FAC]  }
0x2a: {  	p0 =	seq.s32 s5, $0x0;
	s5 =	sld [smem:$0x3FAD]  }
0x2b: {  	s6 =	sld [smem:$0x3FAE]  }
0x2c: {  	s7 =	sld [smem:$0x3FAF]  }
0x2d: {  	s3 =	simm.s32 $0x108;
	s8 =	sld [smem:$0x3FB0]  }
0x2e: {  	s3 =	simm.s32 @!p0 $0x1082;
	s9 =	sld [smem:$0x3FB1]  }
0x2f: {  	lr =	sadd.s32 s0, s3;
	s0 =	sld [smem:$0x3FA8]  }
0x30: {  	s3 =	sld [smem:$0x3FAB]  }
0x31: {  	[smem:$0x3FB4] =	sst s10  }
0x32: {  	s10 =	sld [smem:$0x3FB2];
	_ =	sdelay $0x3  }
0x33: {  	p0 =	seq.s32 s10, $0x1;
	s10 =	sld [smem:$0x3FB4];
	_ =	sdelay $0x3  }
0x34: {  	[smem:$0x3FB4] =	sst s10  }
0x35: {  	s10 =	sld [smem:$0x3FB3];
	_ =	sdelay $0x3  }
0x36: {  	p1 =	seq.s32 s10, $0x1;
	s10 =	sld [smem:$0x3FB4];
	_ =	sdelay $0x3  }
0x37: {  	[smem:$0x3FB4] =	sst s10  }
0x38: {  	s10 =	sld [smem:$0x3FB5]  }
0x39: {  	_ = 	snop;
	(pc) =	sbr.ind lr, $3  }
0x3a: {  	_ = 	snop  }
0x3b: {  	_ = 	snop  }
0x3c: {  	p2 =	seq.s32 s10, $0x1;
	s10 =	sld [smem:$0x3FB4]  }
0x3d: {  	_ =	shalt  }
0x3e: {  	_ =	shalt  }
0x3f: {  	_ =	shalt  }
0x40: {  	_ =	shalt  }
0x41: {  	_ =	shalt  }
0x42: {  	_ =	shalt  }
0x43: {  	_ =	shalt  }
0x44: {  	_ =	shalt  }
0x45: {  	_ =	shalt  }
0x46: {  	_ =	shalt  }
0x47: {  	_ =	shalt  }
0x48: {  	_ =	shalt  }
0x49: {  	_ =	shalt  }
0x4a: {  	_ =	shalt  }
0x4b: {  	_ =	shalt  }
0x4c: {  	_ =	shalt  }
0x4d: {  	_ =	shalt  }
0x4e: {  	_ =	shalt  }
0x4f: {  	_ =	shalt  }
0x50: {  	_ =	shalt  }
0x51: {  	_ =	shalt  }
0x52: {  	_ =	shalt  }
0x53: {  	_ =	shalt  }
0x54: {  	_ =	shalt  }
0x55: {  	_ =	shalt  }
0x56: {  	_ =	shalt  }
0x57: {  	_ =	shalt  }
0x58: {  	_ =	shalt  }
0x59: {  	_ =	shalt  }
0x5a: {  	_ =	shalt  }
0x5b: {  	_ =	shalt  }
0x5c: {  	_ =	shalt  }
0x5d: {  	_ =	shalt  }
0x5e: {  	_ =	shalt  }
0x5f: {  	_ =	shalt  }
0x60: {  	_ =	shalt  }
0x61: {  	_ =	shalt  }
0x62: {  	_ =	shalt  }
0x63: {  	_ =	shalt  }
0x64: {  	_ =	shalt  }
0x65: {  	_ =	shalt  }
0x66: {  	_ =	shalt  }
0x67: {  	_ =	shalt  }
0x68: {  	_ =	shalt  }
0x69: {  	_ =	shalt  }
0x6a: {  	_ =	shalt  }
0x6b: {  	_ =	shalt  }
0x6c: {  	_ =	shalt  }
0x6d: {  	_ =	shalt  }
0x6e: {  	_ =	shalt  }
0x6f: {  	_ =	shalt  }
0x70: {  	_ =	shalt  }
0x71: {  	_ =	shalt  }
0x72: {  	_ =	shalt  }
0x73: {  	_ =	shalt  }
0x74: {  	_ =	shalt  }
0x75: {  	_ =	shalt  }
0x76: {  	_ =	shalt  }
0x77: {  	_ =	shalt  }
0x78: {  	_ =	shalt  }
0x79: {  	_ =	shalt  }
0x7a: {  	_ =	shalt  }
0x7b: {  	_ =	shalt  }
0x7c: {  	_ =	shalt  }
0x7d: {  	_ =	shalt  }
0x7e: {  	_ =	shalt  }
0x7f: {  	_ =	shalt  }
0x80: {  	_ =	shalt  }
0x81: {  	_ =	shalt  }
0x82: {  	_ =	shalt  }
0x83: {  	_ =	shalt  }
0x84: {  	_ =	shalt  }
0x85: {  	_ =	shalt  }
0x86: {  	_ =	shalt  }
0x87: {  	_ =	shalt  }
.Lfunc_end0:
.L_simem_size_0:
called_computation.2_lowered:
.L_overlay_start_0:
0x88: {  	s2 =	sld [smem:$0x3FD9]  }
0x89: {  	s3 =	sld [smem:$0x3FFE];
	_ =	sdelay $0x1  }
0x8a: {  	s1 =	srdreg.scid  }
0x8b: {  	s0 =	sand.u32 $0x1, s1  }
0x8c: {  	s17 =	sshll.u32 s0, $0xA;
	s2 =	sadd.s32 s3, s2  }
0x8d: {  	s2 =	sadd.s32 s2, s17  }
0x8e: {  	[smem:$0x3FC0] =	sst s2  }
0x8f: {  	_ = 	snop  }
0x90: {  	(tm) =	ssettm $0x1  }
0x91: {  	s18 =	sld [smem:$0x3FFB];
	_ =	sdelay $0x3  }
0x92: {  	_ =	strace s18  }
0x93: {  	s2 =	sld [smem:$0x3FFC];
	_ =	sdelay $0x3  }
0x94: {  	_ =	strace s2  }
0x95: {  	s2 =	sld [smem:$0x3FFD];
	_ =	sdelay $0x3  }
0x96: {  	_ =	strace s2  }
0x97: {  	_ =	strace $0x8FFFFFFF  }
0x98: {  	s19 =	sld [smem:$0x3FDB];
	_ =	sdelay $0x1  }
0x99: {  	s20 =	simm.s32 $_scs_section_size  }
0x9a: {  	s4 =	simm.s32 $_size__tile_overlayer_lowered;
	s5 =	simm.s32 $_tile_overlayer_lowered  }
0x9b: {  	s6 =	simm.s32 $0x1BFF;
	s21 =	sshll.u32 s5, $0x1;
	s3 =	sadd.s32 s20, s19  }
0x9c: {  	s22 =	simm.s32 $0x0;
	s4 =	sshll.u32 s4, $0x1;
	s5 =	sadd.s32 s21, s3  }
0x9d: {  	[timem:s22], [sflag:s6] =	dma.local [hbm:s5], s4  }
0x9e: {  	_ =	swait.ge [sflag:s6], s4  }
0x9f: {  	s4 =	ssub.s32 $0x0, s4;
	[sflag:s6] =	ssyncset.done $0x0  }
0xa0: {  	[sflag:s6] =	ssyncadd.s32 s4;
	_ =	sdelay $0x1  }
0xa1: {  	s23 =	simm.s32 $0x1B8B  }
0xa2: {  	_ =	swait.ge [sflag:s23], $0x1  }
0xa3: {  	[sflag:s23] =	ssyncset.done $0x0  }
0xa4: {  	[sflag:s23] =	ssyncadd.s32 $0xFFFFFFFF  }
0xa5: {  	s4 =	sld [smem:$0x0]  }
0xa6: {  	s5 =	sand.u32 $0xFFFFFFFE, s1  }
0xa7: {  	p0 =	sne.s32 s1, s5  }
0xa8: {  	s5 =	sshll.u32 @p0 s5, $0xE  }
0xa9: {  	s5 =	sadd.s32 @p0 $0x11B8D, s5;
	s6 =	sshll.u32 @p0 s4, $0x11  }
0xaa: {  	s5 =	sor.u32 @p0 s6, s5  }
0xab: {  	[sflag:s5] =	ssyncadd.remote.s32 @p0 $0x1;
	_ =	sdelay $0x1  }
0xac: {  	s5 =	simm.s32 @p0 $0x1B8D  }
0xad: {  	_ =	swait.eq @p0 [sflag:s5], $0x1  }
0xae: {  	[sflag:s5] =	ssyncadd.s32 @p0 $0xFFFFFFFF  }
0xaf: {  	s6 =	sshll.u32 @!p0 s1, $0xE  }
0xb0: {  	s6 =	sor.u32 @!p0 $0x4000, s6;
	s5 =	simm.s32 @!p0 $0x1B8D  }
0xb1: {  	s4 =	sshll.u32 @!p0 s4, $0x11;
	s6 =	sadd.s32 @!p0 $0x11B8D, s6;
	_ =	swait.eq @!p0 [sflag:s5], $0x1  }
0xb2: {  	s4 =	sor.u32 @!p0 s4, s6;
	[sflag:s5] =	ssyncadd.s32 @!p0 $0xFFFFFFFF  }
0xb3: {  	s25 =	simm.s32 $0x1B8E;
	s24 =	sld [smem:$0x3FFE];
	[sflag:s4] =	ssyncadd.remote.s32 @!p0 $0x1  }
0xb4: {  	s26 =	simm.s32 $execute0_lowered;
	[smem:$0x3FD2] =	sst s25  }
0xb5: {  	s5 =	sshll.u32 s26, $0x1;
	_ =	strace $0x8000004C;
	[dreg:$0x1] =	wrdreg $0xFFFFFFFF  }
0xb6: {  	s28 =	simm.s32 $_size_execute0_lowered;
	s3 =	sadd.s32 s3, s5;
	[dreg:$0x0] =	wrdreg $0x0  }
0xb7: {  	s5 =	sshll.u32 s28, $0x1;
	[dreg:$0x2] =	wrdreg s3  }
0xb8: {  	[dreg:$0x3] =	wrdreg s5  }
0xb9: {  	[dreg:$0x4] =	wrdreg $0xC0  }
0xba: {  	_ =	task [dreg:s22], $0x5FFFF  }
0xbb: {  	[dreg:$0x1] =	wrdreg $0xFFFFFFFF  }
0xbc: {  	[dreg:$0x0] =	wrdreg $0x60  }
0xbd: {  	[dreg:$0x2] =	wrdreg s24  }
0xbe: {  	[dreg:$0x3] =	wrdreg $0xA  }
0xbf: {  	_ =	task.clear_ibuf [dreg:s22], $0x4FFFF;
	_ =	strace $0x9000004C  }
0xc0: {  	s29 =	simm.s32 $0xA;
	_ =	strace $0x8000004E  }
0xc1: {  	_ =	swait.ge [sflag:s29], $0x1  }
0xc2: {  	[sflag:s29] =	ssyncadd.s32 $0xFFFFFFFF  }
0xc3: {  	_ =	strace $0x9000004E  }
0xc4: {  	_ =	sfence  }
0xc5: {  	s30 =	sld [smem:$0x0];
	_ =	sdelay $0x2  }
0xc6: {  	s31 =	sshll.u32 s1, $0xD;
	s1 =	sshrl.u32 s1, $0x2  }
0xc7: {  	s4 =	sand.u32 $0x4000, s31;
	s1 =	sadd.s32 s1, s30  }
0xc8: {  	s0 =	sor.u32 s4, s0;
	s1 =	sshll.u32 s1, $0x11  }
0xc9: {  	s0 =	sor.u32 s1, s0  }
0xca: {  	s0 =	sadd.s32 $0x8F2B, s0  }
0xcb: {  	[sflag:s0] =	ssyncadd.remote.s32 $0x1  }
0xcc: {  	_ =	sfence.sel $0xFFFF  }
0xcd: {  	[dreg:$0x0] =	wrdreg $0xFFFFFFFF;
	(pc) =	sbr.abs _section_cstart, $3  }
0xce: {  	[dreg:$0x1] =	wrdreg $0xFFFFFFFF  }
0xcf: {  	_ =	task.clear_ibuf [dreg:s22], $0x2FFFF;
	_ =	strace $0x9FFFFFFF  }
0xd0: {  	(tm) =	ssettm $0x7FFFFFFF  }
0xd1: {  	_ =	shalt  }
tec
execute0_lowered:
.L_overlay_start_1:
0x0: {  	(tag) =	ssettag $0x1  }
0x1: {  	s0 =	rddreg [dreg:$0x0];
	s1 =	simm.s32 $0x0;
	s2 =	srdreg.scid  }
0x2: {  	s4 =	stileid.u32;
	s12 =	simm.s32 $0x3;
	s26 =	simm.s32 $0x80  }
0x3: {  	s28 =	simm.s32 $0x100;
	s29 =	simm.s32 $0x180;
	s30 =	simm.s32 $0x200  }
0x4: {  	s31 =	simm.s32 $0xA00;
	s13 =	simm.s32 $0x2200;
	s14 =	simm.s32 $0x2A00  }
0x5: {  	s15 =	simm.s32 $0x3200;
	s16 =	simm.s32 $0x3A00;
	s17 =	simm.s32 $0x4200  }
0x6: {  	s18 =	simm.s32 $0x4A00;
	s19 =	simm.s32 $0x5200;
	s20 =	simm.s32 $0x5A00  }
0x7: {  	s21 =	simm.s32 $0x6200;
	s22 =	simm.s32 $0x6A00;
	s23 =	simm.s32 $0x7200  }
0x8: {  	[smem:$0x7FF] =	sst s1;
	s3 =	sadd.s32 $0xB600, s0;
	s2 =	sand.u32 $0x1, s2  }
0x9: {  	s7 =	sadd.s32 $0xAE00, s0;
	_ =	strace $0x8000004D;
	[dreg:$0x6] =	wrdreg s26  }
0xa: {  	s4 =	sshll.u32 s4, $0x4;
	s9 =	sadd.s32 $0xB000, s0;
	[dreg:$0x7] =	wrdreg s28  }
0xb: {  	s5 =	sshll.u32 s2, $0x3;
	s2 =	ssub.s32 $0x2, s2;
	[dreg:$0x8] =	wrdreg s29  }
0xc: {  	s26 =	simm.s32 $0x2;
	s8 =	sor.u32 s5, s4;
	s4 =	sadd.s32 $0x14F600, s0  }
0xd: {  	s24 =	sshrl.u32 s2, $0x1;
	s5 =	sadd.s32 $0xB700, s0;
	s6 =	sadd.s32 s7, s8  }
0xe: {  	s2 =	ssub.s32 s2, s24;
	s10 =	sor.u32 $0x4, s8;
	s8 =	sadd.s32 s9, s8  }
0xf: {  	s24 =	simm.s32 $0x7A00;
	[dreg:$0x2] =	wrdreg s6;
	s6 =	sadd.s32 $0xB800, s0  }
0x10: {  	s11 =	sadd.s32 s7, s10;
	s7 =	sadd.s32 $0xB900, s0;
	[dreg:$0x4] =	wrdreg s8  }
0x11: {  	v2 =	vlaneseq.u32;
	s8 =	sadd.s32 $0x14F700, s0;
	s25 =	sadd.s32 s9, s10;
	[dreg:$0x3] =	wrdreg s11  }
0x12: {  	vm0 =	vmmov $0xffff;
	v1 =	vshrl.u32 v2, $0x3;
	s9 =	sadd.s32 $0x14F800, s0;
	s10 =	sadd.s32 $0x14F900, s0;
	[dreg:$0x5] =	wrdreg s25  }
0x13: {  	v0 =	vand.u32 $0x7, v2;
	v2 =	vor.u32 $0x8, v2;
	v1 =	vmul.u32 $0x8, v1;
	s11 =	smax.u32 s2, $0x1;
	s25 =	simm.s32 $0x1;
	s2 =	simm.s32 $0x1A00  }
.LBB2_1:
0x14: {  	s28 =	rddreg [dreg:$0x2]  }
0x15: {  	[tilespmem:s1], [sflag:$0x3] =	stream.linear.gather [hbm4b:s28+s1], $0x20, $0x38;
	[tilespmem:$0x10200] =	vst v63  }
0x16: {  	_ =	swait.ge [sflag:s12], $0x20  }
0x17: {  	[sflag:s12] =	ssyncset.done $0x0  }
0x18: {  	[sflag:s12] =	ssyncadd.s32 $0xFFFFFFE0  }
0x19: {  	v3 =	vld [tilespmem:$0x0];
	_ =	sdelay $0x4  }
0x1a: {  	v4 =	vshll.u32 v3, $0x3  }
0x1b: {  	v3 =	vand.u32 $0x7, v3;
	v4 =	vand.u32 $0xFFFFFFC0, v4  }
0x1c: {  	v3 =	vor.u32 v3, v4  }
0x1d: {  	v4 =	vperm.xlane v3, v0;
	_ =	sdelay $0x1  }
0x1e: {  	v4 =	vadd.s32 v1, v4;
	_ =	sdelay $0x4  }
0x1f: {  	[tilespmem:s30], [sflag:$0x1] =	stream.indirect_vreg.gather [hbm4b:s3+s1], $0x80, v4, vm0, $0xb8;
	[tilespmem:$0x10200] =	vst v63  }
0x20: {  	v3 =	vperm.xlane v3, v2  }
0x21: {  	[tilespmem:s31], [sflag:$0x1] =	stream.indirect_vreg.gather [hbm4b:s5+s1], $0x80, v4, vm0, $0xb8;
	[tilespmem:$0x10200] =	vst v63  }
0x22: {  	s0 =	simm.s32 $0x1200;
	v3 =	vadd.s32 v1, v3  }
0x23: {  	[tilespmem:s0], [sflag:$0x1] =	stream.indirect_vreg.gather [hbm4b:s6+s1], $0x80, v4, vm0, $0xb8;
	[tilespmem:$0x10200] =	vst v63  }
0x24: {  	_ = 	snop  }
0x25: {  	[tilespmem:s2], [sflag:$0x1] =	stream.indirect_vreg.gather [hbm4b:s7+s1], $0x80, v4, vm0, $0xb8;
	[tilespmem:$0x10200] =	vst v63  }
0x26: {  	_ = 	snop  }
0x27: {  	[tilespmem:s13], [sflag:$0x1] =	stream.indirect_vreg.gather [hbm4b:s3+s1], $0x80, v3, vm0, $0xb8;
	[tilespmem:$0x10200] =	vst v63  }
0x28: {  	_ = 	snop  }
0x29: {  	[tilespmem:s14], [sflag:$0x1] =	stream.indirect_vreg.gather [hbm4b:s5+s1], $0x80, v3, vm0, $0xb8;
	[tilespmem:$0x10200] =	vst v63  }
0x2a: {  	_ = 	snop  }
0x2b: {  	[tilespmem:s15], [sflag:$0x1] =	stream.indirect_vreg.gather [hbm4b:s6+s1], $0x80, v3, vm0, $0xb8;
	[tilespmem:$0x10200] =	vst v63  }
0x2c: {  	_ = 	snop  }
0x2d: {  	[tilespmem:s16], [sflag:$0x1] =	stream.indirect_vreg.gather [hbm4b:s7+s1], $0x80, v3, vm0, $0xb8;
	[tilespmem:$0x10200] =	vst v63  }
0x2e: {  	v3 =	vld [tilespmem:$0x10];
	_ =	sdelay $0x4  }
0x2f: {  	v57 =	vshll.u32 v3, $0x3  }
0x30: {  	v3 =	vand.u32 $0x7, v3;
	v4 =	vand.u32 $0xFFFFFFC0, v57  }
0x31: {  	v3 =	vor.u32 v3, v4  }
0x32: {  	v4 =	vperm.xlane v3, v0;
	_ =	sdelay $0x1  }
0x33: {  	v4 =	vadd.s32 v1, v4;
	_ =	sdelay $0x4  }
0x34: {  	[tilespmem:s17], [sflag:$0x1] =	stream.indirect_vreg.gather [hbm4b:s3+s1], $0x80, v4, vm0, $0xb8;
	[tilespmem:$0x10200] =	vst v63  }
0x35: {  	v3 =	vperm.xlane v3, v2  }
0x36: {  	[tilespmem:s18], [sflag:$0x1] =	stream.indirect_vreg.gather [hbm4b:s5+s1], $0x80, v4, vm0, $0xb8;
	[tilespmem:$0x10200] =	vst v63  }
0x37: {  	v3 =	vadd.s32 v1, v3  }
0x38: {  	[tilespmem:s19], [sflag:$0x1] =	stream.indirect_vreg.gather [hbm4b:s6+s1], $0x80, v4, vm0, $0xb8;
	[tilespmem:$0x10200] =	vst v63  }
0x39: {  	_ = 	snop  }
0x3a: {  	[tilespmem:s20], [sflag:$0x1] =	stream.indirect_vreg.gather [hbm4b:s7+s1], $0x80, v4, vm0, $0xb8;
	[tilespmem:$0x10200] =	vst v63  }
0x3b: {  	_ = 	snop  }
0x3c: {  	[tilespmem:s21], [sflag:$0x1] =	stream.indirect_vreg.gather [hbm4b:s3+s1], $0x80, v3, vm0, $0xb8;
	[tilespmem:$0x10200] =	vst v63  }
0x3d: {  	_ = 	snop  }
0x3e: {  	[tilespmem:s22], [sflag:$0x1] =	stream.indirect_vreg.gather [hbm4b:s5+s1], $0x80, v3, vm0, $0xb8;
	[tilespmem:$0x10200] =	vst v63  }
0x3f: {  	_ = 	snop  }
0x40: {  	[tilespmem:s23], [sflag:$0x1] =	stream.indirect_vreg.gather [hbm4b:s6+s1], $0x80, v3, vm0, $0xb8;
	[tilespmem:$0x10200] =	vst v63  }
0x41: {  	s29 =	rddreg [dreg:$0x6]  }
0x42: {  	[tilespmem:s24], [sflag:$0x1] =	stream.indirect_vreg.gather [hbm4b:s7+s1], $0x80, v3, vm0, $0xb8;
	[tilespmem:$0x10200] =	vst v63  }
0x43: {  	s0 =	rddreg [dreg:$0x3]  }
0x44: {  	[tilespmem:s29], [sflag:$0x3] =	stream.linear.gather [hbm4b:s0+s1], $0x20, $0x38;
	[tilespmem:$0x10200] =	vst v63  }
0x45: {  	_ =	swait.ge [sflag:s12], $0x20  }
0x46: {  	[sflag:s12] =	ssyncset.done $0x0  }
0x47: {  	[sflag:s12] =	ssyncadd.s32 $0xFFFFFFE0  }
0x48: {  	v3 =	vld [tilespmem:$0x80];
	_ =	sdelay $0x4  }
0x49: {  	v58 =	vshll.u32 v3, $0x3  }
0x4a: {  	v3 =	vand.u32 $0x7, v3;
	v4 =	vand.u32 $0xFFFFFFC0, v58  }
0x4b: {  	v3 =	vor.u32 v3, v4  }
0x4c: {  	v4 =	vperm.xlane v3, v0;
	_ =	sdelay $0x1  }
0x4d: {  	v4 =	vadd.s32 v1, v4;
	_ =	sdelay $0x3  }
0x4e: {  	s0 =	simm.s32 $0x8200  }
0x4f: {  	[tilespmem:s0], [sflag:$0x2] =	stream.indirect_vreg.gather [hbm4b:s3+s1], $0x80, v4, vm0, $0xb8;
	[tilespmem:$0x10200] =	vst v63  }
0x50: {  	s29 =	simm.s32 $0x8A00;
	v3 =	vperm.xlane v3, v2  }
0x51: {  	[tilespmem:s29], [sflag:$0x2] =	stream.indirect_vreg.gather [hbm4b:s5+s1], $0x80, v4, vm0, $0xb8;
	[tilespmem:$0x10200] =	vst v63  }
0x52: {  	v3 =	vadd.s32 v1, v3;
	s0 =	simm.s32 $0x9200  }
0x53: {  	[tilespmem:s0], [sflag:$0x2] =	stream.indirect_vreg.gather [hbm4b:s6+s1], $0x80, v4, vm0, $0xb8;
	[tilespmem:$0x10200] =	vst v63  }
0x54: {  	s29 =	simm.s32 $0x9A00  }
0x55: {  	[tilespmem:s29], [sflag:$0x2] =	stream.indirect_vreg.gather [hbm4b:s7+s1], $0x80, v4, vm0, $0xb8;
	[tilespmem:$0x10200] =	vst v63  }
0x56: {  	s0 =	simm.s32 $0xA200  }
0x57: {  	[tilespmem:s0], [sflag:$0x2] =	stream.indirect_vreg.gather [hbm4b:s3+s1], $0x80, v3, vm0, $0xb8;
	[tilespmem:$0x10200] =	vst v63  }
0x58: {  	s29 =	simm.s32 $0xAA00  }
0x59: {  	[tilespmem:s29], [sflag:$0x2] =	stream.indirect_vreg.gather [hbm4b:s5+s1], $0x80, v3, vm0, $0xb8;
	[tilespmem:$0x10200] =	vst v63  }
0x5a: {  	s0 =	simm.s32 $0xB200  }
0x5b: {  	[tilespmem:s0], [sflag:$0x2] =	stream.indirect_vreg.gather [hbm4b:s6+s1], $0x80, v3, vm0, $0xb8;
	[tilespmem:$0x10200] =	vst v63  }
0x5c: {  	s29 =	simm.s32 $0xBA00  }
0x5d: {  	[tilespmem:s29], [sflag:$0x2] =	stream.indirect_vreg.gather [hbm4b:s7+s1], $0x80, v3, vm0, $0xb8;
	[tilespmem:$0x10200] =	vst v63  }
0x5e: {  	v3 =	vld [tilespmem:$0x90];
	_ =	sdelay $0x4  }
0x5f: {  	v59 =	vshll.u32 v3, $0x3  }
0x60: {  	v3 =	vand.u32 $0x7, v3;
	v4 =	vand.u32 $0xFFFFFFC0, v59  }
0x61: {  	v3 =	vor.u32 v3, v4  }
0x62: {  	v4 =	vperm.xlane v3, v0;
	_ =	sdelay $0x1  }
0x63: {  	v4 =	vadd.s32 v1, v4;
	_ =	sdelay $0x3  }
0x64: {  	s0 =	simm.s32 $0xC200  }
0x65: {  	[tilespmem:s0], [sflag:$0x2] =	stream.indirect_vreg.gather [hbm4b:s3+s1], $0x80, v4, vm0, $0xb8;
	[tilespmem:$0x10200] =	vst v63  }
0x66: {  	s29 =	simm.s32 $0xCA00;
	v3 =	vperm.xlane v3, v2  }
0x67: {  	[tilespmem:s29], [sflag:$0x2] =	stream.indirect_vreg.gather [hbm4b:s5+s1], $0x80, v4, vm0, $0xb8;
	[tilespmem:$0x10200] =	vst v63  }
0x68: {  	v3 =	vadd.s32 v1, v3;
	s0 =	simm.s32 $0xD200  }
0x69: {  	[tilespmem:s0], [sflag:$0x2] =	stream.indirect_vreg.gather [hbm4b:s6+s1], $0x80, v4, vm0, $0xb8;
	[tilespmem:$0x10200] =	vst v63  }
0x6a: {  	s29 =	simm.s32 $0xDA00  }
0x6b: {  	[tilespmem:s29], [sflag:$0x2] =	stream.indirect_vreg.gather [hbm4b:s7+s1], $0x80, v4, vm0, $0xb8;
	[tilespmem:$0x10200] =	vst v63  }
0x6c: {  	s0 =	simm.s32 $0xE200  }
0x6d: {  	[tilespmem:s0], [sflag:$0x2] =	stream.indirect_vreg.gather [hbm4b:s3+s1], $0x80, v3, vm0, $0xb8;
	[tilespmem:$0x10200] =	vst v63  }
0x6e: {  	s29 =	simm.s32 $0xEA00  }
0x6f: {  	[tilespmem:s29], [sflag:$0x2] =	stream.indirect_vreg.gather [hbm4b:s5+s1], $0x80, v3, vm0, $0xb8;
	[tilespmem:$0x10200] =	vst v63  }
0x70: {  	s0 =	simm.s32 $0xF200  }
0x71: {  	[tilespmem:s0], [sflag:$0x2] =	stream.indirect_vreg.gather [hbm4b:s6+s1], $0x80, v3, vm0, $0xb8;
	[tilespmem:$0x10200] =	vst v63  }
0x72: {  	s28 =	rddreg [dreg:$0x4];
	s0 =	simm.s32 $0xFA00  }
0x73: {  	[tilespmem:s0], [sflag:$0x2] =	stream.indirect_vreg.gather [hbm4b:s7+s1], $0x80, v3, vm0, $0xb8;
	[tilespmem:$0x10200] =	vst v63  }
0x74: {  	s29 =	rddreg [dreg:$0x7]  }
0x75: {  	[tilespmem:s29], [sflag:$0x3] =	stream.linear.gather [hbm4b:s28+s1], $0x20, $0x38;
	[tilespmem:$0x10200] =	vst v63  }
0x76: {  	_ =	swait.ge [sflag:s12], $0x20  }
0x77: {  	[sflag:s12] =	ssyncset.done $0x0  }
0x78: {  	[sflag:s12] =	ssyncadd.s32 $0xFFFFFFE0  }
0x79: {  	_ =	swait.ge [sflag:s25], $0x8000  }
0x7a: {  	[sflag:s25] =	ssyncset.done $0x0  }
0x7b: {  	[sflag:s25] =	ssyncadd.s32 $0xFFFF8000  }
0x7c: {  	v3 =	vld [tilespmem:$0x100];
	_ =	sdelay $0x4  }
0x7d: {  	v60 =	vshll.u32 v3, $0x3  }
0x7e: {  	v3 =	vand.u32 $0x7, v3;
	v4 =	vand.u32 $0xFFFFFFC0, v60  }
0x7f: {  	v3 =	vor.u32 v3, v4  }
0x80: {  	v4 =	vperm.xlane v3, v0;
	_ =	sdelay $0x1  }
0x81: {  	v4 =	vadd.s32 v1, v4;
	_ =	sdelay $0x4  }
0x82: {  	[hbm4b:s4+s1] =	stream.indirect_vreg.scatter [tilespmem:s30], [sflag:$0x1], $0x80, v4, vm0, $0xb8;
	[tilespmem:$0x10200] =	vst v63  }
0x83: {  	v3 =	vperm.xlane v3, v2  }
0x84: {  	[hbm4b:s8+s1] =	stream.indirect_vreg.scatter [tilespmem:s31], [sflag:$0x1], $0x80, v4, vm0, $0xb8;
	[tilespmem:$0x10200] =	vst v63  }
0x85: {  	s29 =	simm.s32 $0x1200;
	v3 =	vadd.s32 v1, v3  }
0x86: {  	[hbm4b:s9+s1] =	stream.indirect_vreg.scatter [tilespmem:s29], [sflag:$0x1], $0x80, v4, vm0, $0xb8;
	[tilespmem:$0x10200] =	vst v63  }
0x87: {  	_ = 	snop  }
0x88: {  	[hbm4b:s10+s1] =	stream.indirect_vreg.scatter [tilespmem:s2], [sflag:$0x1], $0x80, v4, vm0, $0xb8;
	[tilespmem:$0x10200] =	vst v63  }
0x89: {  	_ = 	snop  }
0x8a: {  	[hbm4b:s4+s1] =	stream.indirect_vreg.scatter [tilespmem:s13], [sflag:$0x1], $0x80, v3, vm0, $0xb8;
	[tilespmem:$0x10200] =	vst v63  }
0x8b: {  	_ = 	snop  }
0x8c: {  	[hbm4b:s8+s1] =	stream.indirect_vreg.scatter [tilespmem:s14], [sflag:$0x1], $0x80, v3, vm0, $0xb8;
	[tilespmem:$0x10200] =	vst v63  }
0x8d: {  	_ = 	snop  }
0x8e: {  	[hbm4b:s9+s1] =	stream.indirect_vreg.scatter [tilespmem:s15], [sflag:$0x1], $0x80, v3, vm0, $0xb8;
	[tilespmem:$0x10200] =	vst v63  }
0x8f: {  	_ = 	snop  }
0x90: {  	[hbm4b:s10+s1] =	stream.indirect_vreg.scatter [tilespmem:s16], [sflag:$0x1], $0x80, v3, vm0, $0xb8;
	[tilespmem:$0x10200] =	vst v63  }
0x91: {  	v3 =	vld [tilespmem:$0x110];
	_ =	sdelay $0x4  }
0x92: {  	v61 =	vshll.u32 v3, $0x3  }
0x93: {  	v3 =	vand.u32 $0x7, v3;
	v4 =	vand.u32 $0xFFFFFFC0, v61  }
0x94: {  	v3 =	vor.u32 v3, v4  }
0x95: {  	v4 =	vperm.xlane v3, v0;
	_ =	sdelay $0x1  }
0x96: {  	v4 =	vadd.s32 v1, v4;
	_ =	sdelay $0x4  }
0x97: {  	[hbm4b:s4+s1] =	stream.indirect_vreg.scatter [tilespmem:s17], [sflag:$0x1], $0x80, v4, vm0, $0xb8;
	[tilespmem:$0x10200] =	vst v63  }
0x98: {  	v3 =	vperm.xlane v3, v2  }
0x99: {  	[hbm4b:s8+s1] =	stream.indirect_vreg.scatter [tilespmem:s18], [sflag:$0x1], $0x80, v4, vm0, $0xb8;
	[tilespmem:$0x10200] =	vst v63  }
0x9a: {  	v3 =	vadd.s32 v1, v3  }
0x9b: {  	[hbm4b:s9+s1] =	stream.indirect_vreg.scatter [tilespmem:s19], [sflag:$0x1], $0x80, v4, vm0, $0xb8;
	[tilespmem:$0x10200] =	vst v63  }
0x9c: {  	_ = 	snop  }
0x9d: {  	[hbm4b:s10+s1] =	stream.indirect_vreg.scatter [tilespmem:s20], [sflag:$0x1], $0x80, v4, vm0, $0xb8;
	[tilespmem:$0x10200] =	vst v63  }
0x9e: {  	_ = 	snop  }
0x9f: {  	[hbm4b:s4+s1] =	stream.indirect_vreg.scatter [tilespmem:s21], [sflag:$0x1], $0x80, v3, vm0, $0xb8;
	[tilespmem:$0x10200] =	vst v63  }
0xa0: {  	_ = 	snop  }
0xa1: {  	[hbm4b:s8+s1] =	stream.indirect_vreg.scatter [tilespmem:s22], [sflag:$0x1], $0x80, v3, vm0, $0xb8;
	[tilespmem:$0x10200] =	vst v63  }
0xa2: {  	_ = 	snop  }
0xa3: {  	[hbm4b:s9+s1] =	stream.indirect_vreg.scatter [tilespmem:s23], [sflag:$0x1], $0x80, v3, vm0, $0xb8;
	[tilespmem:$0x10200] =	vst v63  }
0xa4: {  	s28 =	rddreg [dreg:$0x5]  }
0xa5: {  	[hbm4b:s10+s1] =	stream.indirect_vreg.scatter [tilespmem:s24], [sflag:$0x1], $0x80, v3, vm0, $0xb8;
	[tilespmem:$0x10200] =	vst v63  }
0xa6: {  	s0 =	rddreg [dreg:$0x8]  }
0xa7: {  	[tilespmem:s0], [sflag:$0x3] =	stream.linear.gather [hbm4b:s28+s1], $0x20, $0x38;
	[tilespmem:$0x10200] =	vst v63  }
0xa8: {  	_ =	swait.ge [sflag:s12], $0x20  }
0xa9: {  	[sflag:s12] =	ssyncset.done $0x0  }
0xaa: {  	[sflag:s12] =	ssyncadd.s32 $0xFFFFFFE0  }
0xab: {  	_ =	swait.ge [sflag:s26], $0x8000  }
0xac: {  	[sflag:s26] =	ssyncset.done $0x0  }
0xad: {  	[sflag:s26] =	ssyncadd.s32 $0xFFFF8000  }
0xae: {  	v3 =	vld [tilespmem:$0x180];
	_ =	sdelay $0x4  }
0xaf: {  	v62 =	vshll.u32 v3, $0x3  }
0xb0: {  	v3 =	vand.u32 $0x7, v3;
	v4 =	vand.u32 $0xFFFFFFC0, v62  }
0xb1: {  	v3 =	vor.u32 v3, v4  }
0xb2: {  	v4 =	vperm.xlane v3, v0;
	_ =	sdelay $0x1  }
0xb3: {  	v4 =	vadd.s32 v1, v4;
	_ =	sdelay $0x3  }
0xb4: {  	s28 =	simm.s32 $0x8200  }
0xb5: {  	[hbm4b:s4+s1] =	stream.indirect_vreg.scatter [tilespmem:s28], [sflag:$0x2], $0x80, v4, vm0, $0xb8;
	[tilespmem:$0x10200] =	vst v63  }
0xb6: {  	s29 =	simm.s32 $0x8A00;
	v3 =	vperm.xlane v3, v2  }
0xb7: {  	[hbm4b:s8+s1] =	stream.indirect_vreg.scatter [tilespmem:s29], [sflag:$0x2], $0x80, v4, vm0, $0xb8;
	[tilespmem:$0x10200] =	vst v63  }
0xb8: {  	v3 =	vadd.s32 v1, v3;
	s28 =	simm.s32 $0x9200  }
0xb9: {  	[hbm4b:s9+s1] =	stream.indirect_vreg.scatter [tilespmem:s28], [sflag:$0x2], $0x80, v4, vm0, $0xb8;
	[tilespmem:$0x10200] =	vst v63  }
0xba: {  	s29 =	simm.s32 $0x9A00  }
0xbb: {  	[hbm4b:s10+s1] =	stream.indirect_vreg.scatter [tilespmem:s29], [sflag:$0x2], $0x80, v4, vm0, $0xb8;
	[tilespmem:$0x10200] =	vst v63  }
0xbc: {  	s28 =	simm.s32 $0xA200  }
0xbd: {  	[hbm4b:s4+s1] =	stream.indirect_vreg.scatter [tilespmem:s28], [sflag:$0x2], $0x80, v3, vm0, $0xb8;
	[tilespmem:$0x10200] =	vst v63  }
0xbe: {  	s29 =	simm.s32 $0xAA00  }
0xbf: {  	[hbm4b:s8+s1] =	stream.indirect_vreg.scatter [tilespmem:s29], [sflag:$0x2], $0x80, v3, vm0, $0xb8;
	[tilespmem:$0x10200] =	vst v63  }
0xc0: {  	s28 =	simm.s32 $0xB200  }
0xc1: {  	[hbm4b:s9+s1] =	stream.indirect_vreg.scatter [tilespmem:s28], [sflag:$0x2], $0x80, v3, vm0, $0xb8;
	[tilespmem:$0x10200] =	vst v63  }
0xc2: {  	s29 =	simm.s32 $0xBA00  }
0xc3: {  	[hbm4b:s10+s1] =	stream.indirect_vreg.scatter [tilespmem:s29], [sflag:$0x2], $0x80, v3, vm0, $0xb8;
	[tilespmem:$0x10200] =	vst v63  }
0xc4: {  	v3 =	vld [tilespmem:$0x190];
	_ =	sdelay $0x4  }
0xc5: {  	v63 =	vshll.u32 v3, $0x3  }
0xc6: {  	v3 =	vand.u32 $0x7, v3;
	v4 =	vand.u32 $0xFFFFFFC0, v63  }
0xc7: {  	v3 =	vor.u32 v3, v4  }
0xc8: {  	v4 =	vperm.xlane v3, v0;
	_ =	sdelay $0x1  }
0xc9: {  	v4 =	vadd.s32 v1, v4;
	_ =	sdelay $0x3  }
0xca: {  	s28 =	simm.s32 $0xC200  }
0xcb: {  	[hbm4b:s4+s1] =	stream.indirect_vreg.scatter [tilespmem:s28], [sflag:$0x2], $0x80, v4, vm0, $0xb8;
	[tilespmem:$0x10200] =	vst v63  }
0xcc: {  	s29 =	simm.s32 $0xCA00;
	v3 =	vperm.xlane v3, v2  }
0xcd: {  	[hbm4b:s8+s1] =	stream.indirect_vreg.scatter [tilespmem:s29], [sflag:$0x2], $0x80, v4, vm0, $0xb8;
	[tilespmem:$0x10200] =	vst v63  }
0xce: {  	v3 =	vadd.s32 v1, v3;
	s28 =	simm.s32 $0xD200  }
0xcf: {  	[hbm4b:s9+s1] =	stream.indirect_vreg.scatter [tilespmem:s28], [sflag:$0x2], $0x80, v4, vm0, $0xb8;
	[tilespmem:$0x10200] =	vst v63  }
0xd0: {  	s29 =	simm.s32 $0xDA00  }
0xd1: {  	[hbm4b:s10+s1] =	stream.indirect_vreg.scatter [tilespmem:s29], [sflag:$0x2], $0x80, v4, vm0, $0xb8;
	[tilespmem:$0x10200] =	vst v63  }
0xd2: {  	s28 =	simm.s32 $0xE200  }
0xd3: {  	[hbm4b:s4+s1] =	stream.indirect_vreg.scatter [tilespmem:s28], [sflag:$0x2], $0x80, v3, vm0, $0xb8;
	[tilespmem:$0x10200] =	vst v63  }
0xd4: {  	s29 =	simm.s32 $0xEA00  }
0xd5: {  	[hbm4b:s8+s1] =	stream.indirect_vreg.scatter [tilespmem:s29], [sflag:$0x2], $0x80, v3, vm0, $0xb8;
	[tilespmem:$0x10200] =	vst v63  }
0xd6: {  	s28 =	simm.s32 $0xF200  }
0xd7: {  	[hbm4b:s9+s1] =	stream.indirect_vreg.scatter [tilespmem:s28], [sflag:$0x2], $0x80, v3, vm0, $0xb8;
	[tilespmem:$0x10200] =	vst v63  }
0xd8: {  	s29 =	simm.s32 $0xFA00  }
0xd9: {  	[hbm4b:s10+s1] =	stream.indirect_vreg.scatter [tilespmem:s29], [sflag:$0x2], $0x80, v3, vm0, $0xb8;
	[tilespmem:$0x10200] =	vst v63  }
0xda: {  	p0 =	sne.s32 s11, $0x1;
	_ =	swait.ge [sflag:s25], $0x8000  }
.Ltmp0:
0xdb: {  	[sflag:s25] =	ssyncset.done $0x0;
	(pc) =	sbr.rel @p0 .LBB2_1-.Ltmp0, $4  }
0xdc: {  	[sflag:s25] =	ssyncadd.s32 $0xFFFF8000  }
0xdd: {  	_ =	swait.ge [sflag:s26], $0x8000  }
0xde: {  	[sflag:s26] =	ssyncset.done $0x0  }
0xdf: {  	s11 =	sadd.s32 $0xFFFFFFFF, s11;
	[sflag:s26] =	ssyncadd.s32 $0xFFFF8000  }
0xe0: {  	_ =	sfence.sel $0x180000  }
0xe1: {  	[bflag:$0x0] =	sbarrier.arrive $0xFFFF  }
0xe2: {  	_ =	strace $0x9000004D  }
0xe3: {  	s0 =	stileid.u32;
	[bflag:$0x2] =	sbarrier.arrive $0xFFFF  }
0xe4: {  	p0 =	sne.s32 s0, $0x0;
	s0 =	rddreg [dreg:$0x1]  }
0xe5: {  	s0 =	sadd.s32 @!p0 $0x100000, s0  }
0xe6: {  	[sflag:s0] =	ssyncadd.tile.s32 @!p0 $0x1;
	_ =	shalt  }
.Lfunc_end2:
_tile_overlayer_lowered:
.L_overlay_start_2:
0xe7: {  	(tag) =	ssettag $0x2  }
0xe8: {  	s0 =	rddreg [dreg:$0x0];
	s2 =	stileid.u32  }
0xe9: {  	s1 =	rddreg [dreg:$0x1];
	p0 =	sne.s32 s2, $0x0  }
0xea: {  	s3 =	rddreg [dreg:$0x2];
	[bflag:$0x3] =	sbarrier.arrive $0xFFFF;
	s2 =	simm.s32 @!p0 $0x1C03  }
0xeb: {  	[timem:s3], [sflag:s2] =	dma.local @!p0 [hbm:s0], s1  }
0xec: {  	s0 =	simm.s32 @!p0 $0x3  }
0xed: {  	_ =	swait.ge @!p0 [sflag:s0], s1  }
0xee: {  	s1 =	ssub.s32 @!p0 $0x0, s1;
	[sflag:s0] =	ssyncset.done @!p0 $0x0  }
0xef: {  	[sflag:s0] =	ssyncadd.s32 @!p0 s1  }
0xf0: {  	[bflag:$0x3] =	sbarrier.arrive $0xFFFF  }
0xf1: {  	_ =	shalt  }

// kernel: kernel.23.cloned.1.call-start
scs
__scs_entry_jumppad:
0x0: {  	(pc) =	sbr.rel $0x88, $3  }
0x1: {  	(tag) =	ssettag $0x0;
	lr =	simm.s32 $0x1  }
0x2: {  	[smem:$0x3F99] =	sst lr;
	_ =	strace $0xD0000000  }
0x3: {  	_ = 	snop  }
0x4: {  	_ = 	snop  }
0x5: {  	_ = 	snop  }
0x6: {  	_ = 	snop  }
0x7: {  	_ = 	snop  }
__scs_overlays_trampoline_lowered:
0x8: {  	[smem:$0x3FA8] =	sst s0  }
0x9: {  	[smem:$0x3FA9] =	sst s1  }
0xa: {  	[smem:$0x3FAA] =	sst s2  }
0xb: {  	[smem:$0x3FAB] =	sst s3  }
0xc: {  	[smem:$0x3FAC] =	sst s4  }
0xd: {  	[smem:$0x3FAD] =	sst s5  }
0xe: {  	[smem:$0x3FAE] =	sst s6  }
0xf: {  	[smem:$0x3FAF] =	sst s7  }
0x10: {  	[smem:$0x3FB0] =	sst s8  }
0x11: {  	[smem:$0x3FB1] =	sst s9;
	s0 =	simm.s32 @!p0 $0x0  }
0x12: {  	s1 =	sld [smem:$0x3F97];
	s0 =	simm.s32 @p0 $0x1  }
0x13: {  	[smem:$0x3FB2] =	sst s0;
	s0 =	simm.s32 @!p1 $0x0  }
0x14: {  	s2 =	sld [smem:$0x3F96];
	s0 =	simm.s32 @p1 $0x1  }
0x15: {  	[smem:$0x3FB3] =	sst s0;
	s0 =	simm.s32 @!p2 $0x0  }
0x16: {  	s3 =	sld [smem:$0x3FDB];
	s0 =	simm.s32 @p2 $0x1  }
0x17: {  	s4 =	simm.s32 $0x1BF5;
	[smem:$0x3FB5] =	sst s0  }
0x18: {  	s0 =	sld [smem:$0x3F98];
	_ =	swait.ge [sflag:s4], $0x0  }
0x19: {  	s7 =	sld [smem:$0x3F99]  }
0x1a: {  	s8 =	sadd.s32 $0xFFFFE003, lr  }
0x1b: {  	s9 =	sadd.s32 $0xFFFFFEF7, lr;
	s5 =	simm.s32 $0xFFFFFFFF;
	p2 =	slt.u32 s8, $0xFFFFF086  }
0x1c: {  	p1 =	slt.u32 s9, $0xF7A;
	s5 =	simm.s32 @!p2 $0x0  }
0x1d: {  	s5 =	simm.s32 @p1 $0x1;
	p0 =	seq.s32 s7, s2  }
0x1e: {  	s7 =	smul.u32 @!p0 $0xF7A, s2;
	p2 =	seq.s32 @!p0 s5, $0x0  }
0x1f: {  	s9 =	smul.u32 $0xF7A, s1;
	s8 =	simm.s32 @!p0 $0x1BF5;
	p2 =	por !p2, p0  }
0x20: {  	[sflag:s8] =	ssyncset.s32 @!p0 $0xFFFFF086;
	s6 =	sadd.s32 @!p0 s3, s7;
	s7 =	simm.s32 @!p0 $0x108  }
0x21: {  	s3 =	sadd.s32 s3, s9;
	s6 =	sadd.s32 @!p0 $0x88, s6;
	s7 =	simm.s32 @p2 $0x1082  }
0x22: {  	[simem:s7], [sflag:s8] =	dma.local @!p0 [hbm:s6], $0xF7A  }
0x23: {  	s9 =	sor.u32 $0xD0000000, s2;
	s6 =	simm.s32 $0x108;
	_ =	swait.ge @!p0 [sflag:s8], $0x0  }
0x24: {  	s3 =	sadd.s32 $0x88, s3;
	s6 =	simm.s32 @!p1 $0x1082;
	[sflag:s4] =	ssyncset.s32 $0xFFFFF086  }
0x25: {  	[simem:s6], [sflag:s4] =	dma.local [hbm:s3], $0xF7A  }
0x26: {  	[smem:$0x3F99] =	sst s1;
	(tag) =	ssettag s2;
	_ =	strace s9  }
0x27: {  	s1 =	sld [smem:$0x3FA9]  }
0x28: {  	s2 =	sld [smem:$0x3FAA]  }
0x29: {  	s4 =	sld [smem:$0x3FAC]  }
0x2a: {  	p0 =	seq.s32 s5, $0x0;
	s5 =	sld [smem:$0x3FAD]  }
0x2b: {  	s6 =	sld [smem:$0x3FAE]  }
0x2c: {  	s7 =	sld [smem:$0x3FAF]  }
0x2d: {  	s3 =	simm.s32 $0x108;
	s8 =	sld [smem:$0x3FB0]  }
0x2e: {  	s3 =	simm.s32 @!p0 $0x1082;
	s9 =	sld [smem:$0x3FB1]  }
0x2f: {  	lr =	sadd.s32 s0, s3;
	s0 =	sld [smem:$0x3FA8]  }
0x30: {  	s3 =	sld [smem:$0x3FAB]  }
0x31: {  	[smem:$0x3FB4] =	sst s10  }
0x32: {  	s10 =	sld [smem:$0x3FB2];
	_ =	sdelay $0x3  }
0x33: {  	p0 =	seq.s32 s10, $0x1;
	s10 =	sld [smem:$0x3FB4];
	_ =	sdelay $0x3  }
0x34: {  	[smem:$0x3FB4] =	sst s10  }
0x35: {  	s10 =	sld [smem:$0x3FB3];
	_ =	sdelay $0x3  }
0x36: {  	p1 =	seq.s32 s10, $0x1;
	s10 =	sld [smem:$0x3FB4];
	_ =	sdelay $0x3  }
0x37: {  	[smem:$0x3FB4] =	sst s10  }
0x38: {  	s10 =	sld [smem:$0x3FB5]  }
0x39: {  	_ = 	snop;
	(pc) =	sbr.ind lr, $3  }
0x3a: {  	_ = 	snop  }
0x3b: {  	_ = 	snop  }
0x3c: {  	p2 =	seq.s32 s10, $0x1;
	s10 =	sld [smem:$0x3FB4]  }
0x3d: {  	_ =	shalt  }
0x3e: {  	_ =	shalt  }
0x3f: {  	_ =	shalt  }
0x40: {  	_ =	shalt  }
0x41: {  	_ =	shalt  }
0x42: {  	_ =	shalt  }
0x43: {  	_ =	shalt  }
0x44: {  	_ =	shalt  }
0x45: {  	_ =	shalt  }
0x46: {  	_ =	shalt  }
0x47: {  	_ =	shalt  }
0x48: {  	_ =	shalt  }
0x49: {  	_ =	shalt  }
0x4a: {  	_ =	shalt  }
0x4b: {  	_ =	shalt  }
0x4c: {  	_ =	shalt  }
0x4d: {  	_ =	shalt  }
0x4e: {  	_ =	shalt  }
0x4f: {  	_ =	shalt  }
0x50: {  	_ =	shalt  }
0x51: {  	_ =	shalt  }
0x52: {  	_ =	shalt  }
0x53: {  	_ =	shalt  }
0x54: {  	_ =	shalt  }
0x55: {  	_ =	shalt  }
0x56: {  	_ =	shalt  }
0x57: {  	_ =	shalt  }
0x58: {  	_ =	shalt  }
0x59: {  	_ =	shalt  }
0x5a: {  	_ =	shalt  }
0x5b: {  	_ =	shalt  }
0x5c: {  	_ =	shalt  }
0x5d: {  	_ =	shalt  }
0x5e: {  	_ =	shalt  }
0x5f: {  	_ =	shalt  }
0x60: {  	_ =	shalt  }
0x61: {  	_ =	shalt  }
0x62: {  	_ =	shalt  }
0x63: {  	_ =	shalt  }
0x64: {  	_ =	shalt  }
0x65: {  	_ =	shalt  }
0x66: {  	_ =	shalt  }
0x67: {  	_ =	shalt  }
0x68: {  	_ =	shalt  }
0x69: {  	_ =	shalt  }
0x6a: {  	_ =	shalt  }
0x6b: {  	_ =	shalt  }
0x6c: {  	_ =	shalt  }
0x6d: {  	_ =	shalt  }
0x6e: {  	_ =	shalt  }
0x6f: {  	_ =	shalt  }
0x70: {  	_ =	shalt  }
0x71: {  	_ =	shalt  }
0x72: {  	_ =	shalt  }
0x73: {  	_ =	shalt  }
0x74: {  	_ =	shalt  }
0x75: {  	_ =	shalt  }
0x76: {  	_ =	shalt  }
0x77: {  	_ =	shalt  }
0x78: {  	_ =	shalt  }
0x79: {  	_ =	shalt  }
0x7a: {  	_ =	shalt  }
0x7b: {  	_ =	shalt  }
0x7c: {  	_ =	shalt  }
0x7d: {  	_ =	shalt  }
0x7e: {  	_ =	shalt  }
0x7f: {  	_ =	shalt  }
0x80: {  	_ =	shalt  }
0x81: {  	_ =	shalt  }
0x82: {  	_ =	shalt  }
0x83: {  	_ =	shalt  }
0x84: {  	_ =	shalt  }
0x85: {  	_ =	shalt  }
0x86: {  	_ =	shalt  }
0x87: {  	_ =	shalt  }
.Lfunc_end0:
.L_simem_size_0:
called_computation.3_lowered:
.L_overlay_start_0:
0x88: {  	s2 =	sld [smem:$0x3FD9]  }
0x89: {  	s3 =	sld [smem:$0x3FFE];
	_ =	sdelay $0x1  }
0x8a: {  	s1 =	srdreg.scid  }
0x8b: {  	s0 =	sand.u32 $0x1, s1  }
0x8c: {  	s16 =	sshll.u32 s0, $0xA;
	s2 =	sadd.s32 s3, s2  }
0x8d: {  	s2 =	sadd.s32 s2, s16  }
0x8e: {  	[smem:$0x3FC0] =	sst s2  }
0x8f: {  	_ = 	snop  }
0x90: {  	(tm) =	ssettm $0x1  }
0x91: {  	s17 =	sld [smem:$0x3FFB];
	_ =	sdelay $0x3  }
0x92: {  	_ =	strace s17  }
0x93: {  	s2 =	sld [smem:$0x3FFC];
	_ =	sdelay $0x3  }
0x94: {  	_ =	strace s2  }
0x95: {  	s2 =	sld [smem:$0x3FFD];
	_ =	sdelay $0x3  }
0x96: {  	_ =	strace s2  }
0x97: {  	_ =	strace $0x8FFFFFFF  }
0x98: {  	s18 =	sld [smem:$0x3FDB];
	_ =	sdelay $0x1  }
0x99: {  	s19 =	simm.s32 $_scs_section_size  }
0x9a: {  	s4 =	simm.s32 $_size__tile_overlayer_lowered;
	s5 =	simm.s32 $_tile_overlayer_lowered  }
0x9b: {  	s22 =	simm.s32 $0x1BFF;
	s21 =	sshll.u32 s5, $0x1;
	s2 =	sadd.s32 s19, s18  }
0x9c: {  	s6 =	simm.s32 $0x0;
	s20 =	sshll.u32 s4, $0x1;
	s4 =	sadd.s32 s21, s2  }
0x9d: {  	[timem:s6], [sflag:s22] =	dma.local [hbm:s4], s20  }
0x9e: {  	_ =	swait.ge [sflag:s22], s20  }
0x9f: {  	s3 =	ssub.s32 $0x0, s20;
	[sflag:s22] =	ssyncset.done $0x0  }
0xa0: {  	[sflag:s22] =	ssyncadd.s32 s3;
	_ =	sdelay $0x1  }
0xa1: {  	s23 =	simm.s32 $0x1B8B  }
0xa2: {  	_ =	swait.ge [sflag:s23], $0x1  }
0xa3: {  	[sflag:s23] =	ssyncset.done $0x0  }
0xa4: {  	s25 =	simm.s32 $0x1B8E;
	s24 =	sld [smem:$0x3FFE];
	[sflag:s23] =	ssyncadd.s32 $0xFFFFFFFF  }
0xa5: {  	s26 =	simm.s32 $execute0_lowered;
	[smem:$0x3FD2] =	sst s25  }
0xa6: {  	s4 =	sshll.u32 s26, $0x1;
	_ =	strace $0x8000004F;
	[dreg:$0x1] =	wrdreg $0xFFFFFFFF  }
0xa7: {  	s28 =	simm.s32 $_size_execute0_lowered;
	s2 =	sadd.s32 s2, s4;
	[dreg:$0x0] =	wrdreg $0x0  }
0xa8: {  	s4 =	sshll.u32 s28, $0x1;
	[dreg:$0x2] =	wrdreg s2  }
0xa9: {  	[dreg:$0x3] =	wrdreg s4  }
0xaa: {  	[dreg:$0x4] =	wrdreg $0xC0  }
0xab: {  	_ =	task [dreg:s6], $0x5FFFF  }
0xac: {  	[dreg:$0x1] =	wrdreg $0xFFFFFFFF  }
0xad: {  	[dreg:$0x0] =	wrdreg $0x60  }
0xae: {  	[dreg:$0x2] =	wrdreg s24  }
0xaf: {  	[dreg:$0x3] =	wrdreg $0x9  }
0xb0: {  	_ =	task.clear_ibuf [dreg:s6], $0x4FFFF;
	_ =	strace $0x9000004F  }
0xb1: {  	s29 =	simm.s32 $0x9;
	_ =	strace $0x80000051  }
0xb2: {  	_ =	swait.ge [sflag:s29], $0x1  }
0xb3: {  	[sflag:s29] =	ssyncadd.s32 $0xFFFFFFFF  }
0xb4: {  	_ =	strace $0x90000051  }
0xb5: {  	_ =	sfence  }
0xb6: {  	s30 =	sld [smem:$0x0];
	_ =	sdelay $0x2  }
0xb7: {  	s31 =	sshll.u32 s1, $0xD;
	s1 =	sshrl.u32 s1, $0x2  }
0xb8: {  	s3 =	sand.u32 $0x4000, s31;
	s1 =	sadd.s32 s1, s30  }
0xb9: {  	s0 =	sor.u32 s3, s0;
	s1 =	sshll.u32 s1, $0x11  }
0xba: {  	s0 =	sor.u32 s1, s0  }
0xbb: {  	s0 =	sadd.s32 $0x8F2B, s0  }
0xbc: {  	[sflag:s0] =	ssyncadd.remote.s32 $0x1  }
0xbd: {  	_ =	sfence.sel $0xFFFF  }
0xbe: {  	[dreg:$0x0] =	wrdreg $0xFFFFFFFF;
	(pc) =	sbr.abs _section_cstart, $3  }
0xbf: {  	[dreg:$0x1] =	wrdreg $0xFFFFFFFF  }
0xc0: {  	_ =	task.clear_ibuf [dreg:s6], $0x2FFFF;
	_ =	strace $0x9FFFFFFF  }
0xc1: {  	(tm) =	ssettm $0x7FFFFFFF  }
tec
execute0_lowered:
.L_overlay_start_1:
0x0: {  	(tag) =	ssettag $0x1  }
0x1: {  	s0 =	rddreg [dreg:$0x0];
	s1 =	simm.s32 $0x0;
	s2 =	srdreg.scid  }
0x2: {  	s4 =	stileid.u32;
	s12 =	simm.s32 $0x3;
	s26 =	simm.s32 $0x80  }
0x3: {  	s28 =	simm.s32 $0x100;
	s29 =	simm.s32 $0x180;
	s30 =	simm.s32 $0x200  }
0x4: {  	s31 =	simm.s32 $0xA00;
	s13 =	simm.s32 $0x2200;
	s14 =	simm.s32 $0x2A00  }
0x5: {  	s15 =	simm.s32 $0x3200;
	s16 =	simm.s32 $0x3A00;
	s17 =	simm.s32 $0x4200  }
0x6: {  	s18 =	simm.s32 $0x4A00;
	s19 =	simm.s32 $0x5200;
	s20 =	simm.s32 $0x5A00  }
0x7: {  	s21 =	simm.s32 $0x6200;
	s22 =	simm.s32 $0x6A00;
	s23 =	simm.s32 $0x7200  }
0x8: {  	[smem:$0x7FF] =	sst s1;
	s3 =	sadd.s32 $0xB600, s0;
	s2 =	sand.u32 $0x1, s2  }
0x9: {  	s7 =	sadd.s32 $0xB000, s0;
	_ =	strace $0x80000050;
	[dreg:$0x6] =	wrdreg s26  }
0xa: {  	s4 =	sshll.u32 s4, $0x4;
	s9 =	sadd.s32 $0xB200, s0;
	[dreg:$0x7] =	wrdreg s28  }
0xb: {  	s5 =	sshll.u32 s2, $0x3;
	s2 =	ssub.s32 $0x2, s2;
	[dreg:$0x8] =	wrdreg s29  }
0xc: {  	s26 =	simm.s32 $0x2;
	s8 =	sor.u32 s5, s4;
	s4 =	sadd.s32 $0x14F600, s0  }
0xd: {  	s24 =	sshrl.u32 s2, $0x1;
	s5 =	sadd.s32 $0xB700, s0;
	s6 =	sadd.s32 s7, s8  }
0xe: {  	s2 =	ssub.s32 s2, s24;
	s10 =	sor.u32 $0x4, s8;
	s8 =	sadd.s32 s9, s8  }
0xf: {  	s24 =	simm.s32 $0x7A00;
	[dreg:$0x2] =	wrdreg s6;
	s6 =	sadd.s32 $0xB800, s0  }
0x10: {  	s11 =	sadd.s32 s7, s10;
	s7 =	sadd.s32 $0xB900, s0;
	[dreg:$0x4] =	wrdreg s8  }
0x11: {  	v2 =	vlaneseq.u32;
	s8 =	sadd.s32 $0x14F700, s0;
	s25 =	sadd.s32 s9, s10;
	[dreg:$0x3] =	wrdreg s11  }
0x12: {  	vm0 =	vmmov $0xffff;
	v1 =	vshrl.u32 v2, $0x3;
	s9 =	sadd.s32 $0x14F800, s0;
	s10 =	sadd.s32 $0x14F900, s0;
	[dreg:$0x5] =	wrdreg s25  }
0x13: {  	v0 =	vand.u32 $0x7, v2;
	v2 =	vor.u32 $0x8, v2;
	v1 =	vmul.u32 $0x8, v1;
	s11 =	smax.u32 s2, $0x1;
	s25 =	simm.s32 $0x1;
	s2 =	simm.s32 $0x1A00  }
.LBB2_1:
0x14: {  	s28 =	rddreg [dreg:$0x2]  }
0x15: {  	[tilespmem:s1], [sflag:$0x3] =	stream.linear.gather [hbm4b:s28+s1], $0x20, $0x38;
	[tilespmem:$0x10200] =	vst v63  }
0x16: {  	_ =	swait.ge [sflag:s12], $0x20  }
0x17: {  	[sflag:s12] =	ssyncset.done $0x0  }
0x18: {  	[sflag:s12] =	ssyncadd.s32 $0xFFFFFFE0  }
0x19: {  	v3 =	vld [tilespmem:$0x0];
	_ =	sdelay $0x4  }
0x1a: {  	v4 =	vshll.u32 v3, $0x3  }
0x1b: {  	v3 =	vand.u32 $0x7, v3;
	v4 =	vand.u32 $0xFFFFFFC0, v4  }
0x1c: {  	v3 =	vor.u32 v3, v4  }
0x1d: {  	v4 =	vperm.xlane v3, v0;
	_ =	sdelay $0x1  }
0x1e: {  	v4 =	vadd.s32 v1, v4;
	_ =	sdelay $0x4  }
0x1f: {  	[tilespmem:s30], [sflag:$0x1] =	stream.indirect_vreg.gather [hbm4b:s3+s1], $0x80, v4, vm0, $0xb8;
	[tilespmem:$0x10200] =	vst v63  }
0x20: {  	v3 =	vperm.xlane v3, v2  }
0x21: {  	[tilespmem:s31], [sflag:$0x1] =	stream.indirect_vreg.gather [hbm4b:s5+s1], $0x80, v4, vm0, $0xb8;
	[tilespmem:$0x10200] =	vst v63  }
0x22: {  	s0 =	simm.s32 $0x1200;
	v3 =	vadd.s32 v1, v3  }
0x23: {  	[tilespmem:s0], [sflag:$0x1] =	stream.indirect_vreg.gather [hbm4b:s6+s1], $0x80, v4, vm0, $0xb8;
	[tilespmem:$0x10200] =	vst v63  }
0x24: {  	_ = 	snop  }
0x25: {  	[tilespmem:s2], [sflag:$0x1] =	stream.indirect_vreg.gather [hbm4b:s7+s1], $0x80, v4, vm0, $0xb8;
	[tilespmem:$0x10200] =	vst v63  }
0x26: {  	_ = 	snop  }
0x27: {  	[tilespmem:s13], [sflag:$0x1] =	stream.indirect_vreg.gather [hbm4b:s3+s1], $0x80, v3, vm0, $0xb8;
	[tilespmem:$0x10200] =	vst v63  }
0x28: {  	_ = 	snop  }
0x29: {  	[tilespmem:s14], [sflag:$0x1] =	stream.indirect_vreg.gather [hbm4b:s5+s1], $0x80, v3, vm0, $0xb8;
	[tilespmem:$0x10200] =	vst v63  }
0x2a: {  	_ = 	snop  }
0x2b: {  	[tilespmem:s15], [sflag:$0x1] =	stream.indirect_vreg.gather [hbm4b:s6+s1], $0x80, v3, vm0, $0xb8;
	[tilespmem:$0x10200] =	vst v63  }
0x2c: {  	_ = 	snop  }
0x2d: {  	[tilespmem:s16], [sflag:$0x1] =	stream.indirect_vreg.gather [hbm4b:s7+s1], $0x80, v3, vm0, $0xb8;
	[tilespmem:$0x10200] =	vst v63  }
0x2e: {  	v3 =	vld [tilespmem:$0x10];
	_ =	sdelay $0x4  }
0x2f: {  	v57 =	vshll.u32 v3, $0x3  }
0x30: {  	v3 =	vand.u32 $0x7, v3;
	v4 =	vand.u32 $0xFFFFFFC0, v57  }
0x31: {  	v3 =	vor.u32 v3, v4  }
0x32: {  	v4 =	vperm.xlane v3, v0;
	_ =	sdelay $0x1  }
0x33: {  	v4 =	vadd.s32 v1, v4;
	_ =	sdelay $0x4  }
0x34: {  	[tilespmem:s17], [sflag:$0x1] =	stream.indirect_vreg.gather [hbm4b:s3+s1], $0x80, v4, vm0, $0xb8;
	[tilespmem:$0x10200] =	vst v63  }
0x35: {  	v3 =	vperm.xlane v3, v2  }
0x36: {  	[tilespmem:s18], [sflag:$0x1] =	stream.indirect_vreg.gather [hbm4b:s5+s1], $0x80, v4, vm0, $0xb8;
	[tilespmem:$0x10200] =	vst v63  }
0x37: {  	v3 =	vadd.s32 v1, v3  }
0x38: {  	[tilespmem:s19], [sflag:$0x1] =	stream.indirect_vreg.gather [hbm4b:s6+s1], $0x80, v4, vm0, $0xb8;
	[tilespmem:$0x10200] =	vst v63  }
0x39: {  	_ = 	snop  }
0x3a: {  	[tilespmem:s20], [sflag:$0x1] =	stream.indirect_vreg.gather [hbm4b:s7+s1], $0x80, v4, vm0, $0xb8;
	[tilespmem:$0x10200] =	vst v63  }
0x3b: {  	_ = 	snop  }
0x3c: {  	[tilespmem:s21], [sflag:$0x1] =	stream.indirect_vreg.gather [hbm4b:s3+s1], $0x80, v3, vm0, $0xb8;
	[tilespmem:$0x10200] =	vst v63  }
0x3d: {  	_ = 	snop  }
0x3e: {  	[tilespmem:s22], [sflag:$0x1] =	stream.indirect_vreg.gather [hbm4b:s5+s1], $0x80, v3, vm0, $0xb8;
	[tilespmem:$0x10200] =	vst v63  }
0x3f: {  	_ = 	snop  }
0x40: {  	[tilespmem:s23], [sflag:$0x1] =	stream.indirect_vreg.gather [hbm4b:s6+s1], $0x80, v3, vm0, $0xb8;
	[tilespmem:$0x10200] =	vst v63  }
0x41: {  	s29 =	rddreg [dreg:$0x6]  }
0x42: {  	[tilespmem:s24], [sflag:$0x1] =	stream.indirect_vreg.gather [hbm4b:s7+s1], $0x80, v3, vm0, $0xb8;
	[tilespmem:$0x10200] =	vst v63  }
0x43: {  	s0 =	rddreg [dreg:$0x3]  }
0x44: {  	[tilespmem:s29], [sflag:$0x3] =	stream.linear.gather [hbm4b:s0+s1], $0x20, $0x38;
	[tilespmem:$0x10200] =	vst v63  }
0x45: {  	_ =	swait.ge [sflag:s12], $0x20  }
0x46: {  	[sflag:s12] =	ssyncset.done $0x0  }
0x47: {  	[sflag:s12] =	ssyncadd.s32 $0xFFFFFFE0  }
0x48: {  	v3 =	vld [tilespmem:$0x80];
	_ =	sdelay $0x4  }
0x49: {  	v58 =	vshll.u32 v3, $0x3  }
0x4a: {  	v3 =	vand.u32 $0x7, v3;
	v4 =	vand.u32 $0xFFFFFFC0, v58  }
0x4b: {  	v3 =	vor.u32 v3, v4  }
0x4c: {  	v4 =	vperm.xlane v3, v0;
	_ =	sdelay $0x1  }
0x4d: {  	v4 =	vadd.s32 v1, v4;
	_ =	sdelay $0x3  }
0x4e: {  	s0 =	simm.s32 $0x8200  }
0x4f: {  	[tilespmem:s0], [sflag:$0x2] =	stream.indirect_vreg.gather [hbm4b:s3+s1], $0x80, v4, vm0, $0xb8;
	[tilespmem:$0x10200] =	vst v63  }
0x50: {  	s29 =	simm.s32 $0x8A00;
	v3 =	vperm.xlane v3, v2  }
0x51: {  	[tilespmem:s29], [sflag:$0x2] =	stream.indirect_vreg.gather [hbm4b:s5+s1], $0x80, v4, vm0, $0xb8;
	[tilespmem:$0x10200] =	vst v63  }
0x52: {  	v3 =	vadd.s32 v1, v3;
	s0 =	simm.s32 $0x9200  }
0x53: {  	[tilespmem:s0], [sflag:$0x2] =	stream.indirect_vreg.gather [hbm4b:s6+s1], $0x80, v4, vm0, $0xb8;
	[tilespmem:$0x10200] =	vst v63  }
0x54: {  	s29 =	simm.s32 $0x9A00  }
0x55: {  	[tilespmem:s29], [sflag:$0x2] =	stream.indirect_vreg.gather [hbm4b:s7+s1], $0x80, v4, vm0, $0xb8;
	[tilespmem:$0x10200] =	vst v63  }
0x56: {  	s0 =	simm.s32 $0xA200  }
0x57: {  	[tilespmem:s0], [sflag:$0x2] =	stream.indirect_vreg.gather [hbm4b:s3+s1], $0x80, v3, vm0, $0xb8;
	[tilespmem:$0x10200] =	vst v63  }
0x58: {  	s29 =	simm.s32 $0xAA00  }
0x59: {  	[tilespmem:s29], [sflag:$0x2] =	stream.indirect_vreg.gather [hbm4b:s5+s1], $0x80, v3, vm0, $0xb8;
	[tilespmem:$0x10200] =	vst v63  }
0x5a: {  	s0 =	simm.s32 $0xB200  }
0x5b: {  	[tilespmem:s0], [sflag:$0x2] =	stream.indirect_vreg.gather [hbm4b:s6+s1], $0x80, v3, vm0, $0xb8;
	[tilespmem:$0x10200] =	vst v63  }
0x5c: {  	s29 =	simm.s32 $0xBA00  }
0x5d: {  	[tilespmem:s29], [sflag:$0x2] =	stream.indirect_vreg.gather [hbm4b:s7+s1], $0x80, v3, vm0, $0xb8;
	[tilespmem:$0x10200] =	vst v63  }
0x5e: {  	v3 =	vld [tilespmem:$0x90];
	_ =	sdelay $0x4  }
0x5f: {  	v59 =	vshll.u32 v3, $0x3  }
0x60: {  	v3 =	vand.u32 $0x7, v3;
	v4 =	vand.u32 $0xFFFFFFC0, v59  }
0x61: {  	v3 =	vor.u32 v3, v4  }
0x62: {  	v4 =	vperm.xlane v3, v0;
	_ =	sdelay $0x1  }
0x63: {  	v4 =	vadd.s32 v1, v4;
	_ =	sdelay $0x3  }
0x64: {  	s0 =	simm.s32 $0xC200  }
0x65: {  	[tilespmem:s0], [sflag:$0x2] =	stream.indirect_vreg.gather [hbm4b:s3+s1], $0x80, v4, vm0, $0xb8;
	[tilespmem:$0x10200] =	vst v63  }
0x66: {  	s29 =	simm.s32 $0xCA00;
	v3 =	vperm.xlane v3, v2  }
0x67: {  	[tilespmem:s29], [sflag:$0x2] =	stream.indirect_vreg.gather [hbm4b:s5+s1], $0x80, v4, vm0, $0xb8;
	[tilespmem:$0x10200] =	vst v63  }
0x68: {  	v3 =	vadd.s32 v1, v3;
	s0 =	simm.s32 $0xD200  }
0x69: {  	[tilespmem:s0], [sflag:$0x2] =	stream.indirect_vreg.gather [hbm4b:s6+s1], $0x80, v4, vm0, $0xb8;
	[tilespmem:$0x10200] =	vst v63  }
0x6a: {  	s29 =	simm.s32 $0xDA00  }
0x6b: {  	[tilespmem:s29], [sflag:$0x2] =	stream.indirect_vreg.gather [hbm4b:s7+s1], $0x80, v4, vm0, $0xb8;
	[tilespmem:$0x10200] =	vst v63  }
0x6c: {  	s0 =	simm.s32 $0xE200  }
0x6d: {  	[tilespmem:s0], [sflag:$0x2] =	stream.indirect_vreg.gather [hbm4b:s3+s1], $0x80, v3, vm0, $0xb8;
	[tilespmem:$0x10200] =	vst v63  }
0x6e: {  	s29 =	simm.s32 $0xEA00  }
0x6f: {  	[tilespmem:s29], [sflag:$0x2] =	stream.indirect_vreg.gather [hbm4b:s5+s1], $0x80, v3, vm0, $0xb8;
	[tilespmem:$0x10200] =	vst v63  }
0x70: {  	s0 =	simm.s32 $0xF200  }
0x71: {  	[tilespmem:s0], [sflag:$0x2] =	stream.indirect_vreg.gather [hbm4b:s6+s1], $0x80, v3, vm0, $0xb8;
	[tilespmem:$0x10200] =	vst v63  }
0x72: {  	s28 =	rddreg [dreg:$0x4];
	s0 =	simm.s32 $0xFA00  }
0x73: {  	[tilespmem:s0], [sflag:$0x2] =	stream.indirect_vreg.gather [hbm4b:s7+s1], $0x80, v3, vm0, $0xb8;
	[tilespmem:$0x10200] =	vst v63  }
0x74: {  	s29 =	rddreg [dreg:$0x7]  }
0x75: {  	[tilespmem:s29], [sflag:$0x3] =	stream.linear.gather [hbm4b:s28+s1], $0x20, $0x38;
	[tilespmem:$0x10200] =	vst v63  }
0x76: {  	_ =	swait.ge [sflag:s12], $0x20  }
0x77: {  	[sflag:s12] =	ssyncset.done $0x0  }
0x78: {  	[sflag:s12] =	ssyncadd.s32 $0xFFFFFFE0  }
0x79: {  	_ =	swait.ge [sflag:s25], $0x8000  }
0x7a: {  	[sflag:s25] =	ssyncset.done $0x0  }
0x7b: {  	[sflag:s25] =	ssyncadd.s32 $0xFFFF8000  }
0x7c: {  	v3 =	vld [tilespmem:$0x100];
	_ =	sdelay $0x4  }
0x7d: {  	v60 =	vshll.u32 v3, $0x3  }
0x7e: {  	v3 =	vand.u32 $0x7, v3;
	v4 =	vand.u32 $0xFFFFFFC0, v60  }
0x7f: {  	v3 =	vor.u32 v3, v4  }
0x80: {  	v4 =	vperm.xlane v3, v0;
	_ =	sdelay $0x1  }
0x81: {  	v4 =	vadd.s32 v1, v4;
	_ =	sdelay $0x4  }
0x82: {  	[hbm4b:s4+s1] =	stream.indirect_vreg.scatter [tilespmem:s30], [sflag:$0x1], $0x80, v4, vm0, $0xb8;
	[tilespmem:$0x10200] =	vst v63  }
0x83: {  	v3 =	vperm.xlane v3, v2  }
0x84: {  	[hbm4b:s8+s1] =	stream.indirect_vreg.scatter [tilespmem:s31], [sflag:$0x1], $0x80, v4, vm0, $0xb8;
	[tilespmem:$0x10200] =	vst v63  }
0x85: {  	s29 =	simm.s32 $0x1200;
	v3 =	vadd.s32 v1, v3  }
0x86: {  	[hbm4b:s9+s1] =	stream.indirect_vreg.scatter [tilespmem:s29], [sflag:$0x1], $0x80, v4, vm0, $0xb8;
	[tilespmem:$0x10200] =	vst v63  }
0x87: {  	_ = 	snop  }
0x88: {  	[hbm4b:s10+s1] =	stream.indirect_vreg.scatter [tilespmem:s2], [sflag:$0x1], $0x80, v4, vm0, $0xb8;
	[tilespmem:$0x10200] =	vst v63  }
0x89: {  	_ = 	snop  }
0x8a: {  	[hbm4b:s4+s1] =	stream.indirect_vreg.scatter [tilespmem:s13], [sflag:$0x1], $0x80, v3, vm0, $0xb8;
	[tilespmem:$0x10200] =	vst v63  }
0x8b: {  	_ = 	snop  }
0x8c: {  	[hbm4b:s8+s1] =	stream.indirect_vreg.scatter [tilespmem:s14], [sflag:$0x1], $0x80, v3, vm0, $0xb8;
	[tilespmem:$0x10200] =	vst v63  }
0x8d: {  	_ = 	snop  }
0x8e: {  	[hbm4b:s9+s1] =	stream.indirect_vreg.scatter [tilespmem:s15], [sflag:$0x1], $0x80, v3, vm0, $0xb8;
	[tilespmem:$0x10200] =	vst v63  }
0x8f: {  	_ = 	snop  }
0x90: {  	[hbm4b:s10+s1] =	stream.indirect_vreg.scatter [tilespmem:s16], [sflag:$0x1], $0x80, v3, vm0, $0xb8;
	[tilespmem:$0x10200] =	vst v63  }
0x91: {  	v3 =	vld [tilespmem:$0x110];
	_ =	sdelay $0x4  }
0x92: {  	v61 =	vshll.u32 v3, $0x3  }
0x93: {  	v3 =	vand.u32 $0x7, v3;
	v4 =	vand.u32 $0xFFFFFFC0, v61  }
0x94: {  	v3 =	vor.u32 v3, v4  }
0x95: {  	v4 =	vperm.xlane v3, v0;
	_ =	sdelay $0x1  }
0x96: {  	v4 =	vadd.s32 v1, v4;
	_ =	sdelay $0x4  }
0x97: {  	[hbm4b:s4+s1] =	stream.indirect_vreg.scatter [tilespmem:s17], [sflag:$0x1], $0x80, v4, vm0, $0xb8;
	[tilespmem:$0x10200] =	vst v63  }
0x98: {  	v3 =	vperm.xlane v3, v2  }
0x99: {  	[hbm4b:s8+s1] =	stream.indirect_vreg.scatter [tilespmem:s18], [sflag:$0x1], $0x80, v4, vm0, $0xb8;
	[tilespmem:$0x10200] =	vst v63  }
0x9a: {  	v3 =	vadd.s32 v1, v3  }
0x9b: {  	[hbm4b:s9+s1] =	stream.indirect_vreg.scatter [tilespmem:s19], [sflag:$0x1], $0x80, v4, vm0, $0xb8;
	[tilespmem:$0x10200] =	vst v63  }
0x9c: {  	_ = 	snop  }
0x9d: {  	[hbm4b:s10+s1] =	stream.indirect_vreg.scatter [tilespmem:s20], [sflag:$0x1], $0x80, v4, vm0, $0xb8;
	[tilespmem:$0x10200] =	vst v63  }
0x9e: {  	_ = 	snop  }
0x9f: {  	[hbm4b:s4+s1] =	stream.indirect_vreg.scatter [tilespmem:s21], [sflag:$0x1], $0x80, v3, vm0, $0xb8;
	[tilespmem:$0x10200] =	vst v63  }
0xa0: {  	_ = 	snop  }
0xa1: {  	[hbm4b:s8+s1] =	stream.indirect_vreg.scatter [tilespmem:s22], [sflag:$0x1], $0x80, v3, vm0, $0xb8;
	[tilespmem:$0x10200] =	vst v63  }
0xa2: {  	_ = 	snop  }
0xa3: {  	[hbm4b:s9+s1] =	stream.indirect_vreg.scatter [tilespmem:s23], [sflag:$0x1], $0x80, v3, vm0, $0xb8;
	[tilespmem:$0x10200] =	vst v63  }
0xa4: {  	s28 =	rddreg [dreg:$0x5]  }
0xa5: {  	[hbm4b:s10+s1] =	stream.indirect_vreg.scatter [tilespmem:s24], [sflag:$0x1], $0x80, v3, vm0, $0xb8;
	[tilespmem:$0x10200] =	vst v63  }
0xa6: {  	s0 =	rddreg [dreg:$0x8]  }
0xa7: {  	[tilespmem:s0], [sflag:$0x3] =	stream.linear.gather [hbm4b:s28+s1], $0x20, $0x38;
	[tilespmem:$0x10200] =	vst v63  }
0xa8: {  	_ =	swait.ge [sflag:s12], $0x20  }
0xa9: {  	[sflag:s12] =	ssyncset.done $0x0  }
0xaa: {  	[sflag:s12] =	ssyncadd.s32 $0xFFFFFFE0  }
0xab: {  	_ =	swait.ge [sflag:s26], $0x8000  }
0xac: {  	[sflag:s26] =	ssyncset.done $0x0  }
0xad: {  	[sflag:s26] =	ssyncadd.s32 $0xFFFF8000  }
0xae: {  	v3 =	vld [tilespmem:$0x180];
	_ =	sdelay $0x4  }
0xaf: {  	v62 =	vshll.u32 v3, $0x3  }
0xb0: {  	v3 =	vand.u32 $0x7, v3;
	v4 =	vand.u32 $0xFFFFFFC0, v62  }
0xb1: {  	v3 =	vor.u32 v3, v4  }
0xb2: {  	v4 =	vperm.xlane v3, v0;
	_ =	sdelay $0x1  }
0xb3: {  	v4 =	vadd.s32 v1, v4;
	_ =	sdelay $0x3  }
0xb4: {  	s28 =	simm.s32 $0x8200  }
0xb5: {  	[hbm4b:s4+s1] =	stream.indirect_vreg.scatter [tilespmem:s28], [sflag:$0x2], $0x80, v4, vm0, $0xb8;
	[tilespmem:$0x10200] =	vst v63  }
0xb6: {  	s29 =	simm.s32 $0x8A00;
	v3 =	vperm.xlane v3, v2  }
0xb7: {  	[hbm4b:s8+s1] =	stream.indirect_vreg.scatter [tilespmem:s29], [sflag:$0x2], $0x80, v4, vm0, $0xb8;
	[tilespmem:$0x10200] =	vst v63  }
0xb8: {  	v3 =	vadd.s32 v1, v3;
	s28 =	simm.s32 $0x9200  }
0xb9: {  	[hbm4b:s9+s1] =	stream.indirect_vreg.scatter [tilespmem:s28], [sflag:$0x2], $0x80, v4, vm0, $0xb8;
	[tilespmem:$0x10200] =	vst v63  }
0xba: {  	s29 =	simm.s32 $0x9A00  }
0xbb: {  	[hbm4b:s10+s1] =	stream.indirect_vreg.scatter [tilespmem:s29], [sflag:$0x2], $0x80, v4, vm0, $0xb8;
	[tilespmem:$0x10200] =	vst v63  }
0xbc: {  	s28 =	simm.s32 $0xA200  }
0xbd: {  	[hbm4b:s4+s1] =	stream.indirect_vreg.scatter [tilespmem:s28], [sflag:$0x2], $0x80, v3, vm0, $0xb8;
	[tilespmem:$0x10200] =	vst v63  }
0xbe: {  	s29 =	simm.s32 $0xAA00  }
0xbf: {  	[hbm4b:s8+s1] =	stream.indirect_vreg.scatter [tilespmem:s29], [sflag:$0x2], $0x80, v3, vm0, $0xb8;
	[tilespmem:$0x10200] =	vst v63  }
0xc0: {  	s28 =	simm.s32 $0xB200  }
0xc1: {  	[hbm4b:s9+s1] =	stream.indirect_vreg.scatter [tilespmem:s28], [sflag:$0x2], $0x80, v3, vm0, $0xb8;
	[tilespmem:$0x10200] =	vst v63  }
0xc2: {  	s29 =	simm.s32 $0xBA00  }
0xc3: {  	[hbm4b:s10+s1] =	stream.indirect_vreg.scatter [tilespmem:s29], [sflag:$0x2], $0x80, v3, vm0, $0xb8;
	[tilespmem:$0x10200] =	vst v63  }
0xc4: {  	v3 =	vld [tilespmem:$0x190];
	_ =	sdelay $0x4  }
0xc5: {  	v63 =	vshll.u32 v3, $0x3  }
0xc6: {  	v3 =	vand.u32 $0x7, v3;
	v4 =	vand.u32 $0xFFFFFFC0, v63  }
0xc7: {  	v3 =	vor.u32 v3, v4  }
0xc8: {  	v4 =	vperm.xlane v3, v0;
	_ =	sdelay $0x1  }
0xc9: {  	v4 =	vadd.s32 v1, v4;
	_ =	sdelay $0x3  }
0xca: {  	s28 =	simm.s32 $0xC200  }
0xcb: {  	[hbm4b:s4+s1] =	stream.indirect_vreg.scatter [tilespmem:s28], [sflag:$0x2], $0x80, v4, vm0, $0xb8;
	[tilespmem:$0x10200] =	vst v63  }
0xcc: {  	s29 =	simm.s32 $0xCA00;
	v3 =	vperm.xlane v3, v2  }
0xcd: {  	[hbm4b:s8+s1] =	stream.indirect_vreg.scatter [tilespmem:s29], [sflag:$0x2], $0x80, v4, vm0, $0xb8;
	[tilespmem:$0x10200] =	vst v63  }
0xce: {  	v3 =	vadd.s32 v1, v3;
	s28 =	simm.s32 $0xD200  }
0xcf: {  	[hbm4b:s9+s1] =	stream.indirect_vreg.scatter [tilespmem:s28], [sflag:$0x2], $0x80, v4, vm0, $0xb8;
	[tilespmem:$0x10200] =	vst v63  }
0xd0: {  	s29 =	simm.s32 $0xDA00  }
0xd1: {  	[hbm4b:s10+s1] =	stream.indirect_vreg.scatter [tilespmem:s29], [sflag:$0x2], $0x80, v4, vm0, $0xb8;
	[tilespmem:$0x10200] =	vst v63  }
0xd2: {  	s28 =	simm.s32 $0xE200  }
0xd3: {  	[hbm4b:s4+s1] =	stream.indirect_vreg.scatter [tilespmem:s28], [sflag:$0x2], $0x80, v3, vm0, $0xb8;
	[tilespmem:$0x10200] =	vst v63  }
0xd4: {  	s29 =	simm.s32 $0xEA00  }
0xd5: {  	[hbm4b:s8+s1] =	stream.indirect_vreg.scatter [tilespmem:s29], [sflag:$0x2], $0x80, v3, vm0, $0xb8;
	[tilespmem:$0x10200] =	vst v63  }
0xd6: {  	s28 =	simm.s32 $0xF200  }
0xd7: {  	[hbm4b:s9+s1] =	stream.indirect_vreg.scatter [tilespmem:s28], [sflag:$0x2], $0x80, v3, vm0, $0xb8;
	[tilespmem:$0x10200] =	vst v63  }
0xd8: {  	s29 =	simm.s32 $0xFA00  }
0xd9: {  	[hbm4b:s10+s1] =	stream.indirect_vreg.scatter [tilespmem:s29], [sflag:$0x2], $0x80, v3, vm0, $0xb8;
	[tilespmem:$0x10200] =	vst v63  }
0xda: {  	p0 =	sne.s32 s11, $0x1;
	_ =	swait.ge [sflag:s25], $0x8000  }
.Ltmp0:
0xdb: {  	[sflag:s25] =	ssyncset.done $0x0;
	(pc) =	sbr.rel @p0 .LBB2_1-.Ltmp0, $4  }
0xdc: {  	[sflag:s25] =	ssyncadd.s32 $0xFFFF8000  }
0xdd: {  	_ =	swait.ge [sflag:s26], $0x8000  }
0xde: {  	[sflag:s26] =	ssyncset.done $0x0  }
0xdf: {  	s11 =	sadd.s32 $0xFFFFFFFF, s11;
	[sflag:s26] =	ssyncadd.s32 $0xFFFF8000  }
0xe0: {  	_ =	sfence.sel $0x180000  }
0xe1: {  	[bflag:$0x0] =	sbarrier.arrive $0xFFFF  }
0xe2: {  	_ =	strace $0x90000050  }
0xe3: {  	s0 =	stileid.u32;
	[bflag:$0x2] =	sbarrier.arrive $0xFFFF  }
0xe4: {  	p0 =	sne.s32 s0, $0x0;
	s0 =	rddreg [dreg:$0x1]  }
0xe5: {  	s0 =	sadd.s32 @!p0 $0x100000, s0  }
0xe6: {  	[sflag:s0] =	ssyncadd.tile.s32 @!p0 $0x1;
	_ =	shalt  }
.Lfunc_end2:
_tile_overlayer_lowered:
.L_overlay_start_2:
0xe7: {  	(tag) =	ssettag $0x2  }
0xe8: {  	s0 =	rddreg [dreg:$0x0];
	s2 =	stileid.u32  }
0xe9: {  	s1 =	rddreg [dreg:$0x1];
	p0 =	sne.s32 s2, $0x0  }
0xea: {  	s3 =	rddreg [dreg:$0x2];
	[bflag:$0x3] =	sbarrier.arrive $0xFFFF;
	s2 =	simm.s32 @!p0 $0x1C03  }
0xeb: {  	[timem:s3], [sflag:s2] =	dma.local @!p0 [hbm:s0], s1  }
0xec: {  	s0 =	simm.s32 @!p0 $0x3  }
0xed: {  	_ =	swait.ge @!p0 [sflag:s0], s1  }
0xee: {  	s1 =	ssub.s32 @!p0 $0x0, s1;
	[sflag:s0] =	ssyncset.done @!p0 $0x0  }
0xef: {  	[sflag:s0] =	ssyncadd.s32 @!p0 s1  }
0xf0: {  	[bflag:$0x3] =	sbarrier.arrive $0xFFFF  }
0xf1: {  	_ =	shalt  }

// kernel: kernel.26.cloned.1.call-start
scs
__scs_entry_jumppad:
0x0: {  	(pc) =	sbr.rel $0x88, $3  }
0x1: {  	(tag) =	ssettag $0x0;
	lr =	simm.s32 $0x1  }
0x2: {  	[smem:$0x3F99] =	sst lr;
	_ =	strace $0xD0000000  }
0x3: {  	_ = 	snop  }
0x4: {  	_ = 	snop  }
0x5: {  	_ = 	snop  }
0x6: {  	_ = 	snop  }
0x7: {  	_ = 	snop  }
__scs_overlays_trampoline_lowered:
0x8: {  	[smem:$0x3FA8] =	sst s0  }
0x9: {  	[smem:$0x3FA9] =	sst s1  }
0xa: {  	[smem:$0x3FAA] =	sst s2  }
0xb: {  	[smem:$0x3FAB] =	sst s3  }
0xc: {  	[smem:$0x3FAC] =	sst s4  }
0xd: {  	[smem:$0x3FAD] =	sst s5  }
0xe: {  	[smem:$0x3FAE] =	sst s6  }
0xf: {  	[smem:$0x3FAF] =	sst s7  }
0x10: {  	[smem:$0x3FB0] =	sst s8  }
0x11: {  	[smem:$0x3FB1] =	sst s9;
	s0 =	simm.s32 @!p0 $0x0  }
0x12: {  	s1 =	sld [smem:$0x3F97];
	s0 =	simm.s32 @p0 $0x1  }
0x13: {  	[smem:$0x3FB2] =	sst s0;
	s0 =	simm.s32 @!p1 $0x0  }
0x14: {  	s2 =	sld [smem:$0x3F96];
	s0 =	simm.s32 @p1 $0x1  }
0x15: {  	[smem:$0x3FB3] =	sst s0;
	s0 =	simm.s32 @!p2 $0x0  }
0x16: {  	s3 =	sld [smem:$0x3FDB];
	s0 =	simm.s32 @p2 $0x1  }
0x17: {  	s4 =	simm.s32 $0x1BF5;
	[smem:$0x3FB5] =	sst s0  }
0x18: {  	s0 =	sld [smem:$0x3F98];
	_ =	swait.ge [sflag:s4], $0x0  }
0x19: {  	s7 =	sld [smem:$0x3F99]  }
0x1a: {  	s8 =	sadd.s32 $0xFFFFE003, lr  }
0x1b: {  	s9 =	sadd.s32 $0xFFFFFEF7, lr;
	s5 =	simm.s32 $0xFFFFFFFF;
	p2 =	slt.u32 s8, $0xFFFFF086  }
0x1c: {  	p1 =	slt.u32 s9, $0xF7A;
	s5 =	simm.s32 @!p2 $0x0  }
0x1d: {  	s5 =	simm.s32 @p1 $0x1;
	p0 =	seq.s32 s7, s2  }
0x1e: {  	s7 =	smul.u32 @!p0 $0xF7A, s2;
	p2 =	seq.s32 @!p0 s5, $0x0  }
0x1f: {  	s9 =	smul.u32 $0xF7A, s1;
	s8 =	simm.s32 @!p0 $0x1BF5;
	p2 =	por !p2, p0  }
0x20: {  	[sflag:s8] =	ssyncset.s32 @!p0 $0xFFFFF086;
	s6 =	sadd.s32 @!p0 s3, s7;
	s7 =	simm.s32 @!p0 $0x108  }
0x21: {  	s3 =	sadd.s32 s3, s9;
	s6 =	sadd.s32 @!p0 $0x88, s6;
	s7 =	simm.s32 @p2 $0x1082  }
0x22: {  	[simem:s7], [sflag:s8] =	dma.local @!p0 [hbm:s6], $0xF7A  }
0x23: {  	s9 =	sor.u32 $0xD0000000, s2;
	s6 =	simm.s32 $0x108;
	_ =	swait.ge @!p0 [sflag:s8], $0x0  }
0x24: {  	s3 =	sadd.s32 $0x88, s3;
	s6 =	simm.s32 @!p1 $0x1082;
	[sflag:s4] =	ssyncset.s32 $0xFFFFF086  }
0x25: {  	[simem:s6], [sflag:s4] =	dma.local [hbm:s3], $0xF7A  }
0x26: {  	[smem:$0x3F99] =	sst s1;
	(tag) =	ssettag s2;
	_ =	strace s9  }
0x27: {  	s1 =	sld [smem:$0x3FA9]  }
0x28: {  	s2 =	sld [smem:$0x3FAA]  }
0x29: {  	s4 =	sld [smem:$0x3FAC]  }
0x2a: {  	p0 =	seq.s32 s5, $0x0;
	s5 =	sld [smem:$0x3FAD]  }
0x2b: {  	s6 =	sld [smem:$0x3FAE]  }
0x2c: {  	s7 =	sld [smem:$0x3FAF]  }
0x2d: {  	s3 =	simm.s32 $0x108;
	s8 =	sld [smem:$0x3FB0]  }
0x2e: {  	s3 =	simm.s32 @!p0 $0x1082;
	s9 =	sld [smem:$0x3FB1]  }
0x2f: {  	lr =	sadd.s32 s0, s3;
	s0 =	sld [smem:$0x3FA8]  }
0x30: {  	s3 =	sld [smem:$0x3FAB]  }
0x31: {  	[smem:$0x3FB4] =	sst s10  }
0x32: {  	s10 =	sld [smem:$0x3FB2];
	_ =	sdelay $0x3  }
0x33: {  	p0 =	seq.s32 s10, $0x1;
	s10 =	sld [smem:$0x3FB4];
	_ =	sdelay $0x3  }
0x34: {  	[smem:$0x3FB4] =	sst s10  }
0x35: {  	s10 =	sld [smem:$0x3FB3];
	_ =	sdelay $0x3  }
0x36: {  	p1 =	seq.s32 s10, $0x1;
	s10 =	sld [smem:$0x3FB4];
	_ =	sdelay $0x3  }
0x37: {  	[smem:$0x3FB4] =	sst s10  }
0x38: {  	s10 =	sld [smem:$0x3FB5]  }
0x39: {  	_ = 	snop;
	(pc) =	sbr.ind lr, $3  }
0x3a: {  	_ = 	snop  }
0x3b: {  	_ = 	snop  }
0x3c: {  	p2 =	seq.s32 s10, $0x1;
	s10 =	sld [smem:$0x3FB4]  }
0x3d: {  	_ =	shalt  }
0x3e: {  	_ =	shalt  }
0x3f: {  	_ =	shalt  }
0x40: {  	_ =	shalt  }
0x41: {  	_ =	shalt  }
0x42: {  	_ =	shalt  }
0x43: {  	_ =	shalt  }
0x44: {  	_ =	shalt  }
0x45: {  	_ =	shalt  }
0x46: {  	_ =	shalt  }
0x47: {  	_ =	shalt  }
0x48: {  	_ =	shalt  }
0x49: {  	_ =	shalt  }
0x4a: {  	_ =	shalt  }
0x4b: {  	_ =	shalt  }
0x4c: {  	_ =	shalt  }
0x4d: {  	_ =	shalt  }
0x4e: {  	_ =	shalt  }
0x4f: {  	_ =	shalt  }
0x50: {  	_ =	shalt  }
0x51: {  	_ =	shalt  }
0x52: {  	_ =	shalt  }
0x53: {  	_ =	shalt  }
0x54: {  	_ =	shalt  }
0x55: {  	_ =	shalt  }
0x56: {  	_ =	shalt  }
0x57: {  	_ =	shalt  }
0x58: {  	_ =	shalt  }
0x59: {  	_ =	shalt  }
0x5a: {  	_ =	shalt  }
0x5b: {  	_ =	shalt  }
0x5c: {  	_ =	shalt  }
0x5d: {  	_ =	shalt  }
0x5e: {  	_ =	shalt  }
0x5f: {  	_ =	shalt  }
0x60: {  	_ =	shalt  }
0x61: {  	_ =	shalt  }
0x62: {  	_ =	shalt  }
0x63: {  	_ =	shalt  }
0x64: {  	_ =	shalt  }
0x65: {  	_ =	shalt  }
0x66: {  	_ =	shalt  }
0x67: {  	_ =	shalt  }
0x68: {  	_ =	shalt  }
0x69: {  	_ =	shalt  }
0x6a: {  	_ =	shalt  }
0x6b: {  	_ =	shalt  }
0x6c: {  	_ =	shalt  }
0x6d: {  	_ =	shalt  }
0x6e: {  	_ =	shalt  }
0x6f: {  	_ =	shalt  }
0x70: {  	_ =	shalt  }
0x71: {  	_ =	shalt  }
0x72: {  	_ =	shalt  }
0x73: {  	_ =	shalt  }
0x74: {  	_ =	shalt  }
0x75: {  	_ =	shalt  }
0x76: {  	_ =	shalt  }
0x77: {  	_ =	shalt  }
0x78: {  	_ =	shalt  }
0x79: {  	_ =	shalt  }
0x7a: {  	_ =	shalt  }
0x7b: {  	_ =	shalt  }
0x7c: {  	_ =	shalt  }
0x7d: {  	_ =	shalt  }
0x7e: {  	_ =	shalt  }
0x7f: {  	_ =	shalt  }
0x80: {  	_ =	shalt  }
0x81: {  	_ =	shalt  }
0x82: {  	_ =	shalt  }
0x83: {  	_ =	shalt  }
0x84: {  	_ =	shalt  }
0x85: {  	_ =	shalt  }
0x86: {  	_ =	shalt  }
0x87: {  	_ =	shalt  }
.Lfunc_end0:
.L_simem_size_0:
called_computation.4_lowered:
.L_overlay_start_0:
0x88: {  	s2 =	sld [smem:$0x3FD9]  }
0x89: {  	s3 =	sld [smem:$0x3FFE];
	_ =	sdelay $0x1  }
0x8a: {  	s1 =	srdreg.scid  }
0x8b: {  	s0 =	sand.u32 $0x1, s1  }
0x8c: {  	s16 =	sshll.u32 s0, $0xA;
	s2 =	sadd.s32 s3, s2  }
0x8d: {  	s2 =	sadd.s32 s2, s16  }
0x8e: {  	[smem:$0x3FC0] =	sst s2  }
0x8f: {  	_ = 	snop  }
0x90: {  	(tm) =	ssettm $0x1  }
0x91: {  	s17 =	sld [smem:$0x3FFB];
	_ =	sdelay $0x3  }
0x92: {  	_ =	strace s17  }
0x93: {  	s2 =	sld [smem:$0x3FFC];
	_ =	sdelay $0x3  }
0x94: {  	_ =	strace s2  }
0x95: {  	s2 =	sld [smem:$0x3FFD];
	_ =	sdelay $0x3  }
0x96: {  	_ =	strace s2  }
0x97: {  	_ =	strace $0x8FFFFFFF  }
0x98: {  	s18 =	sld [smem:$0x3FDB];
	_ =	sdelay $0x1  }
0x99: {  	s19 =	simm.s32 $_scs_section_size  }
0x9a: {  	s4 =	simm.s32 $_size__tile_overlayer_lowered;
	s5 =	simm.s32 $_tile_overlayer_lowered  }
0x9b: {  	s22 =	simm.s32 $0x1BFF;
	s21 =	sshll.u32 s5, $0x1;
	s2 =	sadd.s32 s19, s18  }
0x9c: {  	s6 =	simm.s32 $0x0;
	s20 =	sshll.u32 s4, $0x1;
	s4 =	sadd.s32 s21, s2  }
0x9d: {  	[timem:s6], [sflag:s22] =	dma.local [hbm:s4], s20  }
0x9e: {  	_ =	swait.ge [sflag:s22], s20  }
0x9f: {  	s3 =	ssub.s32 $0x0, s20;
	[sflag:s22] =	ssyncset.done $0x0  }
0xa0: {  	[sflag:s22] =	ssyncadd.s32 s3;
	_ =	sdelay $0x1  }
0xa1: {  	s23 =	simm.s32 $0x1B8B  }
0xa2: {  	_ =	swait.ge [sflag:s23], $0x1  }
0xa3: {  	[sflag:s23] =	ssyncset.done $0x0  }
0xa4: {  	s25 =	simm.s32 $0x1B8E;
	s24 =	sld [smem:$0x3FFE];
	[sflag:s23] =	ssyncadd.s32 $0xFFFFFFFF  }
0xa5: {  	s26 =	simm.s32 $execute0_lowered;
	[smem:$0x3FD2] =	sst s25  }
0xa6: {  	s4 =	sshll.u32 s26, $0x1;
	_ =	strace $0x80000052;
	[dreg:$0x1] =	wrdreg $0xFFFFFFFF  }
0xa7: {  	s28 =	simm.s32 $_size_execute0_lowered;
	s2 =	sadd.s32 s2, s4;
	[dreg:$0x0] =	wrdreg $0x0  }
0xa8: {  	s4 =	sshll.u32 s28, $0x1;
	[dreg:$0x2] =	wrdreg s2  }
0xa9: {  	[dreg:$0x3] =	wrdreg s4  }
0xaa: {  	[dreg:$0x4] =	wrdreg $0xC0  }
0xab: {  	_ =	task [dreg:s6], $0x5FFFF  }
0xac: {  	[dreg:$0x1] =	wrdreg $0xFFFFFFFF  }
0xad: {  	[dreg:$0x0] =	wrdreg $0x60  }
0xae: {  	[dreg:$0x2] =	wrdreg s24  }
0xaf: {  	[dreg:$0x3] =	wrdreg $0x9  }
0xb0: {  	_ =	task.clear_ibuf [dreg:s6], $0x4FFFF;
	_ =	strace $0x90000052  }
0xb1: {  	s29 =	simm.s32 $0x9;
	_ =	strace $0x80000054  }
0xb2: {  	_ =	swait.ge [sflag:s29], $0x1  }
0xb3: {  	[sflag:s29] =	ssyncadd.s32 $0xFFFFFFFF  }
0xb4: {  	_ =	strace $0x90000054  }
0xb5: {  	_ =	sfence  }
0xb6: {  	s30 =	sld [smem:$0x0];
	_ =	sdelay $0x2  }
0xb7: {  	s31 =	sshll.u32 s1, $0xD;
	s1 =	sshrl.u32 s1, $0x2  }
0xb8: {  	s3 =	sand.u32 $0x4000, s31;
	s1 =	sadd.s32 s1, s30  }
0xb9: {  	s0 =	sor.u32 s3, s0;
	s1 =	sshll.u32 s1, $0x11  }
0xba: {  	s0 =	sor.u32 s1, s0  }
0xbb: {  	s0 =	sadd.s32 $0x8F2B, s0  }
0xbc: {  	[sflag:s0] =	ssyncadd.remote.s32 $0x1  }
0xbd: {  	_ =	sfence.sel $0xFFFF  }
0xbe: {  	[dreg:$0x0] =	wrdreg $0xFFFFFFFF;
	(pc) =	sbr.abs _section_cstart, $3  }
0xbf: {  	[dreg:$0x1] =	wrdreg $0xFFFFFFFF  }
0xc0: {  	_ =	task.clear_ibuf [dreg:s6], $0x2FFFF;
	_ =	strace $0x9FFFFFFF  }
0xc1: {  	(tm) =	ssettm $0x7FFFFFFF  }
tec
execute0_lowered:
.L_overlay_start_1:
0x0: {  	(tag) =	ssettag $0x1  }
0x1: {  	s0 =	rddreg [dreg:$0x0];
	s1 =	simm.s32 $0x0;
	s2 =	srdreg.scid  }
0x2: {  	s4 =	stileid.u32;
	s12 =	simm.s32 $0x3;
	s26 =	simm.s32 $0x80  }
0x3: {  	s28 =	simm.s32 $0x100;
	s29 =	simm.s32 $0x180;
	s30 =	simm.s32 $0x200  }
0x4: {  	s31 =	simm.s32 $0xA00;
	s13 =	simm.s32 $0x2200;
	s14 =	simm.s32 $0x2A00  }
0x5: {  	s15 =	simm.s32 $0x3200;
	s16 =	simm.s32 $0x3A00;
	s17 =	simm.s32 $0x4200  }
0x6: {  	s18 =	simm.s32 $0x4A00;
	s19 =	simm.s32 $0x5200;
	s20 =	simm.s32 $0x5A00  }
0x7: {  	s21 =	simm.s32 $0x6200;
	s22 =	simm.s32 $0x6A00;
	s23 =	simm.s32 $0x7200  }
0x8: {  	[smem:$0x7FF] =	sst s1;
	s3 =	sadd.s32 $0xB600, s0;
	s2 =	sand.u32 $0x1, s2  }
0x9: {  	s7 =	sadd.s32 $0xB200, s0;
	_ =	strace $0x80000053;
	[dreg:$0x6] =	wrdreg s26  }
0xa: {  	s4 =	sshll.u32 s4, $0x4;
	s9 =	sadd.s32 $0xB400, s0;
	[dreg:$0x7] =	wrdreg s28  }
0xb: {  	s5 =	sshll.u32 s2, $0x3;
	s2 =	ssub.s32 $0x2, s2;
	[dreg:$0x8] =	wrdreg s29  }
0xc: {  	s26 =	simm.s32 $0x2;
	s8 =	sor.u32 s5, s4;
	s4 =	sadd.s32 $0x14F600, s0  }
0xd: {  	s24 =	sshrl.u32 s2, $0x1;
	s5 =	sadd.s32 $0xB700, s0;
	s6 =	sadd.s32 s7, s8  }
0xe: {  	s2 =	ssub.s32 s2, s24;
	s10 =	sor.u32 $0x4, s8;
	s8 =	sadd.s32 s9, s8  }
0xf: {  	s24 =	simm.s32 $0x7A00;
	[dreg:$0x2] =	wrdreg s6;
	s6 =	sadd.s32 $0xB800, s0  }
0x10: {  	s11 =	sadd.s32 s7, s10;
	s7 =	sadd.s32 $0xB900, s0;
	[dreg:$0x4] =	wrdreg s8  }
0x11: {  	v2 =	vlaneseq.u32;
	s8 =	sadd.s32 $0x14F700, s0;
	s25 =	sadd.s32 s9, s10;
	[dreg:$0x3] =	wrdreg s11  }
0x12: {  	vm0 =	vmmov $0xffff;
	v1 =	vshrl.u32 v2, $0x3;
	s9 =	sadd.s32 $0x14F800, s0;
	s10 =	sadd.s32 $0x14F900, s0;
	[dreg:$0x5] =	wrdreg s25  }
0x13: {  	v0 =	vand.u32 $0x7, v2;
	v2 =	vor.u32 $0x8, v2;
	v1 =	vmul.u32 $0x8, v1;
	s11 =	smax.u32 s2, $0x1;
	s25 =	simm.s32 $0x1;
	s2 =	simm.s32 $0x1A00  }
.LBB2_1:
0x14: {  	s28 =	rddreg [dreg:$0x2]  }
0x15: {  	[tilespmem:s1], [sflag:$0x3] =	stream.linear.gather [hbm4b:s28+s1], $0x20, $0x38;
	[tilespmem:$0x10200] =	vst v63  }
0x16: {  	_ =	swait.ge [sflag:s12], $0x20  }
0x17: {  	[sflag:s12] =	ssyncset.done $0x0  }
0x18: {  	[sflag:s12] =	ssyncadd.s32 $0xFFFFFFE0  }
0x19: {  	v3 =	vld [tilespmem:$0x0];
	_ =	sdelay $0x4  }
0x1a: {  	v4 =	vshll.u32 v3, $0x3  }
0x1b: {  	v3 =	vand.u32 $0x7, v3;
	v4 =	vand.u32 $0xFFFFFFC0, v4  }
0x1c: {  	v3 =	vor.u32 v3, v4  }
0x1d: {  	v4 =	vperm.xlane v3, v0;
	_ =	sdelay $0x1  }
0x1e: {  	v4 =	vadd.s32 v1, v4;
	_ =	sdelay $0x4  }
0x1f: {  	[tilespmem:s30], [sflag:$0x1] =	stream.indirect_vreg.gather [hbm4b:s3+s1], $0x80, v4, vm0, $0xb8;
	[tilespmem:$0x10200] =	vst v63  }
0x20: {  	v3 =	vperm.xlane v3, v2  }
0x21: {  	[tilespmem:s31], [sflag:$0x1] =	stream.indirect_vreg.gather [hbm4b:s5+s1], $0x80, v4, vm0, $0xb8;
	[tilespmem:$0x10200] =	vst v63  }
0x22: {  	s0 =	simm.s32 $0x1200;
	v3 =	vadd.s32 v1, v3  }
0x23: {  	[tilespmem:s0], [sflag:$0x1] =	stream.indirect_vreg.gather [hbm4b:s6+s1], $0x80, v4, vm0, $0xb8;
	[tilespmem:$0x10200] =	vst v63  }
0x24: {  	_ = 	snop  }
0x25: {  	[tilespmem:s2], [sflag:$0x1] =	stream.indirect_vreg.gather [hbm4b:s7+s1], $0x80, v4, vm0, $0xb8;
	[tilespmem:$0x10200] =	vst v63  }
0x26: {  	_ = 	snop  }
0x27: {  	[tilespmem:s13], [sflag:$0x1] =	stream.indirect_vreg.gather [hbm4b:s3+s1], $0x80, v3, vm0, $0xb8;
	[tilespmem:$0x10200] =	vst v63  }
0x28: {  	_ = 	snop  }
0x29: {  	[tilespmem:s14], [sflag:$0x1] =	stream.indirect_vreg.gather [hbm4b:s5+s1], $0x80, v3, vm0, $0xb8;
	[tilespmem:$0x10200] =	vst v63  }
0x2a: {  	_ = 	snop  }
0x2b: {  	[tilespmem:s15], [sflag:$0x1] =	stream.indirect_vreg.gather [hbm4b:s6+s1], $0x80, v3, vm0, $0xb8;
	[tilespmem:$0x10200] =	vst v63  }
0x2c: {  	_ = 	snop  }
0x2d: {  	[tilespmem:s16], [sflag:$0x1] =	stream.indirect_vreg.gather [hbm4b:s7+s1], $0x80, v3, vm0, $0xb8;
	[tilespmem:$0x10200] =	vst v63  }
0x2e: {  	v3 =	vld [tilespmem:$0x10];
	_ =	sdelay $0x4  }
0x2f: {  	v57 =	vshll.u32 v3, $0x3  }
0x30: {  	v3 =	vand.u32 $0x7, v3;
	v4 =	vand.u32 $0xFFFFFFC0, v57  }
0x31: {  	v3 =	vor.u32 v3, v4  }
0x32: {  	v4 =	vperm.xlane v3, v0;
	_ =	sdelay $0x1  }
0x33: {  	v4 =	vadd.s32 v1, v4;
	_ =	sdelay $0x4  }
0x34: {  	[tilespmem:s17], [sflag:$0x1] =	stream.indirect_vreg.gather [hbm4b:s3+s1], $0x80, v4, vm0, $0xb8;
	[tilespmem:$0x10200] =	vst v63  }
0x35: {  	v3 =	vperm.xlane v3, v2  }
0x36: {  	[tilespmem:s18], [sflag:$0x1] =	stream.indirect_vreg.gather [hbm4b:s5+s1], $0x80, v4, vm0, $0xb8;
	[tilespmem:$0x10200] =	vst v63  }
0x37: {  	v3 =	vadd.s32 v1, v3  }
0x38: {  	[tilespmem:s19], [sflag:$0x1] =	stream.indirect_vreg.gather [hbm4b:s6+s1], $0x80, v4, vm0, $0xb8;
	[tilespmem:$0x10200] =	vst v63  }
0x39: {  	_ = 	snop  }
0x3a: {  	[tilespmem:s20], [sflag:$0x1] =	stream.indirect_vreg.gather [hbm4b:s7+s1], $0x80, v4, vm0, $0xb8;
	[tilespmem:$0x10200] =	vst v63  }
0x3b: {  	_ = 	snop  }
0x3c: {  	[tilespmem:s21], [sflag:$0x1] =	stream.indirect_vreg.gather [hbm4b:s3+s1], $0x80, v3, vm0, $0xb8;
	[tilespmem:$0x10200] =	vst v63  }
0x3d: {  	_ = 	snop  }
0x3e: {  	[tilespmem:s22], [sflag:$0x1] =	stream.indirect_vreg.gather [hbm4b:s5+s1], $0x80, v3, vm0, $0xb8;
	[tilespmem:$0x10200] =	vst v63  }
0x3f: {  	_ = 	snop  }
0x40: {  	[tilespmem:s23], [sflag:$0x1] =	stream.indirect_vreg.gather [hbm4b:s6+s1], $0x80, v3, vm0, $0xb8;
	[tilespmem:$0x10200] =	vst v63  }
0x41: {  	s29 =	rddreg [dreg:$0x6]  }
0x42: {  	[tilespmem:s24], [sflag:$0x1] =	stream.indirect_vreg.gather [hbm4b:s7+s1], $0x80, v3, vm0, $0xb8;
	[tilespmem:$0x10200] =	vst v63  }
0x43: {  	s0 =	rddreg [dreg:$0x3]  }
0x44: {  	[tilespmem:s29], [sflag:$0x3] =	stream.linear.gather [hbm4b:s0+s1], $0x20, $0x38;
	[tilespmem:$0x10200] =	vst v63  }
0x45: {  	_ =	swait.ge [sflag:s12], $0x20  }
0x46: {  	[sflag:s12] =	ssyncset.done $0x0  }
0x47: {  	[sflag:s12] =	ssyncadd.s32 $0xFFFFFFE0  }
0x48: {  	v3 =	vld [tilespmem:$0x80];
	_ =	sdelay $0x4  }
0x49: {  	v58 =	vshll.u32 v3, $0x3  }
0x4a: {  	v3 =	vand.u32 $0x7, v3;
	v4 =	vand.u32 $0xFFFFFFC0, v58  }
0x4b: {  	v3 =	vor.u32 v3, v4  }
0x4c: {  	v4 =	vperm.xlane v3, v0;
	_ =	sdelay $0x1  }
0x4d: {  	v4 =	vadd.s32 v1, v4;
	_ =	sdelay $0x3  }
0x4e: {  	s0 =	simm.s32 $0x8200  }
0x4f: {  	[tilespmem:s0], [sflag:$0x2] =	stream.indirect_vreg.gather [hbm4b:s3+s1], $0x80, v4, vm0, $0xb8;
	[tilespmem:$0x10200] =	vst v63  }
0x50: {  	s29 =	simm.s32 $0x8A00;
	v3 =	vperm.xlane v3, v2  }
0x51: {  	[tilespmem:s29], [sflag:$0x2] =	stream.indirect_vreg.gather [hbm4b:s5+s1], $0x80, v4, vm0, $0xb8;
	[tilespmem:$0x10200] =	vst v63  }
0x52: {  	v3 =	vadd.s32 v1, v3;
	s0 =	simm.s32 $0x9200  }
0x53: {  	[tilespmem:s0], [sflag:$0x2] =	stream.indirect_vreg.gather [hbm4b:s6+s1], $0x80, v4, vm0, $0xb8;
	[tilespmem:$0x10200] =	vst v63  }
0x54: {  	s29 =	simm.s32 $0x9A00  }
0x55: {  	[tilespmem:s29], [sflag:$0x2] =	stream.indirect_vreg.gather [hbm4b:s7+s1], $0x80, v4, vm0, $0xb8;
	[tilespmem:$0x10200] =	vst v63  }
0x56: {  	s0 =	simm.s32 $0xA200  }
0x57: {  	[tilespmem:s0], [sflag:$0x2] =	stream.indirect_vreg.gather [hbm4b:s3+s1], $0x80, v3, vm0, $0xb8;
	[tilespmem:$0x10200] =	vst v63  }
0x58: {  	s29 =	simm.s32 $0xAA00  }
0x59: {  	[tilespmem:s29], [sflag:$0x2] =	stream.indirect_vreg.gather [hbm4b:s5+s1], $0x80, v3, vm0, $0xb8;
	[tilespmem:$0x10200] =	vst v63  }
0x5a: {  	s0 =	simm.s32 $0xB200  }
0x5b: {  	[tilespmem:s0], [sflag:$0x2] =	stream.indirect_vreg.gather [hbm4b:s6+s1], $0x80, v3, vm0, $0xb8;
	[tilespmem:$0x10200] =	vst v63  }
0x5c: {  	s29 =	simm.s32 $0xBA00  }
0x5d: {  	[tilespmem:s29], [sflag:$0x2] =	stream.indirect_vreg.gather [hbm4b:s7+s1], $0x80, v3, vm0, $0xb8;
	[tilespmem:$0x10200] =	vst v63  }
0x5e: {  	v3 =	vld [tilespmem:$0x90];
	_ =	sdelay $0x4  }
0x5f: {  	v59 =	vshll.u32 v3, $0x3  }
0x60: {  	v3 =	vand.u32 $0x7, v3;
	v4 =	vand.u32 $0xFFFFFFC0, v59  }
0x61: {  	v3 =	vor.u32 v3, v4  }
0x62: {  	v4 =	vperm.xlane v3, v0;
	_ =	sdelay $0x1  }
0x63: {  	v4 =	vadd.s32 v1, v4;
	_ =	sdelay $0x3  }
0x64: {  	s0 =	simm.s32 $0xC200  }
0x65: {  	[tilespmem:s0], [sflag:$0x2] =	stream.indirect_vreg.gather [hbm4b:s3+s1], $0x80, v4, vm0, $0xb8;
	[tilespmem:$0x10200] =	vst v63  }
0x66: {  	s29 =	simm.s32 $0xCA00;
	v3 =	vperm.xlane v3, v2  }
0x67: {  	[tilespmem:s29], [sflag:$0x2] =	stream.indirect_vreg.gather [hbm4b:s5+s1], $0x80, v4, vm0, $0xb8;
	[tilespmem:$0x10200] =	vst v63  }
0x68: {  	v3 =	vadd.s32 v1, v3;
	s0 =	simm.s32 $0xD200  }
0x69: {  	[tilespmem:s0], [sflag:$0x2] =	stream.indirect_vreg.gather [hbm4b:s6+s1], $0x80, v4, vm0, $0xb8;
	[tilespmem:$0x10200] =	vst v63  }
0x6a: {  	s29 =	simm.s32 $0xDA00  }
0x6b: {  	[tilespmem:s29], [sflag:$0x2] =	stream.indirect_vreg.gather [hbm4b:s7+s1], $0x80, v4, vm0, $0xb8;
	[tilespmem:$0x10200] =	vst v63  }
0x6c: {  	s0 =	simm.s32 $0xE200  }
0x6d: {  	[tilespmem:s0], [sflag:$0x2] =	stream.indirect_vreg.gather [hbm4b:s3+s1], $0x80, v3, vm0, $0xb8;
	[tilespmem:$0x10200] =	vst v63  }
0x6e: {  	s29 =	simm.s32 $0xEA00  }
0x6f: {  	[tilespmem:s29], [sflag:$0x2] =	stream.indirect_vreg.gather [hbm4b:s5+s1], $0x80, v3, vm0, $0xb8;
	[tilespmem:$0x10200] =	vst v63  }
0x70: {  	s0 =	simm.s32 $0xF200  }
0x71: {  	[tilespmem:s0], [sflag:$0x2] =	stream.indirect_vreg.gather [hbm4b:s6+s1], $0x80, v3, vm0, $0xb8;
	[tilespmem:$0x10200] =	vst v63  }
0x72: {  	s28 =	rddreg [dreg:$0x4];
	s0 =	simm.s32 $0xFA00  }
0x73: {  	[tilespmem:s0], [sflag:$0x2] =	stream.indirect_vreg.gather [hbm4b:s7+s1], $0x80, v3, vm0, $0xb8;
	[tilespmem:$0x10200] =	vst v63  }
0x74: {  	s29 =	rddreg [dreg:$0x7]  }
0x75: {  	[tilespmem:s29], [sflag:$0x3] =	stream.linear.gather [hbm4b:s28+s1], $0x20, $0x38;
	[tilespmem:$0x10200] =	vst v63  }
0x76: {  	_ =	swait.ge [sflag:s12], $0x20  }
0x77: {  	[sflag:s12] =	ssyncset.done $0x0  }
0x78: {  	[sflag:s12] =	ssyncadd.s32 $0xFFFFFFE0  }
0x79: {  	_ =	swait.ge [sflag:s25], $0x8000  }
0x7a: {  	[sflag:s25] =	ssyncset.done $0x0  }
0x7b: {  	[sflag:s25] =	ssyncadd.s32 $0xFFFF8000  }
0x7c: {  	v3 =	vld [tilespmem:$0x100];
	_ =	sdelay $0x4  }
0x7d: {  	v60 =	vshll.u32 v3, $0x3  }
0x7e: {  	v3 =	vand.u32 $0x7, v3;
	v4 =	vand.u32 $0xFFFFFFC0, v60  }
0x7f: {  	v3 =	vor.u32 v3, v4  }
0x80: {  	v4 =	vperm.xlane v3, v0;
	_ =	sdelay $0x1  }
0x81: {  	v4 =	vadd.s32 v1, v4;
	_ =	sdelay $0x4  }
0x82: {  	[hbm4b:s4+s1] =	stream.indirect_vreg.scatter [tilespmem:s30], [sflag:$0x1], $0x80, v4, vm0, $0xb8;
	[tilespmem:$0x10200] =	vst v63  }
0x83: {  	v3 =	vperm.xlane v3, v2  }
0x84: {  	[hbm4b:s8+s1] =	stream.indirect_vreg.scatter [tilespmem:s31], [sflag:$0x1], $0x80, v4, vm0, $0xb8;
	[tilespmem:$0x10200] =	vst v63  }
0x85: {  	s29 =	simm.s32 $0x1200;
	v3 =	vadd.s32 v1, v3  }
0x86: {  	[hbm4b:s9+s1] =	stream.indirect_vreg.scatter [tilespmem:s29], [sflag:$0x1], $0x80, v4, vm0, $0xb8;
	[tilespmem:$0x10200] =	vst v63  }
0x87: {  	_ = 	snop  }
0x88: {  	[hbm4b:s10+s1] =	stream.indirect_vreg.scatter [tilespmem:s2], [sflag:$0x1], $0x80, v4, vm0, $0xb8;
	[tilespmem:$0x10200] =	vst v63  }
0x89: {  	_ = 	snop  }
0x8a: {  	[hbm4b:s4+s1] =	stream.indirect_vreg.scatter [tilespmem:s13], [sflag:$0x1], $0x80, v3, vm0, $0xb8;
	[tilespmem:$0x10200] =	vst v63  }
0x8b: {  	_ = 	snop  }
0x8c: {  	[hbm4b:s8+s1] =	stream.indirect_vreg.scatter [tilespmem:s14], [sflag:$0x1], $0x80, v3, vm0, $0xb8;
	[tilespmem:$0x10200] =	vst v63  }
0x8d: {  	_ = 	snop  }
0x8e: {  	[hbm4b:s9+s1] =	stream.indirect_vreg.scatter [tilespmem:s15], [sflag:$0x1], $0x80, v3, vm0, $0xb8;
	[tilespmem:$0x10200] =	vst v63  }
0x8f: {  	_ = 	snop  }
0x90: {  	[hbm4b:s10+s1] =	stream.indirect_vreg.scatter [tilespmem:s16], [sflag:$0x1], $0x80, v3, vm0, $0xb8;
	[tilespmem:$0x10200] =	vst v63  }
0x91: {  	v3 =	vld [tilespmem:$0x110];
	_ =	sdelay $0x4  }
0x92: {  	v61 =	vshll.u32 v3, $0x3  }
0x93: {  	v3 =	vand.u32 $0x7, v3;
	v4 =	vand.u32 $0xFFFFFFC0, v61  }
0x94: {  	v3 =	vor.u32 v3, v4  }
0x95: {  	v4 =	vperm.xlane v3, v0;
	_ =	sdelay $0x1  }
0x96: {  	v4 =	vadd.s32 v1, v4;
	_ =	sdelay $0x4  }
0x97: {  	[hbm4b:s4+s1] =	stream.indirect_vreg.scatter [tilespmem:s17], [sflag:$0x1], $0x80, v4, vm0, $0xb8;
	[tilespmem:$0x10200] =	vst v63  }
0x98: {  	v3 =	vperm.xlane v3, v2  }
0x99: {  	[hbm4b:s8+s1] =	stream.indirect_vreg.scatter [tilespmem:s18], [sflag:$0x1], $0x80, v4, vm0, $0xb8;
	[tilespmem:$0x10200] =	vst v63  }
0x9a: {  	v3 =	vadd.s32 v1, v3  }
0x9b: {  	[hbm4b:s9+s1] =	stream.indirect_vreg.scatter [tilespmem:s19], [sflag:$0x1], $0x80, v4, vm0, $0xb8;
	[tilespmem:$0x10200] =	vst v63  }
0x9c: {  	_ = 	snop  }
0x9d: {  	[hbm4b:s10+s1] =	stream.indirect_vreg.scatter [tilespmem:s20], [sflag:$0x1], $0x80, v4, vm0, $0xb8;
	[tilespmem:$0x10200] =	vst v63  }
0x9e: {  	_ = 	snop  }
0x9f: {  	[hbm4b:s4+s1] =	stream.indirect_vreg.scatter [tilespmem:s21], [sflag:$0x1], $0x80, v3, vm0, $0xb8;
	[tilespmem:$0x10200] =	vst v63  }
0xa0: {  	_ = 	snop  }
0xa1: {  	[hbm4b:s8+s1] =	stream.indirect_vreg.scatter [tilespmem:s22], [sflag:$0x1], $0x80, v3, vm0, $0xb8;
	[tilespmem:$0x10200] =	vst v63  }
0xa2: {  	_ = 	snop  }
0xa3: {  	[hbm4b:s9+s1] =	stream.indirect_vreg.scatter [tilespmem:s23], [sflag:$0x1], $0x80, v3, vm0, $0xb8;
	[tilespmem:$0x10200] =	vst v63  }
0xa4: {  	s28 =	rddreg [dreg:$0x5]  }
0xa5: {  	[hbm4b:s10+s1] =	stream.indirect_vreg.scatter [tilespmem:s24], [sflag:$0x1], $0x80, v3, vm0, $0xb8;
	[tilespmem:$0x10200] =	vst v63  }
0xa6: {  	s0 =	rddreg [dreg:$0x8]  }
0xa7: {  	[tilespmem:s0], [sflag:$0x3] =	stream.linear.gather [hbm4b:s28+s1], $0x20, $0x38;
	[tilespmem:$0x10200] =	vst v63  }
0xa8: {  	_ =	swait.ge [sflag:s12], $0x20  }
0xa9: {  	[sflag:s12] =	ssyncset.done $0x0  }
0xaa: {  	[sflag:s12] =	ssyncadd.s32 $0xFFFFFFE0  }
0xab: {  	_ =	swait.ge [sflag:s26], $0x8000  }
0xac: {  	[sflag:s26] =	ssyncset.done $0x0  }
0xad: {  	[sflag:s26] =	ssyncadd.s32 $0xFFFF8000  }
0xae: {  	v3 =	vld [tilespmem:$0x180];
	_ =	sdelay $0x4  }
0xaf: {  	v62 =	vshll.u32 v3, $0x3  }
0xb0: {  	v3 =	vand.u32 $0x7, v3;
	v4 =	vand.u32 $0xFFFFFFC0, v62  }
0xb1: {  	v3 =	vor.u32 v3, v4  }
0xb2: {  	v4 =	vperm.xlane v3, v0;
	_ =	sdelay $0x1  }
0xb3: {  	v4 =	vadd.s32 v1, v4;
	_ =	sdelay $0x3  }
0xb4: {  	s28 =	simm.s32 $0x8200  }
0xb5: {  	[hbm4b:s4+s1] =	stream.indirect_vreg.scatter [tilespmem:s28], [sflag:$0x2], $0x80, v4, vm0, $0xb8;
	[tilespmem:$0x10200] =	vst v63  }
0xb6: {  	s29 =	simm.s32 $0x8A00;
	v3 =	vperm.xlane v3, v2  }
0xb7: {  	[hbm4b:s8+s1] =	stream.indirect_vreg.scatter [tilespmem:s29], [sflag:$0x2], $0x80, v4, vm0, $0xb8;
	[tilespmem:$0x10200] =	vst v63  }
0xb8: {  	v3 =	vadd.s32 v1, v3;
	s28 =	simm.s32 $0x9200  }
0xb9: {  	[hbm4b:s9+s1] =	stream.indirect_vreg.scatter [tilespmem:s28], [sflag:$0x2], $0x80, v4, vm0, $0xb8;
	[tilespmem:$0x10200] =	vst v63  }
0xba: {  	s29 =	simm.s32 $0x9A00  }
0xbb: {  	[hbm4b:s10+s1] =	stream.indirect_vreg.scatter [tilespmem:s29], [sflag:$0x2], $0x80, v4, vm0, $0xb8;
	[tilespmem:$0x10200] =	vst v63  }
0xbc: {  	s28 =	simm.s32 $0xA200  }
0xbd: {  	[hbm4b:s4+s1] =	stream.indirect_vreg.scatter [tilespmem:s28], [sflag:$0x2], $0x80, v3, vm0, $0xb8;
	[tilespmem:$0x10200] =	vst v63  }
0xbe: {  	s29 =	simm.s32 $0xAA00  }
0xbf: {  	[hbm4b:s8+s1] =	stream.indirect_vreg.scatter [tilespmem:s29], [sflag:$0x2], $0x80, v3, vm0, $0xb8;
	[tilespmem:$0x10200] =	vst v63  }
0xc0: {  	s28 =	simm.s32 $0xB200  }
0xc1: {  	[hbm4b:s9+s1] =	stream.indirect_vreg.scatter [tilespmem:s28], [sflag:$0x2], $0x80, v3, vm0, $0xb8;
	[tilespmem:$0x10200] =	vst v63  }
0xc2: {  	s29 =	simm.s32 $0xBA00  }
0xc3: {  	[hbm4b:s10+s1] =	stream.indirect_vreg.scatter [tilespmem:s29], [sflag:$0x2], $0x80, v3, vm0, $0xb8;
	[tilespmem:$0x10200] =	vst v63  }
0xc4: {  	v3 =	vld [tilespmem:$0x190];
	_ =	sdelay $0x4  }
0xc5: {  	v63 =	vshll.u32 v3, $0x3  }
0xc6: {  	v3 =	vand.u32 $0x7, v3;
	v4 =	vand.u32 $0xFFFFFFC0, v63  }
0xc7: {  	v3 =	vor.u32 v3, v4  }
0xc8: {  	v4 =	vperm.xlane v3, v0;
	_ =	sdelay $0x1  }
0xc9: {  	v4 =	vadd.s32 v1, v4;
	_ =	sdelay $0x3  }
0xca: {  	s28 =	simm.s32 $0xC200  }
0xcb: {  	[hbm4b:s4+s1] =	stream.indirect_vreg.scatter [tilespmem:s28], [sflag:$0x2], $0x80, v4, vm0, $0xb8;
	[tilespmem:$0x10200] =	vst v63  }
0xcc: {  	s29 =	simm.s32 $0xCA00;
	v3 =	vperm.xlane v3, v2  }
0xcd: {  	[hbm4b:s8+s1] =	stream.indirect_vreg.scatter [tilespmem:s29], [sflag:$0x2], $0x80, v4, vm0, $0xb8;
	[tilespmem:$0x10200] =	vst v63  }
0xce: {  	v3 =	vadd.s32 v1, v3;
	s28 =	simm.s32 $0xD200  }
0xcf: {  	[hbm4b:s9+s1] =	stream.indirect_vreg.scatter [tilespmem:s28], [sflag:$0x2], $0x80, v4, vm0, $0xb8;
	[tilespmem:$0x10200] =	vst v63  }
0xd0: {  	s29 =	simm.s32 $0xDA00  }
0xd1: {  	[hbm4b:s10+s1] =	stream.indirect_vreg.scatter [tilespmem:s29], [sflag:$0x2], $0x80, v4, vm0, $0xb8;
	[tilespmem:$0x10200] =	vst v63  }
0xd2: {  	s28 =	simm.s32 $0xE200  }
0xd3: {  	[hbm4b:s4+s1] =	stream.indirect_vreg.scatter [tilespmem:s28], [sflag:$0x2], $0x80, v3, vm0, $0xb8;
	[tilespmem:$0x10200] =	vst v63  }
0xd4: {  	s29 =	simm.s32 $0xEA00  }
0xd5: {  	[hbm4b:s8+s1] =	stream.indirect_vreg.scatter [tilespmem:s29], [sflag:$0x2], $0x80, v3, vm0, $0xb8;
	[tilespmem:$0x10200] =	vst v63  }
0xd6: {  	s28 =	simm.s32 $0xF200  }
0xd7: {  	[hbm4b:s9+s1] =	stream.indirect_vreg.scatter [tilespmem:s28], [sflag:$0x2], $0x80, v3, vm0, $0xb8;
	[tilespmem:$0x10200] =	vst v63  }
0xd8: {  	s29 =	simm.s32 $0xFA00  }
0xd9: {  	[hbm4b:s10+s1] =	stream.indirect_vreg.scatter [tilespmem:s29], [sflag:$0x2], $0x80, v3, vm0, $0xb8;
	[tilespmem:$0x10200] =	vst v63  }
0xda: {  	p0 =	sne.s32 s11, $0x1;
	_ =	swait.ge [sflag:s25], $0x8000  }
.Ltmp0:
0xdb: {  	[sflag:s25] =	ssyncset.done $0x0;
	(pc) =	sbr.rel @p0 .LBB2_1-.Ltmp0, $4  }
0xdc: {  	[sflag:s25] =	ssyncadd.s32 $0xFFFF8000  }
0xdd: {  	_ =	swait.ge [sflag:s26], $0x8000  }
0xde: {  	[sflag:s26] =	ssyncset.done $0x0  }
0xdf: {  	s11 =	sadd.s32 $0xFFFFFFFF, s11;
	[sflag:s26] =	ssyncadd.s32 $0xFFFF8000  }
0xe0: {  	_ =	sfence.sel $0x180000  }
0xe1: {  	[bflag:$0x0] =	sbarrier.arrive $0xFFFF  }
0xe2: {  	_ =	strace $0x90000053  }
0xe3: {  	s0 =	stileid.u32;
	[bflag:$0x2] =	sbarrier.arrive $0xFFFF  }
0xe4: {  	p0 =	sne.s32 s0, $0x0;
	s0 =	rddreg [dreg:$0x1]  }
0xe5: {  	s0 =	sadd.s32 @!p0 $0x100000, s0  }
0xe6: {  	[sflag:s0] =	ssyncadd.tile.s32 @!p0 $0x1;
	_ =	shalt  }
.Lfunc_end2:
_tile_overlayer_lowered:
.L_overlay_start_2:
0xe7: {  	(tag) =	ssettag $0x2  }
0xe8: {  	s0 =	rddreg [dreg:$0x0];
	s2 =	stileid.u32  }
0xe9: {  	s1 =	rddreg [dreg:$0x1];
	p0 =	sne.s32 s2, $0x0  }
0xea: {  	s3 =	rddreg [dreg:$0x2];
	[bflag:$0x3] =	sbarrier.arrive $0xFFFF;
	s2 =	simm.s32 @!p0 $0x1C03  }
0xeb: {  	[timem:s3], [sflag:s2] =	dma.local @!p0 [hbm:s0], s1  }
0xec: {  	s0 =	simm.s32 @!p0 $0x3  }
0xed: {  	_ =	swait.ge @!p0 [sflag:s0], s1  }
0xee: {  	s1 =	ssub.s32 @!p0 $0x0, s1;
	[sflag:s0] =	ssyncset.done @!p0 $0x0  }
0xef: {  	[sflag:s0] =	ssyncadd.s32 @!p0 s1  }
0xf0: {  	[bflag:$0x3] =	sbarrier.arrive $0xFFFF  }
0xf1: {  	_ =	shalt  }

// kernel: kernel.29.cloned.1.call-start
scs
__scs_entry_jumppad:
0x0: {  	(pc) =	sbr.rel $0x88, $3  }
0x1: {  	(tag) =	ssettag $0x0;
	lr =	simm.s32 $0x1  }
0x2: {  	[smem:$0x3F99] =	sst lr;
	_ =	strace $0xD0000000  }
0x3: {  	_ = 	snop  }
0x4: {  	_ = 	snop  }
0x5: {  	_ = 	snop  }
0x6: {  	_ = 	snop  }
0x7: {  	_ = 	snop  }
__scs_overlays_trampoline_lowered:
0x8: {  	[smem:$0x3FA8] =	sst s0  }
0x9: {  	[smem:$0x3FA9] =	sst s1  }
0xa: {  	[smem:$0x3FAA] =	sst s2  }
0xb: {  	[smem:$0x3FAB] =	sst s3  }
0xc: {  	[smem:$0x3FAC] =	sst s4  }
0xd: {  	[smem:$0x3FAD] =	sst s5  }
0xe: {  	[smem:$0x3FAE] =	sst s6  }
0xf: {  	[smem:$0x3FAF] =	sst s7  }
0x10: {  	[smem:$0x3FB0] =	sst s8  }
0x11: {  	[smem:$0x3FB1] =	sst s9;
	s0 =	simm.s32 @!p0 $0x0  }
0x12: {  	s1 =	sld [smem:$0x3F97];
	s0 =	simm.s32 @p0 $0x1  }
0x13: {  	[smem:$0x3FB2] =	sst s0;
	s0 =	simm.s32 @!p1 $0x0  }
0x14: {  	s2 =	sld [smem:$0x3F96];
	s0 =	simm.s32 @p1 $0x1  }
0x15: {  	[smem:$0x3FB3] =	sst s0;
	s0 =	simm.s32 @!p2 $0x0  }
0x16: {  	s3 =	sld [smem:$0x3FDB];
	s0 =	simm.s32 @p2 $0x1  }
0x17: {  	s4 =	simm.s32 $0x1BF5;
	[smem:$0x3FB5] =	sst s0  }
0x18: {  	s0 =	sld [smem:$0x3F98];
	_ =	swait.ge [sflag:s4], $0x0  }
0x19: {  	s7 =	sld [smem:$0x3F99]  }
0x1a: {  	s8 =	sadd.s32 $0xFFFFE003, lr  }
0x1b: {  	s9 =	sadd.s32 $0xFFFFFEF7, lr;
	s5 =	simm.s32 $0xFFFFFFFF;
	p2 =	slt.u32 s8, $0xFFFFF086  }
0x1c: {  	p1 =	slt.u32 s9, $0xF7A;
	s5 =	simm.s32 @!p2 $0x0  }
0x1d: {  	s5 =	simm.s32 @p1 $0x1;
	p0 =	seq.s32 s7, s2  }
0x1e: {  	s7 =	smul.u32 @!p0 $0xF7A, s2;
	p2 =	seq.s32 @!p0 s5, $0x0  }
0x1f: {  	s9 =	smul.u32 $0xF7A, s1;
	s8 =	simm.s32 @!p0 $0x1BF5;
	p2 =	por !p2, p0  }
0x20: {  	[sflag:s8] =	ssyncset.s32 @!p0 $0xFFFFF086;
	s6 =	sadd.s32 @!p0 s3, s7;
	s7 =	simm.s32 @!p0 $0x108  }
0x21: {  	s3 =	sadd.s32 s3, s9;
	s6 =	sadd.s32 @!p0 $0x88, s6;
	s7 =	simm.s32 @p2 $0x1082  }
0x22: {  	[simem:s7], [sflag:s8] =	dma.local @!p0 [hbm:s6], $0xF7A  }
0x23: {  	s9 =	sor.u32 $0xD0000000, s2;
	s6 =	simm.s32 $0x108;
	_ =	swait.ge @!p0 [sflag:s8], $0x0  }
0x24: {  	s3 =	sadd.s32 $0x88, s3;
	s6 =	simm.s32 @!p1 $0x1082;
	[sflag:s4] =	ssyncset.s32 $0xFFFFF086  }
0x25: {  	[simem:s6], [sflag:s4] =	dma.local [hbm:s3], $0xF7A  }
0x26: {  	[smem:$0x3F99] =	sst s1;
	(tag) =	ssettag s2;
	_ =	strace s9  }
0x27: {  	s1 =	sld [smem:$0x3FA9]  }
0x28: {  	s2 =	sld [smem:$0x3FAA]  }
0x29: {  	s4 =	sld [smem:$0x3FAC]  }
0x2a: {  	p0 =	seq.s32 s5, $0x0;
	s5 =	sld [smem:$0x3FAD]  }
0x2b: {  	s6 =	sld [smem:$0x3FAE]  }
0x2c: {  	s7 =	sld [smem:$0x3FAF]  }
0x2d: {  	s3 =	simm.s32 $0x108;
	s8 =	sld [smem:$0x3FB0]  }
0x2e: {  	s3 =	simm.s32 @!p0 $0x1082;
	s9 =	sld [smem:$0x3FB1]  }
0x2f: {  	lr =	sadd.s32 s0, s3;
	s0 =	sld [smem:$0x3FA8]  }
0x30: {  	s3 =	sld [smem:$0x3FAB]  }
0x31: {  	[smem:$0x3FB4] =	sst s10  }
0x32: {  	s10 =	sld [smem:$0x3FB2];
	_ =	sdelay $0x3  }
0x33: {  	p0 =	seq.s32 s10, $0x1;
	s10 =	sld [smem:$0x3FB4];
	_ =	sdelay $0x3  }
0x34: {  	[smem:$0x3FB4] =	sst s10  }
0x35: {  	s10 =	sld [smem:$0x3FB3];
	_ =	sdelay $0x3  }
0x36: {  	p1 =	seq.s32 s10, $0x1;
	s10 =	sld [smem:$0x3FB4];
	_ =	sdelay $0x3  }
0x37: {  	[smem:$0x3FB4] =	sst s10  }
0x38: {  	s10 =	sld [smem:$0x3FB5]  }
0x39: {  	_ = 	snop;
	(pc) =	sbr.ind lr, $3  }
0x3a: {  	_ = 	snop  }
0x3b: {  	_ = 	snop  }
0x3c: {  	p2 =	seq.s32 s10, $0x1;
	s10 =	sld [smem:$0x3FB4]  }
0x3d: {  	_ =	shalt  }
0x3e: {  	_ =	shalt  }
0x3f: {  	_ =	shalt  }
0x40: {  	_ =	shalt  }
0x41: {  	_ =	shalt  }
0x42: {  	_ =	shalt  }
0x43: {  	_ =	shalt  }
0x44: {  	_ =	shalt  }
0x45: {  	_ =	shalt  }
0x46: {  	_ =	shalt  }
0x47: {  	_ =	shalt  }
0x48: {  	_ =	shalt  }
0x49: {  	_ =	shalt  }
0x4a: {  	_ =	shalt  }
0x4b: {  	_ =	shalt  }
0x4c: {  	_ =	shalt  }
0x4d: {  	_ =	shalt  }
0x4e: {  	_ =	shalt  }
0x4f: {  	_ =	shalt  }
0x50: {  	_ =	shalt  }
0x51: {  	_ =	shalt  }
0x52: {  	_ =	shalt  }
0x53: {  	_ =	shalt  }
0x54: {  	_ =	shalt  }
0x55: {  	_ =	shalt  }
0x56: {  	_ =	shalt  }
0x57: {  	_ =	shalt  }
0x58: {  	_ =	shalt  }
0x59: {  	_ =	shalt  }
0x5a: {  	_ =	shalt  }
0x5b: {  	_ =	shalt  }
0x5c: {  	_ =	shalt  }
0x5d: {  	_ =	shalt  }
0x5e: {  	_ =	shalt  }
0x5f: {  	_ =	shalt  }
0x60: {  	_ =	shalt  }
0x61: {  	_ =	shalt  }
0x62: {  	_ =	shalt  }
0x63: {  	_ =	shalt  }
0x64: {  	_ =	shalt  }
0x65: {  	_ =	shalt  }
0x66: {  	_ =	shalt  }
0x67: {  	_ =	shalt  }
0x68: {  	_ =	shalt  }
0x69: {  	_ =	shalt  }
0x6a: {  	_ =	shalt  }
0x6b: {  	_ =	shalt  }
0x6c: {  	_ =	shalt  }
0x6d: {  	_ =	shalt  }
0x6e: {  	_ =	shalt  }
0x6f: {  	_ =	shalt  }
0x70: {  	_ =	shalt  }
0x71: {  	_ =	shalt  }
0x72: {  	_ =	shalt  }
0x73: {  	_ =	shalt  }
0x74: {  	_ =	shalt  }
0x75: {  	_ =	shalt  }
0x76: {  	_ =	shalt  }
0x77: {  	_ =	shalt  }
0x78: {  	_ =	shalt  }
0x79: {  	_ =	shalt  }
0x7a: {  	_ =	shalt  }
0x7b: {  	_ =	shalt  }
0x7c: {  	_ =	shalt  }
0x7d: {  	_ =	shalt  }
0x7e: {  	_ =	shalt  }
0x7f: {  	_ =	shalt  }
0x80: {  	_ =	shalt  }
0x81: {  	_ =	shalt  }
0x82: {  	_ =	shalt  }
0x83: {  	_ =	shalt  }
0x84: {  	_ =	shalt  }
0x85: {  	_ =	shalt  }
0x86: {  	_ =	shalt  }
0x87: {  	_ =	shalt  }
.Lfunc_end0:
.L_simem_size_0:
called_computation.5_lowered:
.L_overlay_start_0:
0x88: {  	s2 =	sld [smem:$0x3FD9]  }
0x89: {  	s3 =	sld [smem:$0x3FFE];
	_ =	sdelay $0x1  }
0x8a: {  	s1 =	srdreg.scid  }
0x8b: {  	s0 =	sand.u32 $0x1, s1  }
0x8c: {  	s14 =	sshll.u32 s0, $0xA;
	s2 =	sadd.s32 s3, s2  }
0x8d: {  	s2 =	sadd.s32 s2, s14  }
0x8e: {  	[smem:$0x3FC0] =	sst s2  }
0x8f: {  	_ = 	snop  }
0x90: {  	s2 =	sld [smem:$0x3FD0];
	_ =	sdelay $0x2  }
0x91: {  	s15 =	simm.s32 $0xB;
	s4 =	simm.s32 $0x10  }
0x92: {  	[smem:s4], [sflag:s15] =	dma.local [hbm:s2], $0x1  }
0x93: {  	_ =	swait.eq [sflag:s15], $0x1  }
0x94: {  	[sflag:s15] =	ssyncset.done $0x0  }
0x95: {  	[sflag:s15] =	ssyncadd.s32 $0xFFFFFFFF  }
0x96: {  	s16 =	sld [smem:$0x10];
	(tm) =	ssettm $0x1  }
0x97: {  	s17 =	sld [smem:$0x3FFB];
	_ =	sdelay $0x3  }
0x98: {  	_ =	strace s17  }
0x99: {  	s3 =	sld [smem:$0x3FFC];
	_ =	sdelay $0x3  }
0x9a: {  	_ =	strace s3  }
0x9b: {  	s3 =	sld [smem:$0x3FFD];
	_ =	sdelay $0x3  }
0x9c: {  	_ =	strace s3  }
0x9d: {  	_ =	strace $0x8FFFFFFF  }
0x9e: {  	s18 =	sld [smem:$0x3FDB];
	_ =	sdelay $0x1  }
0x9f: {  	s19 =	simm.s32 $_scs_section_size  }
0xa0: {  	s5 =	simm.s32 $_size__tile_overlayer_lowered;
	s6 =	simm.s32 $_tile_overlayer_lowered  }
0xa1: {  	s22 =	simm.s32 $0x1BFF;
	s21 =	sshll.u32 s6, $0x1;
	s3 =	sadd.s32 s19, s18  }
0xa2: {  	s7 =	simm.s32 $0x0;
	s20 =	sshll.u32 s5, $0x1;
	s5 =	sadd.s32 s21, s3  }
0xa3: {  	[timem:s7], [sflag:s22] =	dma.local [hbm:s5], s20  }
0xa4: {  	_ =	swait.ge [sflag:s22], s20  }
0xa5: {  	s4 =	ssub.s32 $0x0, s20;
	[sflag:s22] =	ssyncset.done $0x0  }
0xa6: {  	[sflag:s22] =	ssyncadd.s32 s4;
	_ =	sdelay $0x1  }
0xa7: {  	s23 =	simm.s32 $0x1B8B  }
0xa8: {  	_ =	swait.ge [sflag:s23], $0x1  }
0xa9: {  	[sflag:s23] =	ssyncset.done $0x0  }
0xaa: {  	s25 =	simm.s32 $0x1B8E;
	s24 =	sld [smem:$0x3FFE];
	[sflag:s23] =	ssyncadd.s32 $0xFFFFFFFF  }
0xab: {  	s26 =	simm.s32 $execute0_lowered;
	[smem:$0x3FD2] =	sst s25  }
0xac: {  	s5 =	sshll.u32 s26, $0x1;
	_ =	strace $0x80000055;
	[dreg:$0x1] =	wrdreg $0xFFFFFFFF  }
0xad: {  	s28 =	simm.s32 $_size_execute0_lowered;
	s3 =	sadd.s32 s3, s5;
	[dreg:$0x0] =	wrdreg $0x0  }
0xae: {  	s5 =	sshll.u32 s28, $0x1;
	[dreg:$0x2] =	wrdreg s3  }
0xaf: {  	[dreg:$0x3] =	wrdreg s5  }
0xb0: {  	[dreg:$0x4] =	wrdreg $0xC0  }
0xb1: {  	_ =	task [dreg:s7], $0x5FFFF  }
0xb2: {  	[dreg:$0x1] =	wrdreg $0xFFFFFFFF  }
0xb3: {  	[dreg:$0x0] =	wrdreg $0x60  }
0xb4: {  	[dreg:$0x2] =	wrdreg s24  }
0xb5: {  	[dreg:$0x3] =	wrdreg s16  }
0xb6: {  	[dreg:$0x4] =	wrdreg $0x9  }
0xb7: {  	_ =	task.clear_ibuf [dreg:s7], $0x5FFFF;
	_ =	strace $0x90000055  }
0xb8: {  	s29 =	simm.s32 $0x9;
	_ =	strace $0x80000057  }
0xb9: {  	_ =	swait.ge [sflag:s29], $0x1  }
0xba: {  	[sflag:s29] =	ssyncadd.s32 $0xFFFFFFFF  }
0xbb: {  	_ =	strace $0x90000057  }
0xbc: {  	_ =	sfence  }
0xbd: {  	s30 =	sld [smem:$0x0];
	_ =	sdelay $0x2  }
0xbe: {  	s31 =	sshll.u32 s1, $0xD;
	s1 =	sshrl.u32 s1, $0x2  }
0xbf: {  	s3 =	sand.u32 $0x4000, s31;
	s1 =	sadd.s32 s1, s30  }
0xc0: {  	s0 =	sor.u32 s3, s0;
	s1 =	sshll.u32 s1, $0x11  }
0xc1: {  	s0 =	sor.u32 s1, s0  }
0xc2: {  	s0 =	sadd.s32 $0x8F2B, s0  }
0xc3: {  	[sflag:s0] =	ssyncadd.remote.s32 $0x1  }
0xc4: {  	_ =	sfence.sel $0xFFFF  }
0xc5: {  	[dreg:$0x0] =	wrdreg $0xFFFFFFFF;
	(pc) =	sbr.abs _section_cstart, $3  }
0xc6: {  	[dreg:$0x1] =	wrdreg $0xFFFFFFFF  }
0xc7: {  	_ =	task.clear_ibuf [dreg:s7], $0x2FFFF;
	_ =	strace $0x9FFFFFFF  }
0xc8: {  	(tm) =	ssettm $0x7FFFFFFF  }
0xc9: {  	_ =	shalt  }
tec
execute0_lowered:
.L_overlay_start_1:
0x0: {  	(tag) =	ssettag $0x1  }
0x1: {  	s0 =	rddreg [dreg:$0x0];
	s2 =	srdreg.scid  }
0x2: {  	s3 =	rddreg [dreg:$0x1];
	s4 =	sand.u32 $0x1, s2;
	s2 =	simm.s32 $0x0  }
0x3: {  	s1 =	stileid.u32;
	s13 =	simm.s32 $0x900;
	[smem:$0x7FF] =	sst s2  }
0x4: {  	s14 =	simm.s32 $0x1100;
	_ =	strace $0x80000056;
	[dreg:$0x7] =	wrdreg s13  }
0x5: {  	s15 =	simm.s32 $0x1900;
	s16 =	simm.s32 $0x2100;
	[dreg:$0x8] =	wrdreg s14  }
0x6: {  	s17 =	simm.s32 $0x2900;
	s19 =	simm.s32 $0x3100;
	[dreg:$0x9] =	wrdreg s15  }
0x7: {  	s21 =	simm.s32 $0x3900;
	s22 =	simm.s32 $0x4100;
	[dreg:$0xa] =	wrdreg s16  }
0x8: {  	s23 =	simm.s32 $0x4900;
	s24 =	simm.s32 $0x5100;
	[dreg:$0xb] =	wrdreg s17  }
0x9: {  	s25 =	simm.s32 $0x5900;
	s26 =	simm.s32 $0x6100;
	[dreg:$0xc] =	wrdreg s19  }
0xa: {  	s28 =	simm.s32 $0xE900;
	s29 =	simm.s32 $0xF100;
	[dreg:$0xd] =	wrdreg s21  }
0xb: {  	s30 =	simm.s32 $0xF900;
	s31 =	simm.s32 $0x1;
	[dreg:$0xe] =	wrdreg s22  }
0xc: {  	s5 =	sshll.u32 s1, $0x7;
	s11 =	sadd.s32 $0xB400, s0;
	[dreg:$0xf] =	wrdreg s23  }
0xd: {  	s6 =	sshll.u32 s4, $0x6;
	s4 =	ssub.s32 $0x2, s4;
	[dreg:$0x10] =	wrdreg s24  }
0xe: {  	s5 =	sor.u32 s6, s5;
	s18 =	sshrl.u32 s4, $0x1;
	[dreg:$0x11] =	wrdreg s25  }
0xf: {  	[dreg:$0x12] =	wrdreg s26;
	s13 =	simm.s32 $0x80;
	s14 =	simm.s32 $0x8100  }
0x10: {  	s15 =	simm.s32 $0x8900;
	s16 =	simm.s32 $0x9100;
	s17 =	simm.s32 $0x9900  }
0x11: {  	s19 =	simm.s32 $0xA900;
	s21 =	simm.s32 $0xB900;
	s22 =	simm.s32 $0xC100  }
0x12: {  	s23 =	simm.s32 $0xC900;
	s24 =	simm.s32 $0xD100;
	s25 =	simm.s32 $0xD900  }
0x13: {  	s26 =	simm.s32 $0xE100;
	s7 =	sshrl.u32 s5, $0x3;
	s8 =	sor.u32 $0x20, s5  }
0x14: {  	s5 =	sshll.u32 s5, $0x7;
	s20 =	ssub.s32 s4, s18;
	s4 =	sadd.s32 $0xB700, s0  }
0x15: {  	s18 =	simm.s32 $0xA100;
	s7 =	sadd.s32 s11, s7;
	s9 =	sshrl.u32 s8, $0x3  }
0x16: {  	s5 =	sadd.s32 s3, s5;
	s12 =	sshll.u32 s8, $0x7;
	[dreg:$0x3] =	wrdreg s7  }
0x17: {  	s8 =	simm.s32 $0x3;
	s6 =	sadd.s32 s11, s9;
	[dreg:$0x5] =	wrdreg s5  }
0x18: {  	s3 =	sadd.s32 s3, s12;
	s5 =	sadd.s32 $0xB800, s0;
	s7 =	smax.u32 s20, $0x1  }
0x19: {  	v2 =	vlaneseq.u32;
	s9 =	simm.s32 $0x100;
	s11 =	simm.s32 $0x7100;
	[dreg:$0x4] =	wrdreg s6  }
0x1a: {  	vm0 =	vmmov $0xffff;
	v1 =	vshrl.u32 v2, $0x3;
	s12 =	simm.s32 $0x7900;
	s20 =	simm.s32 $0xB100;
	[dreg:$0x6] =	wrdreg s3  }
0x1b: {  	v0 =	vand.u32 $0x7, v2;
	v2 =	vor.u32 $0x8, v2;
	v1 =	vmul.u32 $0x8, v1;
	s3 =	sadd.s32 $0xB600, s0;
	s6 =	sadd.s32 $0xB900, s0;
	s0 =	simm.s32 $0x2  }
.LBB2_1:
0x1c: {  	s1 =	rddreg [dreg:$0x3]  }
0x1d: {  	[tilespmem:s2], [sflag:$0x3] =	stream.linear.gather [hbm4b:s1+s2], $0x20, $0x38;
	[tilespmem:$0x10100] =	vst v63  }
0x1e: {  	_ =	swait.ge [sflag:s8], $0x20  }
0x1f: {  	[sflag:s8] =	ssyncset.done $0x0  }
0x20: {  	[sflag:s8] =	ssyncadd.s32 $0xFFFFFFE0  }
0x21: {  	v3 =	vld [tilespmem:$0x0];
	_ =	sdelay $0x4  }
0x22: {  	v4 =	vshll.u32 v3, $0x3  }
0x23: {  	v3 =	vand.u32 $0x7, v3;
	v4 =	vand.u32 $0xFFFFFFC0, v4  }
0x24: {  	v3 =	vor.u32 v3, v4  }
0x25: {  	v4 =	vperm.xlane v3, v0;
	_ =	sdelay $0x1  }
0x26: {  	v4 =	vadd.s32 v1, v4;
	_ =	sdelay $0x4  }
0x27: {  	[tilespmem:s9], [sflag:$0x1] =	stream.indirect_vreg.gather [hbm4b:s3+s2], $0x80, v4, vm0, $0xb8;
	[tilespmem:$0x10100] =	vst v63  }
0x28: {  	s1 =	rddreg [dreg:$0x7];
	v3 =	vperm.xlane v3, v2  }
0x29: {  	[tilespmem:s1], [sflag:$0x1] =	stream.indirect_vreg.gather [hbm4b:s4+s2], $0x80, v4, vm0, $0xb8;
	[tilespmem:$0x10100] =	vst v63  }
0x2a: {  	s10 =	rddreg [dreg:$0x8];
	v3 =	vadd.s32 v1, v3  }
0x2b: {  	[tilespmem:s10], [sflag:$0x1] =	stream.indirect_vreg.gather [hbm4b:s5+s2], $0x80, v4, vm0, $0xb8;
	[tilespmem:$0x10100] =	vst v63  }
0x2c: {  	s1 =	rddreg [dreg:$0x9]  }
0x2d: {  	[tilespmem:s1], [sflag:$0x1] =	stream.indirect_vreg.gather [hbm4b:s6+s2], $0x80, v4, vm0, $0xb8;
	[tilespmem:$0x10100] =	vst v63  }
0x2e: {  	s10 =	rddreg [dreg:$0xa]  }
0x2f: {  	[tilespmem:s10], [sflag:$0x1] =	stream.indirect_vreg.gather [hbm4b:s3+s2], $0x80, v3, vm0, $0xb8;
	[tilespmem:$0x10100] =	vst v63  }
0x30: {  	s1 =	rddreg [dreg:$0xb]  }
0x31: {  	[tilespmem:s1], [sflag:$0x1] =	stream.indirect_vreg.gather [hbm4b:s4+s2], $0x80, v3, vm0, $0xb8;
	[tilespmem:$0x10100] =	vst v63  }
0x32: {  	s10 =	rddreg [dreg:$0xc]  }
0x33: {  	[tilespmem:s10], [sflag:$0x1] =	stream.indirect_vreg.gather [hbm4b:s5+s2], $0x80, v3, vm0, $0xb8;
	[tilespmem:$0x10100] =	vst v63  }
0x34: {  	s1 =	rddreg [dreg:$0xd]  }
0x35: {  	[tilespmem:s1], [sflag:$0x1] =	stream.indirect_vreg.gather [hbm4b:s6+s2], $0x80, v3, vm0, $0xb8;
	[tilespmem:$0x10100] =	vst v63  }
0x36: {  	v3 =	vld [tilespmem:$0x10];
	_ =	sdelay $0x4  }
0x37: {  	v61 =	vshll.u32 v3, $0x3  }
0x38: {  	v3 =	vand.u32 $0x7, v3;
	v4 =	vand.u32 $0xFFFFFFC0, v61  }
0x39: {  	v3 =	vor.u32 v3, v4  }
0x3a: {  	v4 =	vperm.xlane v3, v0;
	_ =	sdelay $0x1  }
0x3b: {  	v4 =	vadd.s32 v1, v4;
	_ =	sdelay $0x3  }
0x3c: {  	s1 =	rddreg [dreg:$0xe]  }
0x3d: {  	[tilespmem:s1], [sflag:$0x1] =	stream.indirect_vreg.gather [hbm4b:s3+s2], $0x80, v4, vm0, $0xb8;
	[tilespmem:$0x10100] =	vst v63  }
0x3e: {  	s10 =	rddreg [dreg:$0xf];
	v3 =	vperm.xlane v3, v2  }
0x3f: {  	[tilespmem:s10], [sflag:$0x1] =	stream.indirect_vreg.gather [hbm4b:s4+s2], $0x80, v4, vm0, $0xb8;
	[tilespmem:$0x10100] =	vst v63  }
0x40: {  	v3 =	vadd.s32 v1, v3;
	s1 =	rddreg [dreg:$0x10]  }
0x41: {  	[tilespmem:s1], [sflag:$0x1] =	stream.indirect_vreg.gather [hbm4b:s5+s2], $0x80, v4, vm0, $0xb8;
	[tilespmem:$0x10100] =	vst v63  }
0x42: {  	s10 =	rddreg [dreg:$0x11]  }
0x43: {  	[tilespmem:s10], [sflag:$0x1] =	stream.indirect_vreg.gather [hbm4b:s6+s2], $0x80, v4, vm0, $0xb8;
	[tilespmem:$0x10100] =	vst v63  }
0x44: {  	s1 =	rddreg [dreg:$0x12]  }
0x45: {  	[tilespmem:s1], [sflag:$0x1] =	stream.indirect_vreg.gather [hbm4b:s3+s2], $0x80, v3, vm0, $0xb8;
	[tilespmem:$0x10100] =	vst v63  }
0x46: {  	s10 =	simm.s32 $0x6900  }
0x47: {  	[tilespmem:s10], [sflag:$0x1] =	stream.indirect_vreg.gather [hbm4b:s4+s2], $0x80, v3, vm0, $0xb8;
	[tilespmem:$0x10100] =	vst v63  }
0x48: {  	_ = 	snop  }
0x49: {  	[tilespmem:s11], [sflag:$0x1] =	stream.indirect_vreg.gather [hbm4b:s5+s2], $0x80, v3, vm0, $0xb8;
	[tilespmem:$0x10100] =	vst v63  }
0x4a: {  	_ = 	snop  }
0x4b: {  	[tilespmem:s12], [sflag:$0x1] =	stream.indirect_vreg.gather [hbm4b:s6+s2], $0x80, v3, vm0, $0xb8;
	[tilespmem:$0x10100] =	vst v63  }
0x4c: {  	s10 =	rddreg [dreg:$0x4]  }
0x4d: {  	[tilespmem:s13], [sflag:$0x3] =	stream.linear.gather [hbm4b:s10+s2], $0x20, $0x38;
	[tilespmem:$0x10100] =	vst v63  }
0x4e: {  	_ =	swait.ge [sflag:s8], $0x20  }
0x4f: {  	[sflag:s8] =	ssyncset.done $0x0  }
0x50: {  	[sflag:s8] =	ssyncadd.s32 $0xFFFFFFE0  }
0x51: {  	v3 =	vld [tilespmem:$0x80];
	_ =	sdelay $0x4  }
0x52: {  	v62 =	vshll.u32 v3, $0x3  }
0x53: {  	v3 =	vand.u32 $0x7, v3;
	v4 =	vand.u32 $0xFFFFFFC0, v62  }
0x54: {  	v3 =	vor.u32 v3, v4  }
0x55: {  	v4 =	vperm.xlane v3, v0;
	_ =	sdelay $0x1  }
0x56: {  	v4 =	vadd.s32 v1, v4;
	_ =	sdelay $0x4  }
0x57: {  	[tilespmem:s14], [sflag:$0x2] =	stream.indirect_vreg.gather [hbm4b:s3+s2], $0x80, v4, vm0, $0xb8;
	[tilespmem:$0x10100] =	vst v63  }
0x58: {  	v3 =	vperm.xlane v3, v2  }
0x59: {  	[tilespmem:s15], [sflag:$0x2] =	stream.indirect_vreg.gather [hbm4b:s4+s2], $0x80, v4, vm0, $0xb8;
	[tilespmem:$0x10100] =	vst v63  }
0x5a: {  	v3 =	vadd.s32 v1, v3  }
0x5b: {  	[tilespmem:s16], [sflag:$0x2] =	stream.indirect_vreg.gather [hbm4b:s5+s2], $0x80, v4, vm0, $0xb8;
	[tilespmem:$0x10100] =	vst v63  }
0x5c: {  	_ = 	snop  }
0x5d: {  	[tilespmem:s17], [sflag:$0x2] =	stream.indirect_vreg.gather [hbm4b:s6+s2], $0x80, v4, vm0, $0xb8;
	[tilespmem:$0x10100] =	vst v63  }
0x5e: {  	_ = 	snop  }
0x5f: {  	[tilespmem:s18], [sflag:$0x2] =	stream.indirect_vreg.gather [hbm4b:s3+s2], $0x80, v3, vm0, $0xb8;
	[tilespmem:$0x10100] =	vst v63  }
0x60: {  	_ = 	snop  }
0x61: {  	[tilespmem:s19], [sflag:$0x2] =	stream.indirect_vreg.gather [hbm4b:s4+s2], $0x80, v3, vm0, $0xb8;
	[tilespmem:$0x10100] =	vst v63  }
0x62: {  	_ = 	snop  }
0x63: {  	[tilespmem:s20], [sflag:$0x2] =	stream.indirect_vreg.gather [hbm4b:s5+s2], $0x80, v3, vm0, $0xb8;
	[tilespmem:$0x10100] =	vst v63  }
0x64: {  	_ = 	snop  }
0x65: {  	[tilespmem:s21], [sflag:$0x2] =	stream.indirect_vreg.gather [hbm4b:s6+s2], $0x80, v3, vm0, $0xb8;
	[tilespmem:$0x10100] =	vst v63  }
0x66: {  	v3 =	vld [tilespmem:$0x90];
	_ =	sdelay $0x4  }
0x67: {  	v63 =	vshll.u32 v3, $0x3  }
0x68: {  	v3 =	vand.u32 $0x7, v3;
	v4 =	vand.u32 $0xFFFFFFC0, v63  }
0x69: {  	v3 =	vor.u32 v3, v4  }
0x6a: {  	v4 =	vperm.xlane v3, v0;
	_ =	sdelay $0x1  }
0x6b: {  	v4 =	vadd.s32 v1, v4;
	_ =	sdelay $0x4  }
0x6c: {  	[tilespmem:s22], [sflag:$0x2] =	stream.indirect_vreg.gather [hbm4b:s3+s2], $0x80, v4, vm0, $0xb8;
	[tilespmem:$0x10100] =	vst v63  }
0x6d: {  	v3 =	vperm.xlane v3, v2  }
0x6e: {  	[tilespmem:s23], [sflag:$0x2] =	stream.indirect_vreg.gather [hbm4b:s4+s2], $0x80, v4, vm0, $0xb8;
	[tilespmem:$0x10100] =	vst v63  }
0x6f: {  	v3 =	vadd.s32 v1, v3  }
0x70: {  	[tilespmem:s24], [sflag:$0x2] =	stream.indirect_vreg.gather [hbm4b:s5+s2], $0x80, v4, vm0, $0xb8;
	[tilespmem:$0x10100] =	vst v63  }
0x71: {  	_ = 	snop  }
0x72: {  	[tilespmem:s25], [sflag:$0x2] =	stream.indirect_vreg.gather [hbm4b:s6+s2], $0x80, v4, vm0, $0xb8;
	[tilespmem:$0x10100] =	vst v63  }
0x73: {  	_ = 	snop  }
0x74: {  	[tilespmem:s26], [sflag:$0x2] =	stream.indirect_vreg.gather [hbm4b:s3+s2], $0x80, v3, vm0, $0xb8;
	[tilespmem:$0x10100] =	vst v63  }
0x75: {  	_ = 	snop  }
0x76: {  	[tilespmem:s28], [sflag:$0x2] =	stream.indirect_vreg.gather [hbm4b:s4+s2], $0x80, v3, vm0, $0xb8;
	[tilespmem:$0x10100] =	vst v63  }
0x77: {  	_ = 	snop  }
0x78: {  	[tilespmem:s29], [sflag:$0x2] =	stream.indirect_vreg.gather [hbm4b:s5+s2], $0x80, v3, vm0, $0xb8;
	[tilespmem:$0x10100] =	vst v63  }
0x79: {  	_ = 	snop  }
0x7a: {  	[tilespmem:s30], [sflag:$0x2] =	stream.indirect_vreg.gather [hbm4b:s6+s2], $0x80, v3, vm0, $0xb8;
	[tilespmem:$0x10100] =	vst v63  }
0x7b: {  	_ =	swait.ge [sflag:s31], $0x8000  }
0x7c: {  	[sflag:s31] =	ssyncset.done $0x0  }
0x7d: {  	s10 =	rddreg [dreg:$0x5];
	[sflag:s31] =	ssyncadd.s32 $0xFFFF8000  }
0x7e: {  	[hbm4b:s10+s2] =	stream.linear.scatter [tilespmem:s9], [sflag:$0x3], $0x8000, $0x38;
	[tilespmem:$0x10100] =	vst v63  }
0x7f: {  	_ =	swait.ge [sflag:s8], $0x8000  }
0x80: {  	[sflag:s8] =	ssyncset.done $0x0  }
0x81: {  	[sflag:s8] =	ssyncadd.s32 $0xFFFF8000  }
0x82: {  	_ =	swait.ge [sflag:s0], $0x8000  }
0x83: {  	p0 =	sne.s32 s7, $0x1;
	[sflag:s0] =	ssyncset.done $0x0  }
.Ltmp0:
0x84: {  	s10 =	rddreg [dreg:$0x6];
	[sflag:s0] =	ssyncadd.s32 $0xFFFF8000;
	(pc) =	sbr.rel @p0 .LBB2_1-.Ltmp0, $4  }
0x85: {  	[hbm4b:s10+s2] =	stream.linear.scatter [tilespmem:s14], [sflag:$0x3], $0x8000, $0x38;
	[tilespmem:$0x10100] =	vst v63  }
0x86: {  	_ =	swait.ge [sflag:s8], $0x8000  }
0x87: {  	[sflag:s8] =	ssyncset.done $0x0  }
0x88: {  	s7 =	sadd.s32 $0xFFFFFFFF, s7;
	[sflag:s8] =	ssyncadd.s32 $0xFFFF8000  }
0x89: {  	_ =	sfence.sel $0x180000  }
0x8a: {  	[bflag:$0x0] =	sbarrier.arrive $0xFFFF  }
0x8b: {  	_ =	strace $0x90000056  }
0x8c: {  	s0 =	stileid.u32;
	[bflag:$0x2] =	sbarrier.arrive $0xFFFF  }
0x8d: {  	p0 =	sne.s32 s0, $0x0;
	s0 =	rddreg [dreg:$0x2]  }
0x8e: {  	s0 =	sadd.s32 @!p0 $0x100000, s0  }
0x8f: {  	[sflag:s0] =	ssyncadd.tile.s32 @!p0 $0x1;
	_ =	shalt  }
.Lfunc_end2:
_tile_overlayer_lowered:
.L_overlay_start_2:
0x90: {  	(tag) =	ssettag $0x2  }
0x91: {  	s0 =	rddreg [dreg:$0x0];
	s2 =	stileid.u32  }
0x92: {  	s1 =	rddreg [dreg:$0x1];
	p0 =	sne.s32 s2, $0x0  }
0x93: {  	s3 =	rddreg [dreg:$0x2];
	[bflag:$0x3] =	sbarrier.arrive $0xFFFF;
	s2 =	simm.s32 @!p0 $0x1C03  }
0x94: {  	[timem:s3], [sflag:s2] =	dma.local @!p0 [hbm:s0], s1  }
0x95: {  	s0 =	simm.s32 @!p0 $0x3  }
0x96: {  	_ =	swait.ge @!p0 [sflag:s0], s1  }
0x97: {  	s1 =	ssub.s32 @!p0 $0x0, s1;
	[sflag:s0] =	ssyncset.done @!p0 $0x0  }
0x98: {  	[sflag:s0] =	ssyncadd.s32 @!p0 s1  }
0x99: {  	[bflag:$0x3] =	sbarrier.arrive $0xFFFF  }
0x9a: {  	_ =	shalt  }

</sc_bundles>
